<compile_context>
chip_gen: v7x
topology: tpu7x:2x2x1
jax: 0.10.2.dev20260603
libtpu: 0.0.44.dev20260713+nightly
codegen_flags: <defaults>
</compile_context>

<pallas_src>
import functools
import math

import jax
import jax.numpy as jnp
from jax import lax
from jax.experimental import pallas as pl
from jax.experimental.pallas import tpu as pltpu
from jax.experimental.pallas import tpu_sc as plsc

_NW = 32
_NBUF = 4
_L = 16


def _emb_call(B0, B1, V, D):
    t_per_w = B0 // _NW
    mesh = plsc.VectorSubcoreMesh(core_axis_name="c", subcore_axis_name="s")

    @functools.partial(
        pl.kernel,
        mesh=mesh,
        compiler_params=pltpu.CompilerParams(needs_layout_passes=False),
        out_type=jax.ShapeDtypeStruct((B1, D, B0), jnp.float32),
        scratch_types=[
            pltpu.VMEM((B1, t_per_w), jnp.int32),
            pltpu.VMEM((_NBUF, t_per_w, 2 * D), jnp.float32),
            pltpu.VMEM((_NBUF, D, t_per_w), jnp.float32),
            pltpu.SemaphoreType.DMA((_NBUF,)),
            pltpu.SemaphoreType.DMA((_NBUF,)),
        ],
    )
    def emb_kernel(xt_hbm, lut_hbm, out_hbm, idx_v, rows_v, tr_v, in_sem, out_sem):
        scale = jnp.float32(math.sqrt(D))
        wid = lax.axis_index("s") * 2 + lax.axis_index("c")
        t0 = wid * t_per_w
        pltpu.sync_copy(xt_hbm.at[:, pl.ds(t0, t_per_w)], idx_v)

        def gather(g, b):
            pltpu.async_copy(lut_hbm.at[idx_v.at[g]], rows_v.at[b], in_sem.at[b])

        def wait_in(b):
            pltpu.make_async_copy(
                lut_hbm.at[idx_v.at[0]], rows_v.at[b], in_sem.at[b]
            ).wait()

        def put(g, b):
            pltpu.async_copy(
                tr_v.at[b], out_hbm.at[g, :, pl.ds(t0, t_per_w)], out_sem.at[b]
            )

        def wait_out(b):
            pltpu.make_async_copy(
                tr_v.at[b], out_hbm.at[0, :, pl.ds(t0, t_per_w)], out_sem.at[b]
            ).wait()

        for b in range(_NBUF):
            gather(b, b)

        iota = lax.iota(jnp.int32, _L)
        rot = [((iota + j) & (_L - 1)) for j in range(_L)]

        def step(g, b):
            wait_in(b)

            @pl.when(g >= _NBUF)
            def _():
                wait_out(b)

            rows2d = rows_v.at[b]
            tr2d = tr_v.at[b]

            def blk(k, _):
                tt0 = (k // (D // _L)) * _L
                dd0 = (k % (D // _L)) * _L
                r = iota + tt0
                for j in range(_L):
                    c = rot[j] + dd0
                    v = plsc.load_gather(rows2d, [r, c])
                    plsc.store_scatter(tr2d, [c, r], v * scale)
                return 0

            lax.fori_loop(0, (t_per_w // _L) * (D // _L), blk, 0)

            @pl.when(g + _NBUF < B1)
            def _():
                gather(g + _NBUF, b)

            put(g, b)

        def outer(i, _):
            g0 = i * _NBUF
            for b in range(_NBUF):
                step(g0 + b, b)
            return 0

        n_full = B1 // _NBUF
        lax.fori_loop(0, n_full, outer, 0)
        for t in range(B1 - n_full * _NBUF):
            step(n_full * _NBUF + t, t)
        for b in range(_NBUF):
            wait_out(b)

    return emb_kernel


def kernel(x, lut):
    B0, B1 = x.shape
    V, D = lut.shape
    lut_pad = jnp.pad(lut, ((0, 0), (0, D)))
    xt = x.T.astype(jnp.int32)
    out_t = _emb_call(B0, B1, V, D)(xt, lut_pad)
    return jnp.transpose(out_t, (2, 0, 1))

# --- scband reference (transcript-rebuilt; emitter-appended) ---
"""Pipeline reference for scband-compound-transformer-embeddings-32993938768248 (READ-ONLY COPY).

The authoritative reference and input builder live on the scoring server;
editing this copy changes nothing except your own understanding.
"""

import math
import jax, jax.numpy as jnp
import numpy as np

N_TOKEN = 100000
D_MODEL = 64

def setup_inputs(seed: int = 0) -> dict:
    key = jax.random.key(seed)
    k1, k2 = jax.random.split(key)
    x = jax.random.randint(k1, (4096, 50), 0, N_TOKEN, dtype=jnp.int64 if jax.config.jax_enable_x64 else jnp.int32)
    lut = jax.random.normal(k2, (N_TOKEN, D_MODEL), dtype=jnp.float32)
    return {"x": x, "lut": lut}

def reference(x, lut):
    # Embedding lookup scaled by sqrt(d_model)
    emb = jnp.take(lut, x, axis=0)
    return emb * math.sqrt(D_MODEL)

if __name__ == "__main__":
    import jax
    _d = setup_inputs()
    print(jax.jit(kernel)(*tuple(_d.values())))

</pallas_src>

<mosaic_0001>
#map = affine_map<(d0, d1) -> (0, 0)>
#map1 = affine_map<(d0, d1) -> (0, 0, 0)>
module attributes {stable_mosaic.version = 14 : i64} {
  func.func @emb_kernel(%arg0: i32, %arg1: i32, %arg2: memref<50x4096xi32, #tpu.memory_space<hbm>>, %arg3: memref<100000x128xf32, #tpu.memory_space<hbm>>, %arg4: memref<50x64x4096xf32, #tpu.memory_space<hbm>>, %arg5: memref<50x128xi32, #tpu.memory_space<vmem>>, %arg6: memref<4x128x128xf32, #tpu.memory_space<vmem>>, %arg7: memref<4x64x128xf32, #tpu.memory_space<vmem>>, %arg8: memref<4x!tpu.dma_semaphore, #tpu.memory_space<semaphore_mem>>, %arg9: memref<4x!tpu.dma_semaphore, #tpu.memory_space<semaphore_mem>>) attributes {dimension_semantics = [#tpu.dimension_semantics<core_parallel>, #tpu.dimension_semantics<subcore_parallel>], iteration_bounds = array<i64: 2, 16>, scalar_prefetch = 0 : i64, scratch_operands = 5 : i64, tpu.core_type = #tpu.core_type<sc_vector_subcore>, window_params = [{transform_indices = #map}, {transform_indices = #map}, {transform_indices = #map1}]} {
    %mul3A = arith.constant 2 : i32
    %mul3A_0 = arith.muli %arg1, %mul3A : i32
    %add3A = arith.addi %mul3A_0, %arg0 : i32
    %mul3A_1 = arith.constant 128 : i32
    %mul3A_2 = arith.muli %add3A, %mul3A_1 : i32
    "tpu.region"() ({
      %run_scoped3A = tpu.sem_alloc : memref<!tpu.dma_semaphore, #tpu.memory_space<semaphore_mem>>
      %dma_start3A_365 = arith.constant 0 : i32
      %dma_start3A_366 = tpu.memref_slice %arg2[%dma_start3A_365, %mul3A_2] : memref<50x4096xi32, #tpu.memory_space<hbm>> -> memref<50x128xi32, #tpu.memory_space<hbm>>
      %dma_start3A_367 = arith.constant 0 : i32
      %dma_start3A_368 = tpu.memref_slice %arg2[%dma_start3A_367, %mul3A_2] : memref<50x4096xi32, #tpu.memory_space<hbm>> -> memref<50x128xi32, #tpu.memory_space<hbm>>
      tpu.enqueue_dma source(%dma_start3A_368 : memref<50x128xi32, #tpu.memory_space<hbm>>) target(%arg5 : memref<50x128xi32, #tpu.memory_space<vmem>>) target_semaphore(%run_scoped3A : memref<!tpu.dma_semaphore, #tpu.memory_space<semaphore_mem>>)
      %dma_wait3A_369 = arith.constant 0 : i32
      %dma_wait3A_370 = tpu.memref_slice %arg2[%dma_wait3A_369, %mul3A_2] : memref<50x4096xi32, #tpu.memory_space<hbm>> -> memref<50x128xi32, #tpu.memory_space<hbm>>
      %dma_wait3A_371 = arith.constant 0 : i32
      %dma_wait3A_372 = tpu.memref_slice %arg2[%dma_wait3A_371, %mul3A_2] : memref<50x4096xi32, #tpu.memory_space<hbm>> -> memref<50x128xi32, #tpu.memory_space<hbm>>
      tpu.wait_dma2 semaphore(%run_scoped3A : memref<!tpu.dma_semaphore, #tpu.memory_space<semaphore_mem>>) src(%dma_wait3A_372 : memref<50x128xi32, #tpu.memory_space<hbm>>) dst(%arg5 : memref<50x128xi32, #tpu.memory_space<vmem>>)
      tpu.yield
    }) : () -> ()
    %dma_start3A = arith.constant 0 : i32
    %dma_start3A_3 = arith.constant 0 : i32
    %dma_start3A_4 = arith.constant 0 : i32
    %dma_start3A_5 = arith.constant 0 : i32
    %dma_start3A_6 = arith.constant 0 : i32
    %dma_start3A_7 = tpu.memref_slice %arg6[%dma_start3A_3, %dma_start3A_5, %dma_start3A_6] : memref<4x128x128xf32, #tpu.memory_space<vmem>> -> memref<1x128x128xf32, #tpu.memory_space<vmem>>
    %dma_start3A_8 = tpu.memref_squeeze %dma_start3A_7 : memref<1x128x128xf32, #tpu.memory_space<vmem>> -> memref<128x128xf32, #tpu.memory_space<vmem>>
    %dma_start3A_9 = arith.constant 0 : i32
    %dma_start3A_10 = tpu.memref_slice %arg5[%dma_start3A, %dma_start3A_9] : memref<50x128xi32, #tpu.memory_space<vmem>> -> memref<1x128xi32, #tpu.memory_space<vmem>>
    %dma_start3A_11 = tpu.memref_squeeze %dma_start3A_10 : memref<1x128xi32, #tpu.memory_space<vmem>> -> memref<128xi32, #tpu.memory_space<vmem>>
    %dma_start3A_12 = arith.constant 0 : i32
    %dma_start3A_13 = arith.constant 0 : i32
    %dma_start3A_14 = tpu.memref_slice %arg3[%dma_start3A_12, %dma_start3A_13] : memref<100000x128xf32, #tpu.memory_space<hbm>> -> memref<100000x128xf32, #tpu.memory_space<hbm>>
    %dma_start3A_15 = tpu.memref_slice %arg8[%dma_start3A_4] : memref<4x!tpu.dma_semaphore, #tpu.memory_space<semaphore_mem>> -> memref<1x!tpu.dma_semaphore, #tpu.memory_space<semaphore_mem>>
    %dma_start3A_16 = tpu.memref_squeeze %dma_start3A_15 : memref<1x!tpu.dma_semaphore, #tpu.memory_space<semaphore_mem>> -> memref<!tpu.dma_semaphore, #tpu.memory_space<semaphore_mem>>
    tpu.enqueue_indirect_dma source(%dma_start3A_14 : memref<100000x128xf32, #tpu.memory_space<hbm>>) target(%dma_start3A_8 : memref<128x128xf32, #tpu.memory_space<vmem>>) offsets(%dma_start3A_11 : memref<128xi32, #tpu.memory_space<vmem>>) semaphore(%dma_start3A_16 : memref<!tpu.dma_semaphore, #tpu.memory_space<semaphore_mem>>)
    %dma_start3A_17 = arith.constant 1 : i32
    %dma_start3A_18 = arith.constant 1 : i32
    %dma_start3A_19 = arith.constant 1 : i32
    %dma_start3A_20 = arith.constant 0 : i32
    %dma_start3A_21 = arith.constant 0 : i32
    %dma_start3A_22 = tpu.memref_slice %arg6[%dma_start3A_18, %dma_start3A_20, %dma_start3A_21] : memref<4x128x128xf32, #tpu.memory_space<vmem>> -> memref<1x128x128xf32, #tpu.memory_space<vmem>>
    %dma_start3A_23 = tpu.memref_squeeze %dma_start3A_22 : memref<1x128x128xf32, #tpu.memory_space<vmem>> -> memref<128x128xf32, #tpu.memory_space<vmem>>
    %dma_start3A_24 = arith.constant 0 : i32
    %dma_start3A_25 = tpu.memref_slice %arg5[%dma_start3A_17, %dma_start3A_24] : memref<50x128xi32, #tpu.memory_space<vmem>> -> memref<1x128xi32, #tpu.memory_space<vmem>>
    %dma_start3A_26 = tpu.memref_squeeze %dma_start3A_25 : memref<1x128xi32, #tpu.memory_space<vmem>> -> memref<128xi32, #tpu.memory_space<vmem>>
    %dma_start3A_27 = arith.constant 0 : i32
    %dma_start3A_28 = arith.constant 0 : i32
    %dma_start3A_29 = tpu.memref_slice %arg3[%dma_start3A_27, %dma_start3A_28] : memref<100000x128xf32, #tpu.memory_space<hbm>> -> memref<100000x128xf32, #tpu.memory_space<hbm>>
    %dma_start3A_30 = tpu.memref_slice %arg8[%dma_start3A_19] : memref<4x!tpu.dma_semaphore, #tpu.memory_space<semaphore_mem>> -> memref<1x!tpu.dma_semaphore, #tpu.memory_space<semaphore_mem>>
    %dma_start3A_31 = tpu.memref_squeeze %dma_start3A_30 : memref<1x!tpu.dma_semaphore, #tpu.memory_space<semaphore_mem>> -> memref<!tpu.dma_semaphore, #tpu.memory_space<semaphore_mem>>
    tpu.enqueue_indirect_dma source(%dma_start3A_29 : memref<100000x128xf32, #tpu.memory_space<hbm>>) target(%dma_start3A_23 : memref<128x128xf32, #tpu.memory_space<vmem>>) offsets(%dma_start3A_26 : memref<128xi32, #tpu.memory_space<vmem>>) semaphore(%dma_start3A_31 : memref<!tpu.dma_semaphore, #tpu.memory_space<semaphore_mem>>)
    %dma_start3A_32 = arith.constant 2 : i32
    %dma_start3A_33 = arith.constant 2 : i32
    %dma_start3A_34 = arith.constant 2 : i32
    %dma_start3A_35 = arith.constant 0 : i32
    %dma_start3A_36 = arith.constant 0 : i32
    %dma_start3A_37 = tpu.memref_slice %arg6[%dma_start3A_33, %dma_start3A_35, %dma_start3A_36] : memref<4x128x128xf32, #tpu.memory_space<vmem>> -> memref<1x128x128xf32, #tpu.memory_space<vmem>>
    %dma_start3A_38 = tpu.memref_squeeze %dma_start3A_37 : memref<1x128x128xf32, #tpu.memory_space<vmem>> -> memref<128x128xf32, #tpu.memory_space<vmem>>
    %dma_start3A_39 = arith.constant 0 : i32
    %dma_start3A_40 = tpu.memref_slice %arg5[%dma_start3A_32, %dma_start3A_39] : memref<50x128xi32, #tpu.memory_space<vmem>> -> memref<1x128xi32, #tpu.memory_space<vmem>>
    %dma_start3A_41 = tpu.memref_squeeze %dma_start3A_40 : memref<1x128xi32, #tpu.memory_space<vmem>> -> memref<128xi32, #tpu.memory_space<vmem>>
    %dma_start3A_42 = arith.constant 0 : i32
    %dma_start3A_43 = arith.constant 0 : i32
    %dma_start3A_44 = tpu.memref_slice %arg3[%dma_start3A_42, %dma_start3A_43] : memref<100000x128xf32, #tpu.memory_space<hbm>> -> memref<100000x128xf32, #tpu.memory_space<hbm>>
    %dma_start3A_45 = tpu.memref_slice %arg8[%dma_start3A_34] : memref<4x!tpu.dma_semaphore, #tpu.memory_space<semaphore_mem>> -> memref<1x!tpu.dma_semaphore, #tpu.memory_space<semaphore_mem>>
    %dma_start3A_46 = tpu.memref_squeeze %dma_start3A_45 : memref<1x!tpu.dma_semaphore, #tpu.memory_space<semaphore_mem>> -> memref<!tpu.dma_semaphore, #tpu.memory_space<semaphore_mem>>
    tpu.enqueue_indirect_dma source(%dma_start3A_44 : memref<100000x128xf32, #tpu.memory_space<hbm>>) target(%dma_start3A_38 : memref<128x128xf32, #tpu.memory_space<vmem>>) offsets(%dma_start3A_41 : memref<128xi32, #tpu.memory_space<vmem>>) semaphore(%dma_start3A_46 : memref<!tpu.dma_semaphore, #tpu.memory_space<semaphore_mem>>)
    %dma_start3A_47 = arith.constant 3 : i32
    %dma_start3A_48 = arith.constant 3 : i32
    %dma_start3A_49 = arith.constant 3 : i32
    %dma_start3A_50 = arith.constant 0 : i32
    %dma_start3A_51 = arith.constant 0 : i32
    %dma_start3A_52 = tpu.memref_slice %arg6[%dma_start3A_48, %dma_start3A_50, %dma_start3A_51] : memref<4x128x128xf32, #tpu.memory_space<vmem>> -> memref<1x128x128xf32, #tpu.memory_space<vmem>>
    %dma_start3A_53 = tpu.memref_squeeze %dma_start3A_52 : memref<1x128x128xf32, #tpu.memory_space<vmem>> -> memref<128x128xf32, #tpu.memory_space<vmem>>
    %dma_start3A_54 = arith.constant 0 : i32
    %dma_start3A_55 = tpu.memref_slice %arg5[%dma_start3A_47, %dma_start3A_54] : memref<50x128xi32, #tpu.memory_space<vmem>> -> memref<1x128xi32, #tpu.memory_space<vmem>>
    %dma_start3A_56 = tpu.memref_squeeze %dma_start3A_55 : memref<1x128xi32, #tpu.memory_space<vmem>> -> memref<128xi32, #tpu.memory_space<vmem>>
    %dma_start3A_57 = arith.constant 0 : i32
    %dma_start3A_58 = arith.constant 0 : i32
    %dma_start3A_59 = tpu.memref_slice %arg3[%dma_start3A_57, %dma_start3A_58] : memref<100000x128xf32, #tpu.memory_space<hbm>> -> memref<100000x128xf32, #tpu.memory_space<hbm>>
    %dma_start3A_60 = tpu.memref_slice %arg8[%dma_start3A_49] : memref<4x!tpu.dma_semaphore, #tpu.memory_space<semaphore_mem>> -> memref<1x!tpu.dma_semaphore, #tpu.memory_space<semaphore_mem>>
    %dma_start3A_61 = tpu.memref_squeeze %dma_start3A_60 : memref<1x!tpu.dma_semaphore, #tpu.memory_space<semaphore_mem>> -> memref<!tpu.dma_semaphore, #tpu.memory_space<semaphore_mem>>
    tpu.enqueue_indirect_dma source(%dma_start3A_59 : memref<100000x128xf32, #tpu.memory_space<hbm>>) target(%dma_start3A_53 : memref<128x128xf32, #tpu.memory_space<vmem>>) offsets(%dma_start3A_56 : memref<128xi32, #tpu.memory_space<vmem>>) semaphore(%dma_start3A_61 : memref<!tpu.dma_semaphore, #tpu.memory_space<semaphore_mem>>)
    %iota3A = tpu.iota {dimensions = array<i32: 0>} : vector<16xi32>
    %add3A_62 = arith.constant 0 : i32
    %add3A_63 = vector.broadcast %add3A_62 : i32 to vector<16xi32>
    %add3A_64 = arith.addi %iota3A, %add3A_63 : vector<16xi32>
    %and3A = arith.constant 15 : i32
    %and3A_65 = vector.broadcast %and3A : i32 to vector<16xi32>
    %and3A_66 = arith.andi %add3A_64, %and3A_65 : vector<16xi32>
    %add3A_67 = arith.constant 1 : i32
    %add3A_68 = vector.broadcast %add3A_67 : i32 to vector<16xi32>
    %add3A_69 = arith.addi %iota3A, %add3A_68 : vector<16xi32>
    %and3A_70 = arith.constant 15 : i32
    %and3A_71 = vector.broadcast %and3A_70 : i32 to vector<16xi32>
    %and3A_72 = arith.andi %add3A_69, %and3A_71 : vector<16xi32>
    %add3A_73 = arith.constant 2 : i32
    %add3A_74 = vector.broadcast %add3A_73 : i32 to vector<16xi32>
    %add3A_75 = arith.addi %iota3A, %add3A_74 : vector<16xi32>
    %and3A_76 = arith.constant 15 : i32
    %and3A_77 = vector.broadcast %and3A_76 : i32 to vector<16xi32>
    %and3A_78 = arith.andi %add3A_75, %and3A_77 : vector<16xi32>
    %add3A_79 = arith.constant 3 : i32
    %add3A_80 = vector.broadcast %add3A_79 : i32 to vector<16xi32>
    %add3A_81 = arith.addi %iota3A, %add3A_80 : vector<16xi32>
    %and3A_82 = arith.constant 15 : i32
    %and3A_83 = vector.broadcast %and3A_82 : i32 to vector<16xi32>
    %and3A_84 = arith.andi %add3A_81, %and3A_83 : vector<16xi32>
    %add3A_85 = arith.constant 4 : i32
    %add3A_86 = vector.broadcast %add3A_85 : i32 to vector<16xi32>
    %add3A_87 = arith.addi %iota3A, %add3A_86 : vector<16xi32>
    %and3A_88 = arith.constant 15 : i32
    %and3A_89 = vector.broadcast %and3A_88 : i32 to vector<16xi32>
    %and3A_90 = arith.andi %add3A_87, %and3A_89 : vector<16xi32>
    %add3A_91 = arith.constant 5 : i32
    %add3A_92 = vector.broadcast %add3A_91 : i32 to vector<16xi32>
    %add3A_93 = arith.addi %iota3A, %add3A_92 : vector<16xi32>
    %and3A_94 = arith.constant 15 : i32
    %and3A_95 = vector.broadcast %and3A_94 : i32 to vector<16xi32>
    %and3A_96 = arith.andi %add3A_93, %and3A_95 : vector<16xi32>
    %add3A_97 = arith.constant 6 : i32
    %add3A_98 = vector.broadcast %add3A_97 : i32 to vector<16xi32>
    %add3A_99 = arith.addi %iota3A, %add3A_98 : vector<16xi32>
    %and3A_100 = arith.constant 15 : i32
    %and3A_101 = vector.broadcast %and3A_100 : i32 to vector<16xi32>
    %and3A_102 = arith.andi %add3A_99, %and3A_101 : vector<16xi32>
    %add3A_103 = arith.constant 7 : i32
    %add3A_104 = vector.broadcast %add3A_103 : i32 to vector<16xi32>
    %add3A_105 = arith.addi %iota3A, %add3A_104 : vector<16xi32>
    %and3A_106 = arith.constant 15 : i32
    %and3A_107 = vector.broadcast %and3A_106 : i32 to vector<16xi32>
    %and3A_108 = arith.andi %add3A_105, %and3A_107 : vector<16xi32>
    %add3A_109 = arith.constant 8 : i32
    %add3A_110 = vector.broadcast %add3A_109 : i32 to vector<16xi32>
    %add3A_111 = arith.addi %iota3A, %add3A_110 : vector<16xi32>
    %and3A_112 = arith.constant 15 : i32
    %and3A_113 = vector.broadcast %and3A_112 : i32 to vector<16xi32>
    %and3A_114 = arith.andi %add3A_111, %and3A_113 : vector<16xi32>
    %add3A_115 = arith.constant 9 : i32
    %add3A_116 = vector.broadcast %add3A_115 : i32 to vector<16xi32>
    %add3A_117 = arith.addi %iota3A, %add3A_116 : vector<16xi32>
    %and3A_118 = arith.constant 15 : i32
    %and3A_119 = vector.broadcast %and3A_118 : i32 to vector<16xi32>
    %and3A_120 = arith.andi %add3A_117, %and3A_119 : vector<16xi32>
    %add3A_121 = arith.constant 10 : i32
    %add3A_122 = vector.broadcast %add3A_121 : i32 to vector<16xi32>
    %add3A_123 = arith.addi %iota3A, %add3A_122 : vector<16xi32>
    %and3A_124 = arith.constant 15 : i32
    %and3A_125 = vector.broadcast %and3A_124 : i32 to vector<16xi32>
    %and3A_126 = arith.andi %add3A_123, %and3A_125 : vector<16xi32>
    %add3A_127 = arith.constant 11 : i32
    %add3A_128 = vector.broadcast %add3A_127 : i32 to vector<16xi32>
    %add3A_129 = arith.addi %iota3A, %add3A_128 : vector<16xi32>
    %and3A_130 = arith.constant 15 : i32
    %and3A_131 = vector.broadcast %and3A_130 : i32 to vector<16xi32>
    %and3A_132 = arith.andi %add3A_129, %and3A_131 : vector<16xi32>
    %add3A_133 = arith.constant 12 : i32
    %add3A_134 = vector.broadcast %add3A_133 : i32 to vector<16xi32>
    %add3A_135 = arith.addi %iota3A, %add3A_134 : vector<16xi32>
    %and3A_136 = arith.constant 15 : i32
    %and3A_137 = vector.broadcast %and3A_136 : i32 to vector<16xi32>
    %and3A_138 = arith.andi %add3A_135, %and3A_137 : vector<16xi32>
    %add3A_139 = arith.constant 13 : i32
    %add3A_140 = vector.broadcast %add3A_139 : i32 to vector<16xi32>
    %add3A_141 = arith.addi %iota3A, %add3A_140 : vector<16xi32>
    %and3A_142 = arith.constant 15 : i32
    %and3A_143 = vector.broadcast %and3A_142 : i32 to vector<16xi32>
    %and3A_144 = arith.andi %add3A_141, %and3A_143 : vector<16xi32>
    %add3A_145 = arith.constant 14 : i32
    %add3A_146 = vector.broadcast %add3A_145 : i32 to vector<16xi32>
    %add3A_147 = arith.addi %iota3A, %add3A_146 : vector<16xi32>
    %and3A_148 = arith.constant 15 : i32
    %and3A_149 = vector.broadcast %and3A_148 : i32 to vector<16xi32>
    %and3A_150 = arith.andi %add3A_147, %and3A_149 : vector<16xi32>
    %add3A_151 = arith.constant 15 : i32
    %add3A_152 = vector.broadcast %add3A_151 : i32 to vector<16xi32>
    %add3A_153 = arith.addi %iota3A, %add3A_152 : vector<16xi32>
    %and3A_154 = arith.constant 15 : i32
    %and3A_155 = vector.broadcast %and3A_154 : i32 to vector<16xi32>
    %and3A_156 = arith.andi %add3A_153, %and3A_155 : vector<16xi32>
    %scan3A = arith.constant 8.000000e+00 : f32
    %scan3A_157 = arith.constant 0 : i32
    %scan3A_158 = arith.constant 0 : i32
    %scan3A_159 = arith.constant 12 : i32
    %scan3A_160 = arith.addi %scan3A_158, %scan3A_159 : i32
    %scan3A_161 = arith.constant 1 : i32
    %scan3A_162 = scf.for %scan3A_365 = %scan3A_158 to %scan3A_160 step %scan3A_161 iter_args(%scan3A_366 = %scan3A_157) -> (i32)  : i32 {
      %mul3A_367 = arith.constant 4 : i32
      %mul3A_368 = arith.muli %scan3A_365, %mul3A_367 : i32
      %add3A_369 = arith.constant 0 : i32
      %add3A_370 = arith.addi %mul3A_368, %add3A_369 : i32
      %dma_wait3A_371 = arith.constant 0 : i32
      %dma_wait3A_372 = arith.constant 0 : i32
      %dma_wait3A_373 = arith.constant 0 : i32
      %dma_wait3A_374 = arith.constant 0 : i32
      %dma_wait3A_375 = arith.constant 0 : i32
      %dma_wait3A_376 = tpu.memref_slice %arg6[%dma_wait3A_372, %dma_wait3A_374, %dma_wait3A_375] : memref<4x128x128xf32, #tpu.memory_space<vmem>> -> memref<1x128x128xf32, #tpu.memory_space<vmem>>
      %dma_wait3A_377 = tpu.memref_squeeze %dma_wait3A_376 : memref<1x128x128xf32, #tpu.memory_space<vmem>> -> memref<128x128xf32, #tpu.memory_space<vmem>>
      %dma_wait3A_378 = arith.constant 0 : i32
      %dma_wait3A_379 = tpu.memref_slice %arg5[%dma_wait3A_371, %dma_wait3A_378] : memref<50x128xi32, #tpu.memory_space<vmem>> -> memref<1x128xi32, #tpu.memory_space<vmem>>
      %dma_wait3A_380 = tpu.memref_squeeze %dma_wait3A_379 : memref<1x128xi32, #tpu.memory_space<vmem>> -> memref<128xi32, #tpu.memory_space<vmem>>
      %dma_wait3A_381 = arith.constant 0 : i32
      %dma_wait3A_382 = arith.constant 0 : i32
      %dma_wait3A_383 = tpu.memref_slice %arg3[%dma_wait3A_381, %dma_wait3A_382] : memref<100000x128xf32, #tpu.memory_space<hbm>> -> memref<100000x128xf32, #tpu.memory_space<hbm>>
      %dma_wait3A_384 = tpu.memref_slice %arg8[%dma_wait3A_373] : memref<4x!tpu.dma_semaphore, #tpu.memory_space<semaphore_mem>> -> memref<1x!tpu.dma_semaphore, #tpu.memory_space<semaphore_mem>>
      %dma_wait3A_385 = tpu.memref_squeeze %dma_wait3A_384 : memref<1x!tpu.dma_semaphore, #tpu.memory_space<semaphore_mem>> -> memref<!tpu.dma_semaphore, #tpu.memory_space<semaphore_mem>>
      tpu.wait_indirect_dma semaphore(%dma_wait3A_385 : memref<!tpu.dma_semaphore, #tpu.memory_space<semaphore_mem>>) src(%dma_wait3A_383 : memref<100000x128xf32, #tpu.memory_space<hbm>>) dst(%dma_wait3A_377 : memref<128x128xf32, #tpu.memory_space<vmem>>)
      %ge3A = arith.constant 4 : i32
      %ge3A_386 = arith.cmpi sge, %add3A_370, %ge3A : i32
      %convert_element_type3A = arith.extui %ge3A_386 : i1 to i32
      %cond3A = arith.constant 0 : i32
      %cond3A_387 = arith.cmpi ne, %convert_element_type3A, %cond3A : i32
      scf.if %cond3A_387 {
        %dma_wait3A_590 = arith.constant 0 : i32
        %dma_wait3A_591 = arith.constant 0 : i32
        %dma_wait3A_592 = arith.constant 0 : i32
        %dma_wait3A_593 = arith.constant 0 : i32
        %dma_wait3A_594 = arith.constant 0 : i32
        %dma_wait3A_595 = tpu.memref_slice %arg7[%dma_wait3A_590, %dma_wait3A_593, %dma_wait3A_594] : memref<4x64x128xf32, #tpu.memory_space<vmem>> -> memref<1x64x128xf32, #tpu.memory_space<vmem>>
        %dma_wait3A_596 = tpu.memref_squeeze %dma_wait3A_595 : memref<1x64x128xf32, #tpu.memory_space<vmem>> -> memref<64x128xf32, #tpu.memory_space<vmem>>
        %dma_wait3A_597 = arith.constant 0 : i32
        %dma_wait3A_598 = tpu.memref_slice %arg4[%dma_wait3A_591, %dma_wait3A_597, %mul3A_2] : memref<50x64x4096xf32, #tpu.memory_space<hbm>> -> memref<1x64x128xf32, #tpu.memory_space<hbm>>
        %dma_wait3A_599 = tpu.memref_squeeze %dma_wait3A_598 : memref<1x64x128xf32, #tpu.memory_space<hbm>> -> memref<64x128xf32, #tpu.memory_space<hbm>>
        %dma_wait3A_600 = tpu.memref_slice %arg9[%dma_wait3A_592] : memref<4x!tpu.dma_semaphore, #tpu.memory_space<semaphore_mem>> -> memref<1x!tpu.dma_semaphore, #tpu.memory_space<semaphore_mem>>
        %dma_wait3A_601 = tpu.memref_squeeze %dma_wait3A_600 : memref<1x!tpu.dma_semaphore, #tpu.memory_space<semaphore_mem>> -> memref<!tpu.dma_semaphore, #tpu.memory_space<semaphore_mem>>
        %dma_wait3A_602 = arith.constant 0 : i32
        %dma_wait3A_603 = tpu.memref_slice %arg4[%dma_wait3A_591, %dma_wait3A_602, %mul3A_2] : memref<50x64x4096xf32, #tpu.memory_space<hbm>> -> memref<1x64x128xf32, #tpu.memory_space<hbm>>
        %dma_wait3A_604 = tpu.memref_squeeze %dma_wait3A_603 : memref<1x64x128xf32, #tpu.memory_space<hbm>> -> memref<64x128xf32, #tpu.memory_space<hbm>>
        %dma_wait3A_605 = arith.constant 0 : i32
        %dma_wait3A_606 = arith.constant 0 : i32
        %dma_wait3A_607 = tpu.memref_slice %arg7[%dma_wait3A_590, %dma_wait3A_605, %dma_wait3A_606] : memref<4x64x128xf32, #tpu.memory_space<vmem>> -> memref<1x64x128xf32, #tpu.memory_space<vmem>>
        %dma_wait3A_608 = tpu.memref_squeeze %dma_wait3A_607 : memref<1x64x128xf32, #tpu.memory_space<vmem>> -> memref<64x128xf32, #tpu.memory_space<vmem>>
        tpu.wait_dma2 semaphore(%dma_wait3A_601 : memref<!tpu.dma_semaphore, #tpu.memory_space<semaphore_mem>>) src(%dma_wait3A_608 : memref<64x128xf32, #tpu.memory_space<vmem>>) dst(%dma_wait3A_604 : memref<64x128xf32, #tpu.memory_space<hbm>>)
      } else {
      }
      %scan3A_388 = arith.constant 0 : i32
      %scan3A_389 = arith.constant 0 : i32
      %scan3A_390 = arith.constant 0 : i32
      %scan3A_391 = arith.constant 0 : i32
      %scan3A_392 = arith.constant 32 : i32
      %scan3A_393 = arith.addi %scan3A_391, %scan3A_392 : i32
      %scan3A_394 = arith.constant 1 : i32
      %scan3A_395 = scf.for %scan3A_590 = %scan3A_391 to %scan3A_393 step %scan3A_394 iter_args(%scan3A_591 = %scan3A_390) -> (i32)  : i32 {
        %jit3A = arith.constant 4 : i32
        %div3A = arith.divsi %scan3A_590, %jit3A : i32
        %sign3A = arith.constant 0 : i32
        %sign3A_592 = arith.cmpi sgt, %scan3A_590, %sign3A : i32
        %sign3A_593 = arith.extui %sign3A_592 : i1 to i32
        %sign3A_594 = arith.constant 0 : i32
        %sign3A_595 = arith.cmpi slt, %scan3A_590, %sign3A_594 : i32
        %sign3A_596 = arith.extui %sign3A_595 : i1 to i32
        %sign3A_597 = arith.subi %sign3A_593, %sign3A_596 : i32
        %sign3A_598 = arith.constant 0 : i32
        %sign3A_599 = arith.cmpi sgt, %jit3A, %sign3A_598 : i32
        %sign3A_600 = arith.extui %sign3A_599 : i1 to i32
        %sign3A_601 = arith.constant 0 : i32
        %sign3A_602 = arith.cmpi slt, %jit3A, %sign3A_601 : i32
        %sign3A_603 = arith.extui %sign3A_602 : i1 to i32
        %sign3A_604 = arith.subi %sign3A_600, %sign3A_603 : i32
        %ne3A = arith.cmpi ne, %sign3A_597, %sign3A_604 : i32
        %rem3A = arith.remsi %scan3A_590, %jit3A : i32
        %ne3A_605 = arith.constant 0 : i32
        %ne3A_606 = arith.cmpi ne, %rem3A, %ne3A_605 : i32
        %and3A_607 = arith.andi %ne3A, %ne3A_606 : i1
        %sub3A = arith.constant 1 : i32
        %sub3A_608 = arith.subi %div3A, %sub3A : i32
        %select_n3A = arith.select %and3A_607, %sub3A_608, %div3A : i32
        %mul3A_609 = arith.constant 16 : i32
        %mul3A_610 = arith.muli %select_n3A, %mul3A_609 : i32
        %jit3A_611 = arith.constant 4 : i32
        %eq3A = arith.constant 0 : i32
        %eq3A_612 = arith.cmpi eq, %jit3A_611, %eq3A : i32
        %jit3A_613 = arith.constant 1 : i32
        %select_n3A_614 = arith.select %eq3A_612, %jit3A_613, %jit3A_611 : i32
        %rem3A_615 = arith.remsi %scan3A_590, %select_n3A_614 : i32
        %ne3A_616 = arith.constant 0 : i32
        %ne3A_617 = arith.cmpi ne, %rem3A_615, %ne3A_616 : i32
        %lt3A_618 = arith.constant 0 : i32
        %lt3A_619 = arith.cmpi slt, %rem3A_615, %lt3A_618 : i32
        %lt3A_620 = arith.constant 0 : i32
        %lt3A_621 = arith.cmpi slt, %select_n3A_614, %lt3A_620 : i32
        %ne3A_622 = arith.xori %lt3A_619, %lt3A_621 : i1
        %and3A_623 = arith.andi %ne3A_622, %ne3A_617 : i1
        %add3A_624 = arith.addi %rem3A_615, %select_n3A_614 : i32
        %select_n3A_625 = arith.select %and3A_623, %add3A_624, %rem3A_615 : i32
        %mul3A_626 = arith.constant 16 : i32
        %mul3A_627 = arith.muli %select_n3A_625, %mul3A_626 : i32
        %add3A_628 = vector.broadcast %mul3A_610 : i32 to vector<16xi32>
        %add3A_629 = arith.addi %iota3A, %add3A_628 : vector<16xi32>
        %add3A_630 = vector.broadcast %mul3A_627 : i32 to vector<16xi32>
        %add3A_631 = arith.addi %and3A_66, %add3A_630 : vector<16xi32>
        %gather3A = arith.constant 0 : i32
        %gather3A_632 = arith.constant 0 : i32
        %gather3A_633 = tpu.memref_slice %arg6[%scan3A_388, %gather3A, %gather3A_632] : memref<4x128x128xf32, #tpu.memory_space<vmem>> -> memref<1x128x128xf32, #tpu.memory_space<vmem>>
        %gather3A_634 = tpu.memref_squeeze %gather3A_633 : memref<1x128x128xf32, #tpu.memory_space<vmem>> -> memref<128x128xf32, #tpu.memory_space<vmem>>
        %gather3A_635 = tpu.vector_load_idx %gather3A_634[%add3A_629, %add3A_631] : memref<128x128xf32, #tpu.memory_space<vmem>>[vector<16xi32>, vector<16xi32>], vector<16xf32>,
        %mul3A_636 = vector.broadcast %scan3A : f32 to vector<16xf32>
        %mul3A_637 = arith.mulf %gather3A_635, %mul3A_636 : vector<16xf32>
        %scatter3A = arith.constant 0 : i32
        %scatter3A_638 = arith.constant 0 : i32
        %scatter3A_639 = tpu.memref_slice %arg7[%scan3A_389, %scatter3A, %scatter3A_638] : memref<4x64x128xf32, #tpu.memory_space<vmem>> -> memref<1x64x128xf32, #tpu.memory_space<vmem>>
        %scatter3A_640 = tpu.memref_squeeze %scatter3A_639 : memref<1x64x128xf32, #tpu.memory_space<vmem>> -> memref<64x128xf32, #tpu.memory_space<vmem>>
        tpu.vector_store_idx %scatter3A_640[%add3A_631, %add3A_629], %mul3A_637 : memref<64x128xf32, #tpu.memory_space<vmem>>[vector<16xi32>, vector<16xi32>], vector<16xf32>,
        %add3A_641 = vector.broadcast %mul3A_627 : i32 to vector<16xi32>
        %add3A_642 = arith.addi %and3A_72, %add3A_641 : vector<16xi32>
        %gather3A_643 = arith.constant 0 : i32
        %gather3A_644 = arith.constant 0 : i32
        %gather3A_645 = tpu.memref_slice %arg6[%scan3A_388, %gather3A_643, %gather3A_644] : memref<4x128x128xf32, #tpu.memory_space<vmem>> -> memref<1x128x128xf32, #tpu.memory_space<vmem>>
        %gather3A_646 = tpu.memref_squeeze %gather3A_645 : memref<1x128x128xf32, #tpu.memory_space<vmem>> -> memref<128x128xf32, #tpu.memory_space<vmem>>
        %gather3A_647 = tpu.vector_load_idx %gather3A_646[%add3A_629, %add3A_642] : memref<128x128xf32, #tpu.memory_space<vmem>>[vector<16xi32>, vector<16xi32>], vector<16xf32>,
        %mul3A_648 = vector.broadcast %scan3A : f32 to vector<16xf32>
        %mul3A_649 = arith.mulf %gather3A_647, %mul3A_648 : vector<16xf32>
        %scatter3A_650 = arith.constant 0 : i32
        %scatter3A_651 = arith.constant 0 : i32
        %scatter3A_652 = tpu.memref_slice %arg7[%scan3A_389, %scatter3A_650, %scatter3A_651] : memref<4x64x128xf32, #tpu.memory_space<vmem>> -> memref<1x64x128xf32, #tpu.memory_space<vmem>>
        %scatter3A_653 = tpu.memref_squeeze %scatter3A_652 : memref<1x64x128xf32, #tpu.memory_space<vmem>> -> memref<64x128xf32, #tpu.memory_space<vmem>>
        tpu.vector_store_idx %scatter3A_653[%add3A_642, %add3A_629], %mul3A_649 : memref<64x128xf32, #tpu.memory_space<vmem>>[vector<16xi32>, vector<16xi32>], vector<16xf32>,
        %add3A_654 = vector.broadcast %mul3A_627 : i32 to vector<16xi32>
        %add3A_655 = arith.addi %and3A_78, %add3A_654 : vector<16xi32>
        %gather3A_656 = arith.constant 0 : i32
        %gather3A_657 = arith.constant 0 : i32
        %gather3A_658 = tpu.memref_slice %arg6[%scan3A_388, %gather3A_656, %gather3A_657] : memref<4x128x128xf32, #tpu.memory_space<vmem>> -> memref<1x128x128xf32, #tpu.memory_space<vmem>>
        %gather3A_659 = tpu.memref_squeeze %gather3A_658 : memref<1x128x128xf32, #tpu.memory_space<vmem>> -> memref<128x128xf32, #tpu.memory_space<vmem>>
        %gather3A_660 = tpu.vector_load_idx %gather3A_659[%add3A_629, %add3A_655] : memref<128x128xf32, #tpu.memory_space<vmem>>[vector<16xi32>, vector<16xi32>], vector<16xf32>,
        %mul3A_661 = vector.broadcast %scan3A : f32 to vector<16xf32>
        %mul3A_662 = arith.mulf %gather3A_660, %mul3A_661 : vector<16xf32>
        %scatter3A_663 = arith.constant 0 : i32
        %scatter3A_664 = arith.constant 0 : i32
        %scatter3A_665 = tpu.memref_slice %arg7[%scan3A_389, %scatter3A_663, %scatter3A_664] : memref<4x64x128xf32, #tpu.memory_space<vmem>> -> memref<1x64x128xf32, #tpu.memory_space<vmem>>
        %scatter3A_666 = tpu.memref_squeeze %scatter3A_665 : memref<1x64x128xf32, #tpu.memory_space<vmem>> -> memref<64x128xf32, #tpu.memory_space<vmem>>
        tpu.vector_store_idx %scatter3A_666[%add3A_655, %add3A_629], %mul3A_662 : memref<64x128xf32, #tpu.memory_space<vmem>>[vector<16xi32>, vector<16xi32>], vector<16xf32>,
        %add3A_667 = vector.broadcast %mul3A_627 : i32 to vector<16xi32>
        %add3A_668 = arith.addi %and3A_84, %add3A_667 : vector<16xi32>
        %gather3A_669 = arith.constant 0 : i32
        %gather3A_670 = arith.constant 0 : i32
        %gather3A_671 = tpu.memref_slice %arg6[%scan3A_388, %gather3A_669, %gather3A_670] : memref<4x128x128xf32, #tpu.memory_space<vmem>> -> memref<1x128x128xf32, #tpu.memory_space<vmem>>
        %gather3A_672 = tpu.memref_squeeze %gather3A_671 : memref<1x128x128xf32, #tpu.memory_space<vmem>> -> memref<128x128xf32, #tpu.memory_space<vmem>>
        %gather3A_673 = tpu.vector_load_idx %gather3A_672[%add3A_629, %add3A_668] : memref<128x128xf32, #tpu.memory_space<vmem>>[vector<16xi32>, vector<16xi32>], vector<16xf32>,
        %mul3A_674 = vector.broadcast %scan3A : f32 to vector<16xf32>
        %mul3A_675 = arith.mulf %gather3A_673, %mul3A_674 : vector<16xf32>
        %scatter3A_676 = arith.constant 0 : i32
        %scatter3A_677 = arith.constant 0 : i32
        %scatter3A_678 = tpu.memref_slice %arg7[%scan3A_389, %scatter3A_676, %scatter3A_677] : memref<4x64x128xf32, #tpu.memory_space<vmem>> -> memref<1x64x128xf32, #tpu.memory_space<vmem>>
        %scatter3A_679 = tpu.memref_squeeze %scatter3A_678 : memref<1x64x128xf32, #tpu.memory_space<vmem>> -> memref<64x128xf32, #tpu.memory_space<vmem>>
        tpu.vector_store_idx %scatter3A_679[%add3A_668, %add3A_629], %mul3A_675 : memref<64x128xf32, #tpu.memory_space<vmem>>[vector<16xi32>, vector<16xi32>], vector<16xf32>,
        %add3A_680 = vector.broadcast %mul3A_627 : i32 to vector<16xi32>
        %add3A_681 = arith.addi %and3A_90, %add3A_680 : vector<16xi32>
        %gather3A_682 = arith.constant 0 : i32
        %gather3A_683 = arith.constant 0 : i32
        %gather3A_684 = tpu.memref_slice %arg6[%scan3A_388, %gather3A_682, %gather3A_683] : memref<4x128x128xf32, #tpu.memory_space<vmem>> -> memref<1x128x128xf32, #tpu.memory_space<vmem>>
        %gather3A_685 = tpu.memref_squeeze %gather3A_684 : memref<1x128x128xf32, #tpu.memory_space<vmem>> -> memref<128x128xf32, #tpu.memory_space<vmem>>
        %gather3A_686 = tpu.vector_load_idx %gather3A_685[%add3A_629, %add3A_681] : memref<128x128xf32, #tpu.memory_space<vmem>>[vector<16xi32>, vector<16xi32>], vector<16xf32>,
        %mul3A_687 = vector.broadcast %scan3A : f32 to vector<16xf32>
        %mul3A_688 = arith.mulf %gather3A_686, %mul3A_687 : vector<16xf32>
        %scatter3A_689 = arith.constant 0 : i32
        %scatter3A_690 = arith.constant 0 : i32
        %scatter3A_691 = tpu.memref_slice %arg7[%scan3A_389, %scatter3A_689, %scatter3A_690] : memref<4x64x128xf32, #tpu.memory_space<vmem>> -> memref<1x64x128xf32, #tpu.memory_space<vmem>>
        %scatter3A_692 = tpu.memref_squeeze %scatter3A_691 : memref<1x64x128xf32, #tpu.memory_space<vmem>> -> memref<64x128xf32, #tpu.memory_space<vmem>>
        tpu.vector_store_idx %scatter3A_692[%add3A_681, %add3A_629], %mul3A_688 : memref<64x128xf32, #tpu.memory_space<vmem>>[vector<16xi32>, vector<16xi32>], vector<16xf32>,
        %add3A_693 = vector.broadcast %mul3A_627 : i32 to vector<16xi32>
        %add3A_694 = arith.addi %and3A_96, %add3A_693 : vector<16xi32>
        %gather3A_695 = arith.constant 0 : i32
        %gather3A_696 = arith.constant 0 : i32
        %gather3A_697 = tpu.memref_slice %arg6[%scan3A_388, %gather3A_695, %gather3A_696] : memref<4x128x128xf32, #tpu.memory_space<vmem>> -> memref<1x128x128xf32, #tpu.memory_space<vmem>>
        %gather3A_698 = tpu.memref_squeeze %gather3A_697 : memref<1x128x128xf32, #tpu.memory_space<vmem>> -> memref<128x128xf32, #tpu.memory_space<vmem>>
        %gather3A_699 = tpu.vector_load_idx %gather3A_698[%add3A_629, %add3A_694] : memref<128x128xf32, #tpu.memory_space<vmem>>[vector<16xi32>, vector<16xi32>], vector<16xf32>,
        %mul3A_700 = vector.broadcast %scan3A : f32 to vector<16xf32>
        %mul3A_701 = arith.mulf %gather3A_699, %mul3A_700 : vector<16xf32>
        %scatter3A_702 = arith.constant 0 : i32
        %scatter3A_703 = arith.constant 0 : i32
        %scatter3A_704 = tpu.memref_slice %arg7[%scan3A_389, %scatter3A_702, %scatter3A_703] : memref<4x64x128xf32, #tpu.memory_space<vmem>> -> memref<1x64x128xf32, #tpu.memory_space<vmem>>
        %scatter3A_705 = tpu.memref_squeeze %scatter3A_704 : memref<1x64x128xf32, #tpu.memory_space<vmem>> -> memref<64x128xf32, #tpu.memory_space<vmem>>
        tpu.vector_store_idx %scatter3A_705[%add3A_694, %add3A_629], %mul3A_701 : memref<64x128xf32, #tpu.memory_space<vmem>>[vector<16xi32>, vector<16xi32>], vector<16xf32>,
        %add3A_706 = vector.broadcast %mul3A_627 : i32 to vector<16xi32>
        %add3A_707 = arith.addi %and3A_102, %add3A_706 : vector<16xi32>
        %gather3A_708 = arith.constant 0 : i32
        %gather3A_709 = arith.constant 0 : i32
        %gather3A_710 = tpu.memref_slice %arg6[%scan3A_388, %gather3A_708, %gather3A_709] : memref<4x128x128xf32, #tpu.memory_space<vmem>> -> memref<1x128x128xf32, #tpu.memory_space<vmem>>
        %gather3A_711 = tpu.memref_squeeze %gather3A_710 : memref<1x128x128xf32, #tpu.memory_space<vmem>> -> memref<128x128xf32, #tpu.memory_space<vmem>>
        %gather3A_712 = tpu.vector_load_idx %gather3A_711[%add3A_629, %add3A_707] : memref<128x128xf32, #tpu.memory_space<vmem>>[vector<16xi32>, vector<16xi32>], vector<16xf32>,
        %mul3A_713 = vector.broadcast %scan3A : f32 to vector<16xf32>
        %mul3A_714 = arith.mulf %gather3A_712, %mul3A_713 : vector<16xf32>
        %scatter3A_715 = arith.constant 0 : i32
        %scatter3A_716 = arith.constant 0 : i32
        %scatter3A_717 = tpu.memref_slice %arg7[%scan3A_389, %scatter3A_715, %scatter3A_716] : memref<4x64x128xf32, #tpu.memory_space<vmem>> -> memref<1x64x128xf32, #tpu.memory_space<vmem>>
        %scatter3A_718 = tpu.memref_squeeze %scatter3A_717 : memref<1x64x128xf32, #tpu.memory_space<vmem>> -> memref<64x128xf32, #tpu.memory_space<vmem>>
        tpu.vector_store_idx %scatter3A_718[%add3A_707, %add3A_629], %mul3A_714 : memref<64x128xf32, #tpu.memory_space<vmem>>[vector<16xi32>, vector<16xi32>], vector<16xf32>,
        %add3A_719 = vector.broadcast %mul3A_627 : i32 to vector<16xi32>
        %add3A_720 = arith.addi %and3A_108, %add3A_719 : vector<16xi32>
        %gather3A_721 = arith.constant 0 : i32
        %gather3A_722 = arith.constant 0 : i32
        %gather3A_723 = tpu.memref_slice %arg6[%scan3A_388, %gather3A_721, %gather3A_722] : memref<4x128x128xf32, #tpu.memory_space<vmem>> -> memref<1x128x128xf32, #tpu.memory_space<vmem>>
        %gather3A_724 = tpu.memref_squeeze %gather3A_723 : memref<1x128x128xf32, #tpu.memory_space<vmem>> -> memref<128x128xf32, #tpu.memory_space<vmem>>
        %gather3A_725 = tpu.vector_load_idx %gather3A_724[%add3A_629, %add3A_720] : memref<128x128xf32, #tpu.memory_space<vmem>>[vector<16xi32>, vector<16xi32>], vector<16xf32>,
        %mul3A_726 = vector.broadcast %scan3A : f32 to vector<16xf32>
        %mul3A_727 = arith.mulf %gather3A_725, %mul3A_726 : vector<16xf32>
        %scatter3A_728 = arith.constant 0 : i32
        %scatter3A_729 = arith.constant 0 : i32
        %scatter3A_730 = tpu.memref_slice %arg7[%scan3A_389, %scatter3A_728, %scatter3A_729] : memref<4x64x128xf32, #tpu.memory_space<vmem>> -> memref<1x64x128xf32, #tpu.memory_space<vmem>>
        %scatter3A_731 = tpu.memref_squeeze %scatter3A_730 : memref<1x64x128xf32, #tpu.memory_space<vmem>> -> memref<64x128xf32, #tpu.memory_space<vmem>>
        tpu.vector_store_idx %scatter3A_731[%add3A_720, %add3A_629], %mul3A_727 : memref<64x128xf32, #tpu.memory_space<vmem>>[vector<16xi32>, vector<16xi32>], vector<16xf32>,
        %add3A_732 = vector.broadcast %mul3A_627 : i32 to vector<16xi32>
        %add3A_733 = arith.addi %and3A_114, %add3A_732 : vector<16xi32>
        %gather3A_734 = arith.constant 0 : i32
        %gather3A_735 = arith.constant 0 : i32
        %gather3A_736 = tpu.memref_slice %arg6[%scan3A_388, %gather3A_734, %gather3A_735] : memref<4x128x128xf32, #tpu.memory_space<vmem>> -> memref<1x128x128xf32, #tpu.memory_space<vmem>>
        %gather3A_737 = tpu.memref_squeeze %gather3A_736 : memref<1x128x128xf32, #tpu.memory_space<vmem>> -> memref<128x128xf32, #tpu.memory_space<vmem>>
        %gather3A_738 = tpu.vector_load_idx %gather3A_737[%add3A_629, %add3A_733] : memref<128x128xf32, #tpu.memory_space<vmem>>[vector<16xi32>, vector<16xi32>], vector<16xf32>,
        %mul3A_739 = vector.broadcast %scan3A : f32 to vector<16xf32>
        %mul3A_740 = arith.mulf %gather3A_738, %mul3A_739 : vector<16xf32>
        %scatter3A_741 = arith.constant 0 : i32
        %scatter3A_742 = arith.constant 0 : i32
        %scatter3A_743 = tpu.memref_slice %arg7[%scan3A_389, %scatter3A_741, %scatter3A_742] : memref<4x64x128xf32, #tpu.memory_space<vmem>> -> memref<1x64x128xf32, #tpu.memory_space<vmem>>
        %scatter3A_744 = tpu.memref_squeeze %scatter3A_743 : memref<1x64x128xf32, #tpu.memory_space<vmem>> -> memref<64x128xf32, #tpu.memory_space<vmem>>
        tpu.vector_store_idx %scatter3A_744[%add3A_733, %add3A_629], %mul3A_740 : memref<64x128xf32, #tpu.memory_space<vmem>>[vector<16xi32>, vector<16xi32>], vector<16xf32>,
        %add3A_745 = vector.broadcast %mul3A_627 : i32 to vector<16xi32>
        %add3A_746 = arith.addi %and3A_120, %add3A_745 : vector<16xi32>
        %gather3A_747 = arith.constant 0 : i32
        %gather3A_748 = arith.constant 0 : i32
        %gather3A_749 = tpu.memref_slice %arg6[%scan3A_388, %gather3A_747, %gather3A_748] : memref<4x128x128xf32, #tpu.memory_space<vmem>> -> memref<1x128x128xf32, #tpu.memory_space<vmem>>
        %gather3A_750 = tpu.memref_squeeze %gather3A_749 : memref<1x128x128xf32, #tpu.memory_space<vmem>> -> memref<128x128xf32, #tpu.memory_space<vmem>>
        %gather3A_751 = tpu.vector_load_idx %gather3A_750[%add3A_629, %add3A_746] : memref<128x128xf32, #tpu.memory_space<vmem>>[vector<16xi32>, vector<16xi32>], vector<16xf32>,
        %mul3A_752 = vector.broadcast %scan3A : f32 to vector<16xf32>
        %mul3A_753 = arith.mulf %gather3A_751, %mul3A_752 : vector<16xf32>
        %scatter3A_754 = arith.constant 0 : i32
        %scatter3A_755 = arith.constant 0 : i32
        %scatter3A_756 = tpu.memref_slice %arg7[%scan3A_389, %scatter3A_754, %scatter3A_755] : memref<4x64x128xf32, #tpu.memory_space<vmem>> -> memref<1x64x128xf32, #tpu.memory_space<vmem>>
        %scatter3A_757 = tpu.memref_squeeze %scatter3A_756 : memref<1x64x128xf32, #tpu.memory_space<vmem>> -> memref<64x128xf32, #tpu.memory_space<vmem>>
        tpu.vector_store_idx %scatter3A_757[%add3A_746, %add3A_629], %mul3A_753 : memref<64x128xf32, #tpu.memory_space<vmem>>[vector<16xi32>, vector<16xi32>], vector<16xf32>,
        %add3A_758 = vector.broadcast %mul3A_627 : i32 to vector<16xi32>
        %add3A_759 = arith.addi %and3A_126, %add3A_758 : vector<16xi32>
        %gather3A_760 = arith.constant 0 : i32
        %gather3A_761 = arith.constant 0 : i32
        %gather3A_762 = tpu.memref_slice %arg6[%scan3A_388, %gather3A_760, %gather3A_761] : memref<4x128x128xf32, #tpu.memory_space<vmem>> -> memref<1x128x128xf32, #tpu.memory_space<vmem>>
        %gather3A_763 = tpu.memref_squeeze %gather3A_762 : memref<1x128x128xf32, #tpu.memory_space<vmem>> -> memref<128x128xf32, #tpu.memory_space<vmem>>
        %gather3A_764 = tpu.vector_load_idx %gather3A_763[%add3A_629, %add3A_759] : memref<128x128xf32, #tpu.memory_space<vmem>>[vector<16xi32>, vector<16xi32>], vector<16xf32>,
        %mul3A_765 = vector.broadcast %scan3A : f32 to vector<16xf32>
        %mul3A_766 = arith.mulf %gather3A_764, %mul3A_765 : vector<16xf32>
        %scatter3A_767 = arith.constant 0 : i32
        %scatter3A_768 = arith.constant 0 : i32
        %scatter3A_769 = tpu.memref_slice %arg7[%scan3A_389, %scatter3A_767, %scatter3A_768] : memref<4x64x128xf32, #tpu.memory_space<vmem>> -> memref<1x64x128xf32, #tpu.memory_space<vmem>>
        %scatter3A_770 = tpu.memref_squeeze %scatter3A_769 : memref<1x64x128xf32, #tpu.memory_space<vmem>> -> memref<64x128xf32, #tpu.memory_space<vmem>>
        tpu.vector_store_idx %scatter3A_770[%add3A_759, %add3A_629], %mul3A_766 : memref<64x128xf32, #tpu.memory_space<vmem>>[vector<16xi32>, vector<16xi32>], vector<16xf32>,
        %add3A_771 = vector.broadcast %mul3A_627 : i32 to vector<16xi32>
        %add3A_772 = arith.addi %and3A_132, %add3A_771 : vector<16xi32>
        %gather3A_773 = arith.constant 0 : i32
        %gather3A_774 = arith.constant 0 : i32
        %gather3A_775 = tpu.memref_slice %arg6[%scan3A_388, %gather3A_773, %gather3A_774] : memref<4x128x128xf32, #tpu.memory_space<vmem>> -> memref<1x128x128xf32, #tpu.memory_space<vmem>>
        %gather3A_776 = tpu.memref_squeeze %gather3A_775 : memref<1x128x128xf32, #tpu.memory_space<vmem>> -> memref<128x128xf32, #tpu.memory_space<vmem>>
        %gather3A_777 = tpu.vector_load_idx %gather3A_776[%add3A_629, %add3A_772] : memref<128x128xf32, #tpu.memory_space<vmem>>[vector<16xi32>, vector<16xi32>], vector<16xf32>,
        %mul3A_778 = vector.broadcast %scan3A : f32 to vector<16xf32>
        %mul3A_779 = arith.mulf %gather3A_777, %mul3A_778 : vector<16xf32>
        %scatter3A_780 = arith.constant 0 : i32
        %scatter3A_781 = arith.constant 0 : i32
        %scatter3A_782 = tpu.memref_slice %arg7[%scan3A_389, %scatter3A_780, %scatter3A_781] : memref<4x64x128xf32, #tpu.memory_space<vmem>> -> memref<1x64x128xf32, #tpu.memory_space<vmem>>
        %scatter3A_783 = tpu.memref_squeeze %scatter3A_782 : memref<1x64x128xf32, #tpu.memory_space<vmem>> -> memref<64x128xf32, #tpu.memory_space<vmem>>
        tpu.vector_store_idx %scatter3A_783[%add3A_772, %add3A_629], %mul3A_779 : memref<64x128xf32, #tpu.memory_space<vmem>>[vector<16xi32>, vector<16xi32>], vector<16xf32>,
        %add3A_784 = vector.broadcast %mul3A_627 : i32 to vector<16xi32>
        %add3A_785 = arith.addi %and3A_138, %add3A_784 : vector<16xi32>
        %gather3A_786 = arith.constant 0 : i32
        %gather3A_787 = arith.constant 0 : i32
        %gather3A_788 = tpu.memref_slice %arg6[%scan3A_388, %gather3A_786, %gather3A_787] : memref<4x128x128xf32, #tpu.memory_space<vmem>> -> memref<1x128x128xf32, #tpu.memory_space<vmem>>
        %gather3A_789 = tpu.memref_squeeze %gather3A_788 : memref<1x128x128xf32, #tpu.memory_space<vmem>> -> memref<128x128xf32, #tpu.memory_space<vmem>>
        %gather3A_790 = tpu.vector_load_idx %gather3A_789[%add3A_629, %add3A_785] : memref<128x128xf32, #tpu.memory_space<vmem>>[vector<16xi32>, vector<16xi32>], vector<16xf32>,
        %mul3A_791 = vector.broadcast %scan3A : f32 to vector<16xf32>
        %mul3A_792 = arith.mulf %gather3A_790, %mul3A_791 : vector<16xf32>
        %scatter3A_793 = arith.constant 0 : i32
        %scatter3A_794 = arith.constant 0 : i32
        %scatter3A_795 = tpu.memref_slice %arg7[%scan3A_389, %scatter3A_793, %scatter3A_794] : memref<4x64x128xf32, #tpu.memory_space<vmem>> -> memref<1x64x128xf32, #tpu.memory_space<vmem>>
        %scatter3A_796 = tpu.memref_squeeze %scatter3A_795 : memref<1x64x128xf32, #tpu.memory_space<vmem>> -> memref<64x128xf32, #tpu.memory_space<vmem>>
        tpu.vector_store_idx %scatter3A_796[%add3A_785, %add3A_629], %mul3A_792 : memref<64x128xf32, #tpu.memory_space<vmem>>[vector<16xi32>, vector<16xi32>], vector<16xf32>,
        %add3A_797 = vector.broadcast %mul3A_627 : i32 to vector<16xi32>
        %add3A_798 = arith.addi %and3A_144, %add3A_797 : vector<16xi32>
        %gather3A_799 = arith.constant 0 : i32
        %gather3A_800 = arith.constant 0 : i32
        %gather3A_801 = tpu.memref_slice %arg6[%scan3A_388, %gather3A_799, %gather3A_800] : memref<4x128x128xf32, #tpu.memory_space<vmem>> -> memref<1x128x128xf32, #tpu.memory_space<vmem>>
        %gather3A_802 = tpu.memref_squeeze %gather3A_801 : memref<1x128x128xf32, #tpu.memory_space<vmem>> -> memref<128x128xf32, #tpu.memory_space<vmem>>
        %gather3A_803 = tpu.vector_load_idx %gather3A_802[%add3A_629, %add3A_798] : memref<128x128xf32, #tpu.memory_space<vmem>>[vector<16xi32>, vector<16xi32>], vector<16xf32>,
        %mul3A_804 = vector.broadcast %scan3A : f32 to vector<16xf32>
        %mul3A_805 = arith.mulf %gather3A_803, %mul3A_804 : vector<16xf32>
        %scatter3A_806 = arith.constant 0 : i32
        %scatter3A_807 = arith.constant 0 : i32
        %scatter3A_808 = tpu.memref_slice %arg7[%scan3A_389, %scatter3A_806, %scatter3A_807] : memref<4x64x128xf32, #tpu.memory_space<vmem>> -> memref<1x64x128xf32, #tpu.memory_space<vmem>>
        %scatter3A_809 = tpu.memref_squeeze %scatter3A_808 : memref<1x64x128xf32, #tpu.memory_space<vmem>> -> memref<64x128xf32, #tpu.memory_space<vmem>>
        tpu.vector_store_idx %scatter3A_809[%add3A_798, %add3A_629], %mul3A_805 : memref<64x128xf32, #tpu.memory_space<vmem>>[vector<16xi32>, vector<16xi32>], vector<16xf32>,
        %add3A_810 = vector.broadcast %mul3A_627 : i32 to vector<16xi32>
        %add3A_811 = arith.addi %and3A_150, %add3A_810 : vector<16xi32>
        %gather3A_812 = arith.constant 0 : i32
        %gather3A_813 = arith.constant 0 : i32
        %gather3A_814 = tpu.memref_slice %arg6[%scan3A_388, %gather3A_812, %gather3A_813] : memref<4x128x128xf32, #tpu.memory_space<vmem>> -> memref<1x128x128xf32, #tpu.memory_space<vmem>>
        %gather3A_815 = tpu.memref_squeeze %gather3A_814 : memref<1x128x128xf32, #tpu.memory_space<vmem>> -> memref<128x128xf32, #tpu.memory_space<vmem>>
        %gather3A_816 = tpu.vector_load_idx %gather3A_815[%add3A_629, %add3A_811] : memref<128x128xf32, #tpu.memory_space<vmem>>[vector<16xi32>, vector<16xi32>], vector<16xf32>,
        %mul3A_817 = vector.broadcast %scan3A : f32 to vector<16xf32>
        %mul3A_818 = arith.mulf %gather3A_816, %mul3A_817 : vector<16xf32>
        %scatter3A_819 = arith.constant 0 : i32
        %scatter3A_820 = arith.constant 0 : i32
        %scatter3A_821 = tpu.memref_slice %arg7[%scan3A_389, %scatter3A_819, %scatter3A_820] : memref<4x64x128xf32, #tpu.memory_space<vmem>> -> memref<1x64x128xf32, #tpu.memory_space<vmem>>
        %scatter3A_822 = tpu.memref_squeeze %scatter3A_821 : memref<1x64x128xf32, #tpu.memory_space<vmem>> -> memref<64x128xf32, #tpu.memory_space<vmem>>
        tpu.vector_store_idx %scatter3A_822[%add3A_811, %add3A_629], %mul3A_818 : memref<64x128xf32, #tpu.memory_space<vmem>>[vector<16xi32>, vector<16xi32>], vector<16xf32>,
        %add3A_823 = vector.broadcast %mul3A_627 : i32 to vector<16xi32>
        %add3A_824 = arith.addi %and3A_156, %add3A_823 : vector<16xi32>
        %gather3A_825 = arith.constant 0 : i32
        %gather3A_826 = arith.constant 0 : i32
        %gather3A_827 = tpu.memref_slice %arg6[%scan3A_388, %gather3A_825, %gather3A_826] : memref<4x128x128xf32, #tpu.memory_space<vmem>> -> memref<1x128x128xf32, #tpu.memory_space<vmem>>
        %gather3A_828 = tpu.memref_squeeze %gather3A_827 : memref<1x128x128xf32, #tpu.memory_space<vmem>> -> memref<128x128xf32, #tpu.memory_space<vmem>>
        %gather3A_829 = tpu.vector_load_idx %gather3A_828[%add3A_629, %add3A_824] : memref<128x128xf32, #tpu.memory_space<vmem>>[vector<16xi32>, vector<16xi32>], vector<16xf32>,
        %mul3A_830 = vector.broadcast %scan3A : f32 to vector<16xf32>
        %mul3A_831 = arith.mulf %gather3A_829, %mul3A_830 : vector<16xf32>
        %scatter3A_832 = arith.constant 0 : i32
        %scatter3A_833 = arith.constant 0 : i32
        %scatter3A_834 = tpu.memref_slice %arg7[%scan3A_389, %scatter3A_832, %scatter3A_833] : memref<4x64x128xf32, #tpu.memory_space<vmem>> -> memref<1x64x128xf32, #tpu.memory_space<vmem>>
        %scatter3A_835 = tpu.memref_squeeze %scatter3A_834 : memref<1x64x128xf32, #tpu.memory_space<vmem>> -> memref<64x128xf32, #tpu.memory_space<vmem>>
        tpu.vector_store_idx %scatter3A_835[%add3A_824, %add3A_629], %mul3A_831 : memref<64x128xf32, #tpu.memory_space<vmem>>[vector<16xi32>, vector<16xi32>], vector<16xf32>,
        %scan3A_836 = arith.constant 0 : i32
        scf.yield %scan3A_836 : i32
      }
      %scan3A_396 = arith.constant 32 : i32
      %add3A_397 = arith.constant 4 : i32
      %add3A_398 = arith.addi %add3A_370, %add3A_397 : i32
      %lt3A = arith.constant 50 : i32
      %lt3A_399 = arith.cmpi slt, %add3A_398, %lt3A : i32
      %convert_element_type3A_400 = arith.extui %lt3A_399 : i1 to i32
      %cond3A_401 = arith.constant 0 : i32
      %cond3A_402 = arith.cmpi ne, %convert_element_type3A_400, %cond3A_401 : i32
      scf.if %cond3A_402 {
        %add3A_590 = arith.constant 4 : i32
        %add3A_591 = arith.addi %add3A_370, %add3A_590 : i32
        %dma_start3A_592 = arith.constant 0 : i32
        %dma_start3A_593 = arith.constant 0 : i32
        %dma_start3A_594 = arith.constant 0 : i32
        %dma_start3A_595 = arith.constant 0 : i32
        %dma_start3A_596 = tpu.memref_slice %arg6[%dma_start3A_592, %dma_start3A_594, %dma_start3A_595] : memref<4x128x128xf32, #tpu.memory_space<vmem>> -> memref<1x128x128xf32, #tpu.memory_space<vmem>>
        %dma_start3A_597 = tpu.memref_squeeze %dma_start3A_596 : memref<1x128x128xf32, #tpu.memory_space<vmem>> -> memref<128x128xf32, #tpu.memory_space<vmem>>
        %dma_start3A_598 = arith.constant 0 : i32
        %dma_start3A_599 = tpu.memref_slice %arg5[%add3A_591, %dma_start3A_598] : memref<50x128xi32, #tpu.memory_space<vmem>> -> memref<1x128xi32, #tpu.memory_space<vmem>>
        %dma_start3A_600 = tpu.memref_squeeze %dma_start3A_599 : memref<1x128xi32, #tpu.memory_space<vmem>> -> memref<128xi32, #tpu.memory_space<vmem>>
        %dma_start3A_601 = arith.constant 0 : i32
        %dma_start3A_602 = arith.constant 0 : i32
        %dma_start3A_603 = tpu.memref_slice %arg3[%dma_start3A_601, %dma_start3A_602] : memref<100000x128xf32, #tpu.memory_space<hbm>> -> memref<100000x128xf32, #tpu.memory_space<hbm>>
        %dma_start3A_604 = tpu.memref_slice %arg8[%dma_start3A_593] : memref<4x!tpu.dma_semaphore, #tpu.memory_space<semaphore_mem>> -> memref<1x!tpu.dma_semaphore, #tpu.memory_space<semaphore_mem>>
        %dma_start3A_605 = tpu.memref_squeeze %dma_start3A_604 : memref<1x!tpu.dma_semaphore, #tpu.memory_space<semaphore_mem>> -> memref<!tpu.dma_semaphore, #tpu.memory_space<semaphore_mem>>
        tpu.enqueue_indirect_dma source(%dma_start3A_603 : memref<100000x128xf32, #tpu.memory_space<hbm>>) target(%dma_start3A_597 : memref<128x128xf32, #tpu.memory_space<vmem>>) offsets(%dma_start3A_600 : memref<128xi32, #tpu.memory_space<vmem>>) semaphore(%dma_start3A_605 : memref<!tpu.dma_semaphore, #tpu.memory_space<semaphore_mem>>)
      } else {
      }
      %dma_start3A_403 = arith.constant 0 : i32
      %dma_start3A_404 = arith.constant 0 : i32
      %dma_start3A_405 = arith.constant 0 : i32
      %dma_start3A_406 = arith.constant 0 : i32
      %dma_start3A_407 = tpu.memref_slice %arg7[%dma_start3A_403, %dma_start3A_405, %dma_start3A_406] : memref<4x64x128xf32, #tpu.memory_space<vmem>> -> memref<1x64x128xf32, #tpu.memory_space<vmem>>
      %dma_start3A_408 = tpu.memref_squeeze %dma_start3A_407 : memref<1x64x128xf32, #tpu.memory_space<vmem>> -> memref<64x128xf32, #tpu.memory_space<vmem>>
      %dma_start3A_409 = arith.constant 0 : i32
      %dma_start3A_410 = tpu.memref_slice %arg4[%add3A_370, %dma_start3A_409, %mul3A_2] : memref<50x64x4096xf32, #tpu.memory_space<hbm>> -> memref<1x64x128xf32, #tpu.memory_space<hbm>>
      %dma_start3A_411 = tpu.memref_squeeze %dma_start3A_410 : memref<1x64x128xf32, #tpu.memory_space<hbm>> -> memref<64x128xf32, #tpu.memory_space<hbm>>
      %dma_start3A_412 = tpu.memref_slice %arg9[%dma_start3A_404] : memref<4x!tpu.dma_semaphore, #tpu.memory_space<semaphore_mem>> -> memref<1x!tpu.dma_semaphore, #tpu.memory_space<semaphore_mem>>
      %dma_start3A_413 = tpu.memref_squeeze %dma_start3A_412 : memref<1x!tpu.dma_semaphore, #tpu.memory_space<semaphore_mem>> -> memref<!tpu.dma_semaphore, #tpu.memory_space<semaphore_mem>>
      %dma_start3A_414 = arith.constant 0 : i32
      %dma_start3A_415 = tpu.memref_slice %arg4[%add3A_370, %dma_start3A_414, %mul3A_2] : memref<50x64x4096xf32, #tpu.memory_space<hbm>> -> memref<1x64x128xf32, #tpu.memory_space<hbm>>
      %dma_start3A_416 = tpu.memref_squeeze %dma_start3A_415 : memref<1x64x128xf32, #tpu.memory_space<hbm>> -> memref<64x128xf32, #tpu.memory_space<hbm>>
      %dma_start3A_417 = arith.constant 0 : i32
      %dma_start3A_418 = arith.constant 0 : i32
      %dma_start3A_419 = tpu.memref_slice %arg7[%dma_start3A_403, %dma_start3A_417, %dma_start3A_418] : memref<4x64x128xf32, #tpu.memory_space<vmem>> -> memref<1x64x128xf32, #tpu.memory_space<vmem>>
      %dma_start3A_420 = tpu.memref_squeeze %dma_start3A_419 : memref<1x64x128xf32, #tpu.memory_space<vmem>> -> memref<64x128xf32, #tpu.memory_space<vmem>>
      tpu.enqueue_dma source(%dma_start3A_420 : memref<64x128xf32, #tpu.memory_space<vmem>>) target(%dma_start3A_416 : memref<64x128xf32, #tpu.memory_space<hbm>>) target_semaphore(%dma_start3A_413 : memref<!tpu.dma_semaphore, #tpu.memory_space<semaphore_mem>>)
      %add3A_421 = arith.constant 1 : i32
      %add3A_422 = arith.addi %mul3A_368, %add3A_421 : i32
      %dma_wait3A_423 = arith.constant 0 : i32
      %dma_wait3A_424 = arith.constant 1 : i32
      %dma_wait3A_425 = arith.constant 1 : i32
      %dma_wait3A_426 = arith.constant 0 : i32
      %dma_wait3A_427 = arith.constant 0 : i32
      %dma_wait3A_428 = tpu.memref_slice %arg6[%dma_wait3A_424, %dma_wait3A_426, %dma_wait3A_427] : memref<4x128x128xf32, #tpu.memory_space<vmem>> -> memref<1x128x128xf32, #tpu.memory_space<vmem>>
      %dma_wait3A_429 = tpu.memref_squeeze %dma_wait3A_428 : memref<1x128x128xf32, #tpu.memory_space<vmem>> -> memref<128x128xf32, #tpu.memory_space<vmem>>
      %dma_wait3A_430 = arith.constant 0 : i32
      %dma_wait3A_431 = tpu.memref_slice %arg5[%dma_wait3A_423, %dma_wait3A_430] : memref<50x128xi32, #tpu.memory_space<vmem>> -> memref<1x128xi32, #tpu.memory_space<vmem>>
      %dma_wait3A_432 = tpu.memref_squeeze %dma_wait3A_431 : memref<1x128xi32, #tpu.memory_space<vmem>> -> memref<128xi32, #tpu.memory_space<vmem>>
      %dma_wait3A_433 = arith.constant 0 : i32
      %dma_wait3A_434 = arith.constant 0 : i32
      %dma_wait3A_435 = tpu.memref_slice %arg3[%dma_wait3A_433, %dma_wait3A_434] : memref<100000x128xf32, #tpu.memory_space<hbm>> -> memref<100000x128xf32, #tpu.memory_space<hbm>>
      %dma_wait3A_436 = tpu.memref_slice %arg8[%dma_wait3A_425] : memref<4x!tpu.dma_semaphore, #tpu.memory_space<semaphore_mem>> -> memref<1x!tpu.dma_semaphore, #tpu.memory_space<semaphore_mem>>
      %dma_wait3A_437 = tpu.memref_squeeze %dma_wait3A_436 : memref<1x!tpu.dma_semaphore, #tpu.memory_space<semaphore_mem>> -> memref<!tpu.dma_semaphore, #tpu.memory_space<semaphore_mem>>
      tpu.wait_indirect_dma semaphore(%dma_wait3A_437 : memref<!tpu.dma_semaphore, #tpu.memory_space<semaphore_mem>>) src(%dma_wait3A_435 : memref<100000x128xf32, #tpu.memory_space<hbm>>) dst(%dma_wait3A_429 : memref<128x128xf32, #tpu.memory_space<vmem>>)
      %ge3A_438 = arith.constant 4 : i32
      %ge3A_439 = arith.cmpi sge, %add3A_422, %ge3A_438 : i32
      %convert_element_type3A_440 = arith.extui %ge3A_439 : i1 to i32
      %cond3A_441 = arith.constant 0 : i32
      %cond3A_442 = arith.cmpi ne, %convert_element_type3A_440, %cond3A_441 : i32
      scf.if %cond3A_442 {
        %dma_wait3A_590 = arith.constant 1 : i32
        %dma_wait3A_591 = arith.constant 0 : i32
        %dma_wait3A_592 = arith.constant 1 : i32
        %dma_wait3A_593 = arith.constant 0 : i32
        %dma_wait3A_594 = arith.constant 0 : i32
        %dma_wait3A_595 = tpu.memref_slice %arg7[%dma_wait3A_590, %dma_wait3A_593, %dma_wait3A_594] : memref<4x64x128xf32, #tpu.memory_space<vmem>> -> memref<1x64x128xf32, #tpu.memory_space<vmem>>
        %dma_wait3A_596 = tpu.memref_squeeze %dma_wait3A_595 : memref<1x64x128xf32, #tpu.memory_space<vmem>> -> memref<64x128xf32, #tpu.memory_space<vmem>>
        %dma_wait3A_597 = arith.constant 0 : i32
        %dma_wait3A_598 = tpu.memref_slice %arg4[%dma_wait3A_591, %dma_wait3A_597, %mul3A_2] : memref<50x64x4096xf32, #tpu.memory_space<hbm>> -> memref<1x64x128xf32, #tpu.memory_space<hbm>>
        %dma_wait3A_599 = tpu.memref_squeeze %dma_wait3A_598 : memref<1x64x128xf32, #tpu.memory_space<hbm>> -> memref<64x128xf32, #tpu.memory_space<hbm>>
        %dma_wait3A_600 = tpu.memref_slice %arg9[%dma_wait3A_592] : memref<4x!tpu.dma_semaphore, #tpu.memory_space<semaphore_mem>> -> memref<1x!tpu.dma_semaphore, #tpu.memory_space<semaphore_mem>>
        %dma_wait3A_601 = tpu.memref_squeeze %dma_wait3A_600 : memref<1x!tpu.dma_semaphore, #tpu.memory_space<semaphore_mem>> -> memref<!tpu.dma_semaphore, #tpu.memory_space<semaphore_mem>>
        %dma_wait3A_602 = arith.constant 0 : i32
        %dma_wait3A_603 = tpu.memref_slice %arg4[%dma_wait3A_591, %dma_wait3A_602, %mul3A_2] : memref<50x64x4096xf32, #tpu.memory_space<hbm>> -> memref<1x64x128xf32, #tpu.memory_space<hbm>>
        %dma_wait3A_604 = tpu.memref_squeeze %dma_wait3A_603 : memref<1x64x128xf32, #tpu.memory_space<hbm>> -> memref<64x128xf32, #tpu.memory_space<hbm>>
        %dma_wait3A_605 = arith.constant 0 : i32
        %dma_wait3A_606 = arith.constant 0 : i32
        %dma_wait3A_607 = tpu.memref_slice %arg7[%dma_wait3A_590, %dma_wait3A_605, %dma_wait3A_606] : memref<4x64x128xf32, #tpu.memory_space<vmem>> -> memref<1x64x128xf32, #tpu.memory_space<vmem>>
        %dma_wait3A_608 = tpu.memref_squeeze %dma_wait3A_607 : memref<1x64x128xf32, #tpu.memory_space<vmem>> -> memref<64x128xf32, #tpu.memory_space<vmem>>
        tpu.wait_dma2 semaphore(%dma_wait3A_601 : memref<!tpu.dma_semaphore, #tpu.memory_space<semaphore_mem>>) src(%dma_wait3A_608 : memref<64x128xf32, #tpu.memory_space<vmem>>) dst(%dma_wait3A_604 : memref<64x128xf32, #tpu.memory_space<hbm>>)
      } else {
      }
      %scan3A_443 = arith.constant 1 : i32
      %scan3A_444 = arith.constant 1 : i32
      %scan3A_445 = arith.constant 0 : i32
      %scan3A_446 = arith.constant 0 : i32
      %scan3A_447 = arith.constant 32 : i32
      %scan3A_448 = arith.addi %scan3A_446, %scan3A_447 : i32
      %scan3A_449 = arith.constant 1 : i32
      %scan3A_450 = scf.for %scan3A_590 = %scan3A_446 to %scan3A_448 step %scan3A_449 iter_args(%scan3A_591 = %scan3A_445) -> (i32)  : i32 {
        %jit3A = arith.constant 4 : i32
        %div3A = arith.divsi %scan3A_590, %jit3A : i32
        %sign3A = arith.constant 0 : i32
        %sign3A_592 = arith.cmpi sgt, %scan3A_590, %sign3A : i32
        %sign3A_593 = arith.extui %sign3A_592 : i1 to i32
        %sign3A_594 = arith.constant 0 : i32
        %sign3A_595 = arith.cmpi slt, %scan3A_590, %sign3A_594 : i32
        %sign3A_596 = arith.extui %sign3A_595 : i1 to i32
        %sign3A_597 = arith.subi %sign3A_593, %sign3A_596 : i32
        %sign3A_598 = arith.constant 0 : i32
        %sign3A_599 = arith.cmpi sgt, %jit3A, %sign3A_598 : i32
        %sign3A_600 = arith.extui %sign3A_599 : i1 to i32
        %sign3A_601 = arith.constant 0 : i32
        %sign3A_602 = arith.cmpi slt, %jit3A, %sign3A_601 : i32
        %sign3A_603 = arith.extui %sign3A_602 : i1 to i32
        %sign3A_604 = arith.subi %sign3A_600, %sign3A_603 : i32
        %ne3A = arith.cmpi ne, %sign3A_597, %sign3A_604 : i32
        %rem3A = arith.remsi %scan3A_590, %jit3A : i32
        %ne3A_605 = arith.constant 0 : i32
        %ne3A_606 = arith.cmpi ne, %rem3A, %ne3A_605 : i32
        %and3A_607 = arith.andi %ne3A, %ne3A_606 : i1
        %sub3A = arith.constant 1 : i32
        %sub3A_608 = arith.subi %div3A, %sub3A : i32
        %select_n3A = arith.select %and3A_607, %sub3A_608, %div3A : i32
        %mul3A_609 = arith.constant 16 : i32
        %mul3A_610 = arith.muli %select_n3A, %mul3A_609 : i32
        %jit3A_611 = arith.constant 4 : i32
        %eq3A = arith.constant 0 : i32
        %eq3A_612 = arith.cmpi eq, %jit3A_611, %eq3A : i32
        %jit3A_613 = arith.constant 1 : i32
        %select_n3A_614 = arith.select %eq3A_612, %jit3A_613, %jit3A_611 : i32
        %rem3A_615 = arith.remsi %scan3A_590, %select_n3A_614 : i32
        %ne3A_616 = arith.constant 0 : i32
        %ne3A_617 = arith.cmpi ne, %rem3A_615, %ne3A_616 : i32
        %lt3A_618 = arith.constant 0 : i32
        %lt3A_619 = arith.cmpi slt, %rem3A_615, %lt3A_618 : i32
        %lt3A_620 = arith.constant 0 : i32
        %lt3A_621 = arith.cmpi slt, %select_n3A_614, %lt3A_620 : i32
        %ne3A_622 = arith.xori %lt3A_619, %lt3A_621 : i1
        %and3A_623 = arith.andi %ne3A_622, %ne3A_617 : i1
        %add3A_624 = arith.addi %rem3A_615, %select_n3A_614 : i32
        %select_n3A_625 = arith.select %and3A_623, %add3A_624, %rem3A_615 : i32
        %mul3A_626 = arith.constant 16 : i32
        %mul3A_627 = arith.muli %select_n3A_625, %mul3A_626 : i32
        %add3A_628 = vector.broadcast %mul3A_610 : i32 to vector<16xi32>
        %add3A_629 = arith.addi %iota3A, %add3A_628 : vector<16xi32>
        %add3A_630 = vector.broadcast %mul3A_627 : i32 to vector<16xi32>
        %add3A_631 = arith.addi %and3A_66, %add3A_630 : vector<16xi32>
        %gather3A = arith.constant 0 : i32
        %gather3A_632 = arith.constant 0 : i32
        %gather3A_633 = tpu.memref_slice %arg6[%scan3A_443, %gather3A, %gather3A_632] : memref<4x128x128xf32, #tpu.memory_space<vmem>> -> memref<1x128x128xf32, #tpu.memory_space<vmem>>
        %gather3A_634 = tpu.memref_squeeze %gather3A_633 : memref<1x128x128xf32, #tpu.memory_space<vmem>> -> memref<128x128xf32, #tpu.memory_space<vmem>>
        %gather3A_635 = tpu.vector_load_idx %gather3A_634[%add3A_629, %add3A_631] : memref<128x128xf32, #tpu.memory_space<vmem>>[vector<16xi32>, vector<16xi32>], vector<16xf32>,
        %mul3A_636 = vector.broadcast %scan3A : f32 to vector<16xf32>
        %mul3A_637 = arith.mulf %gather3A_635, %mul3A_636 : vector<16xf32>
        %scatter3A = arith.constant 0 : i32
        %scatter3A_638 = arith.constant 0 : i32
        %scatter3A_639 = tpu.memref_slice %arg7[%scan3A_444, %scatter3A, %scatter3A_638] : memref<4x64x128xf32, #tpu.memory_space<vmem>> -> memref<1x64x128xf32, #tpu.memory_space<vmem>>
        %scatter3A_640 = tpu.memref_squeeze %scatter3A_639 : memref<1x64x128xf32, #tpu.memory_space<vmem>> -> memref<64x128xf32, #tpu.memory_space<vmem>>
        tpu.vector_store_idx %scatter3A_640[%add3A_631, %add3A_629], %mul3A_637 : memref<64x128xf32, #tpu.memory_space<vmem>>[vector<16xi32>, vector<16xi32>], vector<16xf32>,
        %add3A_641 = vector.broadcast %mul3A_627 : i32 to vector<16xi32>
        %add3A_642 = arith.addi %and3A_72, %add3A_641 : vector<16xi32>
        %gather3A_643 = arith.constant 0 : i32
        %gather3A_644 = arith.constant 0 : i32
        %gather3A_645 = tpu.memref_slice %arg6[%scan3A_443, %gather3A_643, %gather3A_644] : memref<4x128x128xf32, #tpu.memory_space<vmem>> -> memref<1x128x128xf32, #tpu.memory_space<vmem>>
        %gather3A_646 = tpu.memref_squeeze %gather3A_645 : memref<1x128x128xf32, #tpu.memory_space<vmem>> -> memref<128x128xf32, #tpu.memory_space<vmem>>
        %gather3A_647 = tpu.vector_load_idx %gather3A_646[%add3A_629, %add3A_642] : memref<128x128xf32, #tpu.memory_space<vmem>>[vector<16xi32>, vector<16xi32>], vector<16xf32>,
        %mul3A_648 = vector.broadcast %scan3A : f32 to vector<16xf32>
        %mul3A_649 = arith.mulf %gather3A_647, %mul3A_648 : vector<16xf32>
        %scatter3A_650 = arith.constant 0 : i32
        %scatter3A_651 = arith.constant 0 : i32
        %scatter3A_652 = tpu.memref_slice %arg7[%scan3A_444, %scatter3A_650, %scatter3A_651] : memref<4x64x128xf32, #tpu.memory_space<vmem>> -> memref<1x64x128xf32, #tpu.memory_space<vmem>>
        %scatter3A_653 = tpu.memref_squeeze %scatter3A_652 : memref<1x64x128xf32, #tpu.memory_space<vmem>> -> memref<64x128xf32, #tpu.memory_space<vmem>>
        tpu.vector_store_idx %scatter3A_653[%add3A_642, %add3A_629], %mul3A_649 : memref<64x128xf32, #tpu.memory_space<vmem>>[vector<16xi32>, vector<16xi32>], vector<16xf32>,
        %add3A_654 = vector.broadcast %mul3A_627 : i32 to vector<16xi32>
        %add3A_655 = arith.addi %and3A_78, %add3A_654 : vector<16xi32>
        %gather3A_656 = arith.constant 0 : i32
        %gather3A_657 = arith.constant 0 : i32
        %gather3A_658 = tpu.memref_slice %arg6[%scan3A_443, %gather3A_656, %gather3A_657] : memref<4x128x128xf32, #tpu.memory_space<vmem>> -> memref<1x128x128xf32, #tpu.memory_space<vmem>>
        %gather3A_659 = tpu.memref_squeeze %gather3A_658 : memref<1x128x128xf32, #tpu.memory_space<vmem>> -> memref<128x128xf32, #tpu.memory_space<vmem>>
        %gather3A_660 = tpu.vector_load_idx %gather3A_659[%add3A_629, %add3A_655] : memref<128x128xf32, #tpu.memory_space<vmem>>[vector<16xi32>, vector<16xi32>], vector<16xf32>,
        %mul3A_661 = vector.broadcast %scan3A : f32 to vector<16xf32>
        %mul3A_662 = arith.mulf %gather3A_660, %mul3A_661 : vector<16xf32>
        %scatter3A_663 = arith.constant 0 : i32
        %scatter3A_664 = arith.constant 0 : i32
        %scatter3A_665 = tpu.memref_slice %arg7[%scan3A_444, %scatter3A_663, %scatter3A_664] : memref<4x64x128xf32, #tpu.memory_space<vmem>> -> memref<1x64x128xf32, #tpu.memory_space<vmem>>
        %scatter3A_666 = tpu.memref_squeeze %scatter3A_665 : memref<1x64x128xf32, #tpu.memory_space<vmem>> -> memref<64x128xf32, #tpu.memory_space<vmem>>
        tpu.vector_store_idx %scatter3A_666[%add3A_655, %add3A_629], %mul3A_662 : memref<64x128xf32, #tpu.memory_space<vmem>>[vector<16xi32>, vector<16xi32>], vector<16xf32>,
        %add3A_667 = vector.broadcast %mul3A_627 : i32 to vector<16xi32>
        %add3A_668 = arith.addi %and3A_84, %add3A_667 : vector<16xi32>
        %gather3A_669 = arith.constant 0 : i32
        %gather3A_670 = arith.constant 0 : i32
        %gather3A_671 = tpu.memref_slice %arg6[%scan3A_443, %gather3A_669, %gather3A_670] : memref<4x128x128xf32, #tpu.memory_space<vmem>> -> memref<1x128x128xf32, #tpu.memory_space<vmem>>
        %gather3A_672 = tpu.memref_squeeze %gather3A_671 : memref<1x128x128xf32, #tpu.memory_space<vmem>> -> memref<128x128xf32, #tpu.memory_space<vmem>>
        %gather3A_673 = tpu.vector_load_idx %gather3A_672[%add3A_629, %add3A_668] : memref<128x128xf32, #tpu.memory_space<vmem>>[vector<16xi32>, vector<16xi32>], vector<16xf32>,
        %mul3A_674 = vector.broadcast %scan3A : f32 to vector<16xf32>
        %mul3A_675 = arith.mulf %gather3A_673, %mul3A_674 : vector<16xf32>
        %scatter3A_676 = arith.constant 0 : i32
        %scatter3A_677 = arith.constant 0 : i32
        %scatter3A_678 = tpu.memref_slice %arg7[%scan3A_444, %scatter3A_676, %scatter3A_677] : memref<4x64x128xf32, #tpu.memory_space<vmem>> -> memref<1x64x128xf32, #tpu.memory_space<vmem>>
        %scatter3A_679 = tpu.memref_squeeze %scatter3A_678 : memref<1x64x128xf32, #tpu.memory_space<vmem>> -> memref<64x128xf32, #tpu.memory_space<vmem>>
        tpu.vector_store_idx %scatter3A_679[%add3A_668, %add3A_629], %mul3A_675 : memref<64x128xf32, #tpu.memory_space<vmem>>[vector<16xi32>, vector<16xi32>], vector<16xf32>,
        %add3A_680 = vector.broadcast %mul3A_627 : i32 to vector<16xi32>
        %add3A_681 = arith.addi %and3A_90, %add3A_680 : vector<16xi32>
        %gather3A_682 = arith.constant 0 : i32
        %gather3A_683 = arith.constant 0 : i32
        %gather3A_684 = tpu.memref_slice %arg6[%scan3A_443, %gather3A_682, %gather3A_683] : memref<4x128x128xf32, #tpu.memory_space<vmem>> -> memref<1x128x128xf32, #tpu.memory_space<vmem>>
        %gather3A_685 = tpu.memref_squeeze %gather3A_684 : memref<1x128x128xf32, #tpu.memory_space<vmem>> -> memref<128x128xf32, #tpu.memory_space<vmem>>
        %gather3A_686 = tpu.vector_load_idx %gather3A_685[%add3A_629, %add3A_681] : memref<128x128xf32, #tpu.memory_space<vmem>>[vector<16xi32>, vector<16xi32>], vector<16xf32>,
        %mul3A_687 = vector.broadcast %scan3A : f32 to vector<16xf32>
        %mul3A_688 = arith.mulf %gather3A_686, %mul3A_687 : vector<16xf32>
        %scatter3A_689 = arith.constant 0 : i32
        %scatter3A_690 = arith.constant 0 : i32
        %scatter3A_691 = tpu.memref_slice %arg7[%scan3A_444, %scatter3A_689, %scatter3A_690] : memref<4x64x128xf32, #tpu.memory_space<vmem>> -> memref<1x64x128xf32, #tpu.memory_space<vmem>>
        %scatter3A_692 = tpu.memref_squeeze %scatter3A_691 : memref<1x64x128xf32, #tpu.memory_space<vmem>> -> memref<64x128xf32, #tpu.memory_space<vmem>>
        tpu.vector_store_idx %scatter3A_692[%add3A_681, %add3A_629], %mul3A_688 : memref<64x128xf32, #tpu.memory_space<vmem>>[vector<16xi32>, vector<16xi32>], vector<16xf32>,
        %add3A_693 = vector.broadcast %mul3A_627 : i32 to vector<16xi32>
        %add3A_694 = arith.addi %and3A_96, %add3A_693 : vector<16xi32>
        %gather3A_695 = arith.constant 0 : i32
        %gather3A_696 = arith.constant 0 : i32
        %gather3A_697 = tpu.memref_slice %arg6[%scan3A_443, %gather3A_695, %gather3A_696] : memref<4x128x128xf32, #tpu.memory_space<vmem>> -> memref<1x128x128xf32, #tpu.memory_space<vmem>>
        %gather3A_698 = tpu.memref_squeeze %gather3A_697 : memref<1x128x128xf32, #tpu.memory_space<vmem>> -> memref<128x128xf32, #tpu.memory_space<vmem>>
        %gather3A_699 = tpu.vector_load_idx %gather3A_698[%add3A_629, %add3A_694] : memref<128x128xf32, #tpu.memory_space<vmem>>[vector<16xi32>, vector<16xi32>], vector<16xf32>,
        %mul3A_700 = vector.broadcast %scan3A : f32 to vector<16xf32>
        %mul3A_701 = arith.mulf %gather3A_699, %mul3A_700 : vector<16xf32>
        %scatter3A_702 = arith.constant 0 : i32
        %scatter3A_703 = arith.constant 0 : i32
        %scatter3A_704 = tpu.memref_slice %arg7[%scan3A_444, %scatter3A_702, %scatter3A_703] : memref<4x64x128xf32, #tpu.memory_space<vmem>> -> memref<1x64x128xf32, #tpu.memory_space<vmem>>
        %scatter3A_705 = tpu.memref_squeeze %scatter3A_704 : memref<1x64x128xf32, #tpu.memory_space<vmem>> -> memref<64x128xf32, #tpu.memory_space<vmem>>
        tpu.vector_store_idx %scatter3A_705[%add3A_694, %add3A_629], %mul3A_701 : memref<64x128xf32, #tpu.memory_space<vmem>>[vector<16xi32>, vector<16xi32>], vector<16xf32>,
        %add3A_706 = vector.broadcast %mul3A_627 : i32 to vector<16xi32>
        %add3A_707 = arith.addi %and3A_102, %add3A_706 : vector<16xi32>
        %gather3A_708 = arith.constant 0 : i32
        %gather3A_709 = arith.constant 0 : i32
        %gather3A_710 = tpu.memref_slice %arg6[%scan3A_443, %gather3A_708, %gather3A_709] : memref<4x128x128xf32, #tpu.memory_space<vmem>> -> memref<1x128x128xf32, #tpu.memory_space<vmem>>
        %gather3A_711 = tpu.memref_squeeze %gather3A_710 : memref<1x128x128xf32, #tpu.memory_space<vmem>> -> memref<128x128xf32, #tpu.memory_space<vmem>>
        %gather3A_712 = tpu.vector_load_idx %gather3A_711[%add3A_629, %add3A_707] : memref<128x128xf32, #tpu.memory_space<vmem>>[vector<16xi32>, vector<16xi32>], vector<16xf32>,
        %mul3A_713 = vector.broadcast %scan3A : f32 to vector<16xf32>
        %mul3A_714 = arith.mulf %gather3A_712, %mul3A_713 : vector<16xf32>
        %scatter3A_715 = arith.constant 0 : i32
        %scatter3A_716 = arith.constant 0 : i32
        %scatter3A_717 = tpu.memref_slice %arg7[%scan3A_444, %scatter3A_715, %scatter3A_716] : memref<4x64x128xf32, #tpu.memory_space<vmem>> -> memref<1x64x128xf32, #tpu.memory_space<vmem>>
        %scatter3A_718 = tpu.memref_squeeze %scatter3A_717 : memref<1x64x128xf32, #tpu.memory_space<vmem>> -> memref<64x128xf32, #tpu.memory_space<vmem>>
        tpu.vector_store_idx %scatter3A_718[%add3A_707, %add3A_629], %mul3A_714 : memref<64x128xf32, #tpu.memory_space<vmem>>[vector<16xi32>, vector<16xi32>], vector<16xf32>,
        %add3A_719 = vector.broadcast %mul3A_627 : i32 to vector<16xi32>
        %add3A_720 = arith.addi %and3A_108, %add3A_719 : vector<16xi32>
        %gather3A_721 = arith.constant 0 : i32
        %gather3A_722 = arith.constant 0 : i32
        %gather3A_723 = tpu.memref_slice %arg6[%scan3A_443, %gather3A_721, %gather3A_722] : memref<4x128x128xf32, #tpu.memory_space<vmem>> -> memref<1x128x128xf32, #tpu.memory_space<vmem>>
        %gather3A_724 = tpu.memref_squeeze %gather3A_723 : memref<1x128x128xf32, #tpu.memory_space<vmem>> -> memref<128x128xf32, #tpu.memory_space<vmem>>
        %gather3A_725 = tpu.vector_load_idx %gather3A_724[%add3A_629, %add3A_720] : memref<128x128xf32, #tpu.memory_space<vmem>>[vector<16xi32>, vector<16xi32>], vector<16xf32>,
        %mul3A_726 = vector.broadcast %scan3A : f32 to vector<16xf32>
        %mul3A_727 = arith.mulf %gather3A_725, %mul3A_726 : vector<16xf32>
        %scatter3A_728 = arith.constant 0 : i32
        %scatter3A_729 = arith.constant 0 : i32
        %scatter3A_730 = tpu.memref_slice %arg7[%scan3A_444, %scatter3A_728, %scatter3A_729] : memref<4x64x128xf32, #tpu.memory_space<vmem>> -> memref<1x64x128xf32, #tpu.memory_space<vmem>>
        %scatter3A_731 = tpu.memref_squeeze %scatter3A_730 : memref<1x64x128xf32, #tpu.memory_space<vmem>> -> memref<64x128xf32, #tpu.memory_space<vmem>>
        tpu.vector_store_idx %scatter3A_731[%add3A_720, %add3A_629], %mul3A_727 : memref<64x128xf32, #tpu.memory_space<vmem>>[vector<16xi32>, vector<16xi32>], vector<16xf32>,
        %add3A_732 = vector.broadcast %mul3A_627 : i32 to vector<16xi32>
        %add3A_733 = arith.addi %and3A_114, %add3A_732 : vector<16xi32>
        %gather3A_734 = arith.constant 0 : i32
        %gather3A_735 = arith.constant 0 : i32
        %gather3A_736 = tpu.memref_slice %arg6[%scan3A_443, %gather3A_734, %gather3A_735] : memref<4x128x128xf32, #tpu.memory_space<vmem>> -> memref<1x128x128xf32, #tpu.memory_space<vmem>>
        %gather3A_737 = tpu.memref_squeeze %gather3A_736 : memref<1x128x128xf32, #tpu.memory_space<vmem>> -> memref<128x128xf32, #tpu.memory_space<vmem>>
        %gather3A_738 = tpu.vector_load_idx %gather3A_737[%add3A_629, %add3A_733] : memref<128x128xf32, #tpu.memory_space<vmem>>[vector<16xi32>, vector<16xi32>], vector<16xf32>,
        %mul3A_739 = vector.broadcast %scan3A : f32 to vector<16xf32>
        %mul3A_740 = arith.mulf %gather3A_738, %mul3A_739 : vector<16xf32>
        %scatter3A_741 = arith.constant 0 : i32
        %scatter3A_742 = arith.constant 0 : i32
        %scatter3A_743 = tpu.memref_slice %arg7[%scan3A_444, %scatter3A_741, %scatter3A_742] : memref<4x64x128xf32, #tpu.memory_space<vmem>> -> memref<1x64x128xf32, #tpu.memory_space<vmem>>
        %scatter3A_744 = tpu.memref_squeeze %scatter3A_743 : memref<1x64x128xf32, #tpu.memory_space<vmem>> -> memref<64x128xf32, #tpu.memory_space<vmem>>
        tpu.vector_store_idx %scatter3A_744[%add3A_733, %add3A_629], %mul3A_740 : memref<64x128xf32, #tpu.memory_space<vmem>>[vector<16xi32>, vector<16xi32>], vector<16xf32>,
        %add3A_745 = vector.broadcast %mul3A_627 : i32 to vector<16xi32>
        %add3A_746 = arith.addi %and3A_120, %add3A_745 : vector<16xi32>
        %gather3A_747 = arith.constant 0 : i32
        %gather3A_748 = arith.constant 0 : i32
        %gather3A_749 = tpu.memref_slice %arg6[%scan3A_443, %gather3A_747, %gather3A_748] : memref<4x128x128xf32, #tpu.memory_space<vmem>> -> memref<1x128x128xf32, #tpu.memory_space<vmem>>
        %gather3A_750 = tpu.memref_squeeze %gather3A_749 : memref<1x128x128xf32, #tpu.memory_space<vmem>> -> memref<128x128xf32, #tpu.memory_space<vmem>>
        %gather3A_751 = tpu.vector_load_idx %gather3A_750[%add3A_629, %add3A_746] : memref<128x128xf32, #tpu.memory_space<vmem>>[vector<16xi32>, vector<16xi32>], vector<16xf32>,
        %mul3A_752 = vector.broadcast %scan3A : f32 to vector<16xf32>
        %mul3A_753 = arith.mulf %gather3A_751, %mul3A_752 : vector<16xf32>
        %scatter3A_754 = arith.constant 0 : i32
        %scatter3A_755 = arith.constant 0 : i32
        %scatter3A_756 = tpu.memref_slice %arg7[%scan3A_444, %scatter3A_754, %scatter3A_755] : memref<4x64x128xf32, #tpu.memory_space<vmem>> -> memref<1x64x128xf32, #tpu.memory_space<vmem>>
        %scatter3A_757 = tpu.memref_squeeze %scatter3A_756 : memref<1x64x128xf32, #tpu.memory_space<vmem>> -> memref<64x128xf32, #tpu.memory_space<vmem>>
        tpu.vector_store_idx %scatter3A_757[%add3A_746, %add3A_629], %mul3A_753 : memref<64x128xf32, #tpu.memory_space<vmem>>[vector<16xi32>, vector<16xi32>], vector<16xf32>,
        %add3A_758 = vector.broadcast %mul3A_627 : i32 to vector<16xi32>
        %add3A_759 = arith.addi %and3A_126, %add3A_758 : vector<16xi32>
        %gather3A_760 = arith.constant 0 : i32
        %gather3A_761 = arith.constant 0 : i32
        %gather3A_762 = tpu.memref_slice %arg6[%scan3A_443, %gather3A_760, %gather3A_761] : memref<4x128x128xf32, #tpu.memory_space<vmem>> -> memref<1x128x128xf32, #tpu.memory_space<vmem>>
        %gather3A_763 = tpu.memref_squeeze %gather3A_762 : memref<1x128x128xf32, #tpu.memory_space<vmem>> -> memref<128x128xf32, #tpu.memory_space<vmem>>
        %gather3A_764 = tpu.vector_load_idx %gather3A_763[%add3A_629, %add3A_759] : memref<128x128xf32, #tpu.memory_space<vmem>>[vector<16xi32>, vector<16xi32>], vector<16xf32>,
        %mul3A_765 = vector.broadcast %scan3A : f32 to vector<16xf32>
        %mul3A_766 = arith.mulf %gather3A_764, %mul3A_765 : vector<16xf32>
        %scatter3A_767 = arith.constant 0 : i32
        %scatter3A_768 = arith.constant 0 : i32
        %scatter3A_769 = tpu.memref_slice %arg7[%scan3A_444, %scatter3A_767, %scatter3A_768] : memref<4x64x128xf32, #tpu.memory_space<vmem>> -> memref<1x64x128xf32, #tpu.memory_space<vmem>>
        %scatter3A_770 = tpu.memref_squeeze %scatter3A_769 : memref<1x64x128xf32, #tpu.memory_space<vmem>> -> memref<64x128xf32, #tpu.memory_space<vmem>>
        tpu.vector_store_idx %scatter3A_770[%add3A_759, %add3A_629], %mul3A_766 : memref<64x128xf32, #tpu.memory_space<vmem>>[vector<16xi32>, vector<16xi32>], vector<16xf32>,
        %add3A_771 = vector.broadcast %mul3A_627 : i32 to vector<16xi32>
        %add3A_772 = arith.addi %and3A_132, %add3A_771 : vector<16xi32>
        %gather3A_773 = arith.constant 0 : i32
        %gather3A_774 = arith.constant 0 : i32
        %gather3A_775 = tpu.memref_slice %arg6[%scan3A_443, %gather3A_773, %gather3A_774] : memref<4x128x128xf32, #tpu.memory_space<vmem>> -> memref<1x128x128xf32, #tpu.memory_space<vmem>>
        %gather3A_776 = tpu.memref_squeeze %gather3A_775 : memref<1x128x128xf32, #tpu.memory_space<vmem>> -> memref<128x128xf32, #tpu.memory_space<vmem>>
        %gather3A_777 = tpu.vector_load_idx %gather3A_776[%add3A_629, %add3A_772] : memref<128x128xf32, #tpu.memory_space<vmem>>[vector<16xi32>, vector<16xi32>], vector<16xf32>,
        %mul3A_778 = vector.broadcast %scan3A : f32 to vector<16xf32>
        %mul3A_779 = arith.mulf %gather3A_777, %mul3A_778 : vector<16xf32>
        %scatter3A_780 = arith.constant 0 : i32
        %scatter3A_781 = arith.constant 0 : i32
        %scatter3A_782 = tpu.memref_slice %arg7[%scan3A_444, %scatter3A_780, %scatter3A_781] : memref<4x64x128xf32, #tpu.memory_space<vmem>> -> memref<1x64x128xf32, #tpu.memory_space<vmem>>
        %scatter3A_783 = tpu.memref_squeeze %scatter3A_782 : memref<1x64x128xf32, #tpu.memory_space<vmem>> -> memref<64x128xf32, #tpu.memory_space<vmem>>
        tpu.vector_store_idx %scatter3A_783[%add3A_772, %add3A_629], %mul3A_779 : memref<64x128xf32, #tpu.memory_space<vmem>>[vector<16xi32>, vector<16xi32>], vector<16xf32>,
        %add3A_784 = vector.broadcast %mul3A_627 : i32 to vector<16xi32>
        %add3A_785 = arith.addi %and3A_138, %add3A_784 : vector<16xi32>
        %gather3A_786 = arith.constant 0 : i32
        %gather3A_787 = arith.constant 0 : i32
        %gather3A_788 = tpu.memref_slice %arg6[%scan3A_443, %gather3A_786, %gather3A_787] : memref<4x128x128xf32, #tpu.memory_space<vmem>> -> memref<1x128x128xf32, #tpu.memory_space<vmem>>
        %gather3A_789 = tpu.memref_squeeze %gather3A_788 : memref<1x128x128xf32, #tpu.memory_space<vmem>> -> memref<128x128xf32, #tpu.memory_space<vmem>>
        %gather3A_790 = tpu.vector_load_idx %gather3A_789[%add3A_629, %add3A_785] : memref<128x128xf32, #tpu.memory_space<vmem>>[vector<16xi32>, vector<16xi32>], vector<16xf32>,
        %mul3A_791 = vector.broadcast %scan3A : f32 to vector<16xf32>
        %mul3A_792 = arith.mulf %gather3A_790, %mul3A_791 : vector<16xf32>
        %scatter3A_793 = arith.constant 0 : i32
        %scatter3A_794 = arith.constant 0 : i32
        %scatter3A_795 = tpu.memref_slice %arg7[%scan3A_444, %scatter3A_793, %scatter3A_794] : memref<4x64x128xf32, #tpu.memory_space<vmem>> -> memref<1x64x128xf32, #tpu.memory_space<vmem>>
        %scatter3A_796 = tpu.memref_squeeze %scatter3A_795 : memref<1x64x128xf32, #tpu.memory_space<vmem>> -> memref<64x128xf32, #tpu.memory_space<vmem>>
        tpu.vector_store_idx %scatter3A_796[%add3A_785, %add3A_629], %mul3A_792 : memref<64x128xf32, #tpu.memory_space<vmem>>[vector<16xi32>, vector<16xi32>], vector<16xf32>,
        %add3A_797 = vector.broadcast %mul3A_627 : i32 to vector<16xi32>
        %add3A_798 = arith.addi %and3A_144, %add3A_797 : vector<16xi32>
        %gather3A_799 = arith.constant 0 : i32
        %gather3A_800 = arith.constant 0 : i32
        %gather3A_801 = tpu.memref_slice %arg6[%scan3A_443, %gather3A_799, %gather3A_800] : memref<4x128x128xf32, #tpu.memory_space<vmem>> -> memref<1x128x128xf32, #tpu.memory_space<vmem>>
        %gather3A_802 = tpu.memref_squeeze %gather3A_801 : memref<1x128x128xf32, #tpu.memory_space<vmem>> -> memref<128x128xf32, #tpu.memory_space<vmem>>
        %gather3A_803 = tpu.vector_load_idx %gather3A_802[%add3A_629, %add3A_798] : memref<128x128xf32, #tpu.memory_space<vmem>>[vector<16xi32>, vector<16xi32>], vector<16xf32>,
        %mul3A_804 = vector.broadcast %scan3A : f32 to vector<16xf32>
        %mul3A_805 = arith.mulf %gather3A_803, %mul3A_804 : vector<16xf32>
        %scatter3A_806 = arith.constant 0 : i32
        %scatter3A_807 = arith.constant 0 : i32
        %scatter3A_808 = tpu.memref_slice %arg7[%scan3A_444, %scatter3A_806, %scatter3A_807] : memref<4x64x128xf32, #tpu.memory_space<vmem>> -> memref<1x64x128xf32, #tpu.memory_space<vmem>>
        %scatter3A_809 = tpu.memref_squeeze %scatter3A_808 : memref<1x64x128xf32, #tpu.memory_space<vmem>> -> memref<64x128xf32, #tpu.memory_space<vmem>>
        tpu.vector_store_idx %scatter3A_809[%add3A_798, %add3A_629], %mul3A_805 : memref<64x128xf32, #tpu.memory_space<vmem>>[vector<16xi32>, vector<16xi32>], vector<16xf32>,
        %add3A_810 = vector.broadcast %mul3A_627 : i32 to vector<16xi32>
        %add3A_811 = arith.addi %and3A_150, %add3A_810 : vector<16xi32>
        %gather3A_812 = arith.constant 0 : i32
        %gather3A_813 = arith.constant 0 : i32
        %gather3A_814 = tpu.memref_slice %arg6[%scan3A_443, %gather3A_812, %gather3A_813] : memref<4x128x128xf32, #tpu.memory_space<vmem>> -> memref<1x128x128xf32, #tpu.memory_space<vmem>>
        %gather3A_815 = tpu.memref_squeeze %gather3A_814 : memref<1x128x128xf32, #tpu.memory_space<vmem>> -> memref<128x128xf32, #tpu.memory_space<vmem>>
        %gather3A_816 = tpu.vector_load_idx %gather3A_815[%add3A_629, %add3A_811] : memref<128x128xf32, #tpu.memory_space<vmem>>[vector<16xi32>, vector<16xi32>], vector<16xf32>,
        %mul3A_817 = vector.broadcast %scan3A : f32 to vector<16xf32>
        %mul3A_818 = arith.mulf %gather3A_816, %mul3A_817 : vector<16xf32>
        %scatter3A_819 = arith.constant 0 : i32
        %scatter3A_820 = arith.constant 0 : i32
        %scatter3A_821 = tpu.memref_slice %arg7[%scan3A_444, %scatter3A_819, %scatter3A_820] : memref<4x64x128xf32, #tpu.memory_space<vmem>> -> memref<1x64x128xf32, #tpu.memory_space<vmem>>
        %scatter3A_822 = tpu.memref_squeeze %scatter3A_821 : memref<1x64x128xf32, #tpu.memory_space<vmem>> -> memref<64x128xf32, #tpu.memory_space<vmem>>
        tpu.vector_store_idx %scatter3A_822[%add3A_811, %add3A_629], %mul3A_818 : memref<64x128xf32, #tpu.memory_space<vmem>>[vector<16xi32>, vector<16xi32>], vector<16xf32>,
        %add3A_823 = vector.broadcast %mul3A_627 : i32 to vector<16xi32>
        %add3A_824 = arith.addi %and3A_156, %add3A_823 : vector<16xi32>
        %gather3A_825 = arith.constant 0 : i32
        %gather3A_826 = arith.constant 0 : i32
        %gather3A_827 = tpu.memref_slice %arg6[%scan3A_443, %gather3A_825, %gather3A_826] : memref<4x128x128xf32, #tpu.memory_space<vmem>> -> memref<1x128x128xf32, #tpu.memory_space<vmem>>
        %gather3A_828 = tpu.memref_squeeze %gather3A_827 : memref<1x128x128xf32, #tpu.memory_space<vmem>> -> memref<128x128xf32, #tpu.memory_space<vmem>>
        %gather3A_829 = tpu.vector_load_idx %gather3A_828[%add3A_629, %add3A_824] : memref<128x128xf32, #tpu.memory_space<vmem>>[vector<16xi32>, vector<16xi32>], vector<16xf32>,
        %mul3A_830 = vector.broadcast %scan3A : f32 to vector<16xf32>
        %mul3A_831 = arith.mulf %gather3A_829, %mul3A_830 : vector<16xf32>
        %scatter3A_832 = arith.constant 0 : i32
        %scatter3A_833 = arith.constant 0 : i32
        %scatter3A_834 = tpu.memref_slice %arg7[%scan3A_444, %scatter3A_832, %scatter3A_833] : memref<4x64x128xf32, #tpu.memory_space<vmem>> -> memref<1x64x128xf32, #tpu.memory_space<vmem>>
        %scatter3A_835 = tpu.memref_squeeze %scatter3A_834 : memref<1x64x128xf32, #tpu.memory_space<vmem>> -> memref<64x128xf32, #tpu.memory_space<vmem>>
        tpu.vector_store_idx %scatter3A_835[%add3A_824, %add3A_629], %mul3A_831 : memref<64x128xf32, #tpu.memory_space<vmem>>[vector<16xi32>, vector<16xi32>], vector<16xf32>,
        %scan3A_836 = arith.constant 0 : i32
        scf.yield %scan3A_836 : i32
      }
      %scan3A_451 = arith.constant 32 : i32
      %add3A_452 = arith.constant 4 : i32
      %add3A_453 = arith.addi %add3A_422, %add3A_452 : i32
      %lt3A_454 = arith.constant 50 : i32
      %lt3A_455 = arith.cmpi slt, %add3A_453, %lt3A_454 : i32
      %convert_element_type3A_456 = arith.extui %lt3A_455 : i1 to i32
      %cond3A_457 = arith.constant 0 : i32
      %cond3A_458 = arith.cmpi ne, %convert_element_type3A_456, %cond3A_457 : i32
      scf.if %cond3A_458 {
        %add3A_590 = arith.constant 4 : i32
        %add3A_591 = arith.addi %add3A_422, %add3A_590 : i32
        %dma_start3A_592 = arith.constant 1 : i32
        %dma_start3A_593 = arith.constant 1 : i32
        %dma_start3A_594 = arith.constant 0 : i32
        %dma_start3A_595 = arith.constant 0 : i32
        %dma_start3A_596 = tpu.memref_slice %arg6[%dma_start3A_592, %dma_start3A_594, %dma_start3A_595] : memref<4x128x128xf32, #tpu.memory_space<vmem>> -> memref<1x128x128xf32, #tpu.memory_space<vmem>>
        %dma_start3A_597 = tpu.memref_squeeze %dma_start3A_596 : memref<1x128x128xf32, #tpu.memory_space<vmem>> -> memref<128x128xf32, #tpu.memory_space<vmem>>
        %dma_start3A_598 = arith.constant 0 : i32
        %dma_start3A_599 = tpu.memref_slice %arg5[%add3A_591, %dma_start3A_598] : memref<50x128xi32, #tpu.memory_space<vmem>> -> memref<1x128xi32, #tpu.memory_space<vmem>>
        %dma_start3A_600 = tpu.memref_squeeze %dma_start3A_599 : memref<1x128xi32, #tpu.memory_space<vmem>> -> memref<128xi32, #tpu.memory_space<vmem>>
        %dma_start3A_601 = arith.constant 0 : i32
        %dma_start3A_602 = arith.constant 0 : i32
        %dma_start3A_603 = tpu.memref_slice %arg3[%dma_start3A_601, %dma_start3A_602] : memref<100000x128xf32, #tpu.memory_space<hbm>> -> memref<100000x128xf32, #tpu.memory_space<hbm>>
        %dma_start3A_604 = tpu.memref_slice %arg8[%dma_start3A_593] : memref<4x!tpu.dma_semaphore, #tpu.memory_space<semaphore_mem>> -> memref<1x!tpu.dma_semaphore, #tpu.memory_space<semaphore_mem>>
        %dma_start3A_605 = tpu.memref_squeeze %dma_start3A_604 : memref<1x!tpu.dma_semaphore, #tpu.memory_space<semaphore_mem>> -> memref<!tpu.dma_semaphore, #tpu.memory_space<semaphore_mem>>
        tpu.enqueue_indirect_dma source(%dma_start3A_603 : memref<100000x128xf32, #tpu.memory_space<hbm>>) target(%dma_start3A_597 : memref<128x128xf32, #tpu.memory_space<vmem>>) offsets(%dma_start3A_600 : memref<128xi32, #tpu.memory_space<vmem>>) semaphore(%dma_start3A_605 : memref<!tpu.dma_semaphore, #tpu.memory_space<semaphore_mem>>)
      } else {
      }
      %dma_start3A_459 = arith.constant 1 : i32
      %dma_start3A_460 = arith.constant 1 : i32
      %dma_start3A_461 = arith.constant 0 : i32
      %dma_start3A_462 = arith.constant 0 : i32
      %dma_start3A_463 = tpu.memref_slice %arg7[%dma_start3A_459, %dma_start3A_461, %dma_start3A_462] : memref<4x64x128xf32, #tpu.memory_space<vmem>> -> memref<1x64x128xf32, #tpu.memory_space<vmem>>
      %dma_start3A_464 = tpu.memref_squeeze %dma_start3A_463 : memref<1x64x128xf32, #tpu.memory_space<vmem>> -> memref<64x128xf32, #tpu.memory_space<vmem>>
      %dma_start3A_465 = arith.constant 0 : i32
      %dma_start3A_466 = tpu.memref_slice %arg4[%add3A_422, %dma_start3A_465, %mul3A_2] : memref<50x64x4096xf32, #tpu.memory_space<hbm>> -> memref<1x64x128xf32, #tpu.memory_space<hbm>>
      %dma_start3A_467 = tpu.memref_squeeze %dma_start3A_466 : memref<1x64x128xf32, #tpu.memory_space<hbm>> -> memref<64x128xf32, #tpu.memory_space<hbm>>
      %dma_start3A_468 = tpu.memref_slice %arg9[%dma_start3A_460] : memref<4x!tpu.dma_semaphore, #tpu.memory_space<semaphore_mem>> -> memref<1x!tpu.dma_semaphore, #tpu.memory_space<semaphore_mem>>
      %dma_start3A_469 = tpu.memref_squeeze %dma_start3A_468 : memref<1x!tpu.dma_semaphore, #tpu.memory_space<semaphore_mem>> -> memref<!tpu.dma_semaphore, #tpu.memory_space<semaphore_mem>>
      %dma_start3A_470 = arith.constant 0 : i32
      %dma_start3A_471 = tpu.memref_slice %arg4[%add3A_422, %dma_start3A_470, %mul3A_2] : memref<50x64x4096xf32, #tpu.memory_space<hbm>> -> memref<1x64x128xf32, #tpu.memory_space<hbm>>
      %dma_start3A_472 = tpu.memref_squeeze %dma_start3A_471 : memref<1x64x128xf32, #tpu.memory_space<hbm>> -> memref<64x128xf32, #tpu.memory_space<hbm>>
      %dma_start3A_473 = arith.constant 0 : i32
      %dma_start3A_474 = arith.constant 0 : i32
      %dma_start3A_475 = tpu.memref_slice %arg7[%dma_start3A_459, %dma_start3A_473, %dma_start3A_474] : memref<4x64x128xf32, #tpu.memory_space<vmem>> -> memref<1x64x128xf32, #tpu.memory_space<vmem>>
      %dma_start3A_476 = tpu.memref_squeeze %dma_start3A_475 : memref<1x64x128xf32, #tpu.memory_space<vmem>> -> memref<64x128xf32, #tpu.memory_space<vmem>>
      tpu.enqueue_dma source(%dma_start3A_476 : memref<64x128xf32, #tpu.memory_space<vmem>>) target(%dma_start3A_472 : memref<64x128xf32, #tpu.memory_space<hbm>>) target_semaphore(%dma_start3A_469 : memref<!tpu.dma_semaphore, #tpu.memory_space<semaphore_mem>>)
      %add3A_477 = arith.constant 2 : i32
      %add3A_478 = arith.addi %mul3A_368, %add3A_477 : i32
      %dma_wait3A_479 = arith.constant 0 : i32
      %dma_wait3A_480 = arith.constant 2 : i32
      %dma_wait3A_481 = arith.constant 2 : i32
      %dma_wait3A_482 = arith.constant 0 : i32
      %dma_wait3A_483 = arith.constant 0 : i32
      %dma_wait3A_484 = tpu.memref_slice %arg6[%dma_wait3A_480, %dma_wait3A_482, %dma_wait3A_483] : memref<4x128x128xf32, #tpu.memory_space<vmem>> -> memref<1x128x128xf32, #tpu.memory_space<vmem>>
      %dma_wait3A_485 = tpu.memref_squeeze %dma_wait3A_484 : memref<1x128x128xf32, #tpu.memory_space<vmem>> -> memref<128x128xf32, #tpu.memory_space<vmem>>
      %dma_wait3A_486 = arith.constant 0 : i32
      %dma_wait3A_487 = tpu.memref_slice %arg5[%dma_wait3A_479, %dma_wait3A_486] : memref<50x128xi32, #tpu.memory_space<vmem>> -> memref<1x128xi32, #tpu.memory_space<vmem>>
      %dma_wait3A_488 = tpu.memref_squeeze %dma_wait3A_487 : memref<1x128xi32, #tpu.memory_space<vmem>> -> memref<128xi32, #tpu.memory_space<vmem>>
      %dma_wait3A_489 = arith.constant 0 : i32
      %dma_wait3A_490 = arith.constant 0 : i32
      %dma_wait3A_491 = tpu.memref_slice %arg3[%dma_wait3A_489, %dma_wait3A_490] : memref<100000x128xf32, #tpu.memory_space<hbm>> -> memref<100000x128xf32, #tpu.memory_space<hbm>>
      %dma_wait3A_492 = tpu.memref_slice %arg8[%dma_wait3A_481] : memref<4x!tpu.dma_semaphore, #tpu.memory_space<semaphore_mem>> -> memref<1x!tpu.dma_semaphore, #tpu.memory_space<semaphore_mem>>
      %dma_wait3A_493 = tpu.memref_squeeze %dma_wait3A_492 : memref<1x!tpu.dma_semaphore, #tpu.memory_space<semaphore_mem>> -> memref<!tpu.dma_semaphore, #tpu.memory_space<semaphore_mem>>
      tpu.wait_indirect_dma semaphore(%dma_wait3A_493 : memref<!tpu.dma_semaphore, #tpu.memory_space<semaphore_mem>>) src(%dma_wait3A_491 : memref<100000x128xf32, #tpu.memory_space<hbm>>) dst(%dma_wait3A_485 : memref<128x128xf32, #tpu.memory_space<vmem>>)
      %ge3A_494 = arith.constant 4 : i32
      %ge3A_495 = arith.cmpi sge, %add3A_478, %ge3A_494 : i32
      %convert_element_type3A_496 = arith.extui %ge3A_495 : i1 to i32
      %cond3A_497 = arith.constant 0 : i32
      %cond3A_498 = arith.cmpi ne, %convert_element_type3A_496, %cond3A_497 : i32
      scf.if %cond3A_498 {
        %dma_wait3A_590 = arith.constant 2 : i32
        %dma_wait3A_591 = arith.constant 0 : i32
        %dma_wait3A_592 = arith.constant 2 : i32
        %dma_wait3A_593 = arith.constant 0 : i32
        %dma_wait3A_594 = arith.constant 0 : i32
        %dma_wait3A_595 = tpu.memref_slice %arg7[%dma_wait3A_590, %dma_wait3A_593, %dma_wait3A_594] : memref<4x64x128xf32, #tpu.memory_space<vmem>> -> memref<1x64x128xf32, #tpu.memory_space<vmem>>
        %dma_wait3A_596 = tpu.memref_squeeze %dma_wait3A_595 : memref<1x64x128xf32, #tpu.memory_space<vmem>> -> memref<64x128xf32, #tpu.memory_space<vmem>>
        %dma_wait3A_597 = arith.constant 0 : i32
        %dma_wait3A_598 = tpu.memref_slice %arg4[%dma_wait3A_591, %dma_wait3A_597, %mul3A_2] : memref<50x64x4096xf32, #tpu.memory_space<hbm>> -> memref<1x64x128xf32, #tpu.memory_space<hbm>>
        %dma_wait3A_599 = tpu.memref_squeeze %dma_wait3A_598 : memref<1x64x128xf32, #tpu.memory_space<hbm>> -> memref<64x128xf32, #tpu.memory_space<hbm>>
        %dma_wait3A_600 = tpu.memref_slice %arg9[%dma_wait3A_592] : memref<4x!tpu.dma_semaphore, #tpu.memory_space<semaphore_mem>> -> memref<1x!tpu.dma_semaphore, #tpu.memory_space<semaphore_mem>>
        %dma_wait3A_601 = tpu.memref_squeeze %dma_wait3A_600 : memref<1x!tpu.dma_semaphore, #tpu.memory_space<semaphore_mem>> -> memref<!tpu.dma_semaphore, #tpu.memory_space<semaphore_mem>>
        %dma_wait3A_602 = arith.constant 0 : i32
        %dma_wait3A_603 = tpu.memref_slice %arg4[%dma_wait3A_591, %dma_wait3A_602, %mul3A_2] : memref<50x64x4096xf32, #tpu.memory_space<hbm>> -> memref<1x64x128xf32, #tpu.memory_space<hbm>>
        %dma_wait3A_604 = tpu.memref_squeeze %dma_wait3A_603 : memref<1x64x128xf32, #tpu.memory_space<hbm>> -> memref<64x128xf32, #tpu.memory_space<hbm>>
        %dma_wait3A_605 = arith.constant 0 : i32
        %dma_wait3A_606 = arith.constant 0 : i32
        %dma_wait3A_607 = tpu.memref_slice %arg7[%dma_wait3A_590, %dma_wait3A_605, %dma_wait3A_606] : memref<4x64x128xf32, #tpu.memory_space<vmem>> -> memref<1x64x128xf32, #tpu.memory_space<vmem>>
        %dma_wait3A_608 = tpu.memref_squeeze %dma_wait3A_607 : memref<1x64x128xf32, #tpu.memory_space<vmem>> -> memref<64x128xf32, #tpu.memory_space<vmem>>
        tpu.wait_dma2 semaphore(%dma_wait3A_601 : memref<!tpu.dma_semaphore, #tpu.memory_space<semaphore_mem>>) src(%dma_wait3A_608 : memref<64x128xf32, #tpu.memory_space<vmem>>) dst(%dma_wait3A_604 : memref<64x128xf32, #tpu.memory_space<hbm>>)
      } else {
      }
      %scan3A_499 = arith.constant 2 : i32
      %scan3A_500 = arith.constant 2 : i32
      %scan3A_501 = arith.constant 0 : i32
      %scan3A_502 = arith.constant 0 : i32
      %scan3A_503 = arith.constant 32 : i32
      %scan3A_504 = arith.addi %scan3A_502, %scan3A_503 : i32
      %scan3A_505 = arith.constant 1 : i32
      %scan3A_506 = scf.for %scan3A_590 = %scan3A_502 to %scan3A_504 step %scan3A_505 iter_args(%scan3A_591 = %scan3A_501) -> (i32)  : i32 {
        %jit3A = arith.constant 4 : i32
        %div3A = arith.divsi %scan3A_590, %jit3A : i32
        %sign3A = arith.constant 0 : i32
        %sign3A_592 = arith.cmpi sgt, %scan3A_590, %sign3A : i32
        %sign3A_593 = arith.extui %sign3A_592 : i1 to i32
        %sign3A_594 = arith.constant 0 : i32
        %sign3A_595 = arith.cmpi slt, %scan3A_590, %sign3A_594 : i32
        %sign3A_596 = arith.extui %sign3A_595 : i1 to i32
        %sign3A_597 = arith.subi %sign3A_593, %sign3A_596 : i32
        %sign3A_598 = arith.constant 0 : i32
        %sign3A_599 = arith.cmpi sgt, %jit3A, %sign3A_598 : i32
        %sign3A_600 = arith.extui %sign3A_599 : i1 to i32
        %sign3A_601 = arith.constant 0 : i32
        %sign3A_602 = arith.cmpi slt, %jit3A, %sign3A_601 : i32
        %sign3A_603 = arith.extui %sign3A_602 : i1 to i32
        %sign3A_604 = arith.subi %sign3A_600, %sign3A_603 : i32
        %ne3A = arith.cmpi ne, %sign3A_597, %sign3A_604 : i32
        %rem3A = arith.remsi %scan3A_590, %jit3A : i32
        %ne3A_605 = arith.constant 0 : i32
        %ne3A_606 = arith.cmpi ne, %rem3A, %ne3A_605 : i32
        %and3A_607 = arith.andi %ne3A, %ne3A_606 : i1
        %sub3A = arith.constant 1 : i32
        %sub3A_608 = arith.subi %div3A, %sub3A : i32
        %select_n3A = arith.select %and3A_607, %sub3A_608, %div3A : i32
        %mul3A_609 = arith.constant 16 : i32
        %mul3A_610 = arith.muli %select_n3A, %mul3A_609 : i32
        %jit3A_611 = arith.constant 4 : i32
        %eq3A = arith.constant 0 : i32
        %eq3A_612 = arith.cmpi eq, %jit3A_611, %eq3A : i32
        %jit3A_613 = arith.constant 1 : i32
        %select_n3A_614 = arith.select %eq3A_612, %jit3A_613, %jit3A_611 : i32
        %rem3A_615 = arith.remsi %scan3A_590, %select_n3A_614 : i32
        %ne3A_616 = arith.constant 0 : i32
        %ne3A_617 = arith.cmpi ne, %rem3A_615, %ne3A_616 : i32
        %lt3A_618 = arith.constant 0 : i32
        %lt3A_619 = arith.cmpi slt, %rem3A_615, %lt3A_618 : i32
        %lt3A_620 = arith.constant 0 : i32
        %lt3A_621 = arith.cmpi slt, %select_n3A_614, %lt3A_620 : i32
        %ne3A_622 = arith.xori %lt3A_619, %lt3A_621 : i1
        %and3A_623 = arith.andi %ne3A_622, %ne3A_617 : i1
        %add3A_624 = arith.addi %rem3A_615, %select_n3A_614 : i32
        %select_n3A_625 = arith.select %and3A_623, %add3A_624, %rem3A_615 : i32
        %mul3A_626 = arith.constant 16 : i32
        %mul3A_627 = arith.muli %select_n3A_625, %mul3A_626 : i32
        %add3A_628 = vector.broadcast %mul3A_610 : i32 to vector<16xi32>
        %add3A_629 = arith.addi %iota3A, %add3A_628 : vector<16xi32>
        %add3A_630 = vector.broadcast %mul3A_627 : i32 to vector<16xi32>
        %add3A_631 = arith.addi %and3A_66, %add3A_630 : vector<16xi32>
        %gather3A = arith.constant 0 : i32
        %gather3A_632 = arith.constant 0 : i32
        %gather3A_633 = tpu.memref_slice %arg6[%scan3A_499, %gather3A, %gather3A_632] : memref<4x128x128xf32, #tpu.memory_space<vmem>> -> memref<1x128x128xf32, #tpu.memory_space<vmem>>
        %gather3A_634 = tpu.memref_squeeze %gather3A_633 : memref<1x128x128xf32, #tpu.memory_space<vmem>> -> memref<128x128xf32, #tpu.memory_space<vmem>>
        %gather3A_635 = tpu.vector_load_idx %gather3A_634[%add3A_629, %add3A_631] : memref<128x128xf32, #tpu.memory_space<vmem>>[vector<16xi32>, vector<16xi32>], vector<16xf32>,
        %mul3A_636 = vector.broadcast %scan3A : f32 to vector<16xf32>
        %mul3A_637 = arith.mulf %gather3A_635, %mul3A_636 : vector<16xf32>
        %scatter3A = arith.constant 0 : i32
        %scatter3A_638 = arith.constant 0 : i32
        %scatter3A_639 = tpu.memref_slice %arg7[%scan3A_500, %scatter3A, %scatter3A_638] : memref<4x64x128xf32, #tpu.memory_space<vmem>> -> memref<1x64x128xf32, #tpu.memory_space<vmem>>
        %scatter3A_640 = tpu.memref_squeeze %scatter3A_639 : memref<1x64x128xf32, #tpu.memory_space<vmem>> -> memref<64x128xf32, #tpu.memory_space<vmem>>
        tpu.vector_store_idx %scatter3A_640[%add3A_631, %add3A_629], %mul3A_637 : memref<64x128xf32, #tpu.memory_space<vmem>>[vector<16xi32>, vector<16xi32>], vector<16xf32>,
        %add3A_641 = vector.broadcast %mul3A_627 : i32 to vector<16xi32>
        %add3A_642 = arith.addi %and3A_72, %add3A_641 : vector<16xi32>
        %gather3A_643 = arith.constant 0 : i32
        %gather3A_644 = arith.constant 0 : i32
        %gather3A_645 = tpu.memref_slice %arg6[%scan3A_499, %gather3A_643, %gather3A_644] : memref<4x128x128xf32, #tpu.memory_space<vmem>> -> memref<1x128x128xf32, #tpu.memory_space<vmem>>
        %gather3A_646 = tpu.memref_squeeze %gather3A_645 : memref<1x128x128xf32, #tpu.memory_space<vmem>> -> memref<128x128xf32, #tpu.memory_space<vmem>>
        %gather3A_647 = tpu.vector_load_idx %gather3A_646[%add3A_629, %add3A_642] : memref<128x128xf32, #tpu.memory_space<vmem>>[vector<16xi32>, vector<16xi32>], vector<16xf32>,
        %mul3A_648 = vector.broadcast %scan3A : f32 to vector<16xf32>
        %mul3A_649 = arith.mulf %gather3A_647, %mul3A_648 : vector<16xf32>
        %scatter3A_650 = arith.constant 0 : i32
        %scatter3A_651 = arith.constant 0 : i32
        %scatter3A_652 = tpu.memref_slice %arg7[%scan3A_500, %scatter3A_650, %scatter3A_651] : memref<4x64x128xf32, #tpu.memory_space<vmem>> -> memref<1x64x128xf32, #tpu.memory_space<vmem>>
        %scatter3A_653 = tpu.memref_squeeze %scatter3A_652 : memref<1x64x128xf32, #tpu.memory_space<vmem>> -> memref<64x128xf32, #tpu.memory_space<vmem>>
        tpu.vector_store_idx %scatter3A_653[%add3A_642, %add3A_629], %mul3A_649 : memref<64x128xf32, #tpu.memory_space<vmem>>[vector<16xi32>, vector<16xi32>], vector<16xf32>,
        %add3A_654 = vector.broadcast %mul3A_627 : i32 to vector<16xi32>
        %add3A_655 = arith.addi %and3A_78, %add3A_654 : vector<16xi32>
        %gather3A_656 = arith.constant 0 : i32
        %gather3A_657 = arith.constant 0 : i32
        %gather3A_658 = tpu.memref_slice %arg6[%scan3A_499, %gather3A_656, %gather3A_657] : memref<4x128x128xf32, #tpu.memory_space<vmem>> -> memref<1x128x128xf32, #tpu.memory_space<vmem>>
        %gather3A_659 = tpu.memref_squeeze %gather3A_658 : memref<1x128x128xf32, #tpu.memory_space<vmem>> -> memref<128x128xf32, #tpu.memory_space<vmem>>
        %gather3A_660 = tpu.vector_load_idx %gather3A_659[%add3A_629, %add3A_655] : memref<128x128xf32, #tpu.memory_space<vmem>>[vector<16xi32>, vector<16xi32>], vector<16xf32>,
        %mul3A_661 = vector.broadcast %scan3A : f32 to vector<16xf32>
        %mul3A_662 = arith.mulf %gather3A_660, %mul3A_661 : vector<16xf32>
        %scatter3A_663 = arith.constant 0 : i32
        %scatter3A_664 = arith.constant 0 : i32
        %scatter3A_665 = tpu.memref_slice %arg7[%scan3A_500, %scatter3A_663, %scatter3A_664] : memref<4x64x128xf32, #tpu.memory_space<vmem>> -> memref<1x64x128xf32, #tpu.memory_space<vmem>>
        %scatter3A_666 = tpu.memref_squeeze %scatter3A_665 : memref<1x64x128xf32, #tpu.memory_space<vmem>> -> memref<64x128xf32, #tpu.memory_space<vmem>>
        tpu.vector_store_idx %scatter3A_666[%add3A_655, %add3A_629], %mul3A_662 : memref<64x128xf32, #tpu.memory_space<vmem>>[vector<16xi32>, vector<16xi32>], vector<16xf32>,
        %add3A_667 = vector.broadcast %mul3A_627 : i32 to vector<16xi32>
        %add3A_668 = arith.addi %and3A_84, %add3A_667 : vector<16xi32>
        %gather3A_669 = arith.constant 0 : i32
        %gather3A_670 = arith.constant 0 : i32
        %gather3A_671 = tpu.memref_slice %arg6[%scan3A_499, %gather3A_669, %gather3A_670] : memref<4x128x128xf32, #tpu.memory_space<vmem>> -> memref<1x128x128xf32, #tpu.memory_space<vmem>>
        %gather3A_672 = tpu.memref_squeeze %gather3A_671 : memref<1x128x128xf32, #tpu.memory_space<vmem>> -> memref<128x128xf32, #tpu.memory_space<vmem>>
        %gather3A_673 = tpu.vector_load_idx %gather3A_672[%add3A_629, %add3A_668] : memref<128x128xf32, #tpu.memory_space<vmem>>[vector<16xi32>, vector<16xi32>], vector<16xf32>,
        %mul3A_674 = vector.broadcast %scan3A : f32 to vector<16xf32>
        %mul3A_675 = arith.mulf %gather3A_673, %mul3A_674 : vector<16xf32>
        %scatter3A_676 = arith.constant 0 : i32
        %scatter3A_677 = arith.constant 0 : i32
        %scatter3A_678 = tpu.memref_slice %arg7[%scan3A_500, %scatter3A_676, %scatter3A_677] : memref<4x64x128xf32, #tpu.memory_space<vmem>> -> memref<1x64x128xf32, #tpu.memory_space<vmem>>
        %scatter3A_679 = tpu.memref_squeeze %scatter3A_678 : memref<1x64x128xf32, #tpu.memory_space<vmem>> -> memref<64x128xf32, #tpu.memory_space<vmem>>
        tpu.vector_store_idx %scatter3A_679[%add3A_668, %add3A_629], %mul3A_675 : memref<64x128xf32, #tpu.memory_space<vmem>>[vector<16xi32>, vector<16xi32>], vector<16xf32>,
        %add3A_680 = vector.broadcast %mul3A_627 : i32 to vector<16xi32>
        %add3A_681 = arith.addi %and3A_90, %add3A_680 : vector<16xi32>
        %gather3A_682 = arith.constant 0 : i32
        %gather3A_683 = arith.constant 0 : i32
        %gather3A_684 = tpu.memref_slice %arg6[%scan3A_499, %gather3A_682, %gather3A_683] : memref<4x128x128xf32, #tpu.memory_space<vmem>> -> memref<1x128x128xf32, #tpu.memory_space<vmem>>
        %gather3A_685 = tpu.memref_squeeze %gather3A_684 : memref<1x128x128xf32, #tpu.memory_space<vmem>> -> memref<128x128xf32, #tpu.memory_space<vmem>>
        %gather3A_686 = tpu.vector_load_idx %gather3A_685[%add3A_629, %add3A_681] : memref<128x128xf32, #tpu.memory_space<vmem>>[vector<16xi32>, vector<16xi32>], vector<16xf32>,
        %mul3A_687 = vector.broadcast %scan3A : f32 to vector<16xf32>
        %mul3A_688 = arith.mulf %gather3A_686, %mul3A_687 : vector<16xf32>
        %scatter3A_689 = arith.constant 0 : i32
        %scatter3A_690 = arith.constant 0 : i32
        %scatter3A_691 = tpu.memref_slice %arg7[%scan3A_500, %scatter3A_689, %scatter3A_690] : memref<4x64x128xf32, #tpu.memory_space<vmem>> -> memref<1x64x128xf32, #tpu.memory_space<vmem>>
        %scatter3A_692 = tpu.memref_squeeze %scatter3A_691 : memref<1x64x128xf32, #tpu.memory_space<vmem>> -> memref<64x128xf32, #tpu.memory_space<vmem>>
        tpu.vector_store_idx %scatter3A_692[%add3A_681, %add3A_629], %mul3A_688 : memref<64x128xf32, #tpu.memory_space<vmem>>[vector<16xi32>, vector<16xi32>], vector<16xf32>,
        %add3A_693 = vector.broadcast %mul3A_627 : i32 to vector<16xi32>
        %add3A_694 = arith.addi %and3A_96, %add3A_693 : vector<16xi32>
        %gather3A_695 = arith.constant 0 : i32
        %gather3A_696 = arith.constant 0 : i32
        %gather3A_697 = tpu.memref_slice %arg6[%scan3A_499, %gather3A_695, %gather3A_696] : memref<4x128x128xf32, #tpu.memory_space<vmem>> -> memref<1x128x128xf32, #tpu.memory_space<vmem>>
        %gather3A_698 = tpu.memref_squeeze %gather3A_697 : memref<1x128x128xf32, #tpu.memory_space<vmem>> -> memref<128x128xf32, #tpu.memory_space<vmem>>
        %gather3A_699 = tpu.vector_load_idx %gather3A_698[%add3A_629, %add3A_694] : memref<128x128xf32, #tpu.memory_space<vmem>>[vector<16xi32>, vector<16xi32>], vector<16xf32>,
        %mul3A_700 = vector.broadcast %scan3A : f32 to vector<16xf32>
        %mul3A_701 = arith.mulf %gather3A_699, %mul3A_700 : vector<16xf32>
        %scatter3A_702 = arith.constant 0 : i32
        %scatter3A_703 = arith.constant 0 : i32
        %scatter3A_704 = tpu.memref_slice %arg7[%scan3A_500, %scatter3A_702, %scatter3A_703] : memref<4x64x128xf32, #tpu.memory_space<vmem>> -> memref<1x64x128xf32, #tpu.memory_space<vmem>>
        %scatter3A_705 = tpu.memref_squeeze %scatter3A_704 : memref<1x64x128xf32, #tpu.memory_space<vmem>> -> memref<64x128xf32, #tpu.memory_space<vmem>>
        tpu.vector_store_idx %scatter3A_705[%add3A_694, %add3A_629], %mul3A_701 : memref<64x128xf32, #tpu.memory_space<vmem>>[vector<16xi32>, vector<16xi32>], vector<16xf32>,
        %add3A_706 = vector.broadcast %mul3A_627 : i32 to vector<16xi32>
        %add3A_707 = arith.addi %and3A_102, %add3A_706 : vector<16xi32>
        %gather3A_708 = arith.constant 0 : i32
        %gather3A_709 = arith.constant 0 : i32
        %gather3A_710 = tpu.memref_slice %arg6[%scan3A_499, %gather3A_708, %gather3A_709] : memref<4x128x128xf32, #tpu.memory_space<vmem>> -> memref<1x128x128xf32, #tpu.memory_space<vmem>>
        %gather3A_711 = tpu.memref_squeeze %gather3A_710 : memref<1x128x128xf32, #tpu.memory_space<vmem>> -> memref<128x128xf32, #tpu.memory_space<vmem>>
        %gather3A_712 = tpu.vector_load_idx %gather3A_711[%add3A_629, %add3A_707] : memref<128x128xf32, #tpu.memory_space<vmem>>[vector<16xi32>, vector<16xi32>], vector<16xf32>,
        %mul3A_713 = vector.broadcast %scan3A : f32 to vector<16xf32>
        %mul3A_714 = arith.mulf %gather3A_712, %mul3A_713 : vector<16xf32>
        %scatter3A_715 = arith.constant 0 : i32
        %scatter3A_716 = arith.constant 0 : i32
        %scatter3A_717 = tpu.memref_slice %arg7[%scan3A_500, %scatter3A_715, %scatter3A_716] : memref<4x64x128xf32, #tpu.memory_space<vmem>> -> memref<1x64x128xf32, #tpu.memory_space<vmem>>
        %scatter3A_718 = tpu.memref_squeeze %scatter3A_717 : memref<1x64x128xf32, #tpu.memory_space<vmem>> -> memref<64x128xf32, #tpu.memory_space<vmem>>
        tpu.vector_store_idx %scatter3A_718[%add3A_707, %add3A_629], %mul3A_714 : memref<64x128xf32, #tpu.memory_space<vmem>>[vector<16xi32>, vector<16xi32>], vector<16xf32>,
        %add3A_719 = vector.broadcast %mul3A_627 : i32 to vector<16xi32>
        %add3A_720 = arith.addi %and3A_108, %add3A_719 : vector<16xi32>
        %gather3A_721 = arith.constant 0 : i32
        %gather3A_722 = arith.constant 0 : i32
        %gather3A_723 = tpu.memref_slice %arg6[%scan3A_499, %gather3A_721, %gather3A_722] : memref<4x128x128xf32, #tpu.memory_space<vmem>> -> memref<1x128x128xf32, #tpu.memory_space<vmem>>
        %gather3A_724 = tpu.memref_squeeze %gather3A_723 : memref<1x128x128xf32, #tpu.memory_space<vmem>> -> memref<128x128xf32, #tpu.memory_space<vmem>>
        %gather3A_725 = tpu.vector_load_idx %gather3A_724[%add3A_629, %add3A_720] : memref<128x128xf32, #tpu.memory_space<vmem>>[vector<16xi32>, vector<16xi32>], vector<16xf32>,
        %mul3A_726 = vector.broadcast %scan3A : f32 to vector<16xf32>
        %mul3A_727 = arith.mulf %gather3A_725, %mul3A_726 : vector<16xf32>
        %scatter3A_728 = arith.constant 0 : i32
        %scatter3A_729 = arith.constant 0 : i32
        %scatter3A_730 = tpu.memref_slice %arg7[%scan3A_500, %scatter3A_728, %scatter3A_729] : memref<4x64x128xf32, #tpu.memory_space<vmem>> -> memref<1x64x128xf32, #tpu.memory_space<vmem>>
        %scatter3A_731 = tpu.memref_squeeze %scatter3A_730 : memref<1x64x128xf32, #tpu.memory_space<vmem>> -> memref<64x128xf32, #tpu.memory_space<vmem>>
        tpu.vector_store_idx %scatter3A_731[%add3A_720, %add3A_629], %mul3A_727 : memref<64x128xf32, #tpu.memory_space<vmem>>[vector<16xi32>, vector<16xi32>], vector<16xf32>,
        %add3A_732 = vector.broadcast %mul3A_627 : i32 to vector<16xi32>
        %add3A_733 = arith.addi %and3A_114, %add3A_732 : vector<16xi32>
        %gather3A_734 = arith.constant 0 : i32
        %gather3A_735 = arith.constant 0 : i32
        %gather3A_736 = tpu.memref_slice %arg6[%scan3A_499, %gather3A_734, %gather3A_735] : memref<4x128x128xf32, #tpu.memory_space<vmem>> -> memref<1x128x128xf32, #tpu.memory_space<vmem>>
        %gather3A_737 = tpu.memref_squeeze %gather3A_736 : memref<1x128x128xf32, #tpu.memory_space<vmem>> -> memref<128x128xf32, #tpu.memory_space<vmem>>
        %gather3A_738 = tpu.vector_load_idx %gather3A_737[%add3A_629, %add3A_733] : memref<128x128xf32, #tpu.memory_space<vmem>>[vector<16xi32>, vector<16xi32>], vector<16xf32>,
        %mul3A_739 = vector.broadcast %scan3A : f32 to vector<16xf32>
        %mul3A_740 = arith.mulf %gather3A_738, %mul3A_739 : vector<16xf32>
        %scatter3A_741 = arith.constant 0 : i32
        %scatter3A_742 = arith.constant 0 : i32
        %scatter3A_743 = tpu.memref_slice %arg7[%scan3A_500, %scatter3A_741, %scatter3A_742] : memref<4x64x128xf32, #tpu.memory_space<vmem>> -> memref<1x64x128xf32, #tpu.memory_space<vmem>>
        %scatter3A_744 = tpu.memref_squeeze %scatter3A_743 : memref<1x64x128xf32, #tpu.memory_space<vmem>> -> memref<64x128xf32, #tpu.memory_space<vmem>>
        tpu.vector_store_idx %scatter3A_744[%add3A_733, %add3A_629], %mul3A_740 : memref<64x128xf32, #tpu.memory_space<vmem>>[vector<16xi32>, vector<16xi32>], vector<16xf32>,
        %add3A_745 = vector.broadcast %mul3A_627 : i32 to vector<16xi32>
        %add3A_746 = arith.addi %and3A_120, %add3A_745 : vector<16xi32>
        %gather3A_747 = arith.constant 0 : i32
        %gather3A_748 = arith.constant 0 : i32
        %gather3A_749 = tpu.memref_slice %arg6[%scan3A_499, %gather3A_747, %gather3A_748] : memref<4x128x128xf32, #tpu.memory_space<vmem>> -> memref<1x128x128xf32, #tpu.memory_space<vmem>>
        %gather3A_750 = tpu.memref_squeeze %gather3A_749 : memref<1x128x128xf32, #tpu.memory_space<vmem>> -> memref<128x128xf32, #tpu.memory_space<vmem>>
        %gather3A_751 = tpu.vector_load_idx %gather3A_750[%add3A_629, %add3A_746] : memref<128x128xf32, #tpu.memory_space<vmem>>[vector<16xi32>, vector<16xi32>], vector<16xf32>,
        %mul3A_752 = vector.broadcast %scan3A : f32 to vector<16xf32>
        %mul3A_753 = arith.mulf %gather3A_751, %mul3A_752 : vector<16xf32>
        %scatter3A_754 = arith.constant 0 : i32
        %scatter3A_755 = arith.constant 0 : i32
        %scatter3A_756 = tpu.memref_slice %arg7[%scan3A_500, %scatter3A_754, %scatter3A_755] : memref<4x64x128xf32, #tpu.memory_space<vmem>> -> memref<1x64x128xf32, #tpu.memory_space<vmem>>
        %scatter3A_757 = tpu.memref_squeeze %scatter3A_756 : memref<1x64x128xf32, #tpu.memory_space<vmem>> -> memref<64x128xf32, #tpu.memory_space<vmem>>
        tpu.vector_store_idx %scatter3A_757[%add3A_746, %add3A_629], %mul3A_753 : memref<64x128xf32, #tpu.memory_space<vmem>>[vector<16xi32>, vector<16xi32>], vector<16xf32>,
        %add3A_758 = vector.broadcast %mul3A_627 : i32 to vector<16xi32>
        %add3A_759 = arith.addi %and3A_126, %add3A_758 : vector<16xi32>
        %gather3A_760 = arith.constant 0 : i32
        %gather3A_761 = arith.constant 0 : i32
        %gather3A_762 = tpu.memref_slice %arg6[%scan3A_499, %gather3A_760, %gather3A_761] : memref<4x128x128xf32, #tpu.memory_space<vmem>> -> memref<1x128x128xf32, #tpu.memory_space<vmem>>
        %gather3A_763 = tpu.memref_squeeze %gather3A_762 : memref<1x128x128xf32, #tpu.memory_space<vmem>> -> memref<128x128xf32, #tpu.memory_space<vmem>>
        %gather3A_764 = tpu.vector_load_idx %gather3A_763[%add3A_629, %add3A_759] : memref<128x128xf32, #tpu.memory_space<vmem>>[vector<16xi32>, vector<16xi32>], vector<16xf32>,
        %mul3A_765 = vector.broadcast %scan3A : f32 to vector<16xf32>
        %mul3A_766 = arith.mulf %gather3A_764, %mul3A_765 : vector<16xf32>
        %scatter3A_767 = arith.constant 0 : i32
        %scatter3A_768 = arith.constant 0 : i32
        %scatter3A_769 = tpu.memref_slice %arg7[%scan3A_500, %scatter3A_767, %scatter3A_768] : memref<4x64x128xf32, #tpu.memory_space<vmem>> -> memref<1x64x128xf32, #tpu.memory_space<vmem>>
        %scatter3A_770 = tpu.memref_squeeze %scatter3A_769 : memref<1x64x128xf32, #tpu.memory_space<vmem>> -> memref<64x128xf32, #tpu.memory_space<vmem>>
        tpu.vector_store_idx %scatter3A_770[%add3A_759, %add3A_629], %mul3A_766 : memref<64x128xf32, #tpu.memory_space<vmem>>[vector<16xi32>, vector<16xi32>], vector<16xf32>,
        %add3A_771 = vector.broadcast %mul3A_627 : i32 to vector<16xi32>
        %add3A_772 = arith.addi %and3A_132, %add3A_771 : vector<16xi32>
        %gather3A_773 = arith.constant 0 : i32
        %gather3A_774 = arith.constant 0 : i32
        %gather3A_775 = tpu.memref_slice %arg6[%scan3A_499, %gather3A_773, %gather3A_774] : memref<4x128x128xf32, #tpu.memory_space<vmem>> -> memref<1x128x128xf32, #tpu.memory_space<vmem>>
        %gather3A_776 = tpu.memref_squeeze %gather3A_775 : memref<1x128x128xf32, #tpu.memory_space<vmem>> -> memref<128x128xf32, #tpu.memory_space<vmem>>
        %gather3A_777 = tpu.vector_load_idx %gather3A_776[%add3A_629, %add3A_772] : memref<128x128xf32, #tpu.memory_space<vmem>>[vector<16xi32>, vector<16xi32>], vector<16xf32>,
        %mul3A_778 = vector.broadcast %scan3A : f32 to vector<16xf32>
        %mul3A_779 = arith.mulf %gather3A_777, %mul3A_778 : vector<16xf32>
        %scatter3A_780 = arith.constant 0 : i32
        %scatter3A_781 = arith.constant 0 : i32
        %scatter3A_782 = tpu.memref_slice %arg7[%scan3A_500, %scatter3A_780, %scatter3A_781] : memref<4x64x128xf32, #tpu.memory_space<vmem>> -> memref<1x64x128xf32, #tpu.memory_space<vmem>>
        %scatter3A_783 = tpu.memref_squeeze %scatter3A_782 : memref<1x64x128xf32, #tpu.memory_space<vmem>> -> memref<64x128xf32, #tpu.memory_space<vmem>>
        tpu.vector_store_idx %scatter3A_783[%add3A_772, %add3A_629], %mul3A_779 : memref<64x128xf32, #tpu.memory_space<vmem>>[vector<16xi32>, vector<16xi32>], vector<16xf32>,
        %add3A_784 = vector.broadcast %mul3A_627 : i32 to vector<16xi32>
        %add3A_785 = arith.addi %and3A_138, %add3A_784 : vector<16xi32>
        %gather3A_786 = arith.constant 0 : i32
        %gather3A_787 = arith.constant 0 : i32
        %gather3A_788 = tpu.memref_slice %arg6[%scan3A_499, %gather3A_786, %gather3A_787] : memref<4x128x128xf32, #tpu.memory_space<vmem>> -> memref<1x128x128xf32, #tpu.memory_space<vmem>>
        %gather3A_789 = tpu.memref_squeeze %gather3A_788 : memref<1x128x128xf32, #tpu.memory_space<vmem>> -> memref<128x128xf32, #tpu.memory_space<vmem>>
        %gather3A_790 = tpu.vector_load_idx %gather3A_789[%add3A_629, %add3A_785] : memref<128x128xf32, #tpu.memory_space<vmem>>[vector<16xi32>, vector<16xi32>], vector<16xf32>,
        %mul3A_791 = vector.broadcast %scan3A : f32 to vector<16xf32>
        %mul3A_792 = arith.mulf %gather3A_790, %mul3A_791 : vector<16xf32>
        %scatter3A_793 = arith.constant 0 : i32
        %scatter3A_794 = arith.constant 0 : i32
        %scatter3A_795 = tpu.memref_slice %arg7[%scan3A_500, %scatter3A_793, %scatter3A_794] : memref<4x64x128xf32, #tpu.memory_space<vmem>> -> memref<1x64x128xf32, #tpu.memory_space<vmem>>
        %scatter3A_796 = tpu.memref_squeeze %scatter3A_795 : memref<1x64x128xf32, #tpu.memory_space<vmem>> -> memref<64x128xf32, #tpu.memory_space<vmem>>
        tpu.vector_store_idx %scatter3A_796[%add3A_785, %add3A_629], %mul3A_792 : memref<64x128xf32, #tpu.memory_space<vmem>>[vector<16xi32>, vector<16xi32>], vector<16xf32>,
        %add3A_797 = vector.broadcast %mul3A_627 : i32 to vector<16xi32>
        %add3A_798 = arith.addi %and3A_144, %add3A_797 : vector<16xi32>
        %gather3A_799 = arith.constant 0 : i32
        %gather3A_800 = arith.constant 0 : i32
        %gather3A_801 = tpu.memref_slice %arg6[%scan3A_499, %gather3A_799, %gather3A_800] : memref<4x128x128xf32, #tpu.memory_space<vmem>> -> memref<1x128x128xf32, #tpu.memory_space<vmem>>
        %gather3A_802 = tpu.memref_squeeze %gather3A_801 : memref<1x128x128xf32, #tpu.memory_space<vmem>> -> memref<128x128xf32, #tpu.memory_space<vmem>>
        %gather3A_803 = tpu.vector_load_idx %gather3A_802[%add3A_629, %add3A_798] : memref<128x128xf32, #tpu.memory_space<vmem>>[vector<16xi32>, vector<16xi32>], vector<16xf32>,
        %mul3A_804 = vector.broadcast %scan3A : f32 to vector<16xf32>
        %mul3A_805 = arith.mulf %gather3A_803, %mul3A_804 : vector<16xf32>
        %scatter3A_806 = arith.constant 0 : i32
        %scatter3A_807 = arith.constant 0 : i32
        %scatter3A_808 = tpu.memref_slice %arg7[%scan3A_500, %scatter3A_806, %scatter3A_807] : memref<4x64x128xf32, #tpu.memory_space<vmem>> -> memref<1x64x128xf32, #tpu.memory_space<vmem>>
        %scatter3A_809 = tpu.memref_squeeze %scatter3A_808 : memref<1x64x128xf32, #tpu.memory_space<vmem>> -> memref<64x128xf32, #tpu.memory_space<vmem>>
        tpu.vector_store_idx %scatter3A_809[%add3A_798, %add3A_629], %mul3A_805 : memref<64x128xf32, #tpu.memory_space<vmem>>[vector<16xi32>, vector<16xi32>], vector<16xf32>,
        %add3A_810 = vector.broadcast %mul3A_627 : i32 to vector<16xi32>
        %add3A_811 = arith.addi %and3A_150, %add3A_810 : vector<16xi32>
        %gather3A_812 = arith.constant 0 : i32
        %gather3A_813 = arith.constant 0 : i32
        %gather3A_814 = tpu.memref_slice %arg6[%scan3A_499, %gather3A_812, %gather3A_813] : memref<4x128x128xf32, #tpu.memory_space<vmem>> -> memref<1x128x128xf32, #tpu.memory_space<vmem>>
        %gather3A_815 = tpu.memref_squeeze %gather3A_814 : memref<1x128x128xf32, #tpu.memory_space<vmem>> -> memref<128x128xf32, #tpu.memory_space<vmem>>
        %gather3A_816 = tpu.vector_load_idx %gather3A_815[%add3A_629, %add3A_811] : memref<128x128xf32, #tpu.memory_space<vmem>>[vector<16xi32>, vector<16xi32>], vector<16xf32>,
        %mul3A_817 = vector.broadcast %scan3A : f32 to vector<16xf32>
        %mul3A_818 = arith.mulf %gather3A_816, %mul3A_817 : vector<16xf32>
        %scatter3A_819 = arith.constant 0 : i32
        %scatter3A_820 = arith.constant 0 : i32
        %scatter3A_821 = tpu.memref_slice %arg7[%scan3A_500, %scatter3A_819, %scatter3A_820] : memref<4x64x128xf32, #tpu.memory_space<vmem>> -> memref<1x64x128xf32, #tpu.memory_space<vmem>>
        %scatter3A_822 = tpu.memref_squeeze %scatter3A_821 : memref<1x64x128xf32, #tpu.memory_space<vmem>> -> memref<64x128xf32, #tpu.memory_space<vmem>>
        tpu.vector_store_idx %scatter3A_822[%add3A_811, %add3A_629], %mul3A_818 : memref<64x128xf32, #tpu.memory_space<vmem>>[vector<16xi32>, vector<16xi32>], vector<16xf32>,
        %add3A_823 = vector.broadcast %mul3A_627 : i32 to vector<16xi32>
        %add3A_824 = arith.addi %and3A_156, %add3A_823 : vector<16xi32>
        %gather3A_825 = arith.constant 0 : i32
        %gather3A_826 = arith.constant 0 : i32
        %gather3A_827 = tpu.memref_slice %arg6[%scan3A_499, %gather3A_825, %gather3A_826] : memref<4x128x128xf32, #tpu.memory_space<vmem>> -> memref<1x128x128xf32, #tpu.memory_space<vmem>>
        %gather3A_828 = tpu.memref_squeeze %gather3A_827 : memref<1x128x128xf32, #tpu.memory_space<vmem>> -> memref<128x128xf32, #tpu.memory_space<vmem>>
        %gather3A_829 = tpu.vector_load_idx %gather3A_828[%add3A_629, %add3A_824] : memref<128x128xf32, #tpu.memory_space<vmem>>[vector<16xi32>, vector<16xi32>], vector<16xf32>,
        %mul3A_830 = vector.broadcast %scan3A : f32 to vector<16xf32>
        %mul3A_831 = arith.mulf %gather3A_829, %mul3A_830 : vector<16xf32>
        %scatter3A_832 = arith.constant 0 : i32
        %scatter3A_833 = arith.constant 0 : i32
        %scatter3A_834 = tpu.memref_slice %arg7[%scan3A_500, %scatter3A_832, %scatter3A_833] : memref<4x64x128xf32, #tpu.memory_space<vmem>> -> memref<1x64x128xf32, #tpu.memory_space<vmem>>
        %scatter3A_835 = tpu.memref_squeeze %scatter3A_834 : memref<1x64x128xf32, #tpu.memory_space<vmem>> -> memref<64x128xf32, #tpu.memory_space<vmem>>
        tpu.vector_store_idx %scatter3A_835[%add3A_824, %add3A_629], %mul3A_831 : memref<64x128xf32, #tpu.memory_space<vmem>>[vector<16xi32>, vector<16xi32>], vector<16xf32>,
        %scan3A_836 = arith.constant 0 : i32
        scf.yield %scan3A_836 : i32
      }
      %scan3A_507 = arith.constant 32 : i32
      %add3A_508 = arith.constant 4 : i32
      %add3A_509 = arith.addi %add3A_478, %add3A_508 : i32
      %lt3A_510 = arith.constant 50 : i32
      %lt3A_511 = arith.cmpi slt, %add3A_509, %lt3A_510 : i32
      %convert_element_type3A_512 = arith.extui %lt3A_511 : i1 to i32
      %cond3A_513 = arith.constant 0 : i32
      %cond3A_514 = arith.cmpi ne, %convert_element_type3A_512, %cond3A_513 : i32
      scf.if %cond3A_514 {
        %add3A_590 = arith.constant 4 : i32
        %add3A_591 = arith.addi %add3A_478, %add3A_590 : i32
        %dma_start3A_592 = arith.constant 2 : i32
        %dma_start3A_593 = arith.constant 2 : i32
        %dma_start3A_594 = arith.constant 0 : i32
        %dma_start3A_595 = arith.constant 0 : i32
        %dma_start3A_596 = tpu.memref_slice %arg6[%dma_start3A_592, %dma_start3A_594, %dma_start3A_595] : memref<4x128x128xf32, #tpu.memory_space<vmem>> -> memref<1x128x128xf32, #tpu.memory_space<vmem>>
        %dma_start3A_597 = tpu.memref_squeeze %dma_start3A_596 : memref<1x128x128xf32, #tpu.memory_space<vmem>> -> memref<128x128xf32, #tpu.memory_space<vmem>>
        %dma_start3A_598 = arith.constant 0 : i32
        %dma_start3A_599 = tpu.memref_slice %arg5[%add3A_591, %dma_start3A_598] : memref<50x128xi32, #tpu.memory_space<vmem>> -> memref<1x128xi32, #tpu.memory_space<vmem>>
        %dma_start3A_600 = tpu.memref_squeeze %dma_start3A_599 : memref<1x128xi32, #tpu.memory_space<vmem>> -> memref<128xi32, #tpu.memory_space<vmem>>
        %dma_start3A_601 = arith.constant 0 : i32
        %dma_start3A_602 = arith.constant 0 : i32
        %dma_start3A_603 = tpu.memref_slice %arg3[%dma_start3A_601, %dma_start3A_602] : memref<100000x128xf32, #tpu.memory_space<hbm>> -> memref<100000x128xf32, #tpu.memory_space<hbm>>
        %dma_start3A_604 = tpu.memref_slice %arg8[%dma_start3A_593] : memref<4x!tpu.dma_semaphore, #tpu.memory_space<semaphore_mem>> -> memref<1x!tpu.dma_semaphore, #tpu.memory_space<semaphore_mem>>
        %dma_start3A_605 = tpu.memref_squeeze %dma_start3A_604 : memref<1x!tpu.dma_semaphore, #tpu.memory_space<semaphore_mem>> -> memref<!tpu.dma_semaphore, #tpu.memory_space<semaphore_mem>>
        tpu.enqueue_indirect_dma source(%dma_start3A_603 : memref<100000x128xf32, #tpu.memory_space<hbm>>) target(%dma_start3A_597 : memref<128x128xf32, #tpu.memory_space<vmem>>) offsets(%dma_start3A_600 : memref<128xi32, #tpu.memory_space<vmem>>) semaphore(%dma_start3A_605 : memref<!tpu.dma_semaphore, #tpu.memory_space<semaphore_mem>>)
      } else {
      }
      %dma_start3A_515 = arith.constant 2 : i32
      %dma_start3A_516 = arith.constant 2 : i32
      %dma_start3A_517 = arith.constant 0 : i32
      %dma_start3A_518 = arith.constant 0 : i32
      %dma_start3A_519 = tpu.memref_slice %arg7[%dma_start3A_515, %dma_start3A_517, %dma_start3A_518] : memref<4x64x128xf32, #tpu.memory_space<vmem>> -> memref<1x64x128xf32, #tpu.memory_space<vmem>>
      %dma_start3A_520 = tpu.memref_squeeze %dma_start3A_519 : memref<1x64x128xf32, #tpu.memory_space<vmem>> -> memref<64x128xf32, #tpu.memory_space<vmem>>
      %dma_start3A_521 = arith.constant 0 : i32
      %dma_start3A_522 = tpu.memref_slice %arg4[%add3A_478, %dma_start3A_521, %mul3A_2] : memref<50x64x4096xf32, #tpu.memory_space<hbm>> -> memref<1x64x128xf32, #tpu.memory_space<hbm>>
      %dma_start3A_523 = tpu.memref_squeeze %dma_start3A_522 : memref<1x64x128xf32, #tpu.memory_space<hbm>> -> memref<64x128xf32, #tpu.memory_space<hbm>>
      %dma_start3A_524 = tpu.memref_slice %arg9[%dma_start3A_516] : memref<4x!tpu.dma_semaphore, #tpu.memory_space<semaphore_mem>> -> memref<1x!tpu.dma_semaphore, #tpu.memory_space<semaphore_mem>>
      %dma_start3A_525 = tpu.memref_squeeze %dma_start3A_524 : memref<1x!tpu.dma_semaphore, #tpu.memory_space<semaphore_mem>> -> memref<!tpu.dma_semaphore, #tpu.memory_space<semaphore_mem>>
      %dma_start3A_526 = arith.constant 0 : i32
      %dma_start3A_527 = tpu.memref_slice %arg4[%add3A_478, %dma_start3A_526, %mul3A_2] : memref<50x64x4096xf32, #tpu.memory_space<hbm>> -> memref<1x64x128xf32, #tpu.memory_space<hbm>>
      %dma_start3A_528 = tpu.memref_squeeze %dma_start3A_527 : memref<1x64x128xf32, #tpu.memory_space<hbm>> -> memref<64x128xf32, #tpu.memory_space<hbm>>
      %dma_start3A_529 = arith.constant 0 : i32
      %dma_start3A_530 = arith.constant 0 : i32
      %dma_start3A_531 = tpu.memref_slice %arg7[%dma_start3A_515, %dma_start3A_529, %dma_start3A_530] : memref<4x64x128xf32, #tpu.memory_space<vmem>> -> memref<1x64x128xf32, #tpu.memory_space<vmem>>
      %dma_start3A_532 = tpu.memref_squeeze %dma_start3A_531 : memref<1x64x128xf32, #tpu.memory_space<vmem>> -> memref<64x128xf32, #tpu.memory_space<vmem>>
      tpu.enqueue_dma source(%dma_start3A_532 : memref<64x128xf32, #tpu.memory_space<vmem>>) target(%dma_start3A_528 : memref<64x128xf32, #tpu.memory_space<hbm>>) target_semaphore(%dma_start3A_525 : memref<!tpu.dma_semaphore, #tpu.memory_space<semaphore_mem>>)
      %add3A_533 = arith.constant 3 : i32
      %add3A_534 = arith.addi %mul3A_368, %add3A_533 : i32
      %dma_wait3A_535 = arith.constant 0 : i32
      %dma_wait3A_536 = arith.constant 3 : i32
      %dma_wait3A_537 = arith.constant 3 : i32
      %dma_wait3A_538 = arith.constant 0 : i32
      %dma_wait3A_539 = arith.constant 0 : i32
      %dma_wait3A_540 = tpu.memref_slice %arg6[%dma_wait3A_536, %dma_wait3A_538, %dma_wait3A_539] : memref<4x128x128xf32, #tpu.memory_space<vmem>> -> memref<1x128x128xf32, #tpu.memory_space<vmem>>
      %dma_wait3A_541 = tpu.memref_squeeze %dma_wait3A_540 : memref<1x128x128xf32, #tpu.memory_space<vmem>> -> memref<128x128xf32, #tpu.memory_space<vmem>>
      %dma_wait3A_542 = arith.constant 0 : i32
      %dma_wait3A_543 = tpu.memref_slice %arg5[%dma_wait3A_535, %dma_wait3A_542] : memref<50x128xi32, #tpu.memory_space<vmem>> -> memref<1x128xi32, #tpu.memory_space<vmem>>
      %dma_wait3A_544 = tpu.memref_squeeze %dma_wait3A_543 : memref<1x128xi32, #tpu.memory_space<vmem>> -> memref<128xi32, #tpu.memory_space<vmem>>
      %dma_wait3A_545 = arith.constant 0 : i32
      %dma_wait3A_546 = arith.constant 0 : i32
      %dma_wait3A_547 = tpu.memref_slice %arg3[%dma_wait3A_545, %dma_wait3A_546] : memref<100000x128xf32, #tpu.memory_space<hbm>> -> memref<100000x128xf32, #tpu.memory_space<hbm>>
      %dma_wait3A_548 = tpu.memref_slice %arg8[%dma_wait3A_537] : memref<4x!tpu.dma_semaphore, #tpu.memory_space<semaphore_mem>> -> memref<1x!tpu.dma_semaphore, #tpu.memory_space<semaphore_mem>>
      %dma_wait3A_549 = tpu.memref_squeeze %dma_wait3A_548 : memref<1x!tpu.dma_semaphore, #tpu.memory_space<semaphore_mem>> -> memref<!tpu.dma_semaphore, #tpu.memory_space<semaphore_mem>>
      tpu.wait_indirect_dma semaphore(%dma_wait3A_549 : memref<!tpu.dma_semaphore, #tpu.memory_space<semaphore_mem>>) src(%dma_wait3A_547 : memref<100000x128xf32, #tpu.memory_space<hbm>>) dst(%dma_wait3A_541 : memref<128x128xf32, #tpu.memory_space<vmem>>)
      %ge3A_550 = arith.constant 4 : i32
      %ge3A_551 = arith.cmpi sge, %add3A_534, %ge3A_550 : i32
      %convert_element_type3A_552 = arith.extui %ge3A_551 : i1 to i32
      %cond3A_553 = arith.constant 0 : i32
      %cond3A_554 = arith.cmpi ne, %convert_element_type3A_552, %cond3A_553 : i32
      scf.if %cond3A_554 {
        %dma_wait3A_590 = arith.constant 3 : i32
        %dma_wait3A_591 = arith.constant 0 : i32
        %dma_wait3A_592 = arith.constant 3 : i32
        %dma_wait3A_593 = arith.constant 0 : i32
        %dma_wait3A_594 = arith.constant 0 : i32
        %dma_wait3A_595 = tpu.memref_slice %arg7[%dma_wait3A_590, %dma_wait3A_593, %dma_wait3A_594] : memref<4x64x128xf32, #tpu.memory_space<vmem>> -> memref<1x64x128xf32, #tpu.memory_space<vmem>>
        %dma_wait3A_596 = tpu.memref_squeeze %dma_wait3A_595 : memref<1x64x128xf32, #tpu.memory_space<vmem>> -> memref<64x128xf32, #tpu.memory_space<vmem>>
        %dma_wait3A_597 = arith.constant 0 : i32
        %dma_wait3A_598 = tpu.memref_slice %arg4[%dma_wait3A_591, %dma_wait3A_597, %mul3A_2] : memref<50x64x4096xf32, #tpu.memory_space<hbm>> -> memref<1x64x128xf32, #tpu.memory_space<hbm>>
        %dma_wait3A_599 = tpu.memref_squeeze %dma_wait3A_598 : memref<1x64x128xf32, #tpu.memory_space<hbm>> -> memref<64x128xf32, #tpu.memory_space<hbm>>
        %dma_wait3A_600 = tpu.memref_slice %arg9[%dma_wait3A_592] : memref<4x!tpu.dma_semaphore, #tpu.memory_space<semaphore_mem>> -> memref<1x!tpu.dma_semaphore, #tpu.memory_space<semaphore_mem>>
        %dma_wait3A_601 = tpu.memref_squeeze %dma_wait3A_600 : memref<1x!tpu.dma_semaphore, #tpu.memory_space<semaphore_mem>> -> memref<!tpu.dma_semaphore, #tpu.memory_space<semaphore_mem>>
        %dma_wait3A_602 = arith.constant 0 : i32
        %dma_wait3A_603 = tpu.memref_slice %arg4[%dma_wait3A_591, %dma_wait3A_602, %mul3A_2] : memref<50x64x4096xf32, #tpu.memory_space<hbm>> -> memref<1x64x128xf32, #tpu.memory_space<hbm>>
        %dma_wait3A_604 = tpu.memref_squeeze %dma_wait3A_603 : memref<1x64x128xf32, #tpu.memory_space<hbm>> -> memref<64x128xf32, #tpu.memory_space<hbm>>
        %dma_wait3A_605 = arith.constant 0 : i32
        %dma_wait3A_606 = arith.constant 0 : i32
        %dma_wait3A_607 = tpu.memref_slice %arg7[%dma_wait3A_590, %dma_wait3A_605, %dma_wait3A_606] : memref<4x64x128xf32, #tpu.memory_space<vmem>> -> memref<1x64x128xf32, #tpu.memory_space<vmem>>
        %dma_wait3A_608 = tpu.memref_squeeze %dma_wait3A_607 : memref<1x64x128xf32, #tpu.memory_space<vmem>> -> memref<64x128xf32, #tpu.memory_space<vmem>>
        tpu.wait_dma2 semaphore(%dma_wait3A_601 : memref<!tpu.dma_semaphore, #tpu.memory_space<semaphore_mem>>) src(%dma_wait3A_608 : memref<64x128xf32, #tpu.memory_space<vmem>>) dst(%dma_wait3A_604 : memref<64x128xf32, #tpu.memory_space<hbm>>)
      } else {
      }
      %scan3A_555 = arith.constant 3 : i32
      %scan3A_556 = arith.constant 3 : i32
      %scan3A_557 = arith.constant 0 : i32
      %scan3A_558 = arith.constant 0 : i32
      %scan3A_559 = arith.constant 32 : i32
      %scan3A_560 = arith.addi %scan3A_558, %scan3A_559 : i32
      %scan3A_561 = arith.constant 1 : i32
      %scan3A_562 = scf.for %scan3A_590 = %scan3A_558 to %scan3A_560 step %scan3A_561 iter_args(%scan3A_591 = %scan3A_557) -> (i32)  : i32 {
        %jit3A = arith.constant 4 : i32
        %div3A = arith.divsi %scan3A_590, %jit3A : i32
        %sign3A = arith.constant 0 : i32
        %sign3A_592 = arith.cmpi sgt, %scan3A_590, %sign3A : i32
        %sign3A_593 = arith.extui %sign3A_592 : i1 to i32
        %sign3A_594 = arith.constant 0 : i32
        %sign3A_595 = arith.cmpi slt, %scan3A_590, %sign3A_594 : i32
        %sign3A_596 = arith.extui %sign3A_595 : i1 to i32
        %sign3A_597 = arith.subi %sign3A_593, %sign3A_596 : i32
        %sign3A_598 = arith.constant 0 : i32
        %sign3A_599 = arith.cmpi sgt, %jit3A, %sign3A_598 : i32
        %sign3A_600 = arith.extui %sign3A_599 : i1 to i32
        %sign3A_601 = arith.constant 0 : i32
        %sign3A_602 = arith.cmpi slt, %jit3A, %sign3A_601 : i32
        %sign3A_603 = arith.extui %sign3A_602 : i1 to i32
        %sign3A_604 = arith.subi %sign3A_600, %sign3A_603 : i32
        %ne3A = arith.cmpi ne, %sign3A_597, %sign3A_604 : i32
        %rem3A = arith.remsi %scan3A_590, %jit3A : i32
        %ne3A_605 = arith.constant 0 : i32
        %ne3A_606 = arith.cmpi ne, %rem3A, %ne3A_605 : i32
        %and3A_607 = arith.andi %ne3A, %ne3A_606 : i1
        %sub3A = arith.constant 1 : i32
        %sub3A_608 = arith.subi %div3A, %sub3A : i32
        %select_n3A = arith.select %and3A_607, %sub3A_608, %div3A : i32
        %mul3A_609 = arith.constant 16 : i32
        %mul3A_610 = arith.muli %select_n3A, %mul3A_609 : i32
        %jit3A_611 = arith.constant 4 : i32
        %eq3A = arith.constant 0 : i32
        %eq3A_612 = arith.cmpi eq, %jit3A_611, %eq3A : i32
        %jit3A_613 = arith.constant 1 : i32
        %select_n3A_614 = arith.select %eq3A_612, %jit3A_613, %jit3A_611 : i32
        %rem3A_615 = arith.remsi %scan3A_590, %select_n3A_614 : i32
        %ne3A_616 = arith.constant 0 : i32
        %ne3A_617 = arith.cmpi ne, %rem3A_615, %ne3A_616 : i32
        %lt3A_618 = arith.constant 0 : i32
        %lt3A_619 = arith.cmpi slt, %rem3A_615, %lt3A_618 : i32
        %lt3A_620 = arith.constant 0 : i32
        %lt3A_621 = arith.cmpi slt, %select_n3A_614, %lt3A_620 : i32
        %ne3A_622 = arith.xori %lt3A_619, %lt3A_621 : i1
        %and3A_623 = arith.andi %ne3A_622, %ne3A_617 : i1
        %add3A_624 = arith.addi %rem3A_615, %select_n3A_614 : i32
        %select_n3A_625 = arith.select %and3A_623, %add3A_624, %rem3A_615 : i32
        %mul3A_626 = arith.constant 16 : i32
        %mul3A_627 = arith.muli %select_n3A_625, %mul3A_626 : i32
        %add3A_628 = vector.broadcast %mul3A_610 : i32 to vector<16xi32>
        %add3A_629 = arith.addi %iota3A, %add3A_628 : vector<16xi32>
        %add3A_630 = vector.broadcast %mul3A_627 : i32 to vector<16xi32>
        %add3A_631 = arith.addi %and3A_66, %add3A_630 : vector<16xi32>
        %gather3A = arith.constant 0 : i32
        %gather3A_632 = arith.constant 0 : i32
        %gather3A_633 = tpu.memref_slice %arg6[%scan3A_555, %gather3A, %gather3A_632] : memref<4x128x128xf32, #tpu.memory_space<vmem>> -> memref<1x128x128xf32, #tpu.memory_space<vmem>>
        %gather3A_634 = tpu.memref_squeeze %gather3A_633 : memref<1x128x128xf32, #tpu.memory_space<vmem>> -> memref<128x128xf32, #tpu.memory_space<vmem>>
        %gather3A_635 = tpu.vector_load_idx %gather3A_634[%add3A_629, %add3A_631] : memref<128x128xf32, #tpu.memory_space<vmem>>[vector<16xi32>, vector<16xi32>], vector<16xf32>,
        %mul3A_636 = vector.broadcast %scan3A : f32 to vector<16xf32>
        %mul3A_637 = arith.mulf %gather3A_635, %mul3A_636 : vector<16xf32>
        %scatter3A = arith.constant 0 : i32
        %scatter3A_638 = arith.constant 0 : i32
        %scatter3A_639 = tpu.memref_slice %arg7[%scan3A_556, %scatter3A, %scatter3A_638] : memref<4x64x128xf32, #tpu.memory_space<vmem>> -> memref<1x64x128xf32, #tpu.memory_space<vmem>>
        %scatter3A_640 = tpu.memref_squeeze %scatter3A_639 : memref<1x64x128xf32, #tpu.memory_space<vmem>> -> memref<64x128xf32, #tpu.memory_space<vmem>>
        tpu.vector_store_idx %scatter3A_640[%add3A_631, %add3A_629], %mul3A_637 : memref<64x128xf32, #tpu.memory_space<vmem>>[vector<16xi32>, vector<16xi32>], vector<16xf32>,
        %add3A_641 = vector.broadcast %mul3A_627 : i32 to vector<16xi32>
        %add3A_642 = arith.addi %and3A_72, %add3A_641 : vector<16xi32>
        %gather3A_643 = arith.constant 0 : i32
        %gather3A_644 = arith.constant 0 : i32
        %gather3A_645 = tpu.memref_slice %arg6[%scan3A_555, %gather3A_643, %gather3A_644] : memref<4x128x128xf32, #tpu.memory_space<vmem>> -> memref<1x128x128xf32, #tpu.memory_space<vmem>>
        %gather3A_646 = tpu.memref_squeeze %gather3A_645 : memref<1x128x128xf32, #tpu.memory_space<vmem>> -> memref<128x128xf32, #tpu.memory_space<vmem>>
        %gather3A_647 = tpu.vector_load_idx %gather3A_646[%add3A_629, %add3A_642] : memref<128x128xf32, #tpu.memory_space<vmem>>[vector<16xi32>, vector<16xi32>], vector<16xf32>,
        %mul3A_648 = vector.broadcast %scan3A : f32 to vector<16xf32>
        %mul3A_649 = arith.mulf %gather3A_647, %mul3A_648 : vector<16xf32>
        %scatter3A_650 = arith.constant 0 : i32
        %scatter3A_651 = arith.constant 0 : i32
        %scatter3A_652 = tpu.memref_slice %arg7[%scan3A_556, %scatter3A_650, %scatter3A_651] : memref<4x64x128xf32, #tpu.memory_space<vmem>> -> memref<1x64x128xf32, #tpu.memory_space<vmem>>
        %scatter3A_653 = tpu.memref_squeeze %scatter3A_652 : memref<1x64x128xf32, #tpu.memory_space<vmem>> -> memref<64x128xf32, #tpu.memory_space<vmem>>
        tpu.vector_store_idx %scatter3A_653[%add3A_642, %add3A_629], %mul3A_649 : memref<64x128xf32, #tpu.memory_space<vmem>>[vector<16xi32>, vector<16xi32>], vector<16xf32>,
        %add3A_654 = vector.broadcast %mul3A_627 : i32 to vector<16xi32>
        %add3A_655 = arith.addi %and3A_78, %add3A_654 : vector<16xi32>
        %gather3A_656 = arith.constant 0 : i32
        %gather3A_657 = arith.constant 0 : i32
        %gather3A_658 = tpu.memref_slice %arg6[%scan3A_555, %gather3A_656, %gather3A_657] : memref<4x128x128xf32, #tpu.memory_space<vmem>> -> memref<1x128x128xf32, #tpu.memory_space<vmem>>
        %gather3A_659 = tpu.memref_squeeze %gather3A_658 : memref<1x128x128xf32, #tpu.memory_space<vmem>> -> memref<128x128xf32, #tpu.memory_space<vmem>>
        %gather3A_660 = tpu.vector_load_idx %gather3A_659[%add3A_629, %add3A_655] : memref<128x128xf32, #tpu.memory_space<vmem>>[vector<16xi32>, vector<16xi32>], vector<16xf32>,
        %mul3A_661 = vector.broadcast %scan3A : f32 to vector<16xf32>
        %mul3A_662 = arith.mulf %gather3A_660, %mul3A_661 : vector<16xf32>
        %scatter3A_663 = arith.constant 0 : i32
        %scatter3A_664 = arith.constant 0 : i32
        %scatter3A_665 = tpu.memref_slice %arg7[%scan3A_556, %scatter3A_663, %scatter3A_664] : memref<4x64x128xf32, #tpu.memory_space<vmem>> -> memref<1x64x128xf32, #tpu.memory_space<vmem>>
        %scatter3A_666 = tpu.memref_squeeze %scatter3A_665 : memref<1x64x128xf32, #tpu.memory_space<vmem>> -> memref<64x128xf32, #tpu.memory_space<vmem>>
        tpu.vector_store_idx %scatter3A_666[%add3A_655, %add3A_629], %mul3A_662 : memref<64x128xf32, #tpu.memory_space<vmem>>[vector<16xi32>, vector<16xi32>], vector<16xf32>,
        %add3A_667 = vector.broadcast %mul3A_627 : i32 to vector<16xi32>
        %add3A_668 = arith.addi %and3A_84, %add3A_667 : vector<16xi32>
        %gather3A_669 = arith.constant 0 : i32
        %gather3A_670 = arith.constant 0 : i32
        %gather3A_671 = tpu.memref_slice %arg6[%scan3A_555, %gather3A_669, %gather3A_670] : memref<4x128x128xf32, #tpu.memory_space<vmem>> -> memref<1x128x128xf32, #tpu.memory_space<vmem>>
        %gather3A_672 = tpu.memref_squeeze %gather3A_671 : memref<1x128x128xf32, #tpu.memory_space<vmem>> -> memref<128x128xf32, #tpu.memory_space<vmem>>
        %gather3A_673 = tpu.vector_load_idx %gather3A_672[%add3A_629, %add3A_668] : memref<128x128xf32, #tpu.memory_space<vmem>>[vector<16xi32>, vector<16xi32>], vector<16xf32>,
        %mul3A_674 = vector.broadcast %scan3A : f32 to vector<16xf32>
        %mul3A_675 = arith.mulf %gather3A_673, %mul3A_674 : vector<16xf32>
        %scatter3A_676 = arith.constant 0 : i32
        %scatter3A_677 = arith.constant 0 : i32
        %scatter3A_678 = tpu.memref_slice %arg7[%scan3A_556, %scatter3A_676, %scatter3A_677] : memref<4x64x128xf32, #tpu.memory_space<vmem>> -> memref<1x64x128xf32, #tpu.memory_space<vmem>>
        %scatter3A_679 = tpu.memref_squeeze %scatter3A_678 : memref<1x64x128xf32, #tpu.memory_space<vmem>> -> memref<64x128xf32, #tpu.memory_space<vmem>>
        tpu.vector_store_idx %scatter3A_679[%add3A_668, %add3A_629], %mul3A_675 : memref<64x128xf32, #tpu.memory_space<vmem>>[vector<16xi32>, vector<16xi32>], vector<16xf32>,
        %add3A_680 = vector.broadcast %mul3A_627 : i32 to vector<16xi32>
        %add3A_681 = arith.addi %and3A_90, %add3A_680 : vector<16xi32>
        %gather3A_682 = arith.constant 0 : i32
        %gather3A_683 = arith.constant 0 : i32
        %gather3A_684 = tpu.memref_slice %arg6[%scan3A_555, %gather3A_682, %gather3A_683] : memref<4x128x128xf32, #tpu.memory_space<vmem>> -> memref<1x128x128xf32, #tpu.memory_space<vmem>>
        %gather3A_685 = tpu.memref_squeeze %gather3A_684 : memref<1x128x128xf32, #tpu.memory_space<vmem>> -> memref<128x128xf32, #tpu.memory_space<vmem>>
        %gather3A_686 = tpu.vector_load_idx %gather3A_685[%add3A_629, %add3A_681] : memref<128x128xf32, #tpu.memory_space<vmem>>[vector<16xi32>, vector<16xi32>], vector<16xf32>,
        %mul3A_687 = vector.broadcast %scan3A : f32 to vector<16xf32>
        %mul3A_688 = arith.mulf %gather3A_686, %mul3A_687 : vector<16xf32>
        %scatter3A_689 = arith.constant 0 : i32
        %scatter3A_690 = arith.constant 0 : i32
        %scatter3A_691 = tpu.memref_slice %arg7[%scan3A_556, %scatter3A_689, %scatter3A_690] : memref<4x64x128xf32, #tpu.memory_space<vmem>> -> memref<1x64x128xf32, #tpu.memory_space<vmem>>
        %scatter3A_692 = tpu.memref_squeeze %scatter3A_691 : memref<1x64x128xf32, #tpu.memory_space<vmem>> -> memref<64x128xf32, #tpu.memory_space<vmem>>
        tpu.vector_store_idx %scatter3A_692[%add3A_681, %add3A_629], %mul3A_688 : memref<64x128xf32, #tpu.memory_space<vmem>>[vector<16xi32>, vector<16xi32>], vector<16xf32>,
        %add3A_693 = vector.broadcast %mul3A_627 : i32 to vector<16xi32>
        %add3A_694 = arith.addi %and3A_96, %add3A_693 : vector<16xi32>
        %gather3A_695 = arith.constant 0 : i32
        %gather3A_696 = arith.constant 0 : i32
        %gather3A_697 = tpu.memref_slice %arg6[%scan3A_555, %gather3A_695, %gather3A_696] : memref<4x128x128xf32, #tpu.memory_space<vmem>> -> memref<1x128x128xf32, #tpu.memory_space<vmem>>
        %gather3A_698 = tpu.memref_squeeze %gather3A_697 : memref<1x128x128xf32, #tpu.memory_space<vmem>> -> memref<128x128xf32, #tpu.memory_space<vmem>>
        %gather3A_699 = tpu.vector_load_idx %gather3A_698[%add3A_629, %add3A_694] : memref<128x128xf32, #tpu.memory_space<vmem>>[vector<16xi32>, vector<16xi32>], vector<16xf32>,
        %mul3A_700 = vector.broadcast %scan3A : f32 to vector<16xf32>
        %mul3A_701 = arith.mulf %gather3A_699, %mul3A_700 : vector<16xf32>
        %scatter3A_702 = arith.constant 0 : i32
        %scatter3A_703 = arith.constant 0 : i32
        %scatter3A_704 = tpu.memref_slice %arg7[%scan3A_556, %scatter3A_702, %scatter3A_703] : memref<4x64x128xf32, #tpu.memory_space<vmem>> -> memref<1x64x128xf32, #tpu.memory_space<vmem>>
        %scatter3A_705 = tpu.memref_squeeze %scatter3A_704 : memref<1x64x128xf32, #tpu.memory_space<vmem>> -> memref<64x128xf32, #tpu.memory_space<vmem>>
        tpu.vector_store_idx %scatter3A_705[%add3A_694, %add3A_629], %mul3A_701 : memref<64x128xf32, #tpu.memory_space<vmem>>[vector<16xi32>, vector<16xi32>], vector<16xf32>,
        %add3A_706 = vector.broadcast %mul3A_627 : i32 to vector<16xi32>
        %add3A_707 = arith.addi %and3A_102, %add3A_706 : vector<16xi32>
        %gather3A_708 = arith.constant 0 : i32
        %gather3A_709 = arith.constant 0 : i32
        %gather3A_710 = tpu.memref_slice %arg6[%scan3A_555, %gather3A_708, %gather3A_709] : memref<4x128x128xf32, #tpu.memory_space<vmem>> -> memref<1x128x128xf32, #tpu.memory_space<vmem>>
        %gather3A_711 = tpu.memref_squeeze %gather3A_710 : memref<1x128x128xf32, #tpu.memory_space<vmem>> -> memref<128x128xf32, #tpu.memory_space<vmem>>
        %gather3A_712 = tpu.vector_load_idx %gather3A_711[%add3A_629, %add3A_707] : memref<128x128xf32, #tpu.memory_space<vmem>>[vector<16xi32>, vector<16xi32>], vector<16xf32>,
        %mul3A_713 = vector.broadcast %scan3A : f32 to vector<16xf32>
        %mul3A_714 = arith.mulf %gather3A_712, %mul3A_713 : vector<16xf32>
        %scatter3A_715 = arith.constant 0 : i32
        %scatter3A_716 = arith.constant 0 : i32
        %scatter3A_717 = tpu.memref_slice %arg7[%scan3A_556, %scatter3A_715, %scatter3A_716] : memref<4x64x128xf32, #tpu.memory_space<vmem>> -> memref<1x64x128xf32, #tpu.memory_space<vmem>>
        %scatter3A_718 = tpu.memref_squeeze %scatter3A_717 : memref<1x64x128xf32, #tpu.memory_space<vmem>> -> memref<64x128xf32, #tpu.memory_space<vmem>>
        tpu.vector_store_idx %scatter3A_718[%add3A_707, %add3A_629], %mul3A_714 : memref<64x128xf32, #tpu.memory_space<vmem>>[vector<16xi32>, vector<16xi32>], vector<16xf32>,
        %add3A_719 = vector.broadcast %mul3A_627 : i32 to vector<16xi32>
        %add3A_720 = arith.addi %and3A_108, %add3A_719 : vector<16xi32>
        %gather3A_721 = arith.constant 0 : i32
        %gather3A_722 = arith.constant 0 : i32
        %gather3A_723 = tpu.memref_slice %arg6[%scan3A_555, %gather3A_721, %gather3A_722] : memref<4x128x128xf32, #tpu.memory_space<vmem>> -> memref<1x128x128xf32, #tpu.memory_space<vmem>>
        %gather3A_724 = tpu.memref_squeeze %gather3A_723 : memref<1x128x128xf32, #tpu.memory_space<vmem>> -> memref<128x128xf32, #tpu.memory_space<vmem>>
        %gather3A_725 = tpu.vector_load_idx %gather3A_724[%add3A_629, %add3A_720] : memref<128x128xf32, #tpu.memory_space<vmem>>[vector<16xi32>, vector<16xi32>], vector<16xf32>,
        %mul3A_726 = vector.broadcast %scan3A : f32 to vector<16xf32>
        %mul3A_727 = arith.mulf %gather3A_725, %mul3A_726 : vector<16xf32>
        %scatter3A_728 = arith.constant 0 : i32
        %scatter3A_729 = arith.constant 0 : i32
        %scatter3A_730 = tpu.memref_slice %arg7[%scan3A_556, %scatter3A_728, %scatter3A_729] : memref<4x64x128xf32, #tpu.memory_space<vmem>> -> memref<1x64x128xf32, #tpu.memory_space<vmem>>
        %scatter3A_731 = tpu.memref_squeeze %scatter3A_730 : memref<1x64x128xf32, #tpu.memory_space<vmem>> -> memref<64x128xf32, #tpu.memory_space<vmem>>
        tpu.vector_store_idx %scatter3A_731[%add3A_720, %add3A_629], %mul3A_727 : memref<64x128xf32, #tpu.memory_space<vmem>>[vector<16xi32>, vector<16xi32>], vector<16xf32>,
        %add3A_732 = vector.broadcast %mul3A_627 : i32 to vector<16xi32>
        %add3A_733 = arith.addi %and3A_114, %add3A_732 : vector<16xi32>
        %gather3A_734 = arith.constant 0 : i32
        %gather3A_735 = arith.constant 0 : i32
        %gather3A_736 = tpu.memref_slice %arg6[%scan3A_555, %gather3A_734, %gather3A_735] : memref<4x128x128xf32, #tpu.memory_space<vmem>> -> memref<1x128x128xf32, #tpu.memory_space<vmem>>
        %gather3A_737 = tpu.memref_squeeze %gather3A_736 : memref<1x128x128xf32, #tpu.memory_space<vmem>> -> memref<128x128xf32, #tpu.memory_space<vmem>>
        %gather3A_738 = tpu.vector_load_idx %gather3A_737[%add3A_629, %add3A_733] : memref<128x128xf32, #tpu.memory_space<vmem>>[vector<16xi32>, vector<16xi32>], vector<16xf32>,
        %mul3A_739 = vector.broadcast %scan3A : f32 to vector<16xf32>
        %mul3A_740 = arith.mulf %gather3A_738, %mul3A_739 : vector<16xf32>
        %scatter3A_741 = arith.constant 0 : i32
        %scatter3A_742 = arith.constant 0 : i32
        %scatter3A_743 = tpu.memref_slice %arg7[%scan3A_556, %scatter3A_741, %scatter3A_742] : memref<4x64x128xf32, #tpu.memory_space<vmem>> -> memref<1x64x128xf32, #tpu.memory_space<vmem>>
        %scatter3A_744 = tpu.memref_squeeze %scatter3A_743 : memref<1x64x128xf32, #tpu.memory_space<vmem>> -> memref<64x128xf32, #tpu.memory_space<vmem>>
        tpu.vector_store_idx %scatter3A_744[%add3A_733, %add3A_629], %mul3A_740 : memref<64x128xf32, #tpu.memory_space<vmem>>[vector<16xi32>, vector<16xi32>], vector<16xf32>,
        %add3A_745 = vector.broadcast %mul3A_627 : i32 to vector<16xi32>
        %add3A_746 = arith.addi %and3A_120, %add3A_745 : vector<16xi32>
        %gather3A_747 = arith.constant 0 : i32
        %gather3A_748 = arith.constant 0 : i32
        %gather3A_749 = tpu.memref_slice %arg6[%scan3A_555, %gather3A_747, %gather3A_748] : memref<4x128x128xf32, #tpu.memory_space<vmem>> -> memref<1x128x128xf32, #tpu.memory_space<vmem>>
        %gather3A_750 = tpu.memref_squeeze %gather3A_749 : memref<1x128x128xf32, #tpu.memory_space<vmem>> -> memref<128x128xf32, #tpu.memory_space<vmem>>
        %gather3A_751 = tpu.vector_load_idx %gather3A_750[%add3A_629, %add3A_746] : memref<128x128xf32, #tpu.memory_space<vmem>>[vector<16xi32>, vector<16xi32>], vector<16xf32>,
        %mul3A_752 = vector.broadcast %scan3A : f32 to vector<16xf32>
        %mul3A_753 = arith.mulf %gather3A_751, %mul3A_752 : vector<16xf32>
        %scatter3A_754 = arith.constant 0 : i32
        %scatter3A_755 = arith.constant 0 : i32
        %scatter3A_756 = tpu.memref_slice %arg7[%scan3A_556, %scatter3A_754, %scatter3A_755] : memref<4x64x128xf32, #tpu.memory_space<vmem>> -> memref<1x64x128xf32, #tpu.memory_space<vmem>>
        %scatter3A_757 = tpu.memref_squeeze %scatter3A_756 : memref<1x64x128xf32, #tpu.memory_space<vmem>> -> memref<64x128xf32, #tpu.memory_space<vmem>>
        tpu.vector_store_idx %scatter3A_757[%add3A_746, %add3A_629], %mul3A_753 : memref<64x128xf32, #tpu.memory_space<vmem>>[vector<16xi32>, vector<16xi32>], vector<16xf32>,
        %add3A_758 = vector.broadcast %mul3A_627 : i32 to vector<16xi32>
        %add3A_759 = arith.addi %and3A_126, %add3A_758 : vector<16xi32>
        %gather3A_760 = arith.constant 0 : i32
        %gather3A_761 = arith.constant 0 : i32
        %gather3A_762 = tpu.memref_slice %arg6[%scan3A_555, %gather3A_760, %gather3A_761] : memref<4x128x128xf32, #tpu.memory_space<vmem>> -> memref<1x128x128xf32, #tpu.memory_space<vmem>>
        %gather3A_763 = tpu.memref_squeeze %gather3A_762 : memref<1x128x128xf32, #tpu.memory_space<vmem>> -> memref<128x128xf32, #tpu.memory_space<vmem>>
        %gather3A_764 = tpu.vector_load_idx %gather3A_763[%add3A_629, %add3A_759] : memref<128x128xf32, #tpu.memory_space<vmem>>[vector<16xi32>, vector<16xi32>], vector<16xf32>,
        %mul3A_765 = vector.broadcast %scan3A : f32 to vector<16xf32>
        %mul3A_766 = arith.mulf %gather3A_764, %mul3A_765 : vector<16xf32>
        %scatter3A_767 = arith.constant 0 : i32
        %scatter3A_768 = arith.constant 0 : i32
        %scatter3A_769 = tpu.memref_slice %arg7[%scan3A_556, %scatter3A_767, %scatter3A_768] : memref<4x64x128xf32, #tpu.memory_space<vmem>> -> memref<1x64x128xf32, #tpu.memory_space<vmem>>
        %scatter3A_770 = tpu.memref_squeeze %scatter3A_769 : memref<1x64x128xf32, #tpu.memory_space<vmem>> -> memref<64x128xf32, #tpu.memory_space<vmem>>
        tpu.vector_store_idx %scatter3A_770[%add3A_759, %add3A_629], %mul3A_766 : memref<64x128xf32, #tpu.memory_space<vmem>>[vector<16xi32>, vector<16xi32>], vector<16xf32>,
        %add3A_771 = vector.broadcast %mul3A_627 : i32 to vector<16xi32>
        %add3A_772 = arith.addi %and3A_132, %add3A_771 : vector<16xi32>
        %gather3A_773 = arith.constant 0 : i32
        %gather3A_774 = arith.constant 0 : i32
        %gather3A_775 = tpu.memref_slice %arg6[%scan3A_555, %gather3A_773, %gather3A_774] : memref<4x128x128xf32, #tpu.memory_space<vmem>> -> memref<1x128x128xf32, #tpu.memory_space<vmem>>
        %gather3A_776 = tpu.memref_squeeze %gather3A_775 : memref<1x128x128xf32, #tpu.memory_space<vmem>> -> memref<128x128xf32, #tpu.memory_space<vmem>>
        %gather3A_777 = tpu.vector_load_idx %gather3A_776[%add3A_629, %add3A_772] : memref<128x128xf32, #tpu.memory_space<vmem>>[vector<16xi32>, vector<16xi32>], vector<16xf32>,
        %mul3A_778 = vector.broadcast %scan3A : f32 to vector<16xf32>
        %mul3A_779 = arith.mulf %gather3A_777, %mul3A_778 : vector<16xf32>
        %scatter3A_780 = arith.constant 0 : i32
        %scatter3A_781 = arith.constant 0 : i32
        %scatter3A_782 = tpu.memref_slice %arg7[%scan3A_556, %scatter3A_780, %scatter3A_781] : memref<4x64x128xf32, #tpu.memory_space<vmem>> -> memref<1x64x128xf32, #tpu.memory_space<vmem>>
        %scatter3A_783 = tpu.memref_squeeze %scatter3A_782 : memref<1x64x128xf32, #tpu.memory_space<vmem>> -> memref<64x128xf32, #tpu.memory_space<vmem>>
        tpu.vector_store_idx %scatter3A_783[%add3A_772, %add3A_629], %mul3A_779 : memref<64x128xf32, #tpu.memory_space<vmem>>[vector<16xi32>, vector<16xi32>], vector<16xf32>,
        %add3A_784 = vector.broadcast %mul3A_627 : i32 to vector<16xi32>
        %add3A_785 = arith.addi %and3A_138, %add3A_784 : vector<16xi32>
        %gather3A_786 = arith.constant 0 : i32
        %gather3A_787 = arith.constant 0 : i32
        %gather3A_788 = tpu.memref_slice %arg6[%scan3A_555, %gather3A_786, %gather3A_787] : memref<4x128x128xf32, #tpu.memory_space<vmem>> -> memref<1x128x128xf32, #tpu.memory_space<vmem>>
        %gather3A_789 = tpu.memref_squeeze %gather3A_788 : memref<1x128x128xf32, #tpu.memory_space<vmem>> -> memref<128x128xf32, #tpu.memory_space<vmem>>
        %gather3A_790 = tpu.vector_load_idx %gather3A_789[%add3A_629, %add3A_785] : memref<128x128xf32, #tpu.memory_space<vmem>>[vector<16xi32>, vector<16xi32>], vector<16xf32>,
        %mul3A_791 = vector.broadcast %scan3A : f32 to vector<16xf32>
        %mul3A_792 = arith.mulf %gather3A_790, %mul3A_791 : vector<16xf32>
        %scatter3A_793 = arith.constant 0 : i32
        %scatter3A_794 = arith.constant 0 : i32
        %scatter3A_795 = tpu.memref_slice %arg7[%scan3A_556, %scatter3A_793, %scatter3A_794] : memref<4x64x128xf32, #tpu.memory_space<vmem>> -> memref<1x64x128xf32, #tpu.memory_space<vmem>>
        %scatter3A_796 = tpu.memref_squeeze %scatter3A_795 : memref<1x64x128xf32, #tpu.memory_space<vmem>> -> memref<64x128xf32, #tpu.memory_space<vmem>>
        tpu.vector_store_idx %scatter3A_796[%add3A_785, %add3A_629], %mul3A_792 : memref<64x128xf32, #tpu.memory_space<vmem>>[vector<16xi32>, vector<16xi32>], vector<16xf32>,
        %add3A_797 = vector.broadcast %mul3A_627 : i32 to vector<16xi32>
        %add3A_798 = arith.addi %and3A_144, %add3A_797 : vector<16xi32>
        %gather3A_799 = arith.constant 0 : i32
        %gather3A_800 = arith.constant 0 : i32
        %gather3A_801 = tpu.memref_slice %arg6[%scan3A_555, %gather3A_799, %gather3A_800] : memref<4x128x128xf32, #tpu.memory_space<vmem>> -> memref<1x128x128xf32, #tpu.memory_space<vmem>>
        %gather3A_802 = tpu.memref_squeeze %gather3A_801 : memref<1x128x128xf32, #tpu.memory_space<vmem>> -> memref<128x128xf32, #tpu.memory_space<vmem>>
        %gather3A_803 = tpu.vector_load_idx %gather3A_802[%add3A_629, %add3A_798] : memref<128x128xf32, #tpu.memory_space<vmem>>[vector<16xi32>, vector<16xi32>], vector<16xf32>,
        %mul3A_804 = vector.broadcast %scan3A : f32 to vector<16xf32>
        %mul3A_805 = arith.mulf %gather3A_803, %mul3A_804 : vector<16xf32>
        %scatter3A_806 = arith.constant 0 : i32
        %scatter3A_807 = arith.constant 0 : i32
        %scatter3A_808 = tpu.memref_slice %arg7[%scan3A_556, %scatter3A_806, %scatter3A_807] : memref<4x64x128xf32, #tpu.memory_space<vmem>> -> memref<1x64x128xf32, #tpu.memory_space<vmem>>
        %scatter3A_809 = tpu.memref_squeeze %scatter3A_808 : memref<1x64x128xf32, #tpu.memory_space<vmem>> -> memref<64x128xf32, #tpu.memory_space<vmem>>
        tpu.vector_store_idx %scatter3A_809[%add3A_798, %add3A_629], %mul3A_805 : memref<64x128xf32, #tpu.memory_space<vmem>>[vector<16xi32>, vector<16xi32>], vector<16xf32>,
        %add3A_810 = vector.broadcast %mul3A_627 : i32 to vector<16xi32>
        %add3A_811 = arith.addi %and3A_150, %add3A_810 : vector<16xi32>
        %gather3A_812 = arith.constant 0 : i32
        %gather3A_813 = arith.constant 0 : i32
        %gather3A_814 = tpu.memref_slice %arg6[%scan3A_555, %gather3A_812, %gather3A_813] : memref<4x128x128xf32, #tpu.memory_space<vmem>> -> memref<1x128x128xf32, #tpu.memory_space<vmem>>
        %gather3A_815 = tpu.memref_squeeze %gather3A_814 : memref<1x128x128xf32, #tpu.memory_space<vmem>> -> memref<128x128xf32, #tpu.memory_space<vmem>>
        %gather3A_816 = tpu.vector_load_idx %gather3A_815[%add3A_629, %add3A_811] : memref<128x128xf32, #tpu.memory_space<vmem>>[vector<16xi32>, vector<16xi32>], vector<16xf32>,
        %mul3A_817 = vector.broadcast %scan3A : f32 to vector<16xf32>
        %mul3A_818 = arith.mulf %gather3A_816, %mul3A_817 : vector<16xf32>
        %scatter3A_819 = arith.constant 0 : i32
        %scatter3A_820 = arith.constant 0 : i32
        %scatter3A_821 = tpu.memref_slice %arg7[%scan3A_556, %scatter3A_819, %scatter3A_820] : memref<4x64x128xf32, #tpu.memory_space<vmem>> -> memref<1x64x128xf32, #tpu.memory_space<vmem>>
        %scatter3A_822 = tpu.memref_squeeze %scatter3A_821 : memref<1x64x128xf32, #tpu.memory_space<vmem>> -> memref<64x128xf32, #tpu.memory_space<vmem>>
        tpu.vector_store_idx %scatter3A_822[%add3A_811, %add3A_629], %mul3A_818 : memref<64x128xf32, #tpu.memory_space<vmem>>[vector<16xi32>, vector<16xi32>], vector<16xf32>,
        %add3A_823 = vector.broadcast %mul3A_627 : i32 to vector<16xi32>
        %add3A_824 = arith.addi %and3A_156, %add3A_823 : vector<16xi32>
        %gather3A_825 = arith.constant 0 : i32
        %gather3A_826 = arith.constant 0 : i32
        %gather3A_827 = tpu.memref_slice %arg6[%scan3A_555, %gather3A_825, %gather3A_826] : memref<4x128x128xf32, #tpu.memory_space<vmem>> -> memref<1x128x128xf32, #tpu.memory_space<vmem>>
        %gather3A_828 = tpu.memref_squeeze %gather3A_827 : memref<1x128x128xf32, #tpu.memory_space<vmem>> -> memref<128x128xf32, #tpu.memory_space<vmem>>
        %gather3A_829 = tpu.vector_load_idx %gather3A_828[%add3A_629, %add3A_824] : memref<128x128xf32, #tpu.memory_space<vmem>>[vector<16xi32>, vector<16xi32>], vector<16xf32>,
        %mul3A_830 = vector.broadcast %scan3A : f32 to vector<16xf32>
        %mul3A_831 = arith.mulf %gather3A_829, %mul3A_830 : vector<16xf32>
        %scatter3A_832 = arith.constant 0 : i32
        %scatter3A_833 = arith.constant 0 : i32
        %scatter3A_834 = tpu.memref_slice %arg7[%scan3A_556, %scatter3A_832, %scatter3A_833] : memref<4x64x128xf32, #tpu.memory_space<vmem>> -> memref<1x64x128xf32, #tpu.memory_space<vmem>>
        %scatter3A_835 = tpu.memref_squeeze %scatter3A_834 : memref<1x64x128xf32, #tpu.memory_space<vmem>> -> memref<64x128xf32, #tpu.memory_space<vmem>>
        tpu.vector_store_idx %scatter3A_835[%add3A_824, %add3A_629], %mul3A_831 : memref<64x128xf32, #tpu.memory_space<vmem>>[vector<16xi32>, vector<16xi32>], vector<16xf32>,
        %scan3A_836 = arith.constant 0 : i32
        scf.yield %scan3A_836 : i32
      }
      %scan3A_563 = arith.constant 32 : i32
      %add3A_564 = arith.constant 4 : i32
      %add3A_565 = arith.addi %add3A_534, %add3A_564 : i32
      %lt3A_566 = arith.constant 50 : i32
      %lt3A_567 = arith.cmpi slt, %add3A_565, %lt3A_566 : i32
      %convert_element_type3A_568 = arith.extui %lt3A_567 : i1 to i32
      %cond3A_569 = arith.constant 0 : i32
      %cond3A_570 = arith.cmpi ne, %convert_element_type3A_568, %cond3A_569 : i32
      scf.if %cond3A_570 {
        %add3A_590 = arith.constant 4 : i32
        %add3A_591 = arith.addi %add3A_534, %add3A_590 : i32
        %dma_start3A_592 = arith.constant 3 : i32
        %dma_start3A_593 = arith.constant 3 : i32
        %dma_start3A_594 = arith.constant 0 : i32
        %dma_start3A_595 = arith.constant 0 : i32
        %dma_start3A_596 = tpu.memref_slice %arg6[%dma_start3A_592, %dma_start3A_594, %dma_start3A_595] : memref<4x128x128xf32, #tpu.memory_space<vmem>> -> memref<1x128x128xf32, #tpu.memory_space<vmem>>
        %dma_start3A_597 = tpu.memref_squeeze %dma_start3A_596 : memref<1x128x128xf32, #tpu.memory_space<vmem>> -> memref<128x128xf32, #tpu.memory_space<vmem>>
        %dma_start3A_598 = arith.constant 0 : i32
        %dma_start3A_599 = tpu.memref_slice %arg5[%add3A_591, %dma_start3A_598] : memref<50x128xi32, #tpu.memory_space<vmem>> -> memref<1x128xi32, #tpu.memory_space<vmem>>
        %dma_start3A_600 = tpu.memref_squeeze %dma_start3A_599 : memref<1x128xi32, #tpu.memory_space<vmem>> -> memref<128xi32, #tpu.memory_space<vmem>>
        %dma_start3A_601 = arith.constant 0 : i32
        %dma_start3A_602 = arith.constant 0 : i32
        %dma_start3A_603 = tpu.memref_slice %arg3[%dma_start3A_601, %dma_start3A_602] : memref<100000x128xf32, #tpu.memory_space<hbm>> -> memref<100000x128xf32, #tpu.memory_space<hbm>>
        %dma_start3A_604 = tpu.memref_slice %arg8[%dma_start3A_593] : memref<4x!tpu.dma_semaphore, #tpu.memory_space<semaphore_mem>> -> memref<1x!tpu.dma_semaphore, #tpu.memory_space<semaphore_mem>>
        %dma_start3A_605 = tpu.memref_squeeze %dma_start3A_604 : memref<1x!tpu.dma_semaphore, #tpu.memory_space<semaphore_mem>> -> memref<!tpu.dma_semaphore, #tpu.memory_space<semaphore_mem>>
        tpu.enqueue_indirect_dma source(%dma_start3A_603 : memref<100000x128xf32, #tpu.memory_space<hbm>>) target(%dma_start3A_597 : memref<128x128xf32, #tpu.memory_space<vmem>>) offsets(%dma_start3A_600 : memref<128xi32, #tpu.memory_space<vmem>>) semaphore(%dma_start3A_605 : memref<!tpu.dma_semaphore, #tpu.memory_space<semaphore_mem>>)
      } else {
      }
      %dma_start3A_571 = arith.constant 3 : i32
      %dma_start3A_572 = arith.constant 3 : i32
      %dma_start3A_573 = arith.constant 0 : i32
      %dma_start3A_574 = arith.constant 0 : i32
      %dma_start3A_575 = tpu.memref_slice %arg7[%dma_start3A_571, %dma_start3A_573, %dma_start3A_574] : memref<4x64x128xf32, #tpu.memory_space<vmem>> -> memref<1x64x128xf32, #tpu.memory_space<vmem>>
      %dma_start3A_576 = tpu.memref_squeeze %dma_start3A_575 : memref<1x64x128xf32, #tpu.memory_space<vmem>> -> memref<64x128xf32, #tpu.memory_space<vmem>>
      %dma_start3A_577 = arith.constant 0 : i32
      %dma_start3A_578 = tpu.memref_slice %arg4[%add3A_534, %dma_start3A_577, %mul3A_2] : memref<50x64x4096xf32, #tpu.memory_space<hbm>> -> memref<1x64x128xf32, #tpu.memory_space<hbm>>
      %dma_start3A_579 = tpu.memref_squeeze %dma_start3A_578 : memref<1x64x128xf32, #tpu.memory_space<hbm>> -> memref<64x128xf32, #tpu.memory_space<hbm>>
      %dma_start3A_580 = tpu.memref_slice %arg9[%dma_start3A_572] : memref<4x!tpu.dma_semaphore, #tpu.memory_space<semaphore_mem>> -> memref<1x!tpu.dma_semaphore, #tpu.memory_space<semaphore_mem>>
      %dma_start3A_581 = tpu.memref_squeeze %dma_start3A_580 : memref<1x!tpu.dma_semaphore, #tpu.memory_space<semaphore_mem>> -> memref<!tpu.dma_semaphore, #tpu.memory_space<semaphore_mem>>
      %dma_start3A_582 = arith.constant 0 : i32
      %dma_start3A_583 = tpu.memref_slice %arg4[%add3A_534, %dma_start3A_582, %mul3A_2] : memref<50x64x4096xf32, #tpu.memory_space<hbm>> -> memref<1x64x128xf32, #tpu.memory_space<hbm>>
      %dma_start3A_584 = tpu.memref_squeeze %dma_start3A_583 : memref<1x64x128xf32, #tpu.memory_space<hbm>> -> memref<64x128xf32, #tpu.memory_space<hbm>>
      %dma_start3A_585 = arith.constant 0 : i32
      %dma_start3A_586 = arith.constant 0 : i32
      %dma_start3A_587 = tpu.memref_slice %arg7[%dma_start3A_571, %dma_start3A_585, %dma_start3A_586] : memref<4x64x128xf32, #tpu.memory_space<vmem>> -> memref<1x64x128xf32, #tpu.memory_space<vmem>>
      %dma_start3A_588 = tpu.memref_squeeze %dma_start3A_587 : memref<1x64x128xf32, #tpu.memory_space<vmem>> -> memref<64x128xf32, #tpu.memory_space<vmem>>
      tpu.enqueue_dma source(%dma_start3A_588 : memref<64x128xf32, #tpu.memory_space<vmem>>) target(%dma_start3A_584 : memref<64x128xf32, #tpu.memory_space<hbm>>) target_semaphore(%dma_start3A_581 : memref<!tpu.dma_semaphore, #tpu.memory_space<semaphore_mem>>)
      %scan3A_589 = arith.constant 0 : i32
      scf.yield %scan3A_589 : i32
    }
    %scan3A_163 = arith.constant 12 : i32
    %dma_wait3A = arith.constant 0 : i32
    %dma_wait3A_164 = arith.constant 0 : i32
    %dma_wait3A_165 = arith.constant 0 : i32
    %dma_wait3A_166 = arith.constant 0 : i32
    %dma_wait3A_167 = arith.constant 0 : i32
    %dma_wait3A_168 = tpu.memref_slice %arg6[%dma_wait3A_164, %dma_wait3A_166, %dma_wait3A_167] : memref<4x128x128xf32, #tpu.memory_space<vmem>> -> memref<1x128x128xf32, #tpu.memory_space<vmem>>
    %dma_wait3A_169 = tpu.memref_squeeze %dma_wait3A_168 : memref<1x128x128xf32, #tpu.memory_space<vmem>> -> memref<128x128xf32, #tpu.memory_space<vmem>>
    %dma_wait3A_170 = arith.constant 0 : i32
    %dma_wait3A_171 = tpu.memref_slice %arg5[%dma_wait3A, %dma_wait3A_170] : memref<50x128xi32, #tpu.memory_space<vmem>> -> memref<1x128xi32, #tpu.memory_space<vmem>>
    %dma_wait3A_172 = tpu.memref_squeeze %dma_wait3A_171 : memref<1x128xi32, #tpu.memory_space<vmem>> -> memref<128xi32, #tpu.memory_space<vmem>>
    %dma_wait3A_173 = arith.constant 0 : i32
    %dma_wait3A_174 = arith.constant 0 : i32
    %dma_wait3A_175 = tpu.memref_slice %arg3[%dma_wait3A_173, %dma_wait3A_174] : memref<100000x128xf32, #tpu.memory_space<hbm>> -> memref<100000x128xf32, #tpu.memory_space<hbm>>
    %dma_wait3A_176 = tpu.memref_slice %arg8[%dma_wait3A_165] : memref<4x!tpu.dma_semaphore, #tpu.memory_space<semaphore_mem>> -> memref<1x!tpu.dma_semaphore, #tpu.memory_space<semaphore_mem>>
    %dma_wait3A_177 = tpu.memref_squeeze %dma_wait3A_176 : memref<1x!tpu.dma_semaphore, #tpu.memory_space<semaphore_mem>> -> memref<!tpu.dma_semaphore, #tpu.memory_space<semaphore_mem>>
    tpu.wait_indirect_dma semaphore(%dma_wait3A_177 : memref<!tpu.dma_semaphore, #tpu.memory_space<semaphore_mem>>) src(%dma_wait3A_175 : memref<100000x128xf32, #tpu.memory_space<hbm>>) dst(%dma_wait3A_169 : memref<128x128xf32, #tpu.memory_space<vmem>>)
    %dma_wait3A_178 = arith.constant 0 : i32
    %dma_wait3A_179 = arith.constant 0 : i32
    %dma_wait3A_180 = arith.constant 0 : i32
    %dma_wait3A_181 = arith.constant 0 : i32
    %dma_wait3A_182 = arith.constant 0 : i32
    %dma_wait3A_183 = tpu.memref_slice %arg7[%dma_wait3A_178, %dma_wait3A_181, %dma_wait3A_182] : memref<4x64x128xf32, #tpu.memory_space<vmem>> -> memref<1x64x128xf32, #tpu.memory_space<vmem>>
    %dma_wait3A_184 = tpu.memref_squeeze %dma_wait3A_183 : memref<1x64x128xf32, #tpu.memory_space<vmem>> -> memref<64x128xf32, #tpu.memory_space<vmem>>
    %dma_wait3A_185 = arith.constant 0 : i32
    %dma_wait3A_186 = tpu.memref_slice %arg4[%dma_wait3A_179, %dma_wait3A_185, %mul3A_2] : memref<50x64x4096xf32, #tpu.memory_space<hbm>> -> memref<1x64x128xf32, #tpu.memory_space<hbm>>
    %dma_wait3A_187 = tpu.memref_squeeze %dma_wait3A_186 : memref<1x64x128xf32, #tpu.memory_space<hbm>> -> memref<64x128xf32, #tpu.memory_space<hbm>>
    %dma_wait3A_188 = tpu.memref_slice %arg9[%dma_wait3A_180] : memref<4x!tpu.dma_semaphore, #tpu.memory_space<semaphore_mem>> -> memref<1x!tpu.dma_semaphore, #tpu.memory_space<semaphore_mem>>
    %dma_wait3A_189 = tpu.memref_squeeze %dma_wait3A_188 : memref<1x!tpu.dma_semaphore, #tpu.memory_space<semaphore_mem>> -> memref<!tpu.dma_semaphore, #tpu.memory_space<semaphore_mem>>
    %dma_wait3A_190 = arith.constant 0 : i32
    %dma_wait3A_191 = tpu.memref_slice %arg4[%dma_wait3A_179, %dma_wait3A_190, %mul3A_2] : memref<50x64x4096xf32, #tpu.memory_space<hbm>> -> memref<1x64x128xf32, #tpu.memory_space<hbm>>
    %dma_wait3A_192 = tpu.memref_squeeze %dma_wait3A_191 : memref<1x64x128xf32, #tpu.memory_space<hbm>> -> memref<64x128xf32, #tpu.memory_space<hbm>>
    %dma_wait3A_193 = arith.constant 0 : i32
    %dma_wait3A_194 = arith.constant 0 : i32
    %dma_wait3A_195 = tpu.memref_slice %arg7[%dma_wait3A_178, %dma_wait3A_193, %dma_wait3A_194] : memref<4x64x128xf32, #tpu.memory_space<vmem>> -> memref<1x64x128xf32, #tpu.memory_space<vmem>>
    %dma_wait3A_196 = tpu.memref_squeeze %dma_wait3A_195 : memref<1x64x128xf32, #tpu.memory_space<vmem>> -> memref<64x128xf32, #tpu.memory_space<vmem>>
    tpu.wait_dma2 semaphore(%dma_wait3A_189 : memref<!tpu.dma_semaphore, #tpu.memory_space<semaphore_mem>>) src(%dma_wait3A_196 : memref<64x128xf32, #tpu.memory_space<vmem>>) dst(%dma_wait3A_192 : memref<64x128xf32, #tpu.memory_space<hbm>>)
    %scan3A_197 = arith.constant 0 : i32
    %scan3A_198 = arith.constant 8.000000e+00 : f32
    %scan3A_199 = arith.constant 0 : i32
    %scan3A_200 = arith.constant 0 : i32
    %scan3A_201 = arith.constant 0 : i32
    %scan3A_202 = arith.constant 32 : i32
    %scan3A_203 = arith.addi %scan3A_201, %scan3A_202 : i32
    %scan3A_204 = arith.constant 1 : i32
    %scan3A_205 = scf.for %scan3A_365 = %scan3A_201 to %scan3A_203 step %scan3A_204 iter_args(%scan3A_366 = %scan3A_200) -> (i32)  : i32 {
      %jit3A = arith.constant 4 : i32
      %div3A = arith.divsi %scan3A_365, %jit3A : i32
      %sign3A = arith.constant 0 : i32
      %sign3A_367 = arith.cmpi sgt, %scan3A_365, %sign3A : i32
      %sign3A_368 = arith.extui %sign3A_367 : i1 to i32
      %sign3A_369 = arith.constant 0 : i32
      %sign3A_370 = arith.cmpi slt, %scan3A_365, %sign3A_369 : i32
      %sign3A_371 = arith.extui %sign3A_370 : i1 to i32
      %sign3A_372 = arith.subi %sign3A_368, %sign3A_371 : i32
      %sign3A_373 = arith.constant 0 : i32
      %sign3A_374 = arith.cmpi sgt, %jit3A, %sign3A_373 : i32
      %sign3A_375 = arith.extui %sign3A_374 : i1 to i32
      %sign3A_376 = arith.constant 0 : i32
      %sign3A_377 = arith.cmpi slt, %jit3A, %sign3A_376 : i32
      %sign3A_378 = arith.extui %sign3A_377 : i1 to i32
      %sign3A_379 = arith.subi %sign3A_375, %sign3A_378 : i32
      %ne3A = arith.cmpi ne, %sign3A_372, %sign3A_379 : i32
      %rem3A = arith.remsi %scan3A_365, %jit3A : i32
      %ne3A_380 = arith.constant 0 : i32
      %ne3A_381 = arith.cmpi ne, %rem3A, %ne3A_380 : i32
      %and3A_382 = arith.andi %ne3A, %ne3A_381 : i1
      %sub3A = arith.constant 1 : i32
      %sub3A_383 = arith.subi %div3A, %sub3A : i32
      %select_n3A = arith.select %and3A_382, %sub3A_383, %div3A : i32
      %mul3A_384 = arith.constant 16 : i32
      %mul3A_385 = arith.muli %select_n3A, %mul3A_384 : i32
      %jit3A_386 = arith.constant 4 : i32
      %eq3A = arith.constant 0 : i32
      %eq3A_387 = arith.cmpi eq, %jit3A_386, %eq3A : i32
      %jit3A_388 = arith.constant 1 : i32
      %select_n3A_389 = arith.select %eq3A_387, %jit3A_388, %jit3A_386 : i32
      %rem3A_390 = arith.remsi %scan3A_365, %select_n3A_389 : i32
      %ne3A_391 = arith.constant 0 : i32
      %ne3A_392 = arith.cmpi ne, %rem3A_390, %ne3A_391 : i32
      %lt3A = arith.constant 0 : i32
      %lt3A_393 = arith.cmpi slt, %rem3A_390, %lt3A : i32
      %lt3A_394 = arith.constant 0 : i32
      %lt3A_395 = arith.cmpi slt, %select_n3A_389, %lt3A_394 : i32
      %ne3A_396 = arith.xori %lt3A_393, %lt3A_395 : i1
      %and3A_397 = arith.andi %ne3A_396, %ne3A_392 : i1
      %add3A_398 = arith.addi %rem3A_390, %select_n3A_389 : i32
      %select_n3A_399 = arith.select %and3A_397, %add3A_398, %rem3A_390 : i32
      %mul3A_400 = arith.constant 16 : i32
      %mul3A_401 = arith.muli %select_n3A_399, %mul3A_400 : i32
      %add3A_402 = vector.broadcast %mul3A_385 : i32 to vector<16xi32>
      %add3A_403 = arith.addi %iota3A, %add3A_402 : vector<16xi32>
      %add3A_404 = vector.broadcast %mul3A_401 : i32 to vector<16xi32>
      %add3A_405 = arith.addi %and3A_66, %add3A_404 : vector<16xi32>
      %gather3A = arith.constant 0 : i32
      %gather3A_406 = arith.constant 0 : i32
      %gather3A_407 = tpu.memref_slice %arg6[%scan3A_197, %gather3A, %gather3A_406] : memref<4x128x128xf32, #tpu.memory_space<vmem>> -> memref<1x128x128xf32, #tpu.memory_space<vmem>>
      %gather3A_408 = tpu.memref_squeeze %gather3A_407 : memref<1x128x128xf32, #tpu.memory_space<vmem>> -> memref<128x128xf32, #tpu.memory_space<vmem>>
      %gather3A_409 = tpu.vector_load_idx %gather3A_408[%add3A_403, %add3A_405] : memref<128x128xf32, #tpu.memory_space<vmem>>[vector<16xi32>, vector<16xi32>], vector<16xf32>,
      %mul3A_410 = vector.broadcast %scan3A_198 : f32 to vector<16xf32>
      %mul3A_411 = arith.mulf %gather3A_409, %mul3A_410 : vector<16xf32>
      %scatter3A = arith.constant 0 : i32
      %scatter3A_412 = arith.constant 0 : i32
      %scatter3A_413 = tpu.memref_slice %arg7[%scan3A_199, %scatter3A, %scatter3A_412] : memref<4x64x128xf32, #tpu.memory_space<vmem>> -> memref<1x64x128xf32, #tpu.memory_space<vmem>>
      %scatter3A_414 = tpu.memref_squeeze %scatter3A_413 : memref<1x64x128xf32, #tpu.memory_space<vmem>> -> memref<64x128xf32, #tpu.memory_space<vmem>>
      tpu.vector_store_idx %scatter3A_414[%add3A_405, %add3A_403], %mul3A_411 : memref<64x128xf32, #tpu.memory_space<vmem>>[vector<16xi32>, vector<16xi32>], vector<16xf32>,
      %add3A_415 = vector.broadcast %mul3A_401 : i32 to vector<16xi32>
      %add3A_416 = arith.addi %and3A_72, %add3A_415 : vector<16xi32>
      %gather3A_417 = arith.constant 0 : i32
      %gather3A_418 = arith.constant 0 : i32
      %gather3A_419 = tpu.memref_slice %arg6[%scan3A_197, %gather3A_417, %gather3A_418] : memref<4x128x128xf32, #tpu.memory_space<vmem>> -> memref<1x128x128xf32, #tpu.memory_space<vmem>>
      %gather3A_420 = tpu.memref_squeeze %gather3A_419 : memref<1x128x128xf32, #tpu.memory_space<vmem>> -> memref<128x128xf32, #tpu.memory_space<vmem>>
      %gather3A_421 = tpu.vector_load_idx %gather3A_420[%add3A_403, %add3A_416] : memref<128x128xf32, #tpu.memory_space<vmem>>[vector<16xi32>, vector<16xi32>], vector<16xf32>,
      %mul3A_422 = vector.broadcast %scan3A_198 : f32 to vector<16xf32>
      %mul3A_423 = arith.mulf %gather3A_421, %mul3A_422 : vector<16xf32>
      %scatter3A_424 = arith.constant 0 : i32
      %scatter3A_425 = arith.constant 0 : i32
      %scatter3A_426 = tpu.memref_slice %arg7[%scan3A_199, %scatter3A_424, %scatter3A_425] : memref<4x64x128xf32, #tpu.memory_space<vmem>> -> memref<1x64x128xf32, #tpu.memory_space<vmem>>
      %scatter3A_427 = tpu.memref_squeeze %scatter3A_426 : memref<1x64x128xf32, #tpu.memory_space<vmem>> -> memref<64x128xf32, #tpu.memory_space<vmem>>
      tpu.vector_store_idx %scatter3A_427[%add3A_416, %add3A_403], %mul3A_423 : memref<64x128xf32, #tpu.memory_space<vmem>>[vector<16xi32>, vector<16xi32>], vector<16xf32>,
      %add3A_428 = vector.broadcast %mul3A_401 : i32 to vector<16xi32>
      %add3A_429 = arith.addi %and3A_78, %add3A_428 : vector<16xi32>
      %gather3A_430 = arith.constant 0 : i32
      %gather3A_431 = arith.constant 0 : i32
      %gather3A_432 = tpu.memref_slice %arg6[%scan3A_197, %gather3A_430, %gather3A_431] : memref<4x128x128xf32, #tpu.memory_space<vmem>> -> memref<1x128x128xf32, #tpu.memory_space<vmem>>
      %gather3A_433 = tpu.memref_squeeze %gather3A_432 : memref<1x128x128xf32, #tpu.memory_space<vmem>> -> memref<128x128xf32, #tpu.memory_space<vmem>>
      %gather3A_434 = tpu.vector_load_idx %gather3A_433[%add3A_403, %add3A_429] : memref<128x128xf32, #tpu.memory_space<vmem>>[vector<16xi32>, vector<16xi32>], vector<16xf32>,
      %mul3A_435 = vector.broadcast %scan3A_198 : f32 to vector<16xf32>
      %mul3A_436 = arith.mulf %gather3A_434, %mul3A_435 : vector<16xf32>
      %scatter3A_437 = arith.constant 0 : i32
      %scatter3A_438 = arith.constant 0 : i32
      %scatter3A_439 = tpu.memref_slice %arg7[%scan3A_199, %scatter3A_437, %scatter3A_438] : memref<4x64x128xf32, #tpu.memory_space<vmem>> -> memref<1x64x128xf32, #tpu.memory_space<vmem>>
      %scatter3A_440 = tpu.memref_squeeze %scatter3A_439 : memref<1x64x128xf32, #tpu.memory_space<vmem>> -> memref<64x128xf32, #tpu.memory_space<vmem>>
      tpu.vector_store_idx %scatter3A_440[%add3A_429, %add3A_403], %mul3A_436 : memref<64x128xf32, #tpu.memory_space<vmem>>[vector<16xi32>, vector<16xi32>], vector<16xf32>,
      %add3A_441 = vector.broadcast %mul3A_401 : i32 to vector<16xi32>
      %add3A_442 = arith.addi %and3A_84, %add3A_441 : vector<16xi32>
      %gather3A_443 = arith.constant 0 : i32
      %gather3A_444 = arith.constant 0 : i32
      %gather3A_445 = tpu.memref_slice %arg6[%scan3A_197, %gather3A_443, %gather3A_444] : memref<4x128x128xf32, #tpu.memory_space<vmem>> -> memref<1x128x128xf32, #tpu.memory_space<vmem>>
      %gather3A_446 = tpu.memref_squeeze %gather3A_445 : memref<1x128x128xf32, #tpu.memory_space<vmem>> -> memref<128x128xf32, #tpu.memory_space<vmem>>
      %gather3A_447 = tpu.vector_load_idx %gather3A_446[%add3A_403, %add3A_442] : memref<128x128xf32, #tpu.memory_space<vmem>>[vector<16xi32>, vector<16xi32>], vector<16xf32>,
      %mul3A_448 = vector.broadcast %scan3A_198 : f32 to vector<16xf32>
      %mul3A_449 = arith.mulf %gather3A_447, %mul3A_448 : vector<16xf32>
      %scatter3A_450 = arith.constant 0 : i32
      %scatter3A_451 = arith.constant 0 : i32
      %scatter3A_452 = tpu.memref_slice %arg7[%scan3A_199, %scatter3A_450, %scatter3A_451] : memref<4x64x128xf32, #tpu.memory_space<vmem>> -> memref<1x64x128xf32, #tpu.memory_space<vmem>>
      %scatter3A_453 = tpu.memref_squeeze %scatter3A_452 : memref<1x64x128xf32, #tpu.memory_space<vmem>> -> memref<64x128xf32, #tpu.memory_space<vmem>>
      tpu.vector_store_idx %scatter3A_453[%add3A_442, %add3A_403], %mul3A_449 : memref<64x128xf32, #tpu.memory_space<vmem>>[vector<16xi32>, vector<16xi32>], vector<16xf32>,
      %add3A_454 = vector.broadcast %mul3A_401 : i32 to vector<16xi32>
      %add3A_455 = arith.addi %and3A_90, %add3A_454 : vector<16xi32>
      %gather3A_456 = arith.constant 0 : i32
      %gather3A_457 = arith.constant 0 : i32
      %gather3A_458 = tpu.memref_slice %arg6[%scan3A_197, %gather3A_456, %gather3A_457] : memref<4x128x128xf32, #tpu.memory_space<vmem>> -> memref<1x128x128xf32, #tpu.memory_space<vmem>>
      %gather3A_459 = tpu.memref_squeeze %gather3A_458 : memref<1x128x128xf32, #tpu.memory_space<vmem>> -> memref<128x128xf32, #tpu.memory_space<vmem>>
      %gather3A_460 = tpu.vector_load_idx %gather3A_459[%add3A_403, %add3A_455] : memref<128x128xf32, #tpu.memory_space<vmem>>[vector<16xi32>, vector<16xi32>], vector<16xf32>,
      %mul3A_461 = vector.broadcast %scan3A_198 : f32 to vector<16xf32>
      %mul3A_462 = arith.mulf %gather3A_460, %mul3A_461 : vector<16xf32>
      %scatter3A_463 = arith.constant 0 : i32
      %scatter3A_464 = arith.constant 0 : i32
      %scatter3A_465 = tpu.memref_slice %arg7[%scan3A_199, %scatter3A_463, %scatter3A_464] : memref<4x64x128xf32, #tpu.memory_space<vmem>> -> memref<1x64x128xf32, #tpu.memory_space<vmem>>
      %scatter3A_466 = tpu.memref_squeeze %scatter3A_465 : memref<1x64x128xf32, #tpu.memory_space<vmem>> -> memref<64x128xf32, #tpu.memory_space<vmem>>
      tpu.vector_store_idx %scatter3A_466[%add3A_455, %add3A_403], %mul3A_462 : memref<64x128xf32, #tpu.memory_space<vmem>>[vector<16xi32>, vector<16xi32>], vector<16xf32>,
      %add3A_467 = vector.broadcast %mul3A_401 : i32 to vector<16xi32>
      %add3A_468 = arith.addi %and3A_96, %add3A_467 : vector<16xi32>
      %gather3A_469 = arith.constant 0 : i32
      %gather3A_470 = arith.constant 0 : i32
      %gather3A_471 = tpu.memref_slice %arg6[%scan3A_197, %gather3A_469, %gather3A_470] : memref<4x128x128xf32, #tpu.memory_space<vmem>> -> memref<1x128x128xf32, #tpu.memory_space<vmem>>
      %gather3A_472 = tpu.memref_squeeze %gather3A_471 : memref<1x128x128xf32, #tpu.memory_space<vmem>> -> memref<128x128xf32, #tpu.memory_space<vmem>>
      %gather3A_473 = tpu.vector_load_idx %gather3A_472[%add3A_403, %add3A_468] : memref<128x128xf32, #tpu.memory_space<vmem>>[vector<16xi32>, vector<16xi32>], vector<16xf32>,
      %mul3A_474 = vector.broadcast %scan3A_198 : f32 to vector<16xf32>
      %mul3A_475 = arith.mulf %gather3A_473, %mul3A_474 : vector<16xf32>
      %scatter3A_476 = arith.constant 0 : i32
      %scatter3A_477 = arith.constant 0 : i32
      %scatter3A_478 = tpu.memref_slice %arg7[%scan3A_199, %scatter3A_476, %scatter3A_477] : memref<4x64x128xf32, #tpu.memory_space<vmem>> -> memref<1x64x128xf32, #tpu.memory_space<vmem>>
      %scatter3A_479 = tpu.memref_squeeze %scatter3A_478 : memref<1x64x128xf32, #tpu.memory_space<vmem>> -> memref<64x128xf32, #tpu.memory_space<vmem>>
      tpu.vector_store_idx %scatter3A_479[%add3A_468, %add3A_403], %mul3A_475 : memref<64x128xf32, #tpu.memory_space<vmem>>[vector<16xi32>, vector<16xi32>], vector<16xf32>,
      %add3A_480 = vector.broadcast %mul3A_401 : i32 to vector<16xi32>
      %add3A_481 = arith.addi %and3A_102, %add3A_480 : vector<16xi32>
      %gather3A_482 = arith.constant 0 : i32
      %gather3A_483 = arith.constant 0 : i32
      %gather3A_484 = tpu.memref_slice %arg6[%scan3A_197, %gather3A_482, %gather3A_483] : memref<4x128x128xf32, #tpu.memory_space<vmem>> -> memref<1x128x128xf32, #tpu.memory_space<vmem>>
      %gather3A_485 = tpu.memref_squeeze %gather3A_484 : memref<1x128x128xf32, #tpu.memory_space<vmem>> -> memref<128x128xf32, #tpu.memory_space<vmem>>
      %gather3A_486 = tpu.vector_load_idx %gather3A_485[%add3A_403, %add3A_481] : memref<128x128xf32, #tpu.memory_space<vmem>>[vector<16xi32>, vector<16xi32>], vector<16xf32>,
      %mul3A_487 = vector.broadcast %scan3A_198 : f32 to vector<16xf32>
      %mul3A_488 = arith.mulf %gather3A_486, %mul3A_487 : vector<16xf32>
      %scatter3A_489 = arith.constant 0 : i32
      %scatter3A_490 = arith.constant 0 : i32
      %scatter3A_491 = tpu.memref_slice %arg7[%scan3A_199, %scatter3A_489, %scatter3A_490] : memref<4x64x128xf32, #tpu.memory_space<vmem>> -> memref<1x64x128xf32, #tpu.memory_space<vmem>>
      %scatter3A_492 = tpu.memref_squeeze %scatter3A_491 : memref<1x64x128xf32, #tpu.memory_space<vmem>> -> memref<64x128xf32, #tpu.memory_space<vmem>>
      tpu.vector_store_idx %scatter3A_492[%add3A_481, %add3A_403], %mul3A_488 : memref<64x128xf32, #tpu.memory_space<vmem>>[vector<16xi32>, vector<16xi32>], vector<16xf32>,
      %add3A_493 = vector.broadcast %mul3A_401 : i32 to vector<16xi32>
      %add3A_494 = arith.addi %and3A_108, %add3A_493 : vector<16xi32>
      %gather3A_495 = arith.constant 0 : i32
      %gather3A_496 = arith.constant 0 : i32
      %gather3A_497 = tpu.memref_slice %arg6[%scan3A_197, %gather3A_495, %gather3A_496] : memref<4x128x128xf32, #tpu.memory_space<vmem>> -> memref<1x128x128xf32, #tpu.memory_space<vmem>>
      %gather3A_498 = tpu.memref_squeeze %gather3A_497 : memref<1x128x128xf32, #tpu.memory_space<vmem>> -> memref<128x128xf32, #tpu.memory_space<vmem>>
      %gather3A_499 = tpu.vector_load_idx %gather3A_498[%add3A_403, %add3A_494] : memref<128x128xf32, #tpu.memory_space<vmem>>[vector<16xi32>, vector<16xi32>], vector<16xf32>,
      %mul3A_500 = vector.broadcast %scan3A_198 : f32 to vector<16xf32>
      %mul3A_501 = arith.mulf %gather3A_499, %mul3A_500 : vector<16xf32>
      %scatter3A_502 = arith.constant 0 : i32
      %scatter3A_503 = arith.constant 0 : i32
      %scatter3A_504 = tpu.memref_slice %arg7[%scan3A_199, %scatter3A_502, %scatter3A_503] : memref<4x64x128xf32, #tpu.memory_space<vmem>> -> memref<1x64x128xf32, #tpu.memory_space<vmem>>
      %scatter3A_505 = tpu.memref_squeeze %scatter3A_504 : memref<1x64x128xf32, #tpu.memory_space<vmem>> -> memref<64x128xf32, #tpu.memory_space<vmem>>
      tpu.vector_store_idx %scatter3A_505[%add3A_494, %add3A_403], %mul3A_501 : memref<64x128xf32, #tpu.memory_space<vmem>>[vector<16xi32>, vector<16xi32>], vector<16xf32>,
      %add3A_506 = vector.broadcast %mul3A_401 : i32 to vector<16xi32>
      %add3A_507 = arith.addi %and3A_114, %add3A_506 : vector<16xi32>
      %gather3A_508 = arith.constant 0 : i32
      %gather3A_509 = arith.constant 0 : i32
      %gather3A_510 = tpu.memref_slice %arg6[%scan3A_197, %gather3A_508, %gather3A_509] : memref<4x128x128xf32, #tpu.memory_space<vmem>> -> memref<1x128x128xf32, #tpu.memory_space<vmem>>
      %gather3A_511 = tpu.memref_squeeze %gather3A_510 : memref<1x128x128xf32, #tpu.memory_space<vmem>> -> memref<128x128xf32, #tpu.memory_space<vmem>>
      %gather3A_512 = tpu.vector_load_idx %gather3A_511[%add3A_403, %add3A_507] : memref<128x128xf32, #tpu.memory_space<vmem>>[vector<16xi32>, vector<16xi32>], vector<16xf32>,
      %mul3A_513 = vector.broadcast %scan3A_198 : f32 to vector<16xf32>
      %mul3A_514 = arith.mulf %gather3A_512, %mul3A_513 : vector<16xf32>
      %scatter3A_515 = arith.constant 0 : i32
      %scatter3A_516 = arith.constant 0 : i32
      %scatter3A_517 = tpu.memref_slice %arg7[%scan3A_199, %scatter3A_515, %scatter3A_516] : memref<4x64x128xf32, #tpu.memory_space<vmem>> -> memref<1x64x128xf32, #tpu.memory_space<vmem>>
      %scatter3A_518 = tpu.memref_squeeze %scatter3A_517 : memref<1x64x128xf32, #tpu.memory_space<vmem>> -> memref<64x128xf32, #tpu.memory_space<vmem>>
      tpu.vector_store_idx %scatter3A_518[%add3A_507, %add3A_403], %mul3A_514 : memref<64x128xf32, #tpu.memory_space<vmem>>[vector<16xi32>, vector<16xi32>], vector<16xf32>,
      %add3A_519 = vector.broadcast %mul3A_401 : i32 to vector<16xi32>
      %add3A_520 = arith.addi %and3A_120, %add3A_519 : vector<16xi32>
      %gather3A_521 = arith.constant 0 : i32
      %gather3A_522 = arith.constant 0 : i32
      %gather3A_523 = tpu.memref_slice %arg6[%scan3A_197, %gather3A_521, %gather3A_522] : memref<4x128x128xf32, #tpu.memory_space<vmem>> -> memref<1x128x128xf32, #tpu.memory_space<vmem>>
      %gather3A_524 = tpu.memref_squeeze %gather3A_523 : memref<1x128x128xf32, #tpu.memory_space<vmem>> -> memref<128x128xf32, #tpu.memory_space<vmem>>
      %gather3A_525 = tpu.vector_load_idx %gather3A_524[%add3A_403, %add3A_520] : memref<128x128xf32, #tpu.memory_space<vmem>>[vector<16xi32>, vector<16xi32>], vector<16xf32>,
      %mul3A_526 = vector.broadcast %scan3A_198 : f32 to vector<16xf32>
      %mul3A_527 = arith.mulf %gather3A_525, %mul3A_526 : vector<16xf32>
      %scatter3A_528 = arith.constant 0 : i32
      %scatter3A_529 = arith.constant 0 : i32
      %scatter3A_530 = tpu.memref_slice %arg7[%scan3A_199, %scatter3A_528, %scatter3A_529] : memref<4x64x128xf32, #tpu.memory_space<vmem>> -> memref<1x64x128xf32, #tpu.memory_space<vmem>>
      %scatter3A_531 = tpu.memref_squeeze %scatter3A_530 : memref<1x64x128xf32, #tpu.memory_space<vmem>> -> memref<64x128xf32, #tpu.memory_space<vmem>>
      tpu.vector_store_idx %scatter3A_531[%add3A_520, %add3A_403], %mul3A_527 : memref<64x128xf32, #tpu.memory_space<vmem>>[vector<16xi32>, vector<16xi32>], vector<16xf32>,
      %add3A_532 = vector.broadcast %mul3A_401 : i32 to vector<16xi32>
      %add3A_533 = arith.addi %and3A_126, %add3A_532 : vector<16xi32>
      %gather3A_534 = arith.constant 0 : i32
      %gather3A_535 = arith.constant 0 : i32
      %gather3A_536 = tpu.memref_slice %arg6[%scan3A_197, %gather3A_534, %gather3A_535] : memref<4x128x128xf32, #tpu.memory_space<vmem>> -> memref<1x128x128xf32, #tpu.memory_space<vmem>>
      %gather3A_537 = tpu.memref_squeeze %gather3A_536 : memref<1x128x128xf32, #tpu.memory_space<vmem>> -> memref<128x128xf32, #tpu.memory_space<vmem>>
      %gather3A_538 = tpu.vector_load_idx %gather3A_537[%add3A_403, %add3A_533] : memref<128x128xf32, #tpu.memory_space<vmem>>[vector<16xi32>, vector<16xi32>], vector<16xf32>,
      %mul3A_539 = vector.broadcast %scan3A_198 : f32 to vector<16xf32>
      %mul3A_540 = arith.mulf %gather3A_538, %mul3A_539 : vector<16xf32>
      %scatter3A_541 = arith.constant 0 : i32
      %scatter3A_542 = arith.constant 0 : i32
      %scatter3A_543 = tpu.memref_slice %arg7[%scan3A_199, %scatter3A_541, %scatter3A_542] : memref<4x64x128xf32, #tpu.memory_space<vmem>> -> memref<1x64x128xf32, #tpu.memory_space<vmem>>
      %scatter3A_544 = tpu.memref_squeeze %scatter3A_543 : memref<1x64x128xf32, #tpu.memory_space<vmem>> -> memref<64x128xf32, #tpu.memory_space<vmem>>
      tpu.vector_store_idx %scatter3A_544[%add3A_533, %add3A_403], %mul3A_540 : memref<64x128xf32, #tpu.memory_space<vmem>>[vector<16xi32>, vector<16xi32>], vector<16xf32>,
      %add3A_545 = vector.broadcast %mul3A_401 : i32 to vector<16xi32>
      %add3A_546 = arith.addi %and3A_132, %add3A_545 : vector<16xi32>
      %gather3A_547 = arith.constant 0 : i32
      %gather3A_548 = arith.constant 0 : i32
      %gather3A_549 = tpu.memref_slice %arg6[%scan3A_197, %gather3A_547, %gather3A_548] : memref<4x128x128xf32, #tpu.memory_space<vmem>> -> memref<1x128x128xf32, #tpu.memory_space<vmem>>
      %gather3A_550 = tpu.memref_squeeze %gather3A_549 : memref<1x128x128xf32, #tpu.memory_space<vmem>> -> memref<128x128xf32, #tpu.memory_space<vmem>>
      %gather3A_551 = tpu.vector_load_idx %gather3A_550[%add3A_403, %add3A_546] : memref<128x128xf32, #tpu.memory_space<vmem>>[vector<16xi32>, vector<16xi32>], vector<16xf32>,
      %mul3A_552 = vector.broadcast %scan3A_198 : f32 to vector<16xf32>
      %mul3A_553 = arith.mulf %gather3A_551, %mul3A_552 : vector<16xf32>
      %scatter3A_554 = arith.constant 0 : i32
      %scatter3A_555 = arith.constant 0 : i32
      %scatter3A_556 = tpu.memref_slice %arg7[%scan3A_199, %scatter3A_554, %scatter3A_555] : memref<4x64x128xf32, #tpu.memory_space<vmem>> -> memref<1x64x128xf32, #tpu.memory_space<vmem>>
      %scatter3A_557 = tpu.memref_squeeze %scatter3A_556 : memref<1x64x128xf32, #tpu.memory_space<vmem>> -> memref<64x128xf32, #tpu.memory_space<vmem>>
      tpu.vector_store_idx %scatter3A_557[%add3A_546, %add3A_403], %mul3A_553 : memref<64x128xf32, #tpu.memory_space<vmem>>[vector<16xi32>, vector<16xi32>], vector<16xf32>,
      %add3A_558 = vector.broadcast %mul3A_401 : i32 to vector<16xi32>
      %add3A_559 = arith.addi %and3A_138, %add3A_558 : vector<16xi32>
      %gather3A_560 = arith.constant 0 : i32
      %gather3A_561 = arith.constant 0 : i32
      %gather3A_562 = tpu.memref_slice %arg6[%scan3A_197, %gather3A_560, %gather3A_561] : memref<4x128x128xf32, #tpu.memory_space<vmem>> -> memref<1x128x128xf32, #tpu.memory_space<vmem>>
      %gather3A_563 = tpu.memref_squeeze %gather3A_562 : memref<1x128x128xf32, #tpu.memory_space<vmem>> -> memref<128x128xf32, #tpu.memory_space<vmem>>
      %gather3A_564 = tpu.vector_load_idx %gather3A_563[%add3A_403, %add3A_559] : memref<128x128xf32, #tpu.memory_space<vmem>>[vector<16xi32>, vector<16xi32>], vector<16xf32>,
      %mul3A_565 = vector.broadcast %scan3A_198 : f32 to vector<16xf32>
      %mul3A_566 = arith.mulf %gather3A_564, %mul3A_565 : vector<16xf32>
      %scatter3A_567 = arith.constant 0 : i32
      %scatter3A_568 = arith.constant 0 : i32
      %scatter3A_569 = tpu.memref_slice %arg7[%scan3A_199, %scatter3A_567, %scatter3A_568] : memref<4x64x128xf32, #tpu.memory_space<vmem>> -> memref<1x64x128xf32, #tpu.memory_space<vmem>>
      %scatter3A_570 = tpu.memref_squeeze %scatter3A_569 : memref<1x64x128xf32, #tpu.memory_space<vmem>> -> memref<64x128xf32, #tpu.memory_space<vmem>>
      tpu.vector_store_idx %scatter3A_570[%add3A_559, %add3A_403], %mul3A_566 : memref<64x128xf32, #tpu.memory_space<vmem>>[vector<16xi32>, vector<16xi32>], vector<16xf32>,
      %add3A_571 = vector.broadcast %mul3A_401 : i32 to vector<16xi32>
      %add3A_572 = arith.addi %and3A_144, %add3A_571 : vector<16xi32>
      %gather3A_573 = arith.constant 0 : i32
      %gather3A_574 = arith.constant 0 : i32
      %gather3A_575 = tpu.memref_slice %arg6[%scan3A_197, %gather3A_573, %gather3A_574] : memref<4x128x128xf32, #tpu.memory_space<vmem>> -> memref<1x128x128xf32, #tpu.memory_space<vmem>>
      %gather3A_576 = tpu.memref_squeeze %gather3A_575 : memref<1x128x128xf32, #tpu.memory_space<vmem>> -> memref<128x128xf32, #tpu.memory_space<vmem>>
      %gather3A_577 = tpu.vector_load_idx %gather3A_576[%add3A_403, %add3A_572] : memref<128x128xf32, #tpu.memory_space<vmem>>[vector<16xi32>, vector<16xi32>], vector<16xf32>,
      %mul3A_578 = vector.broadcast %scan3A_198 : f32 to vector<16xf32>
      %mul3A_579 = arith.mulf %gather3A_577, %mul3A_578 : vector<16xf32>
      %scatter3A_580 = arith.constant 0 : i32
      %scatter3A_581 = arith.constant 0 : i32
      %scatter3A_582 = tpu.memref_slice %arg7[%scan3A_199, %scatter3A_580, %scatter3A_581] : memref<4x64x128xf32, #tpu.memory_space<vmem>> -> memref<1x64x128xf32, #tpu.memory_space<vmem>>
      %scatter3A_583 = tpu.memref_squeeze %scatter3A_582 : memref<1x64x128xf32, #tpu.memory_space<vmem>> -> memref<64x128xf32, #tpu.memory_space<vmem>>
      tpu.vector_store_idx %scatter3A_583[%add3A_572, %add3A_403], %mul3A_579 : memref<64x128xf32, #tpu.memory_space<vmem>>[vector<16xi32>, vector<16xi32>], vector<16xf32>,
      %add3A_584 = vector.broadcast %mul3A_401 : i32 to vector<16xi32>
      %add3A_585 = arith.addi %and3A_150, %add3A_584 : vector<16xi32>
      %gather3A_586 = arith.constant 0 : i32
      %gather3A_587 = arith.constant 0 : i32
      %gather3A_588 = tpu.memref_slice %arg6[%scan3A_197, %gather3A_586, %gather3A_587] : memref<4x128x128xf32, #tpu.memory_space<vmem>> -> memref<1x128x128xf32, #tpu.memory_space<vmem>>
      %gather3A_589 = tpu.memref_squeeze %gather3A_588 : memref<1x128x128xf32, #tpu.memory_space<vmem>> -> memref<128x128xf32, #tpu.memory_space<vmem>>
      %gather3A_590 = tpu.vector_load_idx %gather3A_589[%add3A_403, %add3A_585] : memref<128x128xf32, #tpu.memory_space<vmem>>[vector<16xi32>, vector<16xi32>], vector<16xf32>,
      %mul3A_591 = vector.broadcast %scan3A_198 : f32 to vector<16xf32>
      %mul3A_592 = arith.mulf %gather3A_590, %mul3A_591 : vector<16xf32>
      %scatter3A_593 = arith.constant 0 : i32
      %scatter3A_594 = arith.constant 0 : i32
      %scatter3A_595 = tpu.memref_slice %arg7[%scan3A_199, %scatter3A_593, %scatter3A_594] : memref<4x64x128xf32, #tpu.memory_space<vmem>> -> memref<1x64x128xf32, #tpu.memory_space<vmem>>
      %scatter3A_596 = tpu.memref_squeeze %scatter3A_595 : memref<1x64x128xf32, #tpu.memory_space<vmem>> -> memref<64x128xf32, #tpu.memory_space<vmem>>
      tpu.vector_store_idx %scatter3A_596[%add3A_585, %add3A_403], %mul3A_592 : memref<64x128xf32, #tpu.memory_space<vmem>>[vector<16xi32>, vector<16xi32>], vector<16xf32>,
      %add3A_597 = vector.broadcast %mul3A_401 : i32 to vector<16xi32>
      %add3A_598 = arith.addi %and3A_156, %add3A_597 : vector<16xi32>
      %gather3A_599 = arith.constant 0 : i32
      %gather3A_600 = arith.constant 0 : i32
      %gather3A_601 = tpu.memref_slice %arg6[%scan3A_197, %gather3A_599, %gather3A_600] : memref<4x128x128xf32, #tpu.memory_space<vmem>> -> memref<1x128x128xf32, #tpu.memory_space<vmem>>
      %gather3A_602 = tpu.memref_squeeze %gather3A_601 : memref<1x128x128xf32, #tpu.memory_space<vmem>> -> memref<128x128xf32, #tpu.memory_space<vmem>>
      %gather3A_603 = tpu.vector_load_idx %gather3A_602[%add3A_403, %add3A_598] : memref<128x128xf32, #tpu.memory_space<vmem>>[vector<16xi32>, vector<16xi32>], vector<16xf32>,
      %mul3A_604 = vector.broadcast %scan3A_198 : f32 to vector<16xf32>
      %mul3A_605 = arith.mulf %gather3A_603, %mul3A_604 : vector<16xf32>
      %scatter3A_606 = arith.constant 0 : i32
      %scatter3A_607 = arith.constant 0 : i32
      %scatter3A_608 = tpu.memref_slice %arg7[%scan3A_199, %scatter3A_606, %scatter3A_607] : memref<4x64x128xf32, #tpu.memory_space<vmem>> -> memref<1x64x128xf32, #tpu.memory_space<vmem>>
      %scatter3A_609 = tpu.memref_squeeze %scatter3A_608 : memref<1x64x128xf32, #tpu.memory_space<vmem>> -> memref<64x128xf32, #tpu.memory_space<vmem>>
      tpu.vector_store_idx %scatter3A_609[%add3A_598, %add3A_403], %mul3A_605 : memref<64x128xf32, #tpu.memory_space<vmem>>[vector<16xi32>, vector<16xi32>], vector<16xf32>,
      %scan3A_610 = arith.constant 0 : i32
      scf.yield %scan3A_610 : i32
    }
    %scan3A_206 = arith.constant 32 : i32
    %dma_start3A_207 = arith.constant 0 : i32
    %dma_start3A_208 = arith.constant 48 : i32
    %dma_start3A_209 = arith.constant 0 : i32
    %dma_start3A_210 = arith.constant 0 : i32
    %dma_start3A_211 = arith.constant 0 : i32
    %dma_start3A_212 = tpu.memref_slice %arg7[%dma_start3A_207, %dma_start3A_210, %dma_start3A_211] : memref<4x64x128xf32, #tpu.memory_space<vmem>> -> memref<1x64x128xf32, #tpu.memory_space<vmem>>
    %dma_start3A_213 = tpu.memref_squeeze %dma_start3A_212 : memref<1x64x128xf32, #tpu.memory_space<vmem>> -> memref<64x128xf32, #tpu.memory_space<vmem>>
    %dma_start3A_214 = arith.constant 0 : i32
    %dma_start3A_215 = tpu.memref_slice %arg4[%dma_start3A_208, %dma_start3A_214, %mul3A_2] : memref<50x64x4096xf32, #tpu.memory_space<hbm>> -> memref<1x64x128xf32, #tpu.memory_space<hbm>>
    %dma_start3A_216 = tpu.memref_squeeze %dma_start3A_215 : memref<1x64x128xf32, #tpu.memory_space<hbm>> -> memref<64x128xf32, #tpu.memory_space<hbm>>
    %dma_start3A_217 = tpu.memref_slice %arg9[%dma_start3A_209] : memref<4x!tpu.dma_semaphore, #tpu.memory_space<semaphore_mem>> -> memref<1x!tpu.dma_semaphore, #tpu.memory_space<semaphore_mem>>
    %dma_start3A_218 = tpu.memref_squeeze %dma_start3A_217 : memref<1x!tpu.dma_semaphore, #tpu.memory_space<semaphore_mem>> -> memref<!tpu.dma_semaphore, #tpu.memory_space<semaphore_mem>>
    %dma_start3A_219 = arith.constant 0 : i32
    %dma_start3A_220 = tpu.memref_slice %arg4[%dma_start3A_208, %dma_start3A_219, %mul3A_2] : memref<50x64x4096xf32, #tpu.memory_space<hbm>> -> memref<1x64x128xf32, #tpu.memory_space<hbm>>
    %dma_start3A_221 = tpu.memref_squeeze %dma_start3A_220 : memref<1x64x128xf32, #tpu.memory_space<hbm>> -> memref<64x128xf32, #tpu.memory_space<hbm>>
    %dma_start3A_222 = arith.constant 0 : i32
    %dma_start3A_223 = arith.constant 0 : i32
    %dma_start3A_224 = tpu.memref_slice %arg7[%dma_start3A_207, %dma_start3A_222, %dma_start3A_223] : memref<4x64x128xf32, #tpu.memory_space<vmem>> -> memref<1x64x128xf32, #tpu.memory_space<vmem>>
    %dma_start3A_225 = tpu.memref_squeeze %dma_start3A_224 : memref<1x64x128xf32, #tpu.memory_space<vmem>> -> memref<64x128xf32, #tpu.memory_space<vmem>>
    tpu.enqueue_dma source(%dma_start3A_225 : memref<64x128xf32, #tpu.memory_space<vmem>>) target(%dma_start3A_221 : memref<64x128xf32, #tpu.memory_space<hbm>>) target_semaphore(%dma_start3A_218 : memref<!tpu.dma_semaphore, #tpu.memory_space<semaphore_mem>>)
    %dma_wait3A_226 = arith.constant 0 : i32
    %dma_wait3A_227 = arith.constant 1 : i32
    %dma_wait3A_228 = arith.constant 1 : i32
    %dma_wait3A_229 = arith.constant 0 : i32
    %dma_wait3A_230 = arith.constant 0 : i32
    %dma_wait3A_231 = tpu.memref_slice %arg6[%dma_wait3A_227, %dma_wait3A_229, %dma_wait3A_230] : memref<4x128x128xf32, #tpu.memory_space<vmem>> -> memref<1x128x128xf32, #tpu.memory_space<vmem>>
    %dma_wait3A_232 = tpu.memref_squeeze %dma_wait3A_231 : memref<1x128x128xf32, #tpu.memory_space<vmem>> -> memref<128x128xf32, #tpu.memory_space<vmem>>
    %dma_wait3A_233 = arith.constant 0 : i32
    %dma_wait3A_234 = tpu.memref_slice %arg5[%dma_wait3A_226, %dma_wait3A_233] : memref<50x128xi32, #tpu.memory_space<vmem>> -> memref<1x128xi32, #tpu.memory_space<vmem>>
    %dma_wait3A_235 = tpu.memref_squeeze %dma_wait3A_234 : memref<1x128xi32, #tpu.memory_space<vmem>> -> memref<128xi32, #tpu.memory_space<vmem>>
    %dma_wait3A_236 = arith.constant 0 : i32
    %dma_wait3A_237 = arith.constant 0 : i32
    %dma_wait3A_238 = tpu.memref_slice %arg3[%dma_wait3A_236, %dma_wait3A_237] : memref<100000x128xf32, #tpu.memory_space<hbm>> -> memref<100000x128xf32, #tpu.memory_space<hbm>>
    %dma_wait3A_239 = tpu.memref_slice %arg8[%dma_wait3A_228] : memref<4x!tpu.dma_semaphore, #tpu.memory_space<semaphore_mem>> -> memref<1x!tpu.dma_semaphore, #tpu.memory_space<semaphore_mem>>
    %dma_wait3A_240 = tpu.memref_squeeze %dma_wait3A_239 : memref<1x!tpu.dma_semaphore, #tpu.memory_space<semaphore_mem>> -> memref<!tpu.dma_semaphore, #tpu.memory_space<semaphore_mem>>
    tpu.wait_indirect_dma semaphore(%dma_wait3A_240 : memref<!tpu.dma_semaphore, #tpu.memory_space<semaphore_mem>>) src(%dma_wait3A_238 : memref<100000x128xf32, #tpu.memory_space<hbm>>) dst(%dma_wait3A_232 : memref<128x128xf32, #tpu.memory_space<vmem>>)
    %dma_wait3A_241 = arith.constant 1 : i32
    %dma_wait3A_242 = arith.constant 0 : i32
    %dma_wait3A_243 = arith.constant 1 : i32
    %dma_wait3A_244 = arith.constant 0 : i32
    %dma_wait3A_245 = arith.constant 0 : i32
    %dma_wait3A_246 = tpu.memref_slice %arg7[%dma_wait3A_241, %dma_wait3A_244, %dma_wait3A_245] : memref<4x64x128xf32, #tpu.memory_space<vmem>> -> memref<1x64x128xf32, #tpu.memory_space<vmem>>
    %dma_wait3A_247 = tpu.memref_squeeze %dma_wait3A_246 : memref<1x64x128xf32, #tpu.memory_space<vmem>> -> memref<64x128xf32, #tpu.memory_space<vmem>>
    %dma_wait3A_248 = arith.constant 0 : i32
    %dma_wait3A_249 = tpu.memref_slice %arg4[%dma_wait3A_242, %dma_wait3A_248, %mul3A_2] : memref<50x64x4096xf32, #tpu.memory_space<hbm>> -> memref<1x64x128xf32, #tpu.memory_space<hbm>>
    %dma_wait3A_250 = tpu.memref_squeeze %dma_wait3A_249 : memref<1x64x128xf32, #tpu.memory_space<hbm>> -> memref<64x128xf32, #tpu.memory_space<hbm>>
    %dma_wait3A_251 = tpu.memref_slice %arg9[%dma_wait3A_243] : memref<4x!tpu.dma_semaphore, #tpu.memory_space<semaphore_mem>> -> memref<1x!tpu.dma_semaphore, #tpu.memory_space<semaphore_mem>>
    %dma_wait3A_252 = tpu.memref_squeeze %dma_wait3A_251 : memref<1x!tpu.dma_semaphore, #tpu.memory_space<semaphore_mem>> -> memref<!tpu.dma_semaphore, #tpu.memory_space<semaphore_mem>>
    %dma_wait3A_253 = arith.constant 0 : i32
    %dma_wait3A_254 = tpu.memref_slice %arg4[%dma_wait3A_242, %dma_wait3A_253, %mul3A_2] : memref<50x64x4096xf32, #tpu.memory_space<hbm>> -> memref<1x64x128xf32, #tpu.memory_space<hbm>>
    %dma_wait3A_255 = tpu.memref_squeeze %dma_wait3A_254 : memref<1x64x128xf32, #tpu.memory_space<hbm>> -> memref<64x128xf32, #tpu.memory_space<hbm>>
    %dma_wait3A_256 = arith.constant 0 : i32
    %dma_wait3A_257 = arith.constant 0 : i32
    %dma_wait3A_258 = tpu.memref_slice %arg7[%dma_wait3A_241, %dma_wait3A_256, %dma_wait3A_257] : memref<4x64x128xf32, #tpu.memory_space<vmem>> -> memref<1x64x128xf32, #tpu.memory_space<vmem>>
    %dma_wait3A_259 = tpu.memref_squeeze %dma_wait3A_258 : memref<1x64x128xf32, #tpu.memory_space<vmem>> -> memref<64x128xf32, #tpu.memory_space<vmem>>
    tpu.wait_dma2 semaphore(%dma_wait3A_252 : memref<!tpu.dma_semaphore, #tpu.memory_space<semaphore_mem>>) src(%dma_wait3A_259 : memref<64x128xf32, #tpu.memory_space<vmem>>) dst(%dma_wait3A_255 : memref<64x128xf32, #tpu.memory_space<hbm>>)
    %scan3A_260 = arith.constant 1 : i32
    %scan3A_261 = arith.constant 8.000000e+00 : f32
    %scan3A_262 = arith.constant 1 : i32
    %scan3A_263 = arith.constant 0 : i32
    %scan3A_264 = arith.constant 0 : i32
    %scan3A_265 = arith.constant 32 : i32
    %scan3A_266 = arith.addi %scan3A_264, %scan3A_265 : i32
    %scan3A_267 = arith.constant 1 : i32
    %scan3A_268 = scf.for %scan3A_365 = %scan3A_264 to %scan3A_266 step %scan3A_267 iter_args(%scan3A_366 = %scan3A_263) -> (i32)  : i32 {
      %jit3A = arith.constant 4 : i32
      %div3A = arith.divsi %scan3A_365, %jit3A : i32
      %sign3A = arith.constant 0 : i32
      %sign3A_367 = arith.cmpi sgt, %scan3A_365, %sign3A : i32
      %sign3A_368 = arith.extui %sign3A_367 : i1 to i32
      %sign3A_369 = arith.constant 0 : i32
      %sign3A_370 = arith.cmpi slt, %scan3A_365, %sign3A_369 : i32
      %sign3A_371 = arith.extui %sign3A_370 : i1 to i32
      %sign3A_372 = arith.subi %sign3A_368, %sign3A_371 : i32
      %sign3A_373 = arith.constant 0 : i32
      %sign3A_374 = arith.cmpi sgt, %jit3A, %sign3A_373 : i32
      %sign3A_375 = arith.extui %sign3A_374 : i1 to i32
      %sign3A_376 = arith.constant 0 : i32
      %sign3A_377 = arith.cmpi slt, %jit3A, %sign3A_376 : i32
      %sign3A_378 = arith.extui %sign3A_377 : i1 to i32
      %sign3A_379 = arith.subi %sign3A_375, %sign3A_378 : i32
      %ne3A = arith.cmpi ne, %sign3A_372, %sign3A_379 : i32
      %rem3A = arith.remsi %scan3A_365, %jit3A : i32
      %ne3A_380 = arith.constant 0 : i32
      %ne3A_381 = arith.cmpi ne, %rem3A, %ne3A_380 : i32
      %and3A_382 = arith.andi %ne3A, %ne3A_381 : i1
      %sub3A = arith.constant 1 : i32
      %sub3A_383 = arith.subi %div3A, %sub3A : i32
      %select_n3A = arith.select %and3A_382, %sub3A_383, %div3A : i32
      %mul3A_384 = arith.constant 16 : i32
      %mul3A_385 = arith.muli %select_n3A, %mul3A_384 : i32
      %jit3A_386 = arith.constant 4 : i32
      %eq3A = arith.constant 0 : i32
      %eq3A_387 = arith.cmpi eq, %jit3A_386, %eq3A : i32
      %jit3A_388 = arith.constant 1 : i32
      %select_n3A_389 = arith.select %eq3A_387, %jit3A_388, %jit3A_386 : i32
      %rem3A_390 = arith.remsi %scan3A_365, %select_n3A_389 : i32
      %ne3A_391 = arith.constant 0 : i32
      %ne3A_392 = arith.cmpi ne, %rem3A_390, %ne3A_391 : i32
      %lt3A = arith.constant 0 : i32
      %lt3A_393 = arith.cmpi slt, %rem3A_390, %lt3A : i32
      %lt3A_394 = arith.constant 0 : i32
      %lt3A_395 = arith.cmpi slt, %select_n3A_389, %lt3A_394 : i32
      %ne3A_396 = arith.xori %lt3A_393, %lt3A_395 : i1
      %and3A_397 = arith.andi %ne3A_396, %ne3A_392 : i1
      %add3A_398 = arith.addi %rem3A_390, %select_n3A_389 : i32
      %select_n3A_399 = arith.select %and3A_397, %add3A_398, %rem3A_390 : i32
      %mul3A_400 = arith.constant 16 : i32
      %mul3A_401 = arith.muli %select_n3A_399, %mul3A_400 : i32
      %add3A_402 = vector.broadcast %mul3A_385 : i32 to vector<16xi32>
      %add3A_403 = arith.addi %iota3A, %add3A_402 : vector<16xi32>
      %add3A_404 = vector.broadcast %mul3A_401 : i32 to vector<16xi32>
      %add3A_405 = arith.addi %and3A_66, %add3A_404 : vector<16xi32>
      %gather3A = arith.constant 0 : i32
      %gather3A_406 = arith.constant 0 : i32
      %gather3A_407 = tpu.memref_slice %arg6[%scan3A_260, %gather3A, %gather3A_406] : memref<4x128x128xf32, #tpu.memory_space<vmem>> -> memref<1x128x128xf32, #tpu.memory_space<vmem>>
      %gather3A_408 = tpu.memref_squeeze %gather3A_407 : memref<1x128x128xf32, #tpu.memory_space<vmem>> -> memref<128x128xf32, #tpu.memory_space<vmem>>
      %gather3A_409 = tpu.vector_load_idx %gather3A_408[%add3A_403, %add3A_405] : memref<128x128xf32, #tpu.memory_space<vmem>>[vector<16xi32>, vector<16xi32>], vector<16xf32>,
      %mul3A_410 = vector.broadcast %scan3A_261 : f32 to vector<16xf32>
      %mul3A_411 = arith.mulf %gather3A_409, %mul3A_410 : vector<16xf32>
      %scatter3A = arith.constant 0 : i32
      %scatter3A_412 = arith.constant 0 : i32
      %scatter3A_413 = tpu.memref_slice %arg7[%scan3A_262, %scatter3A, %scatter3A_412] : memref<4x64x128xf32, #tpu.memory_space<vmem>> -> memref<1x64x128xf32, #tpu.memory_space<vmem>>
      %scatter3A_414 = tpu.memref_squeeze %scatter3A_413 : memref<1x64x128xf32, #tpu.memory_space<vmem>> -> memref<64x128xf32, #tpu.memory_space<vmem>>
      tpu.vector_store_idx %scatter3A_414[%add3A_405, %add3A_403], %mul3A_411 : memref<64x128xf32, #tpu.memory_space<vmem>>[vector<16xi32>, vector<16xi32>], vector<16xf32>,
      %add3A_415 = vector.broadcast %mul3A_401 : i32 to vector<16xi32>
      %add3A_416 = arith.addi %and3A_72, %add3A_415 : vector<16xi32>
      %gather3A_417 = arith.constant 0 : i32
      %gather3A_418 = arith.constant 0 : i32
      %gather3A_419 = tpu.memref_slice %arg6[%scan3A_260, %gather3A_417, %gather3A_418] : memref<4x128x128xf32, #tpu.memory_space<vmem>> -> memref<1x128x128xf32, #tpu.memory_space<vmem>>
      %gather3A_420 = tpu.memref_squeeze %gather3A_419 : memref<1x128x128xf32, #tpu.memory_space<vmem>> -> memref<128x128xf32, #tpu.memory_space<vmem>>
      %gather3A_421 = tpu.vector_load_idx %gather3A_420[%add3A_403, %add3A_416] : memref<128x128xf32, #tpu.memory_space<vmem>>[vector<16xi32>, vector<16xi32>], vector<16xf32>,
      %mul3A_422 = vector.broadcast %scan3A_261 : f32 to vector<16xf32>
      %mul3A_423 = arith.mulf %gather3A_421, %mul3A_422 : vector<16xf32>
      %scatter3A_424 = arith.constant 0 : i32
      %scatter3A_425 = arith.constant 0 : i32
      %scatter3A_426 = tpu.memref_slice %arg7[%scan3A_262, %scatter3A_424, %scatter3A_425] : memref<4x64x128xf32, #tpu.memory_space<vmem>> -> memref<1x64x128xf32, #tpu.memory_space<vmem>>
      %scatter3A_427 = tpu.memref_squeeze %scatter3A_426 : memref<1x64x128xf32, #tpu.memory_space<vmem>> -> memref<64x128xf32, #tpu.memory_space<vmem>>
      tpu.vector_store_idx %scatter3A_427[%add3A_416, %add3A_403], %mul3A_423 : memref<64x128xf32, #tpu.memory_space<vmem>>[vector<16xi32>, vector<16xi32>], vector<16xf32>,
      %add3A_428 = vector.broadcast %mul3A_401 : i32 to vector<16xi32>
      %add3A_429 = arith.addi %and3A_78, %add3A_428 : vector<16xi32>
      %gather3A_430 = arith.constant 0 : i32
      %gather3A_431 = arith.constant 0 : i32
      %gather3A_432 = tpu.memref_slice %arg6[%scan3A_260, %gather3A_430, %gather3A_431] : memref<4x128x128xf32, #tpu.memory_space<vmem>> -> memref<1x128x128xf32, #tpu.memory_space<vmem>>
      %gather3A_433 = tpu.memref_squeeze %gather3A_432 : memref<1x128x128xf32, #tpu.memory_space<vmem>> -> memref<128x128xf32, #tpu.memory_space<vmem>>
      %gather3A_434 = tpu.vector_load_idx %gather3A_433[%add3A_403, %add3A_429] : memref<128x128xf32, #tpu.memory_space<vmem>>[vector<16xi32>, vector<16xi32>], vector<16xf32>,
      %mul3A_435 = vector.broadcast %scan3A_261 : f32 to vector<16xf32>
      %mul3A_436 = arith.mulf %gather3A_434, %mul3A_435 : vector<16xf32>
      %scatter3A_437 = arith.constant 0 : i32
      %scatter3A_438 = arith.constant 0 : i32
      %scatter3A_439 = tpu.memref_slice %arg7[%scan3A_262, %scatter3A_437, %scatter3A_438] : memref<4x64x128xf32, #tpu.memory_space<vmem>> -> memref<1x64x128xf32, #tpu.memory_space<vmem>>
      %scatter3A_440 = tpu.memref_squeeze %scatter3A_439 : memref<1x64x128xf32, #tpu.memory_space<vmem>> -> memref<64x128xf32, #tpu.memory_space<vmem>>
      tpu.vector_store_idx %scatter3A_440[%add3A_429, %add3A_403], %mul3A_436 : memref<64x128xf32, #tpu.memory_space<vmem>>[vector<16xi32>, vector<16xi32>], vector<16xf32>,
      %add3A_441 = vector.broadcast %mul3A_401 : i32 to vector<16xi32>
      %add3A_442 = arith.addi %and3A_84, %add3A_441 : vector<16xi32>
      %gather3A_443 = arith.constant 0 : i32
      %gather3A_444 = arith.constant 0 : i32
      %gather3A_445 = tpu.memref_slice %arg6[%scan3A_260, %gather3A_443, %gather3A_444] : memref<4x128x128xf32, #tpu.memory_space<vmem>> -> memref<1x128x128xf32, #tpu.memory_space<vmem>>
      %gather3A_446 = tpu.memref_squeeze %gather3A_445 : memref<1x128x128xf32, #tpu.memory_space<vmem>> -> memref<128x128xf32, #tpu.memory_space<vmem>>
      %gather3A_447 = tpu.vector_load_idx %gather3A_446[%add3A_403, %add3A_442] : memref<128x128xf32, #tpu.memory_space<vmem>>[vector<16xi32>, vector<16xi32>], vector<16xf32>,
      %mul3A_448 = vector.broadcast %scan3A_261 : f32 to vector<16xf32>
      %mul3A_449 = arith.mulf %gather3A_447, %mul3A_448 : vector<16xf32>
      %scatter3A_450 = arith.constant 0 : i32
      %scatter3A_451 = arith.constant 0 : i32
      %scatter3A_452 = tpu.memref_slice %arg7[%scan3A_262, %scatter3A_450, %scatter3A_451] : memref<4x64x128xf32, #tpu.memory_space<vmem>> -> memref<1x64x128xf32, #tpu.memory_space<vmem>>
      %scatter3A_453 = tpu.memref_squeeze %scatter3A_452 : memref<1x64x128xf32, #tpu.memory_space<vmem>> -> memref<64x128xf32, #tpu.memory_space<vmem>>
      tpu.vector_store_idx %scatter3A_453[%add3A_442, %add3A_403], %mul3A_449 : memref<64x128xf32, #tpu.memory_space<vmem>>[vector<16xi32>, vector<16xi32>], vector<16xf32>,
      %add3A_454 = vector.broadcast %mul3A_401 : i32 to vector<16xi32>
      %add3A_455 = arith.addi %and3A_90, %add3A_454 : vector<16xi32>
      %gather3A_456 = arith.constant 0 : i32
      %gather3A_457 = arith.constant 0 : i32
      %gather3A_458 = tpu.memref_slice %arg6[%scan3A_260, %gather3A_456, %gather3A_457] : memref<4x128x128xf32, #tpu.memory_space<vmem>> -> memref<1x128x128xf32, #tpu.memory_space<vmem>>
      %gather3A_459 = tpu.memref_squeeze %gather3A_458 : memref<1x128x128xf32, #tpu.memory_space<vmem>> -> memref<128x128xf32, #tpu.memory_space<vmem>>
      %gather3A_460 = tpu.vector_load_idx %gather3A_459[%add3A_403, %add3A_455] : memref<128x128xf32, #tpu.memory_space<vmem>>[vector<16xi32>, vector<16xi32>], vector<16xf32>,
      %mul3A_461 = vector.broadcast %scan3A_261 : f32 to vector<16xf32>
      %mul3A_462 = arith.mulf %gather3A_460, %mul3A_461 : vector<16xf32>
      %scatter3A_463 = arith.constant 0 : i32
      %scatter3A_464 = arith.constant 0 : i32
      %scatter3A_465 = tpu.memref_slice %arg7[%scan3A_262, %scatter3A_463, %scatter3A_464] : memref<4x64x128xf32, #tpu.memory_space<vmem>> -> memref<1x64x128xf32, #tpu.memory_space<vmem>>
      %scatter3A_466 = tpu.memref_squeeze %scatter3A_465 : memref<1x64x128xf32, #tpu.memory_space<vmem>> -> memref<64x128xf32, #tpu.memory_space<vmem>>
      tpu.vector_store_idx %scatter3A_466[%add3A_455, %add3A_403], %mul3A_462 : memref<64x128xf32, #tpu.memory_space<vmem>>[vector<16xi32>, vector<16xi32>], vector<16xf32>,
      %add3A_467 = vector.broadcast %mul3A_401 : i32 to vector<16xi32>
      %add3A_468 = arith.addi %and3A_96, %add3A_467 : vector<16xi32>
      %gather3A_469 = arith.constant 0 : i32
      %gather3A_470 = arith.constant 0 : i32
      %gather3A_471 = tpu.memref_slice %arg6[%scan3A_260, %gather3A_469, %gather3A_470] : memref<4x128x128xf32, #tpu.memory_space<vmem>> -> memref<1x128x128xf32, #tpu.memory_space<vmem>>
      %gather3A_472 = tpu.memref_squeeze %gather3A_471 : memref<1x128x128xf32, #tpu.memory_space<vmem>> -> memref<128x128xf32, #tpu.memory_space<vmem>>
      %gather3A_473 = tpu.vector_load_idx %gather3A_472[%add3A_403, %add3A_468] : memref<128x128xf32, #tpu.memory_space<vmem>>[vector<16xi32>, vector<16xi32>], vector<16xf32>,
      %mul3A_474 = vector.broadcast %scan3A_261 : f32 to vector<16xf32>
      %mul3A_475 = arith.mulf %gather3A_473, %mul3A_474 : vector<16xf32>
      %scatter3A_476 = arith.constant 0 : i32
      %scatter3A_477 = arith.constant 0 : i32
      %scatter3A_478 = tpu.memref_slice %arg7[%scan3A_262, %scatter3A_476, %scatter3A_477] : memref<4x64x128xf32, #tpu.memory_space<vmem>> -> memref<1x64x128xf32, #tpu.memory_space<vmem>>
      %scatter3A_479 = tpu.memref_squeeze %scatter3A_478 : memref<1x64x128xf32, #tpu.memory_space<vmem>> -> memref<64x128xf32, #tpu.memory_space<vmem>>
      tpu.vector_store_idx %scatter3A_479[%add3A_468, %add3A_403], %mul3A_475 : memref<64x128xf32, #tpu.memory_space<vmem>>[vector<16xi32>, vector<16xi32>], vector<16xf32>,
      %add3A_480 = vector.broadcast %mul3A_401 : i32 to vector<16xi32>
      %add3A_481 = arith.addi %and3A_102, %add3A_480 : vector<16xi32>
      %gather3A_482 = arith.constant 0 : i32
      %gather3A_483 = arith.constant 0 : i32
      %gather3A_484 = tpu.memref_slice %arg6[%scan3A_260, %gather3A_482, %gather3A_483] : memref<4x128x128xf32, #tpu.memory_space<vmem>> -> memref<1x128x128xf32, #tpu.memory_space<vmem>>
      %gather3A_485 = tpu.memref_squeeze %gather3A_484 : memref<1x128x128xf32, #tpu.memory_space<vmem>> -> memref<128x128xf32, #tpu.memory_space<vmem>>
      %gather3A_486 = tpu.vector_load_idx %gather3A_485[%add3A_403, %add3A_481] : memref<128x128xf32, #tpu.memory_space<vmem>>[vector<16xi32>, vector<16xi32>], vector<16xf32>,
      %mul3A_487 = vector.broadcast %scan3A_261 : f32 to vector<16xf32>
      %mul3A_488 = arith.mulf %gather3A_486, %mul3A_487 : vector<16xf32>
      %scatter3A_489 = arith.constant 0 : i32
      %scatter3A_490 = arith.constant 0 : i32
      %scatter3A_491 = tpu.memref_slice %arg7[%scan3A_262, %scatter3A_489, %scatter3A_490] : memref<4x64x128xf32, #tpu.memory_space<vmem>> -> memref<1x64x128xf32, #tpu.memory_space<vmem>>
      %scatter3A_492 = tpu.memref_squeeze %scatter3A_491 : memref<1x64x128xf32, #tpu.memory_space<vmem>> -> memref<64x128xf32, #tpu.memory_space<vmem>>
      tpu.vector_store_idx %scatter3A_492[%add3A_481, %add3A_403], %mul3A_488 : memref<64x128xf32, #tpu.memory_space<vmem>>[vector<16xi32>, vector<16xi32>], vector<16xf32>,
      %add3A_493 = vector.broadcast %mul3A_401 : i32 to vector<16xi32>
      %add3A_494 = arith.addi %and3A_108, %add3A_493 : vector<16xi32>
      %gather3A_495 = arith.constant 0 : i32
      %gather3A_496 = arith.constant 0 : i32
      %gather3A_497 = tpu.memref_slice %arg6[%scan3A_260, %gather3A_495, %gather3A_496] : memref<4x128x128xf32, #tpu.memory_space<vmem>> -> memref<1x128x128xf32, #tpu.memory_space<vmem>>
      %gather3A_498 = tpu.memref_squeeze %gather3A_497 : memref<1x128x128xf32, #tpu.memory_space<vmem>> -> memref<128x128xf32, #tpu.memory_space<vmem>>
      %gather3A_499 = tpu.vector_load_idx %gather3A_498[%add3A_403, %add3A_494] : memref<128x128xf32, #tpu.memory_space<vmem>>[vector<16xi32>, vector<16xi32>], vector<16xf32>,
      %mul3A_500 = vector.broadcast %scan3A_261 : f32 to vector<16xf32>
      %mul3A_501 = arith.mulf %gather3A_499, %mul3A_500 : vector<16xf32>
      %scatter3A_502 = arith.constant 0 : i32
      %scatter3A_503 = arith.constant 0 : i32
      %scatter3A_504 = tpu.memref_slice %arg7[%scan3A_262, %scatter3A_502, %scatter3A_503] : memref<4x64x128xf32, #tpu.memory_space<vmem>> -> memref<1x64x128xf32, #tpu.memory_space<vmem>>
      %scatter3A_505 = tpu.memref_squeeze %scatter3A_504 : memref<1x64x128xf32, #tpu.memory_space<vmem>> -> memref<64x128xf32, #tpu.memory_space<vmem>>
      tpu.vector_store_idx %scatter3A_505[%add3A_494, %add3A_403], %mul3A_501 : memref<64x128xf32, #tpu.memory_space<vmem>>[vector<16xi32>, vector<16xi32>], vector<16xf32>,
      %add3A_506 = vector.broadcast %mul3A_401 : i32 to vector<16xi32>
      %add3A_507 = arith.addi %and3A_114, %add3A_506 : vector<16xi32>
      %gather3A_508 = arith.constant 0 : i32
      %gather3A_509 = arith.constant 0 : i32
      %gather3A_510 = tpu.memref_slice %arg6[%scan3A_260, %gather3A_508, %gather3A_509] : memref<4x128x128xf32, #tpu.memory_space<vmem>> -> memref<1x128x128xf32, #tpu.memory_space<vmem>>
      %gather3A_511 = tpu.memref_squeeze %gather3A_510 : memref<1x128x128xf32, #tpu.memory_space<vmem>> -> memref<128x128xf32, #tpu.memory_space<vmem>>
      %gather3A_512 = tpu.vector_load_idx %gather3A_511[%add3A_403, %add3A_507] : memref<128x128xf32, #tpu.memory_space<vmem>>[vector<16xi32>, vector<16xi32>], vector<16xf32>,
      %mul3A_513 = vector.broadcast %scan3A_261 : f32 to vector<16xf32>
      %mul3A_514 = arith.mulf %gather3A_512, %mul3A_513 : vector<16xf32>
      %scatter3A_515 = arith.constant 0 : i32
      %scatter3A_516 = arith.constant 0 : i32
      %scatter3A_517 = tpu.memref_slice %arg7[%scan3A_262, %scatter3A_515, %scatter3A_516] : memref<4x64x128xf32, #tpu.memory_space<vmem>> -> memref<1x64x128xf32, #tpu.memory_space<vmem>>
      %scatter3A_518 = tpu.memref_squeeze %scatter3A_517 : memref<1x64x128xf32, #tpu.memory_space<vmem>> -> memref<64x128xf32, #tpu.memory_space<vmem>>
      tpu.vector_store_idx %scatter3A_518[%add3A_507, %add3A_403], %mul3A_514 : memref<64x128xf32, #tpu.memory_space<vmem>>[vector<16xi32>, vector<16xi32>], vector<16xf32>,
      %add3A_519 = vector.broadcast %mul3A_401 : i32 to vector<16xi32>
      %add3A_520 = arith.addi %and3A_120, %add3A_519 : vector<16xi32>
      %gather3A_521 = arith.constant 0 : i32
      %gather3A_522 = arith.constant 0 : i32
      %gather3A_523 = tpu.memref_slice %arg6[%scan3A_260, %gather3A_521, %gather3A_522] : memref<4x128x128xf32, #tpu.memory_space<vmem>> -> memref<1x128x128xf32, #tpu.memory_space<vmem>>
      %gather3A_524 = tpu.memref_squeeze %gather3A_523 : memref<1x128x128xf32, #tpu.memory_space<vmem>> -> memref<128x128xf32, #tpu.memory_space<vmem>>
      %gather3A_525 = tpu.vector_load_idx %gather3A_524[%add3A_403, %add3A_520] : memref<128x128xf32, #tpu.memory_space<vmem>>[vector<16xi32>, vector<16xi32>], vector<16xf32>,
      %mul3A_526 = vector.broadcast %scan3A_261 : f32 to vector<16xf32>
      %mul3A_527 = arith.mulf %gather3A_525, %mul3A_526 : vector<16xf32>
      %scatter3A_528 = arith.constant 0 : i32
      %scatter3A_529 = arith.constant 0 : i32
      %scatter3A_530 = tpu.memref_slice %arg7[%scan3A_262, %scatter3A_528, %scatter3A_529] : memref<4x64x128xf32, #tpu.memory_space<vmem>> -> memref<1x64x128xf32, #tpu.memory_space<vmem>>
      %scatter3A_531 = tpu.memref_squeeze %scatter3A_530 : memref<1x64x128xf32, #tpu.memory_space<vmem>> -> memref<64x128xf32, #tpu.memory_space<vmem>>
      tpu.vector_store_idx %scatter3A_531[%add3A_520, %add3A_403], %mul3A_527 : memref<64x128xf32, #tpu.memory_space<vmem>>[vector<16xi32>, vector<16xi32>], vector<16xf32>,
      %add3A_532 = vector.broadcast %mul3A_401 : i32 to vector<16xi32>
      %add3A_533 = arith.addi %and3A_126, %add3A_532 : vector<16xi32>
      %gather3A_534 = arith.constant 0 : i32
      %gather3A_535 = arith.constant 0 : i32
      %gather3A_536 = tpu.memref_slice %arg6[%scan3A_260, %gather3A_534, %gather3A_535] : memref<4x128x128xf32, #tpu.memory_space<vmem>> -> memref<1x128x128xf32, #tpu.memory_space<vmem>>
      %gather3A_537 = tpu.memref_squeeze %gather3A_536 : memref<1x128x128xf32, #tpu.memory_space<vmem>> -> memref<128x128xf32, #tpu.memory_space<vmem>>
      %gather3A_538 = tpu.vector_load_idx %gather3A_537[%add3A_403, %add3A_533] : memref<128x128xf32, #tpu.memory_space<vmem>>[vector<16xi32>, vector<16xi32>], vector<16xf32>,
      %mul3A_539 = vector.broadcast %scan3A_261 : f32 to vector<16xf32>
      %mul3A_540 = arith.mulf %gather3A_538, %mul3A_539 : vector<16xf32>
      %scatter3A_541 = arith.constant 0 : i32
      %scatter3A_542 = arith.constant 0 : i32
      %scatter3A_543 = tpu.memref_slice %arg7[%scan3A_262, %scatter3A_541, %scatter3A_542] : memref<4x64x128xf32, #tpu.memory_space<vmem>> -> memref<1x64x128xf32, #tpu.memory_space<vmem>>
      %scatter3A_544 = tpu.memref_squeeze %scatter3A_543 : memref<1x64x128xf32, #tpu.memory_space<vmem>> -> memref<64x128xf32, #tpu.memory_space<vmem>>
      tpu.vector_store_idx %scatter3A_544[%add3A_533, %add3A_403], %mul3A_540 : memref<64x128xf32, #tpu.memory_space<vmem>>[vector<16xi32>, vector<16xi32>], vector<16xf32>,
      %add3A_545 = vector.broadcast %mul3A_401 : i32 to vector<16xi32>
      %add3A_546 = arith.addi %and3A_132, %add3A_545 : vector<16xi32>
      %gather3A_547 = arith.constant 0 : i32
      %gather3A_548 = arith.constant 0 : i32
      %gather3A_549 = tpu.memref_slice %arg6[%scan3A_260, %gather3A_547, %gather3A_548] : memref<4x128x128xf32, #tpu.memory_space<vmem>> -> memref<1x128x128xf32, #tpu.memory_space<vmem>>
      %gather3A_550 = tpu.memref_squeeze %gather3A_549 : memref<1x128x128xf32, #tpu.memory_space<vmem>> -> memref<128x128xf32, #tpu.memory_space<vmem>>
      %gather3A_551 = tpu.vector_load_idx %gather3A_550[%add3A_403, %add3A_546] : memref<128x128xf32, #tpu.memory_space<vmem>>[vector<16xi32>, vector<16xi32>], vector<16xf32>,
      %mul3A_552 = vector.broadcast %scan3A_261 : f32 to vector<16xf32>
      %mul3A_553 = arith.mulf %gather3A_551, %mul3A_552 : vector<16xf32>
      %scatter3A_554 = arith.constant 0 : i32
      %scatter3A_555 = arith.constant 0 : i32
      %scatter3A_556 = tpu.memref_slice %arg7[%scan3A_262, %scatter3A_554, %scatter3A_555] : memref<4x64x128xf32, #tpu.memory_space<vmem>> -> memref<1x64x128xf32, #tpu.memory_space<vmem>>
      %scatter3A_557 = tpu.memref_squeeze %scatter3A_556 : memref<1x64x128xf32, #tpu.memory_space<vmem>> -> memref<64x128xf32, #tpu.memory_space<vmem>>
      tpu.vector_store_idx %scatter3A_557[%add3A_546, %add3A_403], %mul3A_553 : memref<64x128xf32, #tpu.memory_space<vmem>>[vector<16xi32>, vector<16xi32>], vector<16xf32>,
      %add3A_558 = vector.broadcast %mul3A_401 : i32 to vector<16xi32>
      %add3A_559 = arith.addi %and3A_138, %add3A_558 : vector<16xi32>
      %gather3A_560 = arith.constant 0 : i32
      %gather3A_561 = arith.constant 0 : i32
      %gather3A_562 = tpu.memref_slice %arg6[%scan3A_260, %gather3A_560, %gather3A_561] : memref<4x128x128xf32, #tpu.memory_space<vmem>> -> memref<1x128x128xf32, #tpu.memory_space<vmem>>
      %gather3A_563 = tpu.memref_squeeze %gather3A_562 : memref<1x128x128xf32, #tpu.memory_space<vmem>> -> memref<128x128xf32, #tpu.memory_space<vmem>>
      %gather3A_564 = tpu.vector_load_idx %gather3A_563[%add3A_403, %add3A_559] : memref<128x128xf32, #tpu.memory_space<vmem>>[vector<16xi32>, vector<16xi32>], vector<16xf32>,
      %mul3A_565 = vector.broadcast %scan3A_261 : f32 to vector<16xf32>
      %mul3A_566 = arith.mulf %gather3A_564, %mul3A_565 : vector<16xf32>
      %scatter3A_567 = arith.constant 0 : i32
      %scatter3A_568 = arith.constant 0 : i32
      %scatter3A_569 = tpu.memref_slice %arg7[%scan3A_262, %scatter3A_567, %scatter3A_568] : memref<4x64x128xf32, #tpu.memory_space<vmem>> -> memref<1x64x128xf32, #tpu.memory_space<vmem>>
      %scatter3A_570 = tpu.memref_squeeze %scatter3A_569 : memref<1x64x128xf32, #tpu.memory_space<vmem>> -> memref<64x128xf32, #tpu.memory_space<vmem>>
      tpu.vector_store_idx %scatter3A_570[%add3A_559, %add3A_403], %mul3A_566 : memref<64x128xf32, #tpu.memory_space<vmem>>[vector<16xi32>, vector<16xi32>], vector<16xf32>,
      %add3A_571 = vector.broadcast %mul3A_401 : i32 to vector<16xi32>
      %add3A_572 = arith.addi %and3A_144, %add3A_571 : vector<16xi32>
      %gather3A_573 = arith.constant 0 : i32
      %gather3A_574 = arith.constant 0 : i32
      %gather3A_575 = tpu.memref_slice %arg6[%scan3A_260, %gather3A_573, %gather3A_574] : memref<4x128x128xf32, #tpu.memory_space<vmem>> -> memref<1x128x128xf32, #tpu.memory_space<vmem>>
      %gather3A_576 = tpu.memref_squeeze %gather3A_575 : memref<1x128x128xf32, #tpu.memory_space<vmem>> -> memref<128x128xf32, #tpu.memory_space<vmem>>
      %gather3A_577 = tpu.vector_load_idx %gather3A_576[%add3A_403, %add3A_572] : memref<128x128xf32, #tpu.memory_space<vmem>>[vector<16xi32>, vector<16xi32>], vector<16xf32>,
      %mul3A_578 = vector.broadcast %scan3A_261 : f32 to vector<16xf32>
      %mul3A_579 = arith.mulf %gather3A_577, %mul3A_578 : vector<16xf32>
      %scatter3A_580 = arith.constant 0 : i32
      %scatter3A_581 = arith.constant 0 : i32
      %scatter3A_582 = tpu.memref_slice %arg7[%scan3A_262, %scatter3A_580, %scatter3A_581] : memref<4x64x128xf32, #tpu.memory_space<vmem>> -> memref<1x64x128xf32, #tpu.memory_space<vmem>>
      %scatter3A_583 = tpu.memref_squeeze %scatter3A_582 : memref<1x64x128xf32, #tpu.memory_space<vmem>> -> memref<64x128xf32, #tpu.memory_space<vmem>>
      tpu.vector_store_idx %scatter3A_583[%add3A_572, %add3A_403], %mul3A_579 : memref<64x128xf32, #tpu.memory_space<vmem>>[vector<16xi32>, vector<16xi32>], vector<16xf32>,
      %add3A_584 = vector.broadcast %mul3A_401 : i32 to vector<16xi32>
      %add3A_585 = arith.addi %and3A_150, %add3A_584 : vector<16xi32>
      %gather3A_586 = arith.constant 0 : i32
      %gather3A_587 = arith.constant 0 : i32
      %gather3A_588 = tpu.memref_slice %arg6[%scan3A_260, %gather3A_586, %gather3A_587] : memref<4x128x128xf32, #tpu.memory_space<vmem>> -> memref<1x128x128xf32, #tpu.memory_space<vmem>>
      %gather3A_589 = tpu.memref_squeeze %gather3A_588 : memref<1x128x128xf32, #tpu.memory_space<vmem>> -> memref<128x128xf32, #tpu.memory_space<vmem>>
      %gather3A_590 = tpu.vector_load_idx %gather3A_589[%add3A_403, %add3A_585] : memref<128x128xf32, #tpu.memory_space<vmem>>[vector<16xi32>, vector<16xi32>], vector<16xf32>,
      %mul3A_591 = vector.broadcast %scan3A_261 : f32 to vector<16xf32>
      %mul3A_592 = arith.mulf %gather3A_590, %mul3A_591 : vector<16xf32>
      %scatter3A_593 = arith.constant 0 : i32
      %scatter3A_594 = arith.constant 0 : i32
      %scatter3A_595 = tpu.memref_slice %arg7[%scan3A_262, %scatter3A_593, %scatter3A_594] : memref<4x64x128xf32, #tpu.memory_space<vmem>> -> memref<1x64x128xf32, #tpu.memory_space<vmem>>
      %scatter3A_596 = tpu.memref_squeeze %scatter3A_595 : memref<1x64x128xf32, #tpu.memory_space<vmem>> -> memref<64x128xf32, #tpu.memory_space<vmem>>
      tpu.vector_store_idx %scatter3A_596[%add3A_585, %add3A_403], %mul3A_592 : memref<64x128xf32, #tpu.memory_space<vmem>>[vector<16xi32>, vector<16xi32>], vector<16xf32>,
      %add3A_597 = vector.broadcast %mul3A_401 : i32 to vector<16xi32>
      %add3A_598 = arith.addi %and3A_156, %add3A_597 : vector<16xi32>
      %gather3A_599 = arith.constant 0 : i32
      %gather3A_600 = arith.constant 0 : i32
      %gather3A_601 = tpu.memref_slice %arg6[%scan3A_260, %gather3A_599, %gather3A_600] : memref<4x128x128xf32, #tpu.memory_space<vmem>> -> memref<1x128x128xf32, #tpu.memory_space<vmem>>
      %gather3A_602 = tpu.memref_squeeze %gather3A_601 : memref<1x128x128xf32, #tpu.memory_space<vmem>> -> memref<128x128xf32, #tpu.memory_space<vmem>>
      %gather3A_603 = tpu.vector_load_idx %gather3A_602[%add3A_403, %add3A_598] : memref<128x128xf32, #tpu.memory_space<vmem>>[vector<16xi32>, vector<16xi32>], vector<16xf32>,
      %mul3A_604 = vector.broadcast %scan3A_261 : f32 to vector<16xf32>
      %mul3A_605 = arith.mulf %gather3A_603, %mul3A_604 : vector<16xf32>
      %scatter3A_606 = arith.constant 0 : i32
      %scatter3A_607 = arith.constant 0 : i32
      %scatter3A_608 = tpu.memref_slice %arg7[%scan3A_262, %scatter3A_606, %scatter3A_607] : memref<4x64x128xf32, #tpu.memory_space<vmem>> -> memref<1x64x128xf32, #tpu.memory_space<vmem>>
      %scatter3A_609 = tpu.memref_squeeze %scatter3A_608 : memref<1x64x128xf32, #tpu.memory_space<vmem>> -> memref<64x128xf32, #tpu.memory_space<vmem>>
      tpu.vector_store_idx %scatter3A_609[%add3A_598, %add3A_403], %mul3A_605 : memref<64x128xf32, #tpu.memory_space<vmem>>[vector<16xi32>, vector<16xi32>], vector<16xf32>,
      %scan3A_610 = arith.constant 0 : i32
      scf.yield %scan3A_610 : i32
    }
    %scan3A_269 = arith.constant 32 : i32
    %dma_start3A_270 = arith.constant 1 : i32
    %dma_start3A_271 = arith.constant 49 : i32
    %dma_start3A_272 = arith.constant 1 : i32
    %dma_start3A_273 = arith.constant 0 : i32
    %dma_start3A_274 = arith.constant 0 : i32
    %dma_start3A_275 = tpu.memref_slice %arg7[%dma_start3A_270, %dma_start3A_273, %dma_start3A_274] : memref<4x64x128xf32, #tpu.memory_space<vmem>> -> memref<1x64x128xf32, #tpu.memory_space<vmem>>
    %dma_start3A_276 = tpu.memref_squeeze %dma_start3A_275 : memref<1x64x128xf32, #tpu.memory_space<vmem>> -> memref<64x128xf32, #tpu.memory_space<vmem>>
    %dma_start3A_277 = arith.constant 0 : i32
    %dma_start3A_278 = tpu.memref_slice %arg4[%dma_start3A_271, %dma_start3A_277, %mul3A_2] : memref<50x64x4096xf32, #tpu.memory_space<hbm>> -> memref<1x64x128xf32, #tpu.memory_space<hbm>>
    %dma_start3A_279 = tpu.memref_squeeze %dma_start3A_278 : memref<1x64x128xf32, #tpu.memory_space<hbm>> -> memref<64x128xf32, #tpu.memory_space<hbm>>
    %dma_start3A_280 = tpu.memref_slice %arg9[%dma_start3A_272] : memref<4x!tpu.dma_semaphore, #tpu.memory_space<semaphore_mem>> -> memref<1x!tpu.dma_semaphore, #tpu.memory_space<semaphore_mem>>
    %dma_start3A_281 = tpu.memref_squeeze %dma_start3A_280 : memref<1x!tpu.dma_semaphore, #tpu.memory_space<semaphore_mem>> -> memref<!tpu.dma_semaphore, #tpu.memory_space<semaphore_mem>>
    %dma_start3A_282 = arith.constant 0 : i32
    %dma_start3A_283 = tpu.memref_slice %arg4[%dma_start3A_271, %dma_start3A_282, %mul3A_2] : memref<50x64x4096xf32, #tpu.memory_space<hbm>> -> memref<1x64x128xf32, #tpu.memory_space<hbm>>
    %dma_start3A_284 = tpu.memref_squeeze %dma_start3A_283 : memref<1x64x128xf32, #tpu.memory_space<hbm>> -> memref<64x128xf32, #tpu.memory_space<hbm>>
    %dma_start3A_285 = arith.constant 0 : i32
    %dma_start3A_286 = arith.constant 0 : i32
    %dma_start3A_287 = tpu.memref_slice %arg7[%dma_start3A_270, %dma_start3A_285, %dma_start3A_286] : memref<4x64x128xf32, #tpu.memory_space<vmem>> -> memref<1x64x128xf32, #tpu.memory_space<vmem>>
    %dma_start3A_288 = tpu.memref_squeeze %dma_start3A_287 : memref<1x64x128xf32, #tpu.memory_space<vmem>> -> memref<64x128xf32, #tpu.memory_space<vmem>>
    tpu.enqueue_dma source(%dma_start3A_288 : memref<64x128xf32, #tpu.memory_space<vmem>>) target(%dma_start3A_284 : memref<64x128xf32, #tpu.memory_space<hbm>>) target_semaphore(%dma_start3A_281 : memref<!tpu.dma_semaphore, #tpu.memory_space<semaphore_mem>>)
    %dma_wait3A_289 = arith.constant 0 : i32
    %dma_wait3A_290 = arith.constant 0 : i32
    %dma_wait3A_291 = arith.constant 0 : i32
    %dma_wait3A_292 = arith.constant 0 : i32
    %dma_wait3A_293 = arith.constant 0 : i32
    %dma_wait3A_294 = tpu.memref_slice %arg7[%dma_wait3A_289, %dma_wait3A_292, %dma_wait3A_293] : memref<4x64x128xf32, #tpu.memory_space<vmem>> -> memref<1x64x128xf32, #tpu.memory_space<vmem>>
    %dma_wait3A_295 = tpu.memref_squeeze %dma_wait3A_294 : memref<1x64x128xf32, #tpu.memory_space<vmem>> -> memref<64x128xf32, #tpu.memory_space<vmem>>
    %dma_wait3A_296 = arith.constant 0 : i32
    %dma_wait3A_297 = tpu.memref_slice %arg4[%dma_wait3A_290, %dma_wait3A_296, %mul3A_2] : memref<50x64x4096xf32, #tpu.memory_space<hbm>> -> memref<1x64x128xf32, #tpu.memory_space<hbm>>
    %dma_wait3A_298 = tpu.memref_squeeze %dma_wait3A_297 : memref<1x64x128xf32, #tpu.memory_space<hbm>> -> memref<64x128xf32, #tpu.memory_space<hbm>>
    %dma_wait3A_299 = tpu.memref_slice %arg9[%dma_wait3A_291] : memref<4x!tpu.dma_semaphore, #tpu.memory_space<semaphore_mem>> -> memref<1x!tpu.dma_semaphore, #tpu.memory_space<semaphore_mem>>
    %dma_wait3A_300 = tpu.memref_squeeze %dma_wait3A_299 : memref<1x!tpu.dma_semaphore, #tpu.memory_space<semaphore_mem>> -> memref<!tpu.dma_semaphore, #tpu.memory_space<semaphore_mem>>
    %dma_wait3A_301 = arith.constant 0 : i32
    %dma_wait3A_302 = tpu.memref_slice %arg4[%dma_wait3A_290, %dma_wait3A_301, %mul3A_2] : memref<50x64x4096xf32, #tpu.memory_space<hbm>> -> memref<1x64x128xf32, #tpu.memory_space<hbm>>
    %dma_wait3A_303 = tpu.memref_squeeze %dma_wait3A_302 : memref<1x64x128xf32, #tpu.memory_space<hbm>> -> memref<64x128xf32, #tpu.memory_space<hbm>>
    %dma_wait3A_304 = arith.constant 0 : i32
    %dma_wait3A_305 = arith.constant 0 : i32
    %dma_wait3A_306 = tpu.memref_slice %arg7[%dma_wait3A_289, %dma_wait3A_304, %dma_wait3A_305] : memref<4x64x128xf32, #tpu.memory_space<vmem>> -> memref<1x64x128xf32, #tpu.memory_space<vmem>>
    %dma_wait3A_307 = tpu.memref_squeeze %dma_wait3A_306 : memref<1x64x128xf32, #tpu.memory_space<vmem>> -> memref<64x128xf32, #tpu.memory_space<vmem>>
    tpu.wait_dma2 semaphore(%dma_wait3A_300 : memref<!tpu.dma_semaphore, #tpu.memory_space<semaphore_mem>>) src(%dma_wait3A_307 : memref<64x128xf32, #tpu.memory_space<vmem>>) dst(%dma_wait3A_303 : memref<64x128xf32, #tpu.memory_space<hbm>>)
    %dma_wait3A_308 = arith.constant 1 : i32
    %dma_wait3A_309 = arith.constant 0 : i32
    %dma_wait3A_310 = arith.constant 1 : i32
    %dma_wait3A_311 = arith.constant 0 : i32
    %dma_wait3A_312 = arith.constant 0 : i32
    %dma_wait3A_313 = tpu.memref_slice %arg7[%dma_wait3A_308, %dma_wait3A_311, %dma_wait3A_312] : memref<4x64x128xf32, #tpu.memory_space<vmem>> -> memref<1x64x128xf32, #tpu.memory_space<vmem>>
    %dma_wait3A_314 = tpu.memref_squeeze %dma_wait3A_313 : memref<1x64x128xf32, #tpu.memory_space<vmem>> -> memref<64x128xf32, #tpu.memory_space<vmem>>
    %dma_wait3A_315 = arith.constant 0 : i32
    %dma_wait3A_316 = tpu.memref_slice %arg4[%dma_wait3A_309, %dma_wait3A_315, %mul3A_2] : memref<50x64x4096xf32, #tpu.memory_space<hbm>> -> memref<1x64x128xf32, #tpu.memory_space<hbm>>
    %dma_wait3A_317 = tpu.memref_squeeze %dma_wait3A_316 : memref<1x64x128xf32, #tpu.memory_space<hbm>> -> memref<64x128xf32, #tpu.memory_space<hbm>>
    %dma_wait3A_318 = tpu.memref_slice %arg9[%dma_wait3A_310] : memref<4x!tpu.dma_semaphore, #tpu.memory_space<semaphore_mem>> -> memref<1x!tpu.dma_semaphore, #tpu.memory_space<semaphore_mem>>
    %dma_wait3A_319 = tpu.memref_squeeze %dma_wait3A_318 : memref<1x!tpu.dma_semaphore, #tpu.memory_space<semaphore_mem>> -> memref<!tpu.dma_semaphore, #tpu.memory_space<semaphore_mem>>
    %dma_wait3A_320 = arith.constant 0 : i32
    %dma_wait3A_321 = tpu.memref_slice %arg4[%dma_wait3A_309, %dma_wait3A_320, %mul3A_2] : memref<50x64x4096xf32, #tpu.memory_space<hbm>> -> memref<1x64x128xf32, #tpu.memory_space<hbm>>
    %dma_wait3A_322 = tpu.memref_squeeze %dma_wait3A_321 : memref<1x64x128xf32, #tpu.memory_space<hbm>> -> memref<64x128xf32, #tpu.memory_space<hbm>>
    %dma_wait3A_323 = arith.constant 0 : i32
    %dma_wait3A_324 = arith.constant 0 : i32
    %dma_wait3A_325 = tpu.memref_slice %arg7[%dma_wait3A_308, %dma_wait3A_323, %dma_wait3A_324] : memref<4x64x128xf32, #tpu.memory_space<vmem>> -> memref<1x64x128xf32, #tpu.memory_space<vmem>>
    %dma_wait3A_326 = tpu.memref_squeeze %dma_wait3A_325 : memref<1x64x128xf32, #tpu.memory_space<vmem>> -> memref<64x128xf32, #tpu.memory_space<vmem>>
    tpu.wait_dma2 semaphore(%dma_wait3A_319 : memref<!tpu.dma_semaphore, #tpu.memory_space<semaphore_mem>>) src(%dma_wait3A_326 : memref<64x128xf32, #tpu.memory_space<vmem>>) dst(%dma_wait3A_322 : memref<64x128xf32, #tpu.memory_space<hbm>>)
    %dma_wait3A_327 = arith.constant 2 : i32
    %dma_wait3A_328 = arith.constant 0 : i32
    %dma_wait3A_329 = arith.constant 2 : i32
    %dma_wait3A_330 = arith.constant 0 : i32
    %dma_wait3A_331 = arith.constant 0 : i32
    %dma_wait3A_332 = tpu.memref_slice %arg7[%dma_wait3A_327, %dma_wait3A_330, %dma_wait3A_331] : memref<4x64x128xf32, #tpu.memory_space<vmem>> -> memref<1x64x128xf32, #tpu.memory_space<vmem>>
    %dma_wait3A_333 = tpu.memref_squeeze %dma_wait3A_332 : memref<1x64x128xf32, #tpu.memory_space<vmem>> -> memref<64x128xf32, #tpu.memory_space<vmem>>
    %dma_wait3A_334 = arith.constant 0 : i32
    %dma_wait3A_335 = tpu.memref_slice %arg4[%dma_wait3A_328, %dma_wait3A_334, %mul3A_2] : memref<50x64x4096xf32, #tpu.memory_space<hbm>> -> memref<1x64x128xf32, #tpu.memory_space<hbm>>
    %dma_wait3A_336 = tpu.memref_squeeze %dma_wait3A_335 : memref<1x64x128xf32, #tpu.memory_space<hbm>> -> memref<64x128xf32, #tpu.memory_space<hbm>>
    %dma_wait3A_337 = tpu.memref_slice %arg9[%dma_wait3A_329] : memref<4x!tpu.dma_semaphore, #tpu.memory_space<semaphore_mem>> -> memref<1x!tpu.dma_semaphore, #tpu.memory_space<semaphore_mem>>
    %dma_wait3A_338 = tpu.memref_squeeze %dma_wait3A_337 : memref<1x!tpu.dma_semaphore, #tpu.memory_space<semaphore_mem>> -> memref<!tpu.dma_semaphore, #tpu.memory_space<semaphore_mem>>
    %dma_wait3A_339 = arith.constant 0 : i32
    %dma_wait3A_340 = tpu.memref_slice %arg4[%dma_wait3A_328, %dma_wait3A_339, %mul3A_2] : memref<50x64x4096xf32, #tpu.memory_space<hbm>> -> memref<1x64x128xf32, #tpu.memory_space<hbm>>
    %dma_wait3A_341 = tpu.memref_squeeze %dma_wait3A_340 : memref<1x64x128xf32, #tpu.memory_space<hbm>> -> memref<64x128xf32, #tpu.memory_space<hbm>>
    %dma_wait3A_342 = arith.constant 0 : i32
    %dma_wait3A_343 = arith.constant 0 : i32
    %dma_wait3A_344 = tpu.memref_slice %arg7[%dma_wait3A_327, %dma_wait3A_342, %dma_wait3A_343] : memref<4x64x128xf32, #tpu.memory_space<vmem>> -> memref<1x64x128xf32, #tpu.memory_space<vmem>>
    %dma_wait3A_345 = tpu.memref_squeeze %dma_wait3A_344 : memref<1x64x128xf32, #tpu.memory_space<vmem>> -> memref<64x128xf32, #tpu.memory_space<vmem>>
    tpu.wait_dma2 semaphore(%dma_wait3A_338 : memref<!tpu.dma_semaphore, #tpu.memory_space<semaphore_mem>>) src(%dma_wait3A_345 : memref<64x128xf32, #tpu.memory_space<vmem>>) dst(%dma_wait3A_341 : memref<64x128xf32, #tpu.memory_space<hbm>>)
    %dma_wait3A_346 = arith.constant 3 : i32
    %dma_wait3A_347 = arith.constant 0 : i32
    %dma_wait3A_348 = arith.constant 3 : i32
    %dma_wait3A_349 = arith.constant 0 : i32
    %dma_wait3A_350 = arith.constant 0 : i32
    %dma_wait3A_351 = tpu.memref_slice %arg7[%dma_wait3A_346, %dma_wait3A_349, %dma_wait3A_350] : memref<4x64x128xf32, #tpu.memory_space<vmem>> -> memref<1x64x128xf32, #tpu.memory_space<vmem>>
    %dma_wait3A_352 = tpu.memref_squeeze %dma_wait3A_351 : memref<1x64x128xf32, #tpu.memory_space<vmem>> -> memref<64x128xf32, #tpu.memory_space<vmem>>
    %dma_wait3A_353 = arith.constant 0 : i32
    %dma_wait3A_354 = tpu.memref_slice %arg4[%dma_wait3A_347, %dma_wait3A_353, %mul3A_2] : memref<50x64x4096xf32, #tpu.memory_space<hbm>> -> memref<1x64x128xf32, #tpu.memory_space<hbm>>
    %dma_wait3A_355 = tpu.memref_squeeze %dma_wait3A_354 : memref<1x64x128xf32, #tpu.memory_space<hbm>> -> memref<64x128xf32, #tpu.memory_space<hbm>>
    %dma_wait3A_356 = tpu.memref_slice %arg9[%dma_wait3A_348] : memref<4x!tpu.dma_semaphore, #tpu.memory_space<semaphore_mem>> -> memref<1x!tpu.dma_semaphore, #tpu.memory_space<semaphore_mem>>
    %dma_wait3A_357 = tpu.memref_squeeze %dma_wait3A_356 : memref<1x!tpu.dma_semaphore, #tpu.memory_space<semaphore_mem>> -> memref<!tpu.dma_semaphore, #tpu.memory_space<semaphore_mem>>
    %dma_wait3A_358 = arith.constant 0 : i32
    %dma_wait3A_359 = tpu.memref_slice %arg4[%dma_wait3A_347, %dma_wait3A_358, %mul3A_2] : memref<50x64x4096xf32, #tpu.memory_space<hbm>> -> memref<1x64x128xf32, #tpu.memory_space<hbm>>
    %dma_wait3A_360 = tpu.memref_squeeze %dma_wait3A_359 : memref<1x64x128xf32, #tpu.memory_space<hbm>> -> memref<64x128xf32, #tpu.memory_space<hbm>>
    %dma_wait3A_361 = arith.constant 0 : i32
    %dma_wait3A_362 = arith.constant 0 : i32
    %dma_wait3A_363 = tpu.memref_slice %arg7[%dma_wait3A_346, %dma_wait3A_361, %dma_wait3A_362] : memref<4x64x128xf32, #tpu.memory_space<vmem>> -> memref<1x64x128xf32, #tpu.memory_space<vmem>>
    %dma_wait3A_364 = tpu.memref_squeeze %dma_wait3A_363 : memref<1x64x128xf32, #tpu.memory_space<vmem>> -> memref<64x128xf32, #tpu.memory_space<vmem>>
    tpu.wait_dma2 semaphore(%dma_wait3A_357 : memref<!tpu.dma_semaphore, #tpu.memory_space<semaphore_mem>>) src(%dma_wait3A_364 : memref<64x128xf32, #tpu.memory_space<vmem>>) dst(%dma_wait3A_360 : memref<64x128xf32, #tpu.memory_space<hbm>>)
    return
  }
}

</mosaic_0001>

<sc_bundles>
// kernel: kernel.3.cloned.1.call-start
scs
__scs_entry_jumppad:
0x0: {  	(pc) =	sbr.rel $0x88, $3  }
0x1: {  	(tag) =	ssettag $0x0;
	lr =	simm.s32 $0x1  }
0x2: {  	[smem:$0x3F9F] =	sst lr;
	_ =	strace $0xD0000000  }
0x3: {  	_ = 	snop  }
0x4: {  	_ = 	snop  }
0x5: {  	_ = 	snop  }
0x6: {  	_ = 	snop  }
0x7: {  	_ = 	snop  }
__scs_overlays_trampoline_lowered:
0x8: {  	[smem:$0x3FAE] =	sst s0  }
0x9: {  	[smem:$0x3FAF] =	sst s1  }
0xa: {  	[smem:$0x3FB0] =	sst s2  }
0xb: {  	[smem:$0x3FB1] =	sst s3  }
0xc: {  	[smem:$0x3FB2] =	sst s4  }
0xd: {  	[smem:$0x3FB3] =	sst s5  }
0xe: {  	[smem:$0x3FB4] =	sst s6  }
0xf: {  	[smem:$0x3FB5] =	sst s7  }
0x10: {  	[smem:$0x3FB6] =	sst s8  }
0x11: {  	[smem:$0x3FB7] =	sst s9;
	s0 =	simm.s32 @!p0 $0x0  }
0x12: {  	s1 =	sld [smem:$0x3F9D];
	s0 =	simm.s32 @p0 $0x1  }
0x13: {  	[smem:$0x3FB8] =	sst s0;
	s0 =	simm.s32 @!p1 $0x0  }
0x14: {  	s2 =	sld [smem:$0x3F9C];
	s0 =	simm.s32 @p1 $0x1  }
0x15: {  	[smem:$0x3FB9] =	sst s0;
	s0 =	simm.s32 @!p2 $0x0  }
0x16: {  	s3 =	sld [smem:$0x3FDB];
	s0 =	simm.s32 @p2 $0x1  }
0x17: {  	s4 =	simm.s32 $0x1BF5;
	[smem:$0x3FBB] =	sst s0  }
0x18: {  	s0 =	sld [smem:$0x3F9E];
	_ =	swait.ge [sflag:s4], $0x0  }
0x19: {  	s7 =	sld [smem:$0x3F9F]  }
0x1a: {  	s8 =	sadd.s32 $0xFFFFE003, lr  }
0x1b: {  	s9 =	sadd.s32 $0xFFFFFEF7, lr;
	s5 =	simm.s32 $0xFFFFFFFF;
	p2 =	slt.u32 s8, $0xFFFFF086  }
0x1c: {  	p1 =	slt.u32 s9, $0xF7A;
	s5 =	simm.s32 @!p2 $0x0  }
0x1d: {  	s5 =	simm.s32 @p1 $0x1;
	p0 =	seq.s32 s7, s2  }
0x1e: {  	s7 =	smul.u32 @!p0 $0xF7A, s2;
	p2 =	seq.s32 @!p0 s5, $0x0  }
0x1f: {  	s9 =	smul.u32 $0xF7A, s1;
	s8 =	simm.s32 @!p0 $0x1BF5;
	p2 =	por !p2, p0  }
0x20: {  	[sflag:s8] =	ssyncset.s32 @!p0 $0xFFFFF086;
	s6 =	sadd.s32 @!p0 s3, s7;
	s7 =	simm.s32 @!p0 $0x108  }
0x21: {  	s3 =	sadd.s32 s3, s9;
	s6 =	sadd.s32 @!p0 $0x88, s6;
	s7 =	simm.s32 @p2 $0x1082  }
0x22: {  	[simem:s7], [sflag:s8] =	dma.local @!p0 [hbm:s6], $0xF7A  }
0x23: {  	s9 =	sor.u32 $0xD0000000, s2;
	s6 =	simm.s32 $0x108;
	_ =	swait.ge @!p0 [sflag:s8], $0x0  }
0x24: {  	s3 =	sadd.s32 $0x88, s3;
	s6 =	simm.s32 @!p1 $0x1082;
	[sflag:s4] =	ssyncset.s32 $0xFFFFF086  }
0x25: {  	[simem:s6], [sflag:s4] =	dma.local [hbm:s3], $0xF7A  }
0x26: {  	[smem:$0x3F9F] =	sst s1;
	(tag) =	ssettag s2;
	_ =	strace s9  }
0x27: {  	s1 =	sld [smem:$0x3FAF]  }
0x28: {  	s2 =	sld [smem:$0x3FB0]  }
0x29: {  	s4 =	sld [smem:$0x3FB2]  }
0x2a: {  	p0 =	seq.s32 s5, $0x0;
	s5 =	sld [smem:$0x3FB3]  }
0x2b: {  	s6 =	sld [smem:$0x3FB4]  }
0x2c: {  	s7 =	sld [smem:$0x3FB5]  }
0x2d: {  	s3 =	simm.s32 $0x108;
	s8 =	sld [smem:$0x3FB6]  }
0x2e: {  	s3 =	simm.s32 @!p0 $0x1082;
	s9 =	sld [smem:$0x3FB7]  }
0x2f: {  	lr =	sadd.s32 s0, s3;
	s0 =	sld [smem:$0x3FAE]  }
0x30: {  	s3 =	sld [smem:$0x3FB1]  }
0x31: {  	[smem:$0x3FBA] =	sst s10  }
0x32: {  	s10 =	sld [smem:$0x3FB8];
	_ =	sdelay $0x3  }
0x33: {  	p0 =	seq.s32 s10, $0x1;
	s10 =	sld [smem:$0x3FBA];
	_ =	sdelay $0x3  }
0x34: {  	[smem:$0x3FBA] =	sst s10  }
0x35: {  	s10 =	sld [smem:$0x3FB9];
	_ =	sdelay $0x3  }
0x36: {  	p1 =	seq.s32 s10, $0x1;
	s10 =	sld [smem:$0x3FBA];
	_ =	sdelay $0x3  }
0x37: {  	[smem:$0x3FBA] =	sst s10  }
0x38: {  	s10 =	sld [smem:$0x3FBB]  }
0x39: {  	_ = 	snop;
	(pc) =	sbr.ind lr, $3  }
0x3a: {  	_ = 	snop  }
0x3b: {  	_ = 	snop  }
0x3c: {  	p2 =	seq.s32 s10, $0x1;
	s10 =	sld [smem:$0x3FBA]  }
0x3d: {  	_ =	shalt  }
0x3e: {  	_ =	shalt  }
0x3f: {  	_ =	shalt  }
0x40: {  	_ =	shalt  }
0x41: {  	_ =	shalt  }
0x42: {  	_ =	shalt  }
0x43: {  	_ =	shalt  }
0x44: {  	_ =	shalt  }
0x45: {  	_ =	shalt  }
0x46: {  	_ =	shalt  }
0x47: {  	_ =	shalt  }
0x48: {  	_ =	shalt  }
0x49: {  	_ =	shalt  }
0x4a: {  	_ =	shalt  }
0x4b: {  	_ =	shalt  }
0x4c: {  	_ =	shalt  }
0x4d: {  	_ =	shalt  }
0x4e: {  	_ =	shalt  }
0x4f: {  	_ =	shalt  }
0x50: {  	_ =	shalt  }
0x51: {  	_ =	shalt  }
0x52: {  	_ =	shalt  }
0x53: {  	_ =	shalt  }
0x54: {  	_ =	shalt  }
0x55: {  	_ =	shalt  }
0x56: {  	_ =	shalt  }
0x57: {  	_ =	shalt  }
0x58: {  	_ =	shalt  }
0x59: {  	_ =	shalt  }
0x5a: {  	_ =	shalt  }
0x5b: {  	_ =	shalt  }
0x5c: {  	_ =	shalt  }
0x5d: {  	_ =	shalt  }
0x5e: {  	_ =	shalt  }
0x5f: {  	_ =	shalt  }
0x60: {  	_ =	shalt  }
0x61: {  	_ =	shalt  }
0x62: {  	_ =	shalt  }
0x63: {  	_ =	shalt  }
0x64: {  	_ =	shalt  }
0x65: {  	_ =	shalt  }
0x66: {  	_ =	shalt  }
0x67: {  	_ =	shalt  }
0x68: {  	_ =	shalt  }
0x69: {  	_ =	shalt  }
0x6a: {  	_ =	shalt  }
0x6b: {  	_ =	shalt  }
0x6c: {  	_ =	shalt  }
0x6d: {  	_ =	shalt  }
0x6e: {  	_ =	shalt  }
0x6f: {  	_ =	shalt  }
0x70: {  	_ =	shalt  }
0x71: {  	_ =	shalt  }
0x72: {  	_ =	shalt  }
0x73: {  	_ =	shalt  }
0x74: {  	_ =	shalt  }
0x75: {  	_ =	shalt  }
0x76: {  	_ =	shalt  }
0x77: {  	_ =	shalt  }
0x78: {  	_ =	shalt  }
0x79: {  	_ =	shalt  }
0x7a: {  	_ =	shalt  }
0x7b: {  	_ =	shalt  }
0x7c: {  	_ =	shalt  }
0x7d: {  	_ =	shalt  }
0x7e: {  	_ =	shalt  }
0x7f: {  	_ =	shalt  }
0x80: {  	_ =	shalt  }
0x81: {  	_ =	shalt  }
0x82: {  	_ =	shalt  }
0x83: {  	_ =	shalt  }
0x84: {  	_ =	shalt  }
0x85: {  	_ =	shalt  }
0x86: {  	_ =	shalt  }
0x87: {  	_ =	shalt  }
.Lfunc_end0:
.L_simem_size_0:
called_computation_lowered:
.L_overlay_start_0:
0x88: {  	s2 =	sld [smem:$0x3FD9]  }
0x89: {  	s3 =	sld [smem:$0x3FFE];
	_ =	sdelay $0x1  }
0x8a: {  	s1 =	srdreg.scid  }
0x8b: {  	s0 =	sand.u32 $0x1, s1  }
0x8c: {  	s17 =	sshll.u32 s0, $0xA;
	s2 =	sadd.s32 s3, s2  }
0x8d: {  	s2 =	sadd.s32 s2, s17  }
0x8e: {  	[smem:$0x3FC6] =	sst s2  }
0x8f: {  	_ = 	snop  }
0x90: {  	s2 =	sld [smem:$0x3FC9]  }
0x91: {  	s18 =	sld [smem:$0x3FD0];
	(tm) =	ssettm $0x1  }
0x92: {  	s4 =	sld [smem:$0x3FFB];
	_ =	sdelay $0x3  }
0x93: {  	_ =	strace s4  }
0x94: {  	s4 =	sld [smem:$0x3FFC];
	_ =	sdelay $0x3  }
0x95: {  	_ =	strace s4  }
0x96: {  	s4 =	sld [smem:$0x3FFD];
	_ =	sdelay $0x3  }
0x97: {  	_ =	strace s4  }
0x98: {  	_ =	strace $0x8FFFFFFF  }
0x99: {  	s19 =	sld [smem:$0x3FDB];
	_ =	sdelay $0x1  }
0x9a: {  	s5 =	simm.s32 $_scs_section_size  }
0x9b: {  	s6 =	simm.s32 $_size__tile_overlayer_lowered;
	s7 =	simm.s32 $_tile_overlayer_lowered  }
0x9c: {  	s22 =	simm.s32 $0x1BFF;
	s21 =	sshll.u32 s7, $0x1;
	s4 =	sadd.s32 s5, s19  }
0x9d: {  	s8 =	simm.s32 $0x0;
	s20 =	sshll.u32 s6, $0x1;
	s6 =	sadd.s32 s21, s4  }
0x9e: {  	[timem:s8], [sflag:s22] =	dma.local [hbm:s6], s20  }
0x9f: {  	_ =	swait.ge [sflag:s22], s20  }
0xa0: {  	s5 =	ssub.s32 $0x0, s20;
	[sflag:s22] =	ssyncset.done $0x0  }
0xa1: {  	[sflag:s22] =	ssyncadd.s32 s5;
	_ =	sdelay $0x1  }
0xa2: {  	s23 =	simm.s32 $0x1B8B  }
0xa3: {  	_ =	swait.ge [sflag:s23], $0x1  }
0xa4: {  	[sflag:s23] =	ssyncset.done $0x0  }
0xa5: {  	s25 =	simm.s32 $0x1B8E;
	s24 =	sld [smem:$0x3FFE];
	[sflag:s23] =	ssyncadd.s32 $0xFFFFFFFF  }
0xa6: {  	s26 =	simm.s32 $execute0_lowered;
	[smem:$0x3FD2] =	sst s25  }
0xa7: {  	s6 =	sshll.u32 s26, $0x1;
	_ =	strace $0x80000046;
	[dreg:$0x1] =	wrdreg $0xFFFFFFFF  }
0xa8: {  	s28 =	simm.s32 $_size_execute0_lowered;
	s4 =	sadd.s32 s4, s6;
	[dreg:$0x0] =	wrdreg $0x0  }
0xa9: {  	s6 =	sshll.u32 s28, $0x1;
	[dreg:$0x2] =	wrdreg s4  }
0xaa: {  	[dreg:$0x3] =	wrdreg s6  }
0xab: {  	[dreg:$0x4] =	wrdreg $0xC0  }
0xac: {  	_ =	task [dreg:s8], $0x5FFFF  }
0xad: {  	[dreg:$0x1] =	wrdreg $0xFFFFFFFF  }
0xae: {  	[dreg:$0x0] =	wrdreg $0x60  }
0xaf: {  	[dreg:$0x2] =	wrdreg s2  }
0xb0: {  	[dreg:$0x3] =	wrdreg s24  }
0xb1: {  	[dreg:$0x4] =	wrdreg s18  }
0xb2: {  	[dreg:$0x5] =	wrdreg $0x9  }
0xb3: {  	_ =	task.clear_ibuf [dreg:s8], $0x6FFFF;
	_ =	strace $0x90000046  }
0xb4: {  	s29 =	simm.s32 $0x9;
	_ =	strace $0x80000048  }
0xb5: {  	_ =	swait.ge [sflag:s29], $0x1  }
0xb6: {  	[sflag:s29] =	ssyncadd.s32 $0xFFFFFFFF  }
0xb7: {  	_ =	strace $0x90000048  }
0xb8: {  	_ =	sfence  }
0xb9: {  	s30 =	sld [smem:$0x0];
	_ =	sdelay $0x2  }
0xba: {  	s31 =	sshll.u32 s1, $0xD;
	s1 =	sshrl.u32 s1, $0x2  }
0xbb: {  	s3 =	sand.u32 $0x4000, s31;
	s1 =	sadd.s32 s1, s30  }
0xbc: {  	s0 =	sor.u32 s3, s0;
	s1 =	sshll.u32 s1, $0x11  }
0xbd: {  	s0 =	sor.u32 s1, s0  }
0xbe: {  	s0 =	sadd.s32 $0x8F2B, s0  }
0xbf: {  	[sflag:s0] =	ssyncadd.remote.s32 $0x1  }
0xc0: {  	_ =	sfence.sel $0xFFFF  }
0xc1: {  	[dreg:$0x0] =	wrdreg $0xFFFFFFFF;
	(pc) =	sbr.abs _section_cstart, $3  }
0xc2: {  	[dreg:$0x1] =	wrdreg $0xFFFFFFFF  }
0xc3: {  	_ =	task.clear_ibuf [dreg:s8], $0x2FFFF;
	_ =	strace $0x9FFFFFFF  }
0xc4: {  	(tm) =	ssettm $0x7FFFFFFF  }
0xc5: {  	_ =	shalt  }
tec
execute0_lowered:
.L_overlay_start_1:
0x0: {  	(tag) =	ssettag $0x1  }
0x1: {  	v0 =	vimm.s32 $0xFEDCBA9  }
0x2: {  	v2 =	vimm.s32 $0x87654321;
	v3 =	vimm.s32 $0x98765432;
	v4 =	vimm.s32 $0x210FEDCB  }
0x3: {  	v5 =	vimm.s32 $0xA9876543;
	v15 =	vimm.s32 $0xCBA98765;
	v17 =	vimm.s32 $0x6543210F  }
0x4: {  	v18 =	vimm.s32 $0xEDCBA987;
	v19 =	vimm.s32 $0xFEDCBA98;
	v20 =	vimm.s32 $0x76543210  }
0x5: {  	v1 =	vunpack.c.l.s4.s8 v0;
	v0 =	vlaneseq.u32;
	v3 =	vunpack.c.l.s4.s8 v3  }
0x6: {  	v4 =	vunpack.c.l.s4.s8 v4;
	v17 =	vunpack.c.l.s4.s8 v17;
	v18 =	vunpack.c.l.s4.s8 v18  }
0x7: {  	v19 =	vunpack.c.l.s4.s8 v19;
	v7 =	vunpack.c.0.s8.s32 v1;
	v1 =	vunpack.c.l.s4.s8 v2  }
0x8: {  	v2 =	vimm.s32 $0x10FEDCBA;
	v10 =	vunpack.c.0.s8.s32 v3;
	v11 =	vunpack.c.0.s8.s32 v4  }
0x9: {  	v17 =	vunpack.c.0.s8.s32 v17;
	v18 =	vunpack.c.0.s8.s32 v18;
	v2 =	vunpack.c.l.s4.s8 v2  }
0xa: {  	s0 =	rddreg [dreg:$0x0];
	v19 =	vunpack.c.0.s8.s32 v19;
	v8 =	vunpack.c.0.s8.s32 v1;
	v1 =	vunpack.c.l.s4.s8 v5  }
0xb: {  	s2 =	rddreg [dreg:$0x1];
	v23 =	vcombine.low v18, v17;
	v9 =	vunpack.c.0.s8.s32 v2;
	v2 =	vimm.s32 $0x3210FEDC  }
0xc: {  	s1 =	rddreg [dreg:$0x2];
	v19 =	vand.u32 $0xF, v19;
	v12 =	vunpack.c.0.s8.s32 v1;
	v1 =	vunpack.c.l.s4.s8 v2  }
0xd: {  	s3 =	srdreg.scid;
	s4 =	stileid.u32;
	s6 =	simm.s32 $0x0;
	v2 =	vimm.s32 $0xBA987654;
	v3 =	vcombine.low v8, v7;
	v63 =	vcombine.low v7, v8  }
0xe: {  	s14 =	simm.s32 $0x400;
	s15 =	simm.s32 $0x8000;
	s18 =	simm.s32 $0x80;
	v8 =	vand.u32 $0xF, v23;
	v4 =	vcombine.low v10, v9;
	v2 =	vunpack.c.l.s4.s8 v2  }
0xf: {  	s19 =	simm.s32 $0x1C00;
	s20 =	simm.s32 $0x5C00;
	s28 =	simm.s32 $0x2;
	v10 =	vcombine.low v9, v10;
	v5 =	vcombine.low v12, v11;
	v13 =	vunpack.c.0.s8.s32 v1  }
0x10: {  	s29 =	simm.s32 $0x13C00;
	s30 =	simm.s32 $0x3;
	s31 =	simm.s32 $0x15C00;
	v1 =	vimm.s32 $0x43210FED;
	v11 =	vcombine.low v11, v12;
	v14 =	vunpack.c.0.s8.s32 v2  }
0x11: {  	s11 =	simm.s32 $0x0;
	s3 =	sand.u32 $0x1, s3;
	s4 =	sshll.u32 s4, $0xB;
	v6 =	vunpack.c.l.s4.s8 v1;
	v2 =	vand.u32 $0xF, v4;
	v4 =	vunpack.c.l.s4.s8 v15  }
0x12: {  	[smem:$0x7FF] =	sst s6;
	s8 =	sadd.s32 $0x8000, s1;
	s5 =	sshll.u32 s3, $0xA;
	v9 =	vand.u32 $0xF, v63;
	v1 =	vand.u32 $0xF, v3;
	v10 =	vand.u32 $0xF, v10  }
0x13: {  	s9 =	sadd.s32 $0x10000, s1;
	s3 =	ssub.s32 $0x2, s3;
	s4 =	sor.u32 s5, s4;
	v3 =	vand.u32 $0xF, v5;
	v15 =	vunpack.c.0.s8.s32 v6;
	v16 =	vunpack.c.0.s8.s32 v4  }
0x14: {  	s10 =	sadd.s32 $0x18000, s1;
	s22 =	sshrl.u32 s3, $0x1;
	s21 =	sshrl.u32 s4, $0x3;
	v4 =	vimm.s32 $0x543210FE;
	v6 =	vimm.s32 $0xDCBA9876;
	v12 =	vcombine.low v13, v14  }
0x15: {  	_ =	strace $0x80000047;
	s23 =	ssub.s32 s3, s22;
	s7 =	sadd.s32 s0, s21;
	v11 =	vand.u32 $0xF, v11;
	v4 =	vunpack.c.l.s4.s8 v4;
	v6 =	vunpack.c.l.s4.s8 v6  }
0x16: {  	s5 =	sadd.s32 $0x400, s2;
	s0 =	smax.u32 s23, $0x1;
	[dreg:$0x4] =	wrdreg s7;
	v5 =	vcombine.low v14, v13;
	v13 =	vcombine.low v15, v16;
	v12 =	vand.u32 $0xF, v12  }
0x17: {  	s25 =	sadd.s32 s21, s1;
	s24 =	sadd.s32 $0x6000, s7;
	[dreg:$0x8] =	wrdreg s0;
	v21 =	vunpack.c.0.s8.s32 v4;
	v22 =	vunpack.c.0.s8.s32 v6;
	v6 =	vunpack.c.l.s4.s8 v20  }
0x18: {  	s22 =	simm.s32 $0x9C00;
	s26 =	sadd.s32 $0x180000, s25;
	[dreg:$0x5] =	wrdreg s24;
	v4 =	vand.u32 $0xF, v5;
	v5 =	vcombine.low v16, v15;
	v15 =	vcombine.low v17, v18  }
0x19: {  	s21 =	simm.s32 $0x6;
	s2 =	sadd.s32 $0x188000, s25;
	[dreg:$0x6] =	wrdreg s26;
	v6 =	vunpack.c.0.s8.s32 v6;
	v62 =	vcombine.low v22, v21;
	v14 =	vcombine.low v21, v22  }
0x1a: {  	s25 =	simm.s32 $0x1;
	s0 =	simm.s32 $0x4;
	[dreg:$0x7] =	wrdreg s2;
	v13 =	vand.u32 $0xF, v13;
	v5 =	vand.u32 $0xF, v5;
	v15 =	vand.u32 $0xF, v15  }
0x1b: {  	s24 =	simm.s32 $0xDC00;
	s26 =	simm.s32 $0x11C00;
	s2 =	simm.s32 $0x17C00;
	v6 =	vcombine.low v19, v6;
	v7 =	vand.u32 $0xF, v62;
	v14 =	vand.u32 $0xF, v14  }
.LBB2_1:
0x1c: {  	s3 =	simm.s32 $0x0;
	s6 =	rddreg [dreg:$0x4]  }
0x1d: {  	[tilespmem:s3], [sflag:$0x9] =	stream.strided.gather [hbm4b:s6+s14], $0x1800, s15, s14, $0x38;
	[tilespmem:$0x19C00] =	vst v63  }
0x1e: {  	s13 =	rddreg [dreg:$0x5];
	s7 =	simm.s32 $0x1800;
	s16 =	simm.s32 $0x9  }
0x1f: {  	[tilespmem:s7], [sflag:$0x9] =	stream.linear.gather [hbm4b:s13+s3], $0x100, $0x38;
	[tilespmem:$0x19C00] =	vst v63  }
0x20: {  	_ =	swait.ge [sflag:s16], $0x1900  }
0x21: {  	[sflag:s16] =	ssyncset.done $0x0  }
0x22: {  	[sflag:s16] =	ssyncadd.s32 $0xFFFFE700  }
0x23: {  	[tilespmem:s19], [sflag:$0x1] =	stream.indirect.gather [hbm4b:s5+s18], $0x80, s3, s18, $0xb8;
	[tilespmem:$0x19C00] =	vst v63  }
0x24: {  	_ = 	snop  }
0x25: {  	[tilespmem:s20], [sflag:$0x2] =	stream.indirect.gather [hbm4b:s5+s18], $0x80, s18, s18, $0xb8;
	[tilespmem:$0x19C00] =	vst v63  }
0x26: {  	s17 =	simm.s32 $0x100  }
0x27: {  	[tilespmem:s22], [sflag:$0x3] =	stream.indirect.gather [hbm4b:s5+s18], $0x80, s17, s18, $0xb8;
	[tilespmem:$0x19C00] =	vst v63  }
0x28: {  	s23 =	simm.s32 $0x180;
	s12 =	simm.s32 $0x0  }
0x29: {  	[tilespmem:s24], [sflag:$0x4] =	stream.indirect.gather [hbm4b:s5+s18], $0x80, s23, s18, $0xb8;
	[tilespmem:$0x19C00] =	vst v63  }
.LBB2_2:
0x2a: {  	s3 =	simm.s32 $0x0  }
0x2b: {  	s6 =	sand.u32 $0x70, s3  }
0x2c: {  	s3 =	sand.u32 $0x30, s3;
	v18 =	vor.u32 s6, v0  }
0x2d: {  	_ =	swait.ge [sflag:s25], $0x4000;
	v16 =	vor.u32 s3, v0;
	v17 =	vshll.u32 v18, $0x7  }
0x2e: {  	p0 =	seq.s32 s12, $0x0;
	[sflag:s25] =	ssyncset.done $0x0;
	v19 =	vor.u32 v16, v17  }
0x2f: {  	[sflag:s25] =	ssyncadd.s32 $0xFFFFC000;
	s6 =	simm.s32 @!p0 $0x5  }
0x30: {  	_ =	swait.ge @!p0 [sflag:s6], $0x2000  }
0x31: {  	[sflag:s6] =	ssyncset.done @!p0 $0x0  }
0x32: {  	[sflag:s6] =	ssyncadd.s32 @!p0 $0xFFFFE000  }
0x33: {  	v19 =	vld.idx.msk [tilespmem:v19+s19+$0x0], $0xffff  }
0x34: {  	v16 =	vshll.u32 v16, $0x7  }
0x35: {  	v20 =	vor.u32 s3, v1;
	v16 =	vor.u32 v18, v16  }
0x36: {  	v21 =	vor.u32 v20, v17;
	_ =	sdelay $0x1  }
0x37: {  	v19 =	vmul.f32 $8.000000000e+00, v19;
	_ =	sdelay $0x1  }
0x38: {  	[tilespmem:v16+s26+$0x0] =	vst.idx.msk $0xffff, v19  }
0x39: {  	v16 =	vld.idx.msk [tilespmem:v21+s19+$0x0], $0xffff  }
0x3a: {  	v19 =	vshll.u32 v20, $0x7  }
0x3b: {  	v20 =	vor.u32 s3, v2;
	v19 =	vor.u32 v18, v19  }
0x3c: {  	v21 =	vor.u32 v20, v17;
	_ =	sdelay $0x1  }
0x3d: {  	v16 =	vmul.f32 $8.000000000e+00, v16;
	_ =	sdelay $0x1  }
0x3e: {  	[tilespmem:v19+s26+$0x0] =	vst.idx.msk $0xffff, v16  }
0x3f: {  	v16 =	vld.idx.msk [tilespmem:v21+s19+$0x0], $0xffff  }
0x40: {  	v19 =	vshll.u32 v20, $0x7  }
0x41: {  	v20 =	vor.u32 s3, v3;
	v19 =	vor.u32 v18, v19  }
0x42: {  	v21 =	vor.u32 v20, v17;
	_ =	sdelay $0x1  }
0x43: {  	v16 =	vmul.f32 $8.000000000e+00, v16;
	_ =	sdelay $0x1  }
0x44: {  	[tilespmem:v19+s26+$0x0] =	vst.idx.msk $0xffff, v16  }
0x45: {  	v16 =	vld.idx.msk [tilespmem:v21+s19+$0x0], $0xffff  }
0x46: {  	v19 =	vshll.u32 v20, $0x7  }
0x47: {  	v20 =	vor.u32 s3, v4;
	v19 =	vor.u32 v18, v19  }
0x48: {  	v21 =	vor.u32 v20, v17;
	_ =	sdelay $0x1  }
0x49: {  	v16 =	vmul.f32 $8.000000000e+00, v16;
	_ =	sdelay $0x1  }
0x4a: {  	[tilespmem:v19+s26+$0x0] =	vst.idx.msk $0xffff, v16  }
0x4b: {  	v16 =	vld.idx.msk [tilespmem:v21+s19+$0x0], $0xffff  }
0x4c: {  	v19 =	vshll.u32 v20, $0x7  }
0x4d: {  	v20 =	vor.u32 s3, v5;
	v19 =	vor.u32 v18, v19  }
0x4e: {  	v21 =	vor.u32 v20, v17;
	_ =	sdelay $0x1  }
0x4f: {  	v16 =	vmul.f32 $8.000000000e+00, v16;
	_ =	sdelay $0x1  }
0x50: {  	[tilespmem:v19+s26+$0x0] =	vst.idx.msk $0xffff, v16  }
0x51: {  	v16 =	vld.idx.msk [tilespmem:v21+s19+$0x0], $0xffff  }
0x52: {  	v19 =	vshll.u32 v20, $0x7  }
0x53: {  	v20 =	vor.u32 s3, v7;
	v19 =	vor.u32 v18, v19  }
0x54: {  	v21 =	vor.u32 v20, v17;
	_ =	sdelay $0x1  }
0x55: {  	v16 =	vmul.f32 $8.000000000e+00, v16;
	_ =	sdelay $0x1  }
0x56: {  	[tilespmem:v19+s26+$0x0] =	vst.idx.msk $0xffff, v16  }
0x57: {  	v16 =	vld.idx.msk [tilespmem:v21+s19+$0x0], $0xffff  }
0x58: {  	v19 =	vshll.u32 v20, $0x7  }
0x59: {  	v20 =	vor.u32 s3, v8;
	v19 =	vor.u32 v18, v19  }
0x5a: {  	v21 =	vor.u32 v20, v17;
	_ =	sdelay $0x1  }
0x5b: {  	v16 =	vmul.f32 $8.000000000e+00, v16;
	_ =	sdelay $0x1  }
0x5c: {  	[tilespmem:v19+s26+$0x0] =	vst.idx.msk $0xffff, v16  }
0x5d: {  	v16 =	vld.idx.msk [tilespmem:v21+s19+$0x0], $0xffff  }
0x5e: {  	v19 =	vshll.u32 v20, $0x7  }
0x5f: {  	v20 =	vor.u32 s3, v6;
	v19 =	vor.u32 v18, v19  }
0x60: {  	v21 =	vor.u32 v20, v17;
	_ =	sdelay $0x1  }
0x61: {  	v16 =	vmul.f32 $8.000000000e+00, v16;
	_ =	sdelay $0x1  }
0x62: {  	[tilespmem:v19+s26+$0x0] =	vst.idx.msk $0xffff, v16  }
0x63: {  	v16 =	vld.idx.msk [tilespmem:v21+s19+$0x0], $0xffff  }
0x64: {  	v19 =	vshll.u32 v20, $0x7  }
0x65: {  	v20 =	vor.u32 s3, v9;
	v19 =	vor.u32 v18, v19  }
0x66: {  	v21 =	vor.u32 v20, v17;
	_ =	sdelay $0x1  }
0x67: {  	v16 =	vmul.f32 $8.000000000e+00, v16;
	_ =	sdelay $0x1  }
0x68: {  	[tilespmem:v19+s26+$0x0] =	vst.idx.msk $0xffff, v16  }
0x69: {  	v16 =	vld.idx.msk [tilespmem:v21+s19+$0x0], $0xffff  }
0x6a: {  	v19 =	vshll.u32 v20, $0x7  }
0x6b: {  	v20 =	vor.u32 s3, v10;
	v19 =	vor.u32 v18, v19  }
0x6c: {  	v21 =	vor.u32 v20, v17;
	_ =	sdelay $0x1  }
0x6d: {  	v16 =	vmul.f32 $8.000000000e+00, v16;
	_ =	sdelay $0x1  }
0x6e: {  	[tilespmem:v19+s26+$0x0] =	vst.idx.msk $0xffff, v16  }
0x6f: {  	v16 =	vld.idx.msk [tilespmem:v21+s19+$0x0], $0xffff  }
0x70: {  	v19 =	vshll.u32 v20, $0x7  }
0x71: {  	v20 =	vor.u32 s3, v11;
	v19 =	vor.u32 v18, v19  }
0x72: {  	v21 =	vor.u32 v20, v17;
	_ =	sdelay $0x1  }
0x73: {  	v16 =	vmul.f32 $8.000000000e+00, v16;
	_ =	sdelay $0x1  }
0x74: {  	[tilespmem:v19+s26+$0x0] =	vst.idx.msk $0xffff, v16  }
0x75: {  	v16 =	vld.idx.msk [tilespmem:v21+s19+$0x0], $0xffff  }
0x76: {  	v19 =	vshll.u32 v20, $0x7  }
0x77: {  	v20 =	vor.u32 s3, v12;
	v19 =	vor.u32 v18, v19  }
0x78: {  	v21 =	vor.u32 v20, v17;
	_ =	sdelay $0x1  }
0x79: {  	v16 =	vmul.f32 $8.000000000e+00, v16;
	_ =	sdelay $0x1  }
0x7a: {  	[tilespmem:v19+s26+$0x0] =	vst.idx.msk $0xffff, v16  }
0x7b: {  	v16 =	vld.idx.msk [tilespmem:v21+s19+$0x0], $0xffff  }
0x7c: {  	v19 =	vshll.u32 v20, $0x7  }
0x7d: {  	v20 =	vor.u32 s3, v13;
	v19 =	vor.u32 v18, v19  }
0x7e: {  	v21 =	vor.u32 v20, v17;
	_ =	sdelay $0x1  }
0x7f: {  	v16 =	vmul.f32 $8.000000000e+00, v16;
	_ =	sdelay $0x1  }
0x80: {  	[tilespmem:v19+s26+$0x0] =	vst.idx.msk $0xffff, v16  }
0x81: {  	v16 =	vld.idx.msk [tilespmem:v21+s19+$0x0], $0xffff  }
0x82: {  	v19 =	vshll.u32 v20, $0x7  }
0x83: {  	v20 =	vor.u32 s3, v14;
	v19 =	vor.u32 v18, v19  }
0x84: {  	v21 =	vor.u32 v20, v17;
	_ =	sdelay $0x1  }
0x85: {  	v16 =	vmul.f32 $8.000000000e+00, v16;
	_ =	sdelay $0x1  }
0x86: {  	[tilespmem:v19+s26+$0x0] =	vst.idx.msk $0xffff, v16  }
0x87: {  	v16 =	vld.idx.msk [tilespmem:v21+s19+$0x0], $0xffff  }
0x88: {  	v19 =	vshll.u32 v20, $0x7  }
0x89: {  	v20 =	vor.u32 s3, v15;
	v19 =	vor.u32 v18, v19  }
0x8a: {  	v17 =	vor.u32 v20, v17;
	_ =	sdelay $0x1  }
0x8b: {  	v16 =	vmul.f32 $8.000000000e+00, v16;
	_ =	sdelay $0x1  }
0x8c: {  	s3 =	simm.s32 $0x4;
	[tilespmem:v19+s26+$0x0] =	vst.idx.msk $0xffff, v16  }
0x8d: {  	s23 =	simm.s32 $0x10;
	s7 =	sand.u32 $0x70, s3;
	v21 =	vld.idx.msk [tilespmem:v17+s19+$0x0], $0xffff  }
0x8e: {  	s13 =	sand.u32 $0x30, s23;
	v20 =	vshll.u32 v20, $0x7;
	v16 =	vor.u32 s7, v0  }
0x8f: {  	v18 =	vor.u32 v18, v20;
	v19 =	vor.u32 s13, v0;
	v17 =	vshll.u32 v16, $0x7  }
0x90: {  	v20 =	vor.u32 v19, v17;
	_ =	sdelay $0x1  }
0x91: {  	s17 =	simm.s32 $0x20;
	s6 =	sshll.u32 s12, $0xB;
	v21 =	vmul.f32 $8.000000000e+00, v21  }
.LBB2_3:
0x92: {  	_ = 	snop  }
0x93: {  	p1 =	sne.s32 s17, $0x1F0;
	s23 =	smov.u32 s17;
	s17 =	sadd.s32 $0x10, s17;
	[tilespmem:v18+s26+$0x0] =	vst.idx.msk $0xffff, v21  }
0x94: {  	v18 =	vld.idx.msk [tilespmem:v20+s19+$0x0], $0xffff;
	_ =	sdelay $0x1  }
0x95: {  	v19 =	vshll.u32 v19, $0x7  }
0x96: {  	v19 =	vor.u32 v16, v19;
	v20 =	vor.u32 s13, v1  }
0x97: {  	v21 =	vor.u32 v20, v17;
	_ =	sdelay $0x1  }
0x98: {  	v18 =	vmul.f32 $8.000000000e+00, v18;
	_ =	sdelay $0x1  }
0x99: {  	[tilespmem:v19+s26+$0x0] =	vst.idx.msk $0xffff, v18  }
0x9a: {  	v18 =	vld.idx.msk [tilespmem:v21+s19+$0x0], $0xffff;
	_ =	sdelay $0x1  }
0x9b: {  	v19 =	vshll.u32 v20, $0x7  }
0x9c: {  	v20 =	vor.u32 s13, v2;
	v19 =	vor.u32 v16, v19  }
0x9d: {  	v21 =	vor.u32 v20, v17;
	_ =	sdelay $0x1  }
0x9e: {  	v18 =	vmul.f32 $8.000000000e+00, v18;
	_ =	sdelay $0x1  }
0x9f: {  	[tilespmem:v19+s26+$0x0] =	vst.idx.msk $0xffff, v18  }
0xa0: {  	v18 =	vld.idx.msk [tilespmem:v21+s19+$0x0], $0xffff;
	_ =	sdelay $0x1  }
0xa1: {  	v19 =	vshll.u32 v20, $0x7  }
0xa2: {  	v20 =	vor.u32 s13, v3;
	v19 =	vor.u32 v16, v19  }
0xa3: {  	v21 =	vor.u32 v20, v17;
	_ =	sdelay $0x1  }
0xa4: {  	v18 =	vmul.f32 $8.000000000e+00, v18;
	_ =	sdelay $0x1  }
0xa5: {  	[tilespmem:v19+s26+$0x0] =	vst.idx.msk $0xffff, v18  }
0xa6: {  	v18 =	vld.idx.msk [tilespmem:v21+s19+$0x0], $0xffff;
	_ =	sdelay $0x1  }
0xa7: {  	v19 =	vshll.u32 v20, $0x7  }
0xa8: {  	v20 =	vor.u32 s13, v4;
	v19 =	vor.u32 v16, v19  }
0xa9: {  	v21 =	vor.u32 v20, v17;
	_ =	sdelay $0x1  }
0xaa: {  	v18 =	vmul.f32 $8.000000000e+00, v18;
	_ =	sdelay $0x1  }
0xab: {  	[tilespmem:v19+s26+$0x0] =	vst.idx.msk $0xffff, v18  }
0xac: {  	v18 =	vld.idx.msk [tilespmem:v21+s19+$0x0], $0xffff;
	_ =	sdelay $0x1  }
0xad: {  	v19 =	vshll.u32 v20, $0x7  }
0xae: {  	v20 =	vor.u32 s13, v5;
	v19 =	vor.u32 v16, v19  }
0xaf: {  	v21 =	vor.u32 v20, v17;
	_ =	sdelay $0x1  }
0xb0: {  	v18 =	vmul.f32 $8.000000000e+00, v18;
	_ =	sdelay $0x1  }
0xb1: {  	[tilespmem:v19+s26+$0x0] =	vst.idx.msk $0xffff, v18  }
0xb2: {  	v18 =	vld.idx.msk [tilespmem:v21+s19+$0x0], $0xffff;
	_ =	sdelay $0x1  }
0xb3: {  	v19 =	vshll.u32 v20, $0x7  }
0xb4: {  	v20 =	vor.u32 s13, v7;
	v19 =	vor.u32 v16, v19  }
0xb5: {  	v21 =	vor.u32 v20, v17;
	_ =	sdelay $0x1  }
0xb6: {  	v18 =	vmul.f32 $8.000000000e+00, v18;
	_ =	sdelay $0x1  }
0xb7: {  	[tilespmem:v19+s26+$0x0] =	vst.idx.msk $0xffff, v18  }
0xb8: {  	v18 =	vld.idx.msk [tilespmem:v21+s19+$0x0], $0xffff;
	_ =	sdelay $0x1  }
0xb9: {  	v19 =	vshll.u32 v20, $0x7  }
0xba: {  	v20 =	vor.u32 s13, v8;
	v19 =	vor.u32 v16, v19  }
0xbb: {  	v21 =	vor.u32 v20, v17;
	_ =	sdelay $0x1  }
0xbc: {  	v18 =	vmul.f32 $8.000000000e+00, v18;
	_ =	sdelay $0x1  }
0xbd: {  	[tilespmem:v19+s26+$0x0] =	vst.idx.msk $0xffff, v18  }
0xbe: {  	v18 =	vld.idx.msk [tilespmem:v21+s19+$0x0], $0xffff;
	_ =	sdelay $0x1  }
0xbf: {  	v19 =	vshll.u32 v20, $0x7  }
0xc0: {  	v20 =	vor.u32 s13, v6;
	v19 =	vor.u32 v16, v19  }
0xc1: {  	v21 =	vor.u32 v20, v17;
	_ =	sdelay $0x1  }
0xc2: {  	v18 =	vmul.f32 $8.000000000e+00, v18;
	_ =	sdelay $0x1  }
0xc3: {  	[tilespmem:v19+s26+$0x0] =	vst.idx.msk $0xffff, v18  }
0xc4: {  	v18 =	vld.idx.msk [tilespmem:v21+s19+$0x0], $0xffff;
	_ =	sdelay $0x1  }
0xc5: {  	v19 =	vshll.u32 v20, $0x7  }
0xc6: {  	v20 =	vor.u32 s13, v9;
	v19 =	vor.u32 v16, v19  }
0xc7: {  	v21 =	vor.u32 v20, v17;
	_ =	sdelay $0x1  }
0xc8: {  	v18 =	vmul.f32 $8.000000000e+00, v18;
	_ =	sdelay $0x1  }
0xc9: {  	[tilespmem:v19+s26+$0x0] =	vst.idx.msk $0xffff, v18  }
0xca: {  	v18 =	vld.idx.msk [tilespmem:v21+s19+$0x0], $0xffff;
	_ =	sdelay $0x1  }
0xcb: {  	v19 =	vshll.u32 v20, $0x7  }
0xcc: {  	v20 =	vor.u32 s13, v10;
	v19 =	vor.u32 v16, v19  }
0xcd: {  	v21 =	vor.u32 v20, v17;
	_ =	sdelay $0x1  }
0xce: {  	v18 =	vmul.f32 $8.000000000e+00, v18;
	_ =	sdelay $0x1  }
0xcf: {  	[tilespmem:v19+s26+$0x0] =	vst.idx.msk $0xffff, v18  }
0xd0: {  	v18 =	vld.idx.msk [tilespmem:v21+s19+$0x0], $0xffff;
	_ =	sdelay $0x1  }
0xd1: {  	v19 =	vshll.u32 v20, $0x7  }
0xd2: {  	v20 =	vor.u32 s13, v11;
	v19 =	vor.u32 v16, v19  }
0xd3: {  	v21 =	vor.u32 v20, v17;
	_ =	sdelay $0x1  }
0xd4: {  	v18 =	vmul.f32 $8.000000000e+00, v18;
	_ =	sdelay $0x1  }
0xd5: {  	[tilespmem:v19+s26+$0x0] =	vst.idx.msk $0xffff, v18  }
0xd6: {  	v18 =	vld.idx.msk [tilespmem:v21+s19+$0x0], $0xffff;
	_ =	sdelay $0x1  }
0xd7: {  	v19 =	vshll.u32 v20, $0x7  }
0xd8: {  	v20 =	vor.u32 s13, v12;
	v19 =	vor.u32 v16, v19  }
0xd9: {  	v21 =	vor.u32 v20, v17;
	_ =	sdelay $0x1  }
0xda: {  	v18 =	vmul.f32 $8.000000000e+00, v18;
	_ =	sdelay $0x1  }
0xdb: {  	[tilespmem:v19+s26+$0x0] =	vst.idx.msk $0xffff, v18  }
0xdc: {  	v18 =	vld.idx.msk [tilespmem:v21+s19+$0x0], $0xffff;
	_ =	sdelay $0x1  }
0xdd: {  	v19 =	vshll.u32 v20, $0x7  }
0xde: {  	v20 =	vor.u32 s13, v13;
	v19 =	vor.u32 v16, v19  }
0xdf: {  	v21 =	vor.u32 v20, v17;
	_ =	sdelay $0x1  }
0xe0: {  	v18 =	vmul.f32 $8.000000000e+00, v18;
	_ =	sdelay $0x1  }
0xe1: {  	[tilespmem:v19+s26+$0x0] =	vst.idx.msk $0xffff, v18  }
0xe2: {  	v18 =	vld.idx.msk [tilespmem:v21+s19+$0x0], $0xffff;
	_ =	sdelay $0x1  }
0xe3: {  	v19 =	vshll.u32 v20, $0x7  }
0xe4: {  	v20 =	vor.u32 s13, v14;
	v19 =	vor.u32 v16, v19  }
0xe5: {  	v21 =	vor.u32 v20, v17;
	_ =	sdelay $0x1  }
0xe6: {  	v18 =	vmul.f32 $8.000000000e+00, v18;
	_ =	sdelay $0x1  }
0xe7: {  	[tilespmem:v19+s26+$0x0] =	vst.idx.msk $0xffff, v18  }
0xe8: {  	v19 =	vld.idx.msk [tilespmem:v21+s19+$0x0], $0xffff;
	_ =	sdelay $0x1  }
0xe9: {  	v18 =	vshll.u32 v20, $0x7  }
0xea: {  	v20 =	vor.u32 v16, v18;
	v18 =	vor.u32 s13, v15  }
0xeb: {  	v17 =	vor.u32 v18, v17;
	v18 =	vshll.u32 v18, $0x7  }
0xec: {  	v18 =	vor.u32 v16, v18  }
0xed: {  	v16 =	vmul.f32 $8.000000000e+00, v19;
	_ =	sdelay $0x1  }
0xee: {  	[tilespmem:v20+s26+$0x0] =	vst.idx.msk $0xffff, v16  }
0xef: {  	s3 =	sadd.s32 $0x4, s3;
	v21 =	vld.idx.msk [tilespmem:v17+s19+$0x0], $0xffff  }
0xf0: {  	s7 =	sand.u32 $0x70, s3  }
.Ltmp0:
0xf1: {  	s13 =	sand.u32 $0x30, s23;
	v16 =	vor.u32 s7, v0;
	(pc) =	sbr.rel @p1 .LBB2_3-.Ltmp0, $3  }
0xf2: {  	v19 =	vor.u32 s13, v0;
	v17 =	vshll.u32 v16, $0x7  }
0xf3: {  	v20 =	vor.u32 v19, v17;
	_ =	sdelay $0x1  }
0xf4: {  	v21 =	vmul.f32 $8.000000000e+00, v21  }
0xf5: {  	_ =	sdelay $0x3  }
0xf6: {  	[tilespmem:v18+s26+$0x0] =	vst.idx.msk $0xffff, v21  }
0xf7: {  	v18 =	vld.idx.msk [tilespmem:v20+s19+$0x0], $0xffff  }
0xf8: {  	v19 =	vshll.u32 v19, $0x7  }
0xf9: {  	v19 =	vor.u32 v16, v19;
	v20 =	vor.u32 s13, v1  }
0xfa: {  	v21 =	vor.u32 v20, v17;
	_ =	sdelay $0x1  }
0xfb: {  	v18 =	vmul.f32 $8.000000000e+00, v18;
	_ =	sdelay $0x1  }
0xfc: {  	[tilespmem:v19+s26+$0x0] =	vst.idx.msk $0xffff, v18  }
0xfd: {  	v18 =	vld.idx.msk [tilespmem:v21+s19+$0x0], $0xffff  }
0xfe: {  	v19 =	vshll.u32 v20, $0x7  }
0xff: {  	v20 =	vor.u32 s13, v2;
	v19 =	vor.u32 v16, v19  }
0x100: {  	v21 =	vor.u32 v20, v17;
	_ =	sdelay $0x1  }
0x101: {  	v18 =	vmul.f32 $8.000000000e+00, v18;
	_ =	sdelay $0x1  }
0x102: {  	[tilespmem:v19+s26+$0x0] =	vst.idx.msk $0xffff, v18  }
0x103: {  	v18 =	vld.idx.msk [tilespmem:v21+s19+$0x0], $0xffff  }
0x104: {  	v19 =	vshll.u32 v20, $0x7  }
0x105: {  	v20 =	vor.u32 s13, v3;
	v19 =	vor.u32 v16, v19  }
0x106: {  	v21 =	vor.u32 v20, v17;
	_ =	sdelay $0x1  }
0x107: {  	v18 =	vmul.f32 $8.000000000e+00, v18;
	_ =	sdelay $0x1  }
0x108: {  	[tilespmem:v19+s26+$0x0] =	vst.idx.msk $0xffff, v18  }
0x109: {  	v18 =	vld.idx.msk [tilespmem:v21+s19+$0x0], $0xffff  }
0x10a: {  	v19 =	vshll.u32 v20, $0x7  }
0x10b: {  	v20 =	vor.u32 s13, v4;
	v19 =	vor.u32 v16, v19  }
0x10c: {  	v21 =	vor.u32 v20, v17;
	_ =	sdelay $0x1  }
0x10d: {  	v18 =	vmul.f32 $8.000000000e+00, v18;
	_ =	sdelay $0x1  }
0x10e: {  	[tilespmem:v19+s26+$0x0] =	vst.idx.msk $0xffff, v18  }
0x10f: {  	v18 =	vld.idx.msk [tilespmem:v21+s19+$0x0], $0xffff  }
0x110: {  	v19 =	vshll.u32 v20, $0x7  }
0x111: {  	v20 =	vor.u32 s13, v5;
	v19 =	vor.u32 v16, v19  }
0x112: {  	v21 =	vor.u32 v20, v17;
	_ =	sdelay $0x1  }
0x113: {  	v18 =	vmul.f32 $8.000000000e+00, v18;
	_ =	sdelay $0x1  }
0x114: {  	[tilespmem:v19+s26+$0x0] =	vst.idx.msk $0xffff, v18  }
0x115: {  	v18 =	vld.idx.msk [tilespmem:v21+s19+$0x0], $0xffff  }
0x116: {  	v19 =	vshll.u32 v20, $0x7  }
0x117: {  	v20 =	vor.u32 s13, v7;
	v19 =	vor.u32 v16, v19  }
0x118: {  	v21 =	vor.u32 v20, v17;
	_ =	sdelay $0x1  }
0x119: {  	v18 =	vmul.f32 $8.000000000e+00, v18;
	_ =	sdelay $0x1  }
0x11a: {  	[tilespmem:v19+s26+$0x0] =	vst.idx.msk $0xffff, v18  }
0x11b: {  	v18 =	vld.idx.msk [tilespmem:v21+s19+$0x0], $0xffff  }
0x11c: {  	v19 =	vshll.u32 v20, $0x7  }
0x11d: {  	v20 =	vor.u32 s13, v8;
	v19 =	vor.u32 v16, v19  }
0x11e: {  	v21 =	vor.u32 v20, v17;
	_ =	sdelay $0x1  }
0x11f: {  	v18 =	vmul.f32 $8.000000000e+00, v18;
	_ =	sdelay $0x1  }
0x120: {  	[tilespmem:v19+s26+$0x0] =	vst.idx.msk $0xffff, v18  }
0x121: {  	v18 =	vld.idx.msk [tilespmem:v21+s19+$0x0], $0xffff  }
0x122: {  	v19 =	vshll.u32 v20, $0x7  }
0x123: {  	v20 =	vor.u32 s13, v6;
	v19 =	vor.u32 v16, v19  }
0x124: {  	v21 =	vor.u32 v20, v17;
	_ =	sdelay $0x1  }
0x125: {  	v18 =	vmul.f32 $8.000000000e+00, v18;
	_ =	sdelay $0x1  }
0x126: {  	[tilespmem:v19+s26+$0x0] =	vst.idx.msk $0xffff, v18  }
0x127: {  	v18 =	vld.idx.msk [tilespmem:v21+s19+$0x0], $0xffff  }
0x128: {  	v19 =	vshll.u32 v20, $0x7  }
0x129: {  	v20 =	vor.u32 s13, v9;
	v19 =	vor.u32 v16, v19  }
0x12a: {  	v21 =	vor.u32 v20, v17;
	_ =	sdelay $0x1  }
0x12b: {  	v18 =	vmul.f32 $8.000000000e+00, v18;
	_ =	sdelay $0x1  }
0x12c: {  	[tilespmem:v19+s26+$0x0] =	vst.idx.msk $0xffff, v18  }
0x12d: {  	v18 =	vld.idx.msk [tilespmem:v21+s19+$0x0], $0xffff  }
0x12e: {  	v19 =	vshll.u32 v20, $0x7  }
0x12f: {  	v20 =	vor.u32 s13, v10;
	v19 =	vor.u32 v16, v19  }
0x130: {  	v21 =	vor.u32 v20, v17;
	_ =	sdelay $0x1  }
0x131: {  	v18 =	vmul.f32 $8.000000000e+00, v18;
	_ =	sdelay $0x1  }
0x132: {  	[tilespmem:v19+s26+$0x0] =	vst.idx.msk $0xffff, v18  }
0x133: {  	v18 =	vld.idx.msk [tilespmem:v21+s19+$0x0], $0xffff  }
0x134: {  	v19 =	vshll.u32 v20, $0x7  }
0x135: {  	v20 =	vor.u32 s13, v11;
	v19 =	vor.u32 v16, v19  }
0x136: {  	v21 =	vor.u32 v20, v17;
	_ =	sdelay $0x1  }
0x137: {  	v18 =	vmul.f32 $8.000000000e+00, v18;
	_ =	sdelay $0x1  }
0x138: {  	[tilespmem:v19+s26+$0x0] =	vst.idx.msk $0xffff, v18  }
0x139: {  	v18 =	vld.idx.msk [tilespmem:v21+s19+$0x0], $0xffff  }
0x13a: {  	v19 =	vshll.u32 v20, $0x7  }
0x13b: {  	v20 =	vor.u32 s13, v12;
	v19 =	vor.u32 v16, v19  }
0x13c: {  	v21 =	vor.u32 v20, v17;
	_ =	sdelay $0x1  }
0x13d: {  	v18 =	vmul.f32 $8.000000000e+00, v18;
	_ =	sdelay $0x1  }
0x13e: {  	[tilespmem:v19+s26+$0x0] =	vst.idx.msk $0xffff, v18  }
0x13f: {  	v18 =	vld.idx.msk [tilespmem:v21+s19+$0x0], $0xffff  }
0x140: {  	v19 =	vshll.u32 v20, $0x7  }
0x141: {  	v20 =	vor.u32 s13, v13;
	v19 =	vor.u32 v16, v19  }
0x142: {  	v21 =	vor.u32 v20, v17;
	_ =	sdelay $0x1  }
0x143: {  	v18 =	vmul.f32 $8.000000000e+00, v18;
	_ =	sdelay $0x1  }
0x144: {  	[tilespmem:v19+s26+$0x0] =	vst.idx.msk $0xffff, v18  }
0x145: {  	v18 =	vld.idx.msk [tilespmem:v21+s19+$0x0], $0xffff  }
0x146: {  	v19 =	vshll.u32 v20, $0x7  }
0x147: {  	v20 =	vor.u32 s13, v14;
	v19 =	vor.u32 v16, v19  }
0x148: {  	v21 =	vor.u32 v20, v17;
	_ =	sdelay $0x1  }
0x149: {  	v18 =	vmul.f32 $8.000000000e+00, v18;
	_ =	sdelay $0x1  }
0x14a: {  	[tilespmem:v19+s26+$0x0] =	vst.idx.msk $0xffff, v18  }
0x14b: {  	v18 =	vld.idx.msk [tilespmem:v21+s19+$0x0], $0xffff  }
0x14c: {  	v19 =	vshll.u32 v20, $0x7  }
0x14d: {  	v20 =	vor.u32 s13, v15;
	v19 =	vor.u32 v16, v19  }
0x14e: {  	v17 =	vor.u32 v20, v17;
	_ =	sdelay $0x1  }
0x14f: {  	v18 =	vmul.f32 $8.000000000e+00, v18;
	_ =	sdelay $0x1  }
0x150: {  	[tilespmem:v19+s26+$0x0] =	vst.idx.msk $0xffff, v18  }
0x151: {  	v17 =	vld.idx.msk [tilespmem:v17+s19+$0x0], $0xffff  }
0x152: {  	v18 =	vshll.u32 v20, $0x7  }
0x153: {  	v16 =	vor.u32 v16, v18;
	_ =	sdelay $0x2  }
0x154: {  	v17 =	vmul.f32 $8.000000000e+00, v17  }
0x155: {  	s13 =	sshrl.u32 s6, $0x2  }
0x156: {  	s17 =	sshll.u32 s12, $0x14;
	s3 =	sadd.s32 $0x200, s13;
	[tilespmem:v16+s26+$0x0] =	vst.idx.msk $0xffff, v17  }
0x157: {  	[tilespmem:s19], [sflag:$0x1] =	stream.indirect.gather [hbm4b:s5+s18], $0x80, s3, s18, $0xb8;
	[tilespmem:$0x19C00] =	vst v63  }
0x158: {  	s3 =	sor.u32 s4, s17  }
0x159: {  	s23 =	simm.s32 $0x0;
	s6 =	sshrl.u32 s3, $0x3  }
0x15a: {  	s7 =	sand.u32 $0x70, s23;
	s3 =	sadd.s32 s1, s6  }
0x15b: {  	[hbm4b:s3+s14] =	stream.strided.scatter [tilespmem:s26], [sflag:$0x5], $0x2000, s15, s14, $0x38;
	[tilespmem:$0x19C00] =	vst v63  }
0x15c: {  	v18 =	vor.u32 s7, v0;
	s3 =	sand.u32 $0x30, s23  }
0x15d: {  	v17 =	vshll.u32 v18, $0x7;
	_ =	swait.ge [sflag:s28], $0x4000;
	v16 =	vor.u32 s3, v0  }
0x15e: {  	[sflag:s28] =	ssyncset.done $0x0;
	v19 =	vor.u32 v16, v17  }
0x15f: {  	s7 =	simm.s32 @!p0 $0x6;
	[sflag:s28] =	ssyncadd.s32 $0xFFFFC000  }
0x160: {  	_ =	swait.ge @!p0 [sflag:s7], $0x2000  }
0x161: {  	[sflag:s7] =	ssyncset.done @!p0 $0x0  }
0x162: {  	[sflag:s7] =	ssyncadd.s32 @!p0 $0xFFFFE000  }
0x163: {  	v19 =	vld.idx.msk [tilespmem:v19+s20+$0x0], $0xffff  }
0x164: {  	v16 =	vshll.u32 v16, $0x7  }
0x165: {  	v20 =	vor.u32 s3, v1;
	v16 =	vor.u32 v18, v16  }
0x166: {  	v21 =	vor.u32 v20, v17;
	_ =	sdelay $0x1  }
0x167: {  	v19 =	vmul.f32 $8.000000000e+00, v19;
	_ =	sdelay $0x1  }
0x168: {  	[tilespmem:v16+s29+$0x0] =	vst.idx.msk $0xffff, v19  }
0x169: {  	v16 =	vld.idx.msk [tilespmem:v21+s20+$0x0], $0xffff  }
0x16a: {  	v19 =	vshll.u32 v20, $0x7  }
0x16b: {  	v20 =	vor.u32 s3, v2;
	v19 =	vor.u32 v18, v19  }
0x16c: {  	v21 =	vor.u32 v20, v17;
	_ =	sdelay $0x1  }
0x16d: {  	v16 =	vmul.f32 $8.000000000e+00, v16;
	_ =	sdelay $0x1  }
0x16e: {  	[tilespmem:v19+s29+$0x0] =	vst.idx.msk $0xffff, v16  }
0x16f: {  	v16 =	vld.idx.msk [tilespmem:v21+s20+$0x0], $0xffff  }
0x170: {  	v19 =	vshll.u32 v20, $0x7  }
0x171: {  	v20 =	vor.u32 s3, v3;
	v19 =	vor.u32 v18, v19  }
0x172: {  	v21 =	vor.u32 v20, v17;
	_ =	sdelay $0x1  }
0x173: {  	v16 =	vmul.f32 $8.000000000e+00, v16;
	_ =	sdelay $0x1  }
0x174: {  	[tilespmem:v19+s29+$0x0] =	vst.idx.msk $0xffff, v16  }
0x175: {  	v16 =	vld.idx.msk [tilespmem:v21+s20+$0x0], $0xffff  }
0x176: {  	v19 =	vshll.u32 v20, $0x7  }
0x177: {  	v20 =	vor.u32 s3, v4;
	v19 =	vor.u32 v18, v19  }
0x178: {  	v21 =	vor.u32 v20, v17;
	_ =	sdelay $0x1  }
0x179: {  	v16 =	vmul.f32 $8.000000000e+00, v16;
	_ =	sdelay $0x1  }
0x17a: {  	[tilespmem:v19+s29+$0x0] =	vst.idx.msk $0xffff, v16  }
0x17b: {  	v16 =	vld.idx.msk [tilespmem:v21+s20+$0x0], $0xffff  }
0x17c: {  	v19 =	vshll.u32 v20, $0x7  }
0x17d: {  	v20 =	vor.u32 s3, v5;
	v19 =	vor.u32 v18, v19  }
0x17e: {  	v21 =	vor.u32 v20, v17;
	_ =	sdelay $0x1  }
0x17f: {  	v16 =	vmul.f32 $8.000000000e+00, v16;
	_ =	sdelay $0x1  }
0x180: {  	[tilespmem:v19+s29+$0x0] =	vst.idx.msk $0xffff, v16  }
0x181: {  	v16 =	vld.idx.msk [tilespmem:v21+s20+$0x0], $0xffff  }
0x182: {  	v19 =	vshll.u32 v20, $0x7  }
0x183: {  	v20 =	vor.u32 s3, v7;
	v19 =	vor.u32 v18, v19  }
0x184: {  	v21 =	vor.u32 v20, v17;
	_ =	sdelay $0x1  }
0x185: {  	v16 =	vmul.f32 $8.000000000e+00, v16;
	_ =	sdelay $0x1  }
0x186: {  	[tilespmem:v19+s29+$0x0] =	vst.idx.msk $0xffff, v16  }
0x187: {  	v16 =	vld.idx.msk [tilespmem:v21+s20+$0x0], $0xffff  }
0x188: {  	v19 =	vshll.u32 v20, $0x7  }
0x189: {  	v20 =	vor.u32 s3, v8;
	v19 =	vor.u32 v18, v19  }
0x18a: {  	v21 =	vor.u32 v20, v17;
	_ =	sdelay $0x1  }
0x18b: {  	v16 =	vmul.f32 $8.000000000e+00, v16;
	_ =	sdelay $0x1  }
0x18c: {  	[tilespmem:v19+s29+$0x0] =	vst.idx.msk $0xffff, v16  }
0x18d: {  	v16 =	vld.idx.msk [tilespmem:v21+s20+$0x0], $0xffff  }
0x18e: {  	v19 =	vshll.u32 v20, $0x7  }
0x18f: {  	v20 =	vor.u32 s3, v6;
	v19 =	vor.u32 v18, v19  }
0x190: {  	v21 =	vor.u32 v20, v17;
	_ =	sdelay $0x1  }
0x191: {  	v16 =	vmul.f32 $8.000000000e+00, v16;
	_ =	sdelay $0x1  }
0x192: {  	[tilespmem:v19+s29+$0x0] =	vst.idx.msk $0xffff, v16  }
0x193: {  	v16 =	vld.idx.msk [tilespmem:v21+s20+$0x0], $0xffff  }
0x194: {  	v19 =	vshll.u32 v20, $0x7  }
0x195: {  	v20 =	vor.u32 s3, v9;
	v19 =	vor.u32 v18, v19  }
0x196: {  	v21 =	vor.u32 v20, v17;
	_ =	sdelay $0x1  }
0x197: {  	v16 =	vmul.f32 $8.000000000e+00, v16;
	_ =	sdelay $0x1  }
0x198: {  	[tilespmem:v19+s29+$0x0] =	vst.idx.msk $0xffff, v16  }
0x199: {  	v16 =	vld.idx.msk [tilespmem:v21+s20+$0x0], $0xffff  }
0x19a: {  	v19 =	vshll.u32 v20, $0x7  }
0x19b: {  	v20 =	vor.u32 s3, v10;
	v19 =	vor.u32 v18, v19  }
0x19c: {  	v21 =	vor.u32 v20, v17;
	_ =	sdelay $0x1  }
0x19d: {  	v16 =	vmul.f32 $8.000000000e+00, v16;
	_ =	sdelay $0x1  }
0x19e: {  	[tilespmem:v19+s29+$0x0] =	vst.idx.msk $0xffff, v16  }
0x19f: {  	v16 =	vld.idx.msk [tilespmem:v21+s20+$0x0], $0xffff  }
0x1a0: {  	v19 =	vshll.u32 v20, $0x7  }
0x1a1: {  	v20 =	vor.u32 s3, v11;
	v19 =	vor.u32 v18, v19  }
0x1a2: {  	v21 =	vor.u32 v20, v17;
	_ =	sdelay $0x1  }
0x1a3: {  	v16 =	vmul.f32 $8.000000000e+00, v16;
	_ =	sdelay $0x1  }
0x1a4: {  	[tilespmem:v19+s29+$0x0] =	vst.idx.msk $0xffff, v16  }
0x1a5: {  	v16 =	vld.idx.msk [tilespmem:v21+s20+$0x0], $0xffff  }
0x1a6: {  	v19 =	vshll.u32 v20, $0x7  }
0x1a7: {  	v20 =	vor.u32 s3, v12;
	v19 =	vor.u32 v18, v19  }
0x1a8: {  	v21 =	vor.u32 v20, v17;
	_ =	sdelay $0x1  }
0x1a9: {  	v16 =	vmul.f32 $8.000000000e+00, v16;
	_ =	sdelay $0x1  }
0x1aa: {  	[tilespmem:v19+s29+$0x0] =	vst.idx.msk $0xffff, v16  }
0x1ab: {  	v16 =	vld.idx.msk [tilespmem:v21+s20+$0x0], $0xffff  }
0x1ac: {  	v19 =	vshll.u32 v20, $0x7  }
0x1ad: {  	v20 =	vor.u32 s3, v13;
	v19 =	vor.u32 v18, v19  }
0x1ae: {  	v21 =	vor.u32 v20, v17;
	_ =	sdelay $0x1  }
0x1af: {  	v16 =	vmul.f32 $8.000000000e+00, v16;
	_ =	sdelay $0x1  }
0x1b0: {  	[tilespmem:v19+s29+$0x0] =	vst.idx.msk $0xffff, v16  }
0x1b1: {  	v16 =	vld.idx.msk [tilespmem:v21+s20+$0x0], $0xffff  }
0x1b2: {  	v19 =	vshll.u32 v20, $0x7  }
0x1b3: {  	v20 =	vor.u32 s3, v14;
	v19 =	vor.u32 v18, v19  }
0x1b4: {  	v21 =	vor.u32 v20, v17;
	_ =	sdelay $0x1  }
0x1b5: {  	v16 =	vmul.f32 $8.000000000e+00, v16;
	_ =	sdelay $0x1  }
0x1b6: {  	[tilespmem:v19+s29+$0x0] =	vst.idx.msk $0xffff, v16  }
0x1b7: {  	v16 =	vld.idx.msk [tilespmem:v21+s20+$0x0], $0xffff  }
0x1b8: {  	v19 =	vshll.u32 v20, $0x7  }
0x1b9: {  	v20 =	vor.u32 s3, v15;
	v19 =	vor.u32 v18, v19  }
0x1ba: {  	v17 =	vor.u32 v20, v17;
	_ =	sdelay $0x1  }
0x1bb: {  	v16 =	vmul.f32 $8.000000000e+00, v16;
	_ =	sdelay $0x1  }
0x1bc: {  	s17 =	simm.s32 $0x4;
	[tilespmem:v19+s29+$0x0] =	vst.idx.msk $0xffff, v16  }
0x1bd: {  	s16 =	simm.s32 $0x10;
	s23 =	sand.u32 $0x70, s17;
	v21 =	vld.idx.msk [tilespmem:v17+s20+$0x0], $0xffff  }
0x1be: {  	s3 =	sand.u32 $0x30, s16;
	v20 =	vshll.u32 v20, $0x7;
	v16 =	vor.u32 s23, v0  }
0x1bf: {  	v18 =	vor.u32 v18, v20;
	v19 =	vor.u32 s3, v0;
	v17 =	vshll.u32 v16, $0x7  }
0x1c0: {  	v20 =	vor.u32 v19, v17;
	_ =	sdelay $0x1  }
0x1c1: {  	s23 =	simm.s32 $0x20;
	v21 =	vmul.f32 $8.000000000e+00, v21  }
.LBB2_5:
0x1c2: {  	_ = 	snop  }
0x1c3: {  	p1 =	sne.s32 s23, $0x1F0;
	s7 =	smov.u32 s23;
	s23 =	sadd.s32 $0x10, s23;
	[tilespmem:v18+s29+$0x0] =	vst.idx.msk $0xffff, v21  }
0x1c4: {  	v18 =	vld.idx.msk [tilespmem:v20+s20+$0x0], $0xffff;
	_ =	sdelay $0x1  }
0x1c5: {  	v19 =	vshll.u32 v19, $0x7  }
0x1c6: {  	v19 =	vor.u32 v16, v19;
	v20 =	vor.u32 s3, v1  }
0x1c7: {  	v21 =	vor.u32 v20, v17;
	_ =	sdelay $0x1  }
0x1c8: {  	v18 =	vmul.f32 $8.000000000e+00, v18;
	_ =	sdelay $0x1  }
0x1c9: {  	[tilespmem:v19+s29+$0x0] =	vst.idx.msk $0xffff, v18  }
0x1ca: {  	v18 =	vld.idx.msk [tilespmem:v21+s20+$0x0], $0xffff;
	_ =	sdelay $0x1  }
0x1cb: {  	v19 =	vshll.u32 v20, $0x7  }
0x1cc: {  	v20 =	vor.u32 s3, v2;
	v19 =	vor.u32 v16, v19  }
0x1cd: {  	v21 =	vor.u32 v20, v17;
	_ =	sdelay $0x1  }
0x1ce: {  	v18 =	vmul.f32 $8.000000000e+00, v18;
	_ =	sdelay $0x1  }
0x1cf: {  	[tilespmem:v19+s29+$0x0] =	vst.idx.msk $0xffff, v18  }
0x1d0: {  	v18 =	vld.idx.msk [tilespmem:v21+s20+$0x0], $0xffff;
	_ =	sdelay $0x1  }
0x1d1: {  	v19 =	vshll.u32 v20, $0x7  }
0x1d2: {  	v20 =	vor.u32 s3, v3;
	v19 =	vor.u32 v16, v19  }
0x1d3: {  	v21 =	vor.u32 v20, v17;
	_ =	sdelay $0x1  }
0x1d4: {  	v18 =	vmul.f32 $8.000000000e+00, v18;
	_ =	sdelay $0x1  }
0x1d5: {  	[tilespmem:v19+s29+$0x0] =	vst.idx.msk $0xffff, v18  }
0x1d6: {  	v18 =	vld.idx.msk [tilespmem:v21+s20+$0x0], $0xffff;
	_ =	sdelay $0x1  }
0x1d7: {  	v19 =	vshll.u32 v20, $0x7  }
0x1d8: {  	v20 =	vor.u32 s3, v4;
	v19 =	vor.u32 v16, v19  }
0x1d9: {  	v21 =	vor.u32 v20, v17;
	_ =	sdelay $0x1  }
0x1da: {  	v18 =	vmul.f32 $8.000000000e+00, v18;
	_ =	sdelay $0x1  }
0x1db: {  	[tilespmem:v19+s29+$0x0] =	vst.idx.msk $0xffff, v18  }
0x1dc: {  	v18 =	vld.idx.msk [tilespmem:v21+s20+$0x0], $0xffff;
	_ =	sdelay $0x1  }
0x1dd: {  	v19 =	vshll.u32 v20, $0x7  }
0x1de: {  	v20 =	vor.u32 s3, v5;
	v19 =	vor.u32 v16, v19  }
0x1df: {  	v21 =	vor.u32 v20, v17;
	_ =	sdelay $0x1  }
0x1e0: {  	v18 =	vmul.f32 $8.000000000e+00, v18;
	_ =	sdelay $0x1  }
0x1e1: {  	[tilespmem:v19+s29+$0x0] =	vst.idx.msk $0xffff, v18  }
0x1e2: {  	v18 =	vld.idx.msk [tilespmem:v21+s20+$0x0], $0xffff;
	_ =	sdelay $0x1  }
0x1e3: {  	v19 =	vshll.u32 v20, $0x7  }
0x1e4: {  	v20 =	vor.u32 s3, v7;
	v19 =	vor.u32 v16, v19  }
0x1e5: {  	v21 =	vor.u32 v20, v17;
	_ =	sdelay $0x1  }
0x1e6: {  	v18 =	vmul.f32 $8.000000000e+00, v18;
	_ =	sdelay $0x1  }
0x1e7: {  	[tilespmem:v19+s29+$0x0] =	vst.idx.msk $0xffff, v18  }
0x1e8: {  	v18 =	vld.idx.msk [tilespmem:v21+s20+$0x0], $0xffff;
	_ =	sdelay $0x1  }
0x1e9: {  	v19 =	vshll.u32 v20, $0x7  }
0x1ea: {  	v20 =	vor.u32 s3, v8;
	v19 =	vor.u32 v16, v19  }
0x1eb: {  	v21 =	vor.u32 v20, v17;
	_ =	sdelay $0x1  }
0x1ec: {  	v18 =	vmul.f32 $8.000000000e+00, v18;
	_ =	sdelay $0x1  }
0x1ed: {  	[tilespmem:v19+s29+$0x0] =	vst.idx.msk $0xffff, v18  }
0x1ee: {  	v18 =	vld.idx.msk [tilespmem:v21+s20+$0x0], $0xffff;
	_ =	sdelay $0x1  }
0x1ef: {  	v19 =	vshll.u32 v20, $0x7  }
0x1f0: {  	v20 =	vor.u32 s3, v6;
	v19 =	vor.u32 v16, v19  }
0x1f1: {  	v21 =	vor.u32 v20, v17;
	_ =	sdelay $0x1  }
0x1f2: {  	v18 =	vmul.f32 $8.000000000e+00, v18;
	_ =	sdelay $0x1  }
0x1f3: {  	[tilespmem:v19+s29+$0x0] =	vst.idx.msk $0xffff, v18  }
0x1f4: {  	v18 =	vld.idx.msk [tilespmem:v21+s20+$0x0], $0xffff;
	_ =	sdelay $0x1  }
0x1f5: {  	v19 =	vshll.u32 v20, $0x7  }
0x1f6: {  	v20 =	vor.u32 s3, v9;
	v19 =	vor.u32 v16, v19  }
0x1f7: {  	v21 =	vor.u32 v20, v17;
	_ =	sdelay $0x1  }
0x1f8: {  	v18 =	vmul.f32 $8.000000000e+00, v18;
	_ =	sdelay $0x1  }
0x1f9: {  	[tilespmem:v19+s29+$0x0] =	vst.idx.msk $0xffff, v18  }
0x1fa: {  	v18 =	vld.idx.msk [tilespmem:v21+s20+$0x0], $0xffff;
	_ =	sdelay $0x1  }
0x1fb: {  	v19 =	vshll.u32 v20, $0x7  }
0x1fc: {  	v20 =	vor.u32 s3, v10;
	v19 =	vor.u32 v16, v19  }
0x1fd: {  	v21 =	vor.u32 v20, v17;
	_ =	sdelay $0x1  }
0x1fe: {  	v18 =	vmul.f32 $8.000000000e+00, v18;
	_ =	sdelay $0x1  }
0x1ff: {  	[tilespmem:v19+s29+$0x0] =	vst.idx.msk $0xffff, v18  }
0x200: {  	v18 =	vld.idx.msk [tilespmem:v21+s20+$0x0], $0xffff;
	_ =	sdelay $0x1  }
0x201: {  	v19 =	vshll.u32 v20, $0x7  }
0x202: {  	v20 =	vor.u32 s3, v11;
	v19 =	vor.u32 v16, v19  }
0x203: {  	v21 =	vor.u32 v20, v17;
	_ =	sdelay $0x1  }
0x204: {  	v18 =	vmul.f32 $8.000000000e+00, v18;
	_ =	sdelay $0x1  }
0x205: {  	[tilespmem:v19+s29+$0x0] =	vst.idx.msk $0xffff, v18  }
0x206: {  	v18 =	vld.idx.msk [tilespmem:v21+s20+$0x0], $0xffff;
	_ =	sdelay $0x1  }
0x207: {  	v19 =	vshll.u32 v20, $0x7  }
0x208: {  	v20 =	vor.u32 s3, v12;
	v19 =	vor.u32 v16, v19  }
0x209: {  	v21 =	vor.u32 v20, v17;
	_ =	sdelay $0x1  }
0x20a: {  	v18 =	vmul.f32 $8.000000000e+00, v18;
	_ =	sdelay $0x1  }
0x20b: {  	[tilespmem:v19+s29+$0x0] =	vst.idx.msk $0xffff, v18  }
0x20c: {  	v18 =	vld.idx.msk [tilespmem:v21+s20+$0x0], $0xffff;
	_ =	sdelay $0x1  }
0x20d: {  	v19 =	vshll.u32 v20, $0x7  }
0x20e: {  	v20 =	vor.u32 s3, v13;
	v19 =	vor.u32 v16, v19  }
0x20f: {  	v21 =	vor.u32 v20, v17;
	_ =	sdelay $0x1  }
0x210: {  	v18 =	vmul.f32 $8.000000000e+00, v18;
	_ =	sdelay $0x1  }
0x211: {  	[tilespmem:v19+s29+$0x0] =	vst.idx.msk $0xffff, v18  }
0x212: {  	v18 =	vld.idx.msk [tilespmem:v21+s20+$0x0], $0xffff;
	_ =	sdelay $0x1  }
0x213: {  	v19 =	vshll.u32 v20, $0x7  }
0x214: {  	v20 =	vor.u32 s3, v14;
	v19 =	vor.u32 v16, v19  }
0x215: {  	v21 =	vor.u32 v20, v17;
	_ =	sdelay $0x1  }
0x216: {  	v18 =	vmul.f32 $8.000000000e+00, v18;
	_ =	sdelay $0x1  }
0x217: {  	[tilespmem:v19+s29+$0x0] =	vst.idx.msk $0xffff, v18  }
0x218: {  	v19 =	vld.idx.msk [tilespmem:v21+s20+$0x0], $0xffff;
	_ =	sdelay $0x1  }
0x219: {  	v18 =	vshll.u32 v20, $0x7  }
0x21a: {  	v20 =	vor.u32 v16, v18;
	v18 =	vor.u32 s3, v15  }
0x21b: {  	v17 =	vor.u32 v18, v17;
	v18 =	vshll.u32 v18, $0x7  }
0x21c: {  	v18 =	vor.u32 v16, v18  }
0x21d: {  	v16 =	vmul.f32 $8.000000000e+00, v19;
	_ =	sdelay $0x1  }
0x21e: {  	[tilespmem:v20+s29+$0x0] =	vst.idx.msk $0xffff, v16  }
0x21f: {  	s17 =	sadd.s32 $0x4, s17;
	v21 =	vld.idx.msk [tilespmem:v17+s20+$0x0], $0xffff  }
0x220: {  	s16 =	sand.u32 $0x70, s17  }
.Ltmp1:
0x221: {  	s3 =	sand.u32 $0x30, s7;
	v16 =	vor.u32 s16, v0;
	(pc) =	sbr.rel @p1 .LBB2_5-.Ltmp1, $3  }
0x222: {  	v19 =	vor.u32 s3, v0;
	v17 =	vshll.u32 v16, $0x7  }
0x223: {  	v20 =	vor.u32 v19, v17;
	_ =	sdelay $0x1  }
0x224: {  	v21 =	vmul.f32 $8.000000000e+00, v21  }
0x225: {  	_ =	sdelay $0x3  }
0x226: {  	[tilespmem:v18+s29+$0x0] =	vst.idx.msk $0xffff, v21  }
0x227: {  	v18 =	vld.idx.msk [tilespmem:v20+s20+$0x0], $0xffff  }
0x228: {  	v19 =	vshll.u32 v19, $0x7  }
0x229: {  	v19 =	vor.u32 v16, v19;
	v20 =	vor.u32 s3, v1  }
0x22a: {  	v21 =	vor.u32 v20, v17;
	_ =	sdelay $0x1  }
0x22b: {  	v18 =	vmul.f32 $8.000000000e+00, v18;
	_ =	sdelay $0x1  }
0x22c: {  	[tilespmem:v19+s29+$0x0] =	vst.idx.msk $0xffff, v18  }
0x22d: {  	v18 =	vld.idx.msk [tilespmem:v21+s20+$0x0], $0xffff  }
0x22e: {  	v19 =	vshll.u32 v20, $0x7  }
0x22f: {  	v20 =	vor.u32 s3, v2;
	v19 =	vor.u32 v16, v19  }
0x230: {  	v21 =	vor.u32 v20, v17;
	_ =	sdelay $0x1  }
0x231: {  	v18 =	vmul.f32 $8.000000000e+00, v18;
	_ =	sdelay $0x1  }
0x232: {  	[tilespmem:v19+s29+$0x0] =	vst.idx.msk $0xffff, v18  }
0x233: {  	v18 =	vld.idx.msk [tilespmem:v21+s20+$0x0], $0xffff  }
0x234: {  	v19 =	vshll.u32 v20, $0x7  }
0x235: {  	v20 =	vor.u32 s3, v3;
	v19 =	vor.u32 v16, v19  }
0x236: {  	v21 =	vor.u32 v20, v17;
	_ =	sdelay $0x1  }
0x237: {  	v18 =	vmul.f32 $8.000000000e+00, v18;
	_ =	sdelay $0x1  }
0x238: {  	[tilespmem:v19+s29+$0x0] =	vst.idx.msk $0xffff, v18  }
0x239: {  	v18 =	vld.idx.msk [tilespmem:v21+s20+$0x0], $0xffff  }
0x23a: {  	v19 =	vshll.u32 v20, $0x7  }
0x23b: {  	v20 =	vor.u32 s3, v4;
	v19 =	vor.u32 v16, v19  }
0x23c: {  	v21 =	vor.u32 v20, v17;
	_ =	sdelay $0x1  }
0x23d: {  	v18 =	vmul.f32 $8.000000000e+00, v18;
	_ =	sdelay $0x1  }
0x23e: {  	[tilespmem:v19+s29+$0x0] =	vst.idx.msk $0xffff, v18  }
0x23f: {  	v18 =	vld.idx.msk [tilespmem:v21+s20+$0x0], $0xffff  }
0x240: {  	v19 =	vshll.u32 v20, $0x7  }
0x241: {  	v20 =	vor.u32 s3, v5;
	v19 =	vor.u32 v16, v19  }
0x242: {  	v21 =	vor.u32 v20, v17;
	_ =	sdelay $0x1  }
0x243: {  	v18 =	vmul.f32 $8.000000000e+00, v18;
	_ =	sdelay $0x1  }
0x244: {  	[tilespmem:v19+s29+$0x0] =	vst.idx.msk $0xffff, v18  }
0x245: {  	v18 =	vld.idx.msk [tilespmem:v21+s20+$0x0], $0xffff  }
0x246: {  	v19 =	vshll.u32 v20, $0x7  }
0x247: {  	v20 =	vor.u32 s3, v7;
	v19 =	vor.u32 v16, v19  }
0x248: {  	v21 =	vor.u32 v20, v17;
	_ =	sdelay $0x1  }
0x249: {  	v18 =	vmul.f32 $8.000000000e+00, v18;
	_ =	sdelay $0x1  }
0x24a: {  	[tilespmem:v19+s29+$0x0] =	vst.idx.msk $0xffff, v18  }
0x24b: {  	v18 =	vld.idx.msk [tilespmem:v21+s20+$0x0], $0xffff  }
0x24c: {  	v19 =	vshll.u32 v20, $0x7  }
0x24d: {  	v20 =	vor.u32 s3, v8;
	v19 =	vor.u32 v16, v19  }
0x24e: {  	v21 =	vor.u32 v20, v17;
	_ =	sdelay $0x1  }
0x24f: {  	v18 =	vmul.f32 $8.000000000e+00, v18;
	_ =	sdelay $0x1  }
0x250: {  	[tilespmem:v19+s29+$0x0] =	vst.idx.msk $0xffff, v18  }
0x251: {  	v18 =	vld.idx.msk [tilespmem:v21+s20+$0x0], $0xffff  }
0x252: {  	v19 =	vshll.u32 v20, $0x7  }
0x253: {  	v20 =	vor.u32 s3, v6;
	v19 =	vor.u32 v16, v19  }
0x254: {  	v21 =	vor.u32 v20, v17;
	_ =	sdelay $0x1  }
0x255: {  	v18 =	vmul.f32 $8.000000000e+00, v18;
	_ =	sdelay $0x1  }
0x256: {  	[tilespmem:v19+s29+$0x0] =	vst.idx.msk $0xffff, v18  }
0x257: {  	v18 =	vld.idx.msk [tilespmem:v21+s20+$0x0], $0xffff  }
0x258: {  	v19 =	vshll.u32 v20, $0x7  }
0x259: {  	v20 =	vor.u32 s3, v9;
	v19 =	vor.u32 v16, v19  }
0x25a: {  	v21 =	vor.u32 v20, v17;
	_ =	sdelay $0x1  }
0x25b: {  	v18 =	vmul.f32 $8.000000000e+00, v18;
	_ =	sdelay $0x1  }
0x25c: {  	[tilespmem:v19+s29+$0x0] =	vst.idx.msk $0xffff, v18  }
0x25d: {  	v18 =	vld.idx.msk [tilespmem:v21+s20+$0x0], $0xffff  }
0x25e: {  	v19 =	vshll.u32 v20, $0x7  }
0x25f: {  	v20 =	vor.u32 s3, v10;
	v19 =	vor.u32 v16, v19  }
0x260: {  	v21 =	vor.u32 v20, v17;
	_ =	sdelay $0x1  }
0x261: {  	v18 =	vmul.f32 $8.000000000e+00, v18;
	_ =	sdelay $0x1  }
0x262: {  	[tilespmem:v19+s29+$0x0] =	vst.idx.msk $0xffff, v18  }
0x263: {  	v18 =	vld.idx.msk [tilespmem:v21+s20+$0x0], $0xffff  }
0x264: {  	v19 =	vshll.u32 v20, $0x7  }
0x265: {  	v20 =	vor.u32 s3, v11;
	v19 =	vor.u32 v16, v19  }
0x266: {  	v21 =	vor.u32 v20, v17;
	_ =	sdelay $0x1  }
0x267: {  	v18 =	vmul.f32 $8.000000000e+00, v18;
	_ =	sdelay $0x1  }
0x268: {  	[tilespmem:v19+s29+$0x0] =	vst.idx.msk $0xffff, v18  }
0x269: {  	v18 =	vld.idx.msk [tilespmem:v21+s20+$0x0], $0xffff  }
0x26a: {  	v19 =	vshll.u32 v20, $0x7  }
0x26b: {  	v20 =	vor.u32 s3, v12;
	v19 =	vor.u32 v16, v19  }
0x26c: {  	v21 =	vor.u32 v20, v17;
	_ =	sdelay $0x1  }
0x26d: {  	v18 =	vmul.f32 $8.000000000e+00, v18;
	_ =	sdelay $0x1  }
0x26e: {  	[tilespmem:v19+s29+$0x0] =	vst.idx.msk $0xffff, v18  }
0x26f: {  	v18 =	vld.idx.msk [tilespmem:v21+s20+$0x0], $0xffff  }
0x270: {  	v19 =	vshll.u32 v20, $0x7  }
0x271: {  	v20 =	vor.u32 s3, v13;
	v19 =	vor.u32 v16, v19  }
0x272: {  	v21 =	vor.u32 v20, v17;
	_ =	sdelay $0x1  }
0x273: {  	v18 =	vmul.f32 $8.000000000e+00, v18;
	_ =	sdelay $0x1  }
0x274: {  	[tilespmem:v19+s29+$0x0] =	vst.idx.msk $0xffff, v18  }
0x275: {  	v18 =	vld.idx.msk [tilespmem:v21+s20+$0x0], $0xffff  }
0x276: {  	v19 =	vshll.u32 v20, $0x7  }
0x277: {  	v20 =	vor.u32 s3, v14;
	v19 =	vor.u32 v16, v19  }
0x278: {  	v21 =	vor.u32 v20, v17;
	_ =	sdelay $0x1  }
0x279: {  	v18 =	vmul.f32 $8.000000000e+00, v18;
	_ =	sdelay $0x1  }
0x27a: {  	[tilespmem:v19+s29+$0x0] =	vst.idx.msk $0xffff, v18  }
0x27b: {  	v18 =	vld.idx.msk [tilespmem:v21+s20+$0x0], $0xffff  }
0x27c: {  	v19 =	vshll.u32 v20, $0x7  }
0x27d: {  	v20 =	vor.u32 s3, v15;
	v19 =	vor.u32 v16, v19  }
0x27e: {  	v17 =	vor.u32 v20, v17;
	_ =	sdelay $0x1  }
0x27f: {  	v18 =	vmul.f32 $8.000000000e+00, v18;
	_ =	sdelay $0x1  }
0x280: {  	[tilespmem:v19+s29+$0x0] =	vst.idx.msk $0xffff, v18  }
0x281: {  	v17 =	vld.idx.msk [tilespmem:v17+s20+$0x0], $0xffff  }
0x282: {  	v18 =	vshll.u32 v20, $0x7  }
0x283: {  	v16 =	vor.u32 v16, v18;
	_ =	sdelay $0x2  }
0x284: {  	v17 =	vmul.f32 $8.000000000e+00, v17;
	_ =	sdelay $0x1  }
0x285: {  	s16 =	sadd.s32 $0x280, s13;
	s23 =	simm.s32 $0x0;
	[tilespmem:v16+s29+$0x0] =	vst.idx.msk $0xffff, v17  }
0x286: {  	[tilespmem:s20], [sflag:$0x2] =	stream.indirect.gather [hbm4b:s5+s18], $0x80, s16, s18, $0xb8;
	[tilespmem:$0x19C00] =	vst v63  }
0x287: {  	s17 =	sadd.s32 s6, s8;
	s7 =	sand.u32 $0x70, s23;
	s3 =	sand.u32 $0x30, s23  }
0x288: {  	v18 =	vor.u32 s7, v0;
	[hbm4b:s17+s14] =	stream.strided.scatter [tilespmem:s29], [sflag:$0x6], $0x2000, s15, s14, $0x38;
	[tilespmem:$0x19C00] =	vst v63  }
0x289: {  	v16 =	vor.u32 s3, v0;
	v17 =	vshll.u32 v18, $0x7;
	_ =	swait.ge [sflag:s30], $0x4000  }
0x28a: {  	v19 =	vor.u32 v16, v17;
	[sflag:s30] =	ssyncset.done $0x0  }
0x28b: {  	s7 =	simm.s32 @!p0 $0x7;
	[sflag:s30] =	ssyncadd.s32 $0xFFFFC000  }
0x28c: {  	_ =	swait.ge @!p0 [sflag:s7], $0x2000  }
0x28d: {  	[sflag:s7] =	ssyncset.done @!p0 $0x0  }
0x28e: {  	[sflag:s7] =	ssyncadd.s32 @!p0 $0xFFFFE000  }
0x28f: {  	v19 =	vld.idx.msk [tilespmem:v19+s22+$0x0], $0xffff  }
0x290: {  	v16 =	vshll.u32 v16, $0x7  }
0x291: {  	v20 =	vor.u32 s3, v1;
	v16 =	vor.u32 v18, v16  }
0x292: {  	v21 =	vor.u32 v20, v17;
	_ =	sdelay $0x1  }
0x293: {  	v19 =	vmul.f32 $8.000000000e+00, v19;
	_ =	sdelay $0x1  }
0x294: {  	[tilespmem:v16+s31+$0x0] =	vst.idx.msk $0xffff, v19  }
0x295: {  	v16 =	vld.idx.msk [tilespmem:v21+s22+$0x0], $0xffff  }
0x296: {  	v19 =	vshll.u32 v20, $0x7  }
0x297: {  	v20 =	vor.u32 s3, v2;
	v19 =	vor.u32 v18, v19  }
0x298: {  	v21 =	vor.u32 v20, v17;
	_ =	sdelay $0x1  }
0x299: {  	v16 =	vmul.f32 $8.000000000e+00, v16;
	_ =	sdelay $0x1  }
0x29a: {  	[tilespmem:v19+s31+$0x0] =	vst.idx.msk $0xffff, v16  }
0x29b: {  	v16 =	vld.idx.msk [tilespmem:v21+s22+$0x0], $0xffff  }
0x29c: {  	v19 =	vshll.u32 v20, $0x7  }
0x29d: {  	v20 =	vor.u32 s3, v3;
	v19 =	vor.u32 v18, v19  }
0x29e: {  	v21 =	vor.u32 v20, v17;
	_ =	sdelay $0x1  }
0x29f: {  	v16 =	vmul.f32 $8.000000000e+00, v16;
	_ =	sdelay $0x1  }
0x2a0: {  	[tilespmem:v19+s31+$0x0] =	vst.idx.msk $0xffff, v16  }
0x2a1: {  	v16 =	vld.idx.msk [tilespmem:v21+s22+$0x0], $0xffff  }
0x2a2: {  	v19 =	vshll.u32 v20, $0x7  }
0x2a3: {  	v20 =	vor.u32 s3, v4;
	v19 =	vor.u32 v18, v19  }
0x2a4: {  	v21 =	vor.u32 v20, v17;
	_ =	sdelay $0x1  }
0x2a5: {  	v16 =	vmul.f32 $8.000000000e+00, v16;
	_ =	sdelay $0x1  }
0x2a6: {  	[tilespmem:v19+s31+$0x0] =	vst.idx.msk $0xffff, v16  }
0x2a7: {  	v16 =	vld.idx.msk [tilespmem:v21+s22+$0x0], $0xffff  }
0x2a8: {  	v19 =	vshll.u32 v20, $0x7  }
0x2a9: {  	v20 =	vor.u32 s3, v5;
	v19 =	vor.u32 v18, v19  }
0x2aa: {  	v21 =	vor.u32 v20, v17;
	_ =	sdelay $0x1  }
0x2ab: {  	v16 =	vmul.f32 $8.000000000e+00, v16;
	_ =	sdelay $0x1  }
0x2ac: {  	[tilespmem:v19+s31+$0x0] =	vst.idx.msk $0xffff, v16  }
0x2ad: {  	v16 =	vld.idx.msk [tilespmem:v21+s22+$0x0], $0xffff  }
0x2ae: {  	v19 =	vshll.u32 v20, $0x7  }
0x2af: {  	v20 =	vor.u32 s3, v7;
	v19 =	vor.u32 v18, v19  }
0x2b0: {  	v21 =	vor.u32 v20, v17;
	_ =	sdelay $0x1  }
0x2b1: {  	v16 =	vmul.f32 $8.000000000e+00, v16;
	_ =	sdelay $0x1  }
0x2b2: {  	[tilespmem:v19+s31+$0x0] =	vst.idx.msk $0xffff, v16  }
0x2b3: {  	v16 =	vld.idx.msk [tilespmem:v21+s22+$0x0], $0xffff  }
0x2b4: {  	v19 =	vshll.u32 v20, $0x7  }
0x2b5: {  	v20 =	vor.u32 s3, v8;
	v19 =	vor.u32 v18, v19  }
0x2b6: {  	v21 =	vor.u32 v20, v17;
	_ =	sdelay $0x1  }
0x2b7: {  	v16 =	vmul.f32 $8.000000000e+00, v16;
	_ =	sdelay $0x1  }
0x2b8: {  	[tilespmem:v19+s31+$0x0] =	vst.idx.msk $0xffff, v16  }
0x2b9: {  	v16 =	vld.idx.msk [tilespmem:v21+s22+$0x0], $0xffff  }
0x2ba: {  	v19 =	vshll.u32 v20, $0x7  }
0x2bb: {  	v20 =	vor.u32 s3, v6;
	v19 =	vor.u32 v18, v19  }
0x2bc: {  	v21 =	vor.u32 v20, v17;
	_ =	sdelay $0x1  }
0x2bd: {  	v16 =	vmul.f32 $8.000000000e+00, v16;
	_ =	sdelay $0x1  }
0x2be: {  	[tilespmem:v19+s31+$0x0] =	vst.idx.msk $0xffff, v16  }
0x2bf: {  	v16 =	vld.idx.msk [tilespmem:v21+s22+$0x0], $0xffff  }
0x2c0: {  	v19 =	vshll.u32 v20, $0x7  }
0x2c1: {  	v20 =	vor.u32 s3, v9;
	v19 =	vor.u32 v18, v19  }
0x2c2: {  	v21 =	vor.u32 v20, v17;
	_ =	sdelay $0x1  }
0x2c3: {  	v16 =	vmul.f32 $8.000000000e+00, v16;
	_ =	sdelay $0x1  }
0x2c4: {  	[tilespmem:v19+s31+$0x0] =	vst.idx.msk $0xffff, v16  }
0x2c5: {  	v16 =	vld.idx.msk [tilespmem:v21+s22+$0x0], $0xffff  }
0x2c6: {  	v19 =	vshll.u32 v20, $0x7  }
0x2c7: {  	v20 =	vor.u32 s3, v10;
	v19 =	vor.u32 v18, v19  }
0x2c8: {  	v21 =	vor.u32 v20, v17;
	_ =	sdelay $0x1  }
0x2c9: {  	v16 =	vmul.f32 $8.000000000e+00, v16;
	_ =	sdelay $0x1  }
0x2ca: {  	[tilespmem:v19+s31+$0x0] =	vst.idx.msk $0xffff, v16  }
0x2cb: {  	v16 =	vld.idx.msk [tilespmem:v21+s22+$0x0], $0xffff  }
0x2cc: {  	v19 =	vshll.u32 v20, $0x7  }
0x2cd: {  	v20 =	vor.u32 s3, v11;
	v19 =	vor.u32 v18, v19  }
0x2ce: {  	v21 =	vor.u32 v20, v17;
	_ =	sdelay $0x1  }
0x2cf: {  	v16 =	vmul.f32 $8.000000000e+00, v16;
	_ =	sdelay $0x1  }
0x2d0: {  	[tilespmem:v19+s31+$0x0] =	vst.idx.msk $0xffff, v16  }
0x2d1: {  	v16 =	vld.idx.msk [tilespmem:v21+s22+$0x0], $0xffff  }
0x2d2: {  	v19 =	vshll.u32 v20, $0x7  }
0x2d3: {  	v20 =	vor.u32 s3, v12;
	v19 =	vor.u32 v18, v19  }
0x2d4: {  	v21 =	vor.u32 v20, v17;
	_ =	sdelay $0x1  }
0x2d5: {  	v16 =	vmul.f32 $8.000000000e+00, v16;
	_ =	sdelay $0x1  }
0x2d6: {  	[tilespmem:v19+s31+$0x0] =	vst.idx.msk $0xffff, v16  }
0x2d7: {  	v16 =	vld.idx.msk [tilespmem:v21+s22+$0x0], $0xffff  }
0x2d8: {  	v19 =	vshll.u32 v20, $0x7  }
0x2d9: {  	v20 =	vor.u32 s3, v13;
	v19 =	vor.u32 v18, v19  }
0x2da: {  	v21 =	vor.u32 v20, v17;
	_ =	sdelay $0x1  }
0x2db: {  	v16 =	vmul.f32 $8.000000000e+00, v16;
	_ =	sdelay $0x1  }
0x2dc: {  	[tilespmem:v19+s31+$0x0] =	vst.idx.msk $0xffff, v16  }
0x2dd: {  	v16 =	vld.idx.msk [tilespmem:v21+s22+$0x0], $0xffff  }
0x2de: {  	v19 =	vshll.u32 v20, $0x7  }
0x2df: {  	v20 =	vor.u32 s3, v14;
	v19 =	vor.u32 v18, v19  }
0x2e0: {  	v21 =	vor.u32 v20, v17;
	_ =	sdelay $0x1  }
0x2e1: {  	v16 =	vmul.f32 $8.000000000e+00, v16;
	_ =	sdelay $0x1  }
0x2e2: {  	[tilespmem:v19+s31+$0x0] =	vst.idx.msk $0xffff, v16  }
0x2e3: {  	v16 =	vld.idx.msk [tilespmem:v21+s22+$0x0], $0xffff  }
0x2e4: {  	v19 =	vshll.u32 v20, $0x7  }
0x2e5: {  	v20 =	vor.u32 s3, v15;
	v19 =	vor.u32 v18, v19  }
0x2e6: {  	v17 =	vor.u32 v20, v17;
	_ =	sdelay $0x1  }
0x2e7: {  	v16 =	vmul.f32 $8.000000000e+00, v16;
	_ =	sdelay $0x1  }
0x2e8: {  	s17 =	simm.s32 $0x4;
	[tilespmem:v19+s31+$0x0] =	vst.idx.msk $0xffff, v16  }
0x2e9: {  	s16 =	simm.s32 $0x10;
	s23 =	sand.u32 $0x70, s17;
	v21 =	vld.idx.msk [tilespmem:v17+s22+$0x0], $0xffff  }
0x2ea: {  	s3 =	sand.u32 $0x30, s16;
	v20 =	vshll.u32 v20, $0x7;
	v16 =	vor.u32 s23, v0  }
0x2eb: {  	v18 =	vor.u32 v18, v20;
	v19 =	vor.u32 s3, v0;
	v17 =	vshll.u32 v16, $0x7  }
0x2ec: {  	v20 =	vor.u32 v19, v17;
	_ =	sdelay $0x1  }
0x2ed: {  	s23 =	simm.s32 $0x20;
	v21 =	vmul.f32 $8.000000000e+00, v21  }
.LBB2_7:
0x2ee: {  	_ = 	snop  }
0x2ef: {  	p1 =	sne.s32 s23, $0x1F0;
	s7 =	smov.u32 s23;
	s23 =	sadd.s32 $0x10, s23;
	[tilespmem:v18+s31+$0x0] =	vst.idx.msk $0xffff, v21  }
0x2f0: {  	v18 =	vld.idx.msk [tilespmem:v20+s22+$0x0], $0xffff;
	_ =	sdelay $0x1  }
0x2f1: {  	v19 =	vshll.u32 v19, $0x7  }
0x2f2: {  	v19 =	vor.u32 v16, v19;
	v20 =	vor.u32 s3, v1  }
0x2f3: {  	v21 =	vor.u32 v20, v17;
	_ =	sdelay $0x1  }
0x2f4: {  	v18 =	vmul.f32 $8.000000000e+00, v18;
	_ =	sdelay $0x1  }
0x2f5: {  	[tilespmem:v19+s31+$0x0] =	vst.idx.msk $0xffff, v18  }
0x2f6: {  	v18 =	vld.idx.msk [tilespmem:v21+s22+$0x0], $0xffff;
	_ =	sdelay $0x1  }
0x2f7: {  	v19 =	vshll.u32 v20, $0x7  }
0x2f8: {  	v20 =	vor.u32 s3, v2;
	v19 =	vor.u32 v16, v19  }
0x2f9: {  	v21 =	vor.u32 v20, v17;
	_ =	sdelay $0x1  }
0x2fa: {  	v18 =	vmul.f32 $8.000000000e+00, v18;
	_ =	sdelay $0x1  }
0x2fb: {  	[tilespmem:v19+s31+$0x0] =	vst.idx.msk $0xffff, v18  }
0x2fc: {  	v18 =	vld.idx.msk [tilespmem:v21+s22+$0x0], $0xffff;
	_ =	sdelay $0x1  }
0x2fd: {  	v19 =	vshll.u32 v20, $0x7  }
0x2fe: {  	v20 =	vor.u32 s3, v3;
	v19 =	vor.u32 v16, v19  }
0x2ff: {  	v21 =	vor.u32 v20, v17;
	_ =	sdelay $0x1  }
0x300: {  	v18 =	vmul.f32 $8.000000000e+00, v18;
	_ =	sdelay $0x1  }
0x301: {  	[tilespmem:v19+s31+$0x0] =	vst.idx.msk $0xffff, v18  }
0x302: {  	v18 =	vld.idx.msk [tilespmem:v21+s22+$0x0], $0xffff;
	_ =	sdelay $0x1  }
0x303: {  	v19 =	vshll.u32 v20, $0x7  }
0x304: {  	v20 =	vor.u32 s3, v4;
	v19 =	vor.u32 v16, v19  }
0x305: {  	v21 =	vor.u32 v20, v17;
	_ =	sdelay $0x1  }
0x306: {  	v18 =	vmul.f32 $8.000000000e+00, v18;
	_ =	sdelay $0x1  }
0x307: {  	[tilespmem:v19+s31+$0x0] =	vst.idx.msk $0xffff, v18  }
0x308: {  	v18 =	vld.idx.msk [tilespmem:v21+s22+$0x0], $0xffff;
	_ =	sdelay $0x1  }
0x309: {  	v19 =	vshll.u32 v20, $0x7  }
0x30a: {  	v20 =	vor.u32 s3, v5;
	v19 =	vor.u32 v16, v19  }
0x30b: {  	v21 =	vor.u32 v20, v17;
	_ =	sdelay $0x1  }
0x30c: {  	v18 =	vmul.f32 $8.000000000e+00, v18;
	_ =	sdelay $0x1  }
0x30d: {  	[tilespmem:v19+s31+$0x0] =	vst.idx.msk $0xffff, v18  }
0x30e: {  	v18 =	vld.idx.msk [tilespmem:v21+s22+$0x0], $0xffff;
	_ =	sdelay $0x1  }
0x30f: {  	v19 =	vshll.u32 v20, $0x7  }
0x310: {  	v20 =	vor.u32 s3, v7;
	v19 =	vor.u32 v16, v19  }
0x311: {  	v21 =	vor.u32 v20, v17;
	_ =	sdelay $0x1  }
0x312: {  	v18 =	vmul.f32 $8.000000000e+00, v18;
	_ =	sdelay $0x1  }
0x313: {  	[tilespmem:v19+s31+$0x0] =	vst.idx.msk $0xffff, v18  }
0x314: {  	v18 =	vld.idx.msk [tilespmem:v21+s22+$0x0], $0xffff;
	_ =	sdelay $0x1  }
0x315: {  	v19 =	vshll.u32 v20, $0x7  }
0x316: {  	v20 =	vor.u32 s3, v8;
	v19 =	vor.u32 v16, v19  }
0x317: {  	v21 =	vor.u32 v20, v17;
	_ =	sdelay $0x1  }
0x318: {  	v18 =	vmul.f32 $8.000000000e+00, v18;
	_ =	sdelay $0x1  }
0x319: {  	[tilespmem:v19+s31+$0x0] =	vst.idx.msk $0xffff, v18  }
0x31a: {  	v18 =	vld.idx.msk [tilespmem:v21+s22+$0x0], $0xffff;
	_ =	sdelay $0x1  }
0x31b: {  	v19 =	vshll.u32 v20, $0x7  }
0x31c: {  	v20 =	vor.u32 s3, v6;
	v19 =	vor.u32 v16, v19  }
0x31d: {  	v21 =	vor.u32 v20, v17;
	_ =	sdelay $0x1  }
0x31e: {  	v18 =	vmul.f32 $8.000000000e+00, v18;
	_ =	sdelay $0x1  }
0x31f: {  	[tilespmem:v19+s31+$0x0] =	vst.idx.msk $0xffff, v18  }
0x320: {  	v18 =	vld.idx.msk [tilespmem:v21+s22+$0x0], $0xffff;
	_ =	sdelay $0x1  }
0x321: {  	v19 =	vshll.u32 v20, $0x7  }
0x322: {  	v20 =	vor.u32 s3, v9;
	v19 =	vor.u32 v16, v19  }
0x323: {  	v21 =	vor.u32 v20, v17;
	_ =	sdelay $0x1  }
0x324: {  	v18 =	vmul.f32 $8.000000000e+00, v18;
	_ =	sdelay $0x1  }
0x325: {  	[tilespmem:v19+s31+$0x0] =	vst.idx.msk $0xffff, v18  }
0x326: {  	v18 =	vld.idx.msk [tilespmem:v21+s22+$0x0], $0xffff;
	_ =	sdelay $0x1  }
0x327: {  	v19 =	vshll.u32 v20, $0x7  }
0x328: {  	v20 =	vor.u32 s3, v10;
	v19 =	vor.u32 v16, v19  }
0x329: {  	v21 =	vor.u32 v20, v17;
	_ =	sdelay $0x1  }
0x32a: {  	v18 =	vmul.f32 $8.000000000e+00, v18;
	_ =	sdelay $0x1  }
0x32b: {  	[tilespmem:v19+s31+$0x0] =	vst.idx.msk $0xffff, v18  }
0x32c: {  	v18 =	vld.idx.msk [tilespmem:v21+s22+$0x0], $0xffff;
	_ =	sdelay $0x1  }
0x32d: {  	v19 =	vshll.u32 v20, $0x7  }
0x32e: {  	v20 =	vor.u32 s3, v11;
	v19 =	vor.u32 v16, v19  }
0x32f: {  	v21 =	vor.u32 v20, v17;
	_ =	sdelay $0x1  }
0x330: {  	v18 =	vmul.f32 $8.000000000e+00, v18;
	_ =	sdelay $0x1  }
0x331: {  	[tilespmem:v19+s31+$0x0] =	vst.idx.msk $0xffff, v18  }
0x332: {  	v18 =	vld.idx.msk [tilespmem:v21+s22+$0x0], $0xffff;
	_ =	sdelay $0x1  }
0x333: {  	v19 =	vshll.u32 v20, $0x7  }
0x334: {  	v20 =	vor.u32 s3, v12;
	v19 =	vor.u32 v16, v19  }
0x335: {  	v21 =	vor.u32 v20, v17;
	_ =	sdelay $0x1  }
0x336: {  	v18 =	vmul.f32 $8.000000000e+00, v18;
	_ =	sdelay $0x1  }
0x337: {  	[tilespmem:v19+s31+$0x0] =	vst.idx.msk $0xffff, v18  }
0x338: {  	v18 =	vld.idx.msk [tilespmem:v21+s22+$0x0], $0xffff;
	_ =	sdelay $0x1  }
0x339: {  	v19 =	vshll.u32 v20, $0x7  }
0x33a: {  	v20 =	vor.u32 s3, v13;
	v19 =	vor.u32 v16, v19  }
0x33b: {  	v21 =	vor.u32 v20, v17;
	_ =	sdelay $0x1  }
0x33c: {  	v18 =	vmul.f32 $8.000000000e+00, v18;
	_ =	sdelay $0x1  }
0x33d: {  	[tilespmem:v19+s31+$0x0] =	vst.idx.msk $0xffff, v18  }
0x33e: {  	v18 =	vld.idx.msk [tilespmem:v21+s22+$0x0], $0xffff;
	_ =	sdelay $0x1  }
0x33f: {  	v19 =	vshll.u32 v20, $0x7  }
0x340: {  	v20 =	vor.u32 s3, v14;
	v19 =	vor.u32 v16, v19  }
0x341: {  	v21 =	vor.u32 v20, v17;
	_ =	sdelay $0x1  }
0x342: {  	v18 =	vmul.f32 $8.000000000e+00, v18;
	_ =	sdelay $0x1  }
0x343: {  	[tilespmem:v19+s31+$0x0] =	vst.idx.msk $0xffff, v18  }
0x344: {  	v19 =	vld.idx.msk [tilespmem:v21+s22+$0x0], $0xffff;
	_ =	sdelay $0x1  }
0x345: {  	v18 =	vshll.u32 v20, $0x7  }
0x346: {  	v20 =	vor.u32 v16, v18;
	v18 =	vor.u32 s3, v15  }
0x347: {  	v17 =	vor.u32 v18, v17;
	v18 =	vshll.u32 v18, $0x7  }
0x348: {  	v18 =	vor.u32 v16, v18  }
0x349: {  	v16 =	vmul.f32 $8.000000000e+00, v19;
	_ =	sdelay $0x1  }
0x34a: {  	[tilespmem:v20+s31+$0x0] =	vst.idx.msk $0xffff, v16  }
0x34b: {  	s17 =	sadd.s32 $0x4, s17;
	v21 =	vld.idx.msk [tilespmem:v17+s22+$0x0], $0xffff  }
0x34c: {  	s16 =	sand.u32 $0x70, s17  }
.Ltmp2:
0x34d: {  	s3 =	sand.u32 $0x30, s7;
	v16 =	vor.u32 s16, v0;
	(pc) =	sbr.rel @p1 .LBB2_7-.Ltmp2, $3  }
0x34e: {  	v19 =	vor.u32 s3, v0;
	v17 =	vshll.u32 v16, $0x7  }
0x34f: {  	v20 =	vor.u32 v19, v17;
	_ =	sdelay $0x1  }
0x350: {  	v21 =	vmul.f32 $8.000000000e+00, v21  }
0x351: {  	_ =	sdelay $0x3  }
0x352: {  	[tilespmem:v18+s31+$0x0] =	vst.idx.msk $0xffff, v21  }
0x353: {  	v18 =	vld.idx.msk [tilespmem:v20+s22+$0x0], $0xffff  }
0x354: {  	v19 =	vshll.u32 v19, $0x7  }
0x355: {  	v19 =	vor.u32 v16, v19;
	v20 =	vor.u32 s3, v1  }
0x356: {  	v21 =	vor.u32 v20, v17;
	_ =	sdelay $0x1  }
0x357: {  	v18 =	vmul.f32 $8.000000000e+00, v18;
	_ =	sdelay $0x1  }
0x358: {  	[tilespmem:v19+s31+$0x0] =	vst.idx.msk $0xffff, v18  }
0x359: {  	v18 =	vld.idx.msk [tilespmem:v21+s22+$0x0], $0xffff  }
0x35a: {  	v19 =	vshll.u32 v20, $0x7  }
0x35b: {  	v20 =	vor.u32 s3, v2;
	v19 =	vor.u32 v16, v19  }
0x35c: {  	v21 =	vor.u32 v20, v17;
	_ =	sdelay $0x1  }
0x35d: {  	v18 =	vmul.f32 $8.000000000e+00, v18;
	_ =	sdelay $0x1  }
0x35e: {  	[tilespmem:v19+s31+$0x0] =	vst.idx.msk $0xffff, v18  }
0x35f: {  	v18 =	vld.idx.msk [tilespmem:v21+s22+$0x0], $0xffff  }
0x360: {  	v19 =	vshll.u32 v20, $0x7  }
0x361: {  	v20 =	vor.u32 s3, v3;
	v19 =	vor.u32 v16, v19  }
0x362: {  	v21 =	vor.u32 v20, v17;
	_ =	sdelay $0x1  }
0x363: {  	v18 =	vmul.f32 $8.000000000e+00, v18;
	_ =	sdelay $0x1  }
0x364: {  	[tilespmem:v19+s31+$0x0] =	vst.idx.msk $0xffff, v18  }
0x365: {  	v18 =	vld.idx.msk [tilespmem:v21+s22+$0x0], $0xffff  }
0x366: {  	v19 =	vshll.u32 v20, $0x7  }
0x367: {  	v20 =	vor.u32 s3, v4;
	v19 =	vor.u32 v16, v19  }
0x368: {  	v21 =	vor.u32 v20, v17;
	_ =	sdelay $0x1  }
0x369: {  	v18 =	vmul.f32 $8.000000000e+00, v18;
	_ =	sdelay $0x1  }
0x36a: {  	[tilespmem:v19+s31+$0x0] =	vst.idx.msk $0xffff, v18  }
0x36b: {  	v18 =	vld.idx.msk [tilespmem:v21+s22+$0x0], $0xffff  }
0x36c: {  	v19 =	vshll.u32 v20, $0x7  }
0x36d: {  	v20 =	vor.u32 s3, v5;
	v19 =	vor.u32 v16, v19  }
0x36e: {  	v21 =	vor.u32 v20, v17;
	_ =	sdelay $0x1  }
0x36f: {  	v18 =	vmul.f32 $8.000000000e+00, v18;
	_ =	sdelay $0x1  }
0x370: {  	[tilespmem:v19+s31+$0x0] =	vst.idx.msk $0xffff, v18  }
0x371: {  	v18 =	vld.idx.msk [tilespmem:v21+s22+$0x0], $0xffff  }
0x372: {  	v19 =	vshll.u32 v20, $0x7  }
0x373: {  	v20 =	vor.u32 s3, v7;
	v19 =	vor.u32 v16, v19  }
0x374: {  	v21 =	vor.u32 v20, v17;
	_ =	sdelay $0x1  }
0x375: {  	v18 =	vmul.f32 $8.000000000e+00, v18;
	_ =	sdelay $0x1  }
0x376: {  	[tilespmem:v19+s31+$0x0] =	vst.idx.msk $0xffff, v18  }
0x377: {  	v18 =	vld.idx.msk [tilespmem:v21+s22+$0x0], $0xffff  }
0x378: {  	v19 =	vshll.u32 v20, $0x7  }
0x379: {  	v20 =	vor.u32 s3, v8;
	v19 =	vor.u32 v16, v19  }
0x37a: {  	v21 =	vor.u32 v20, v17;
	_ =	sdelay $0x1  }
0x37b: {  	v18 =	vmul.f32 $8.000000000e+00, v18;
	_ =	sdelay $0x1  }
0x37c: {  	[tilespmem:v19+s31+$0x0] =	vst.idx.msk $0xffff, v18  }
0x37d: {  	v18 =	vld.idx.msk [tilespmem:v21+s22+$0x0], $0xffff  }
0x37e: {  	v19 =	vshll.u32 v20, $0x7  }
0x37f: {  	v20 =	vor.u32 s3, v6;
	v19 =	vor.u32 v16, v19  }
0x380: {  	v21 =	vor.u32 v20, v17;
	_ =	sdelay $0x1  }
0x381: {  	v18 =	vmul.f32 $8.000000000e+00, v18;
	_ =	sdelay $0x1  }
0x382: {  	[tilespmem:v19+s31+$0x0] =	vst.idx.msk $0xffff, v18  }
0x383: {  	v18 =	vld.idx.msk [tilespmem:v21+s22+$0x0], $0xffff  }
0x384: {  	v19 =	vshll.u32 v20, $0x7  }
0x385: {  	v20 =	vor.u32 s3, v9;
	v19 =	vor.u32 v16, v19  }
0x386: {  	v21 =	vor.u32 v20, v17;
	_ =	sdelay $0x1  }
0x387: {  	v18 =	vmul.f32 $8.000000000e+00, v18;
	_ =	sdelay $0x1  }
0x388: {  	[tilespmem:v19+s31+$0x0] =	vst.idx.msk $0xffff, v18  }
0x389: {  	v18 =	vld.idx.msk [tilespmem:v21+s22+$0x0], $0xffff  }
0x38a: {  	v19 =	vshll.u32 v20, $0x7  }
0x38b: {  	v20 =	vor.u32 s3, v10;
	v19 =	vor.u32 v16, v19  }
0x38c: {  	v21 =	vor.u32 v20, v17;
	_ =	sdelay $0x1  }
0x38d: {  	v18 =	vmul.f32 $8.000000000e+00, v18;
	_ =	sdelay $0x1  }
0x38e: {  	[tilespmem:v19+s31+$0x0] =	vst.idx.msk $0xffff, v18  }
0x38f: {  	v18 =	vld.idx.msk [tilespmem:v21+s22+$0x0], $0xffff  }
0x390: {  	v19 =	vshll.u32 v20, $0x7  }
0x391: {  	v20 =	vor.u32 s3, v11;
	v19 =	vor.u32 v16, v19  }
0x392: {  	v21 =	vor.u32 v20, v17;
	_ =	sdelay $0x1  }
0x393: {  	v18 =	vmul.f32 $8.000000000e+00, v18;
	_ =	sdelay $0x1  }
0x394: {  	[tilespmem:v19+s31+$0x0] =	vst.idx.msk $0xffff, v18  }
0x395: {  	v18 =	vld.idx.msk [tilespmem:v21+s22+$0x0], $0xffff  }
0x396: {  	v19 =	vshll.u32 v20, $0x7  }
0x397: {  	v20 =	vor.u32 s3, v12;
	v19 =	vor.u32 v16, v19  }
0x398: {  	v21 =	vor.u32 v20, v17;
	_ =	sdelay $0x1  }
0x399: {  	v18 =	vmul.f32 $8.000000000e+00, v18;
	_ =	sdelay $0x1  }
0x39a: {  	[tilespmem:v19+s31+$0x0] =	vst.idx.msk $0xffff, v18  }
0x39b: {  	v18 =	vld.idx.msk [tilespmem:v21+s22+$0x0], $0xffff  }
0x39c: {  	v19 =	vshll.u32 v20, $0x7  }
0x39d: {  	v20 =	vor.u32 s3, v13;
	v19 =	vor.u32 v16, v19  }
0x39e: {  	v21 =	vor.u32 v20, v17;
	_ =	sdelay $0x1  }
0x39f: {  	v18 =	vmul.f32 $8.000000000e+00, v18;
	_ =	sdelay $0x1  }
0x3a0: {  	[tilespmem:v19+s31+$0x0] =	vst.idx.msk $0xffff, v18  }
0x3a1: {  	v18 =	vld.idx.msk [tilespmem:v21+s22+$0x0], $0xffff  }
0x3a2: {  	v19 =	vshll.u32 v20, $0x7  }
0x3a3: {  	v20 =	vor.u32 s3, v14;
	v19 =	vor.u32 v16, v19  }
0x3a4: {  	v21 =	vor.u32 v20, v17;
	_ =	sdelay $0x1  }
0x3a5: {  	v18 =	vmul.f32 $8.000000000e+00, v18;
	_ =	sdelay $0x1  }
0x3a6: {  	[tilespmem:v19+s31+$0x0] =	vst.idx.msk $0xffff, v18  }
0x3a7: {  	v18 =	vld.idx.msk [tilespmem:v21+s22+$0x0], $0xffff  }
0x3a8: {  	v19 =	vshll.u32 v20, $0x7  }
0x3a9: {  	v20 =	vor.u32 s3, v15;
	v19 =	vor.u32 v16, v19  }
0x3aa: {  	v17 =	vor.u32 v20, v17;
	_ =	sdelay $0x1  }
0x3ab: {  	v18 =	vmul.f32 $8.000000000e+00, v18;
	_ =	sdelay $0x1  }
0x3ac: {  	[tilespmem:v19+s31+$0x0] =	vst.idx.msk $0xffff, v18  }
0x3ad: {  	v17 =	vld.idx.msk [tilespmem:v17+s22+$0x0], $0xffff  }
0x3ae: {  	v18 =	vshll.u32 v20, $0x7  }
0x3af: {  	v16 =	vor.u32 v16, v18;
	_ =	sdelay $0x2  }
0x3b0: {  	v17 =	vmul.f32 $8.000000000e+00, v17  }
0x3b1: {  	p1 =	seq.s32 s12, $0xB;
	s17 =	simm.s32 $0x0  }
0x3b2: {  	s7 =	simm.s32 @!p1 $0x80;
	s16 =	simm.s32 @!p1 $0x9C00;
	s3 =	sadd.s32 @!p1 $0x300, s13;
	[tilespmem:v16+s31+$0x0] =	vst.idx.msk $0xffff, v17  }
0x3b3: {  	[tilespmem:s16], [sflag:$0x3] =	stream.indirect.gather @!p1 [hbm4b:s5+s7], $0x80, s3, s7, $0xb8;
	[tilespmem:$0x19C00] =	vst v63  }
0x3b4: {  	s23 =	sand.u32 $0x70, s17;
	s16 =	sadd.s32 s6, s9;
	s3 =	sand.u32 $0x30, s17  }
0x3b5: {  	v18 =	vor.u32 s23, v0;
	[hbm4b:s16+s14] =	stream.strided.scatter [tilespmem:s31], [sflag:$0x7], $0x2000, s15, s14, $0x38;
	[tilespmem:$0x19C00] =	vst v63  }
0x3b6: {  	v17 =	vshll.u32 v18, $0x7;
	v16 =	vor.u32 s3, v0;
	_ =	swait.ge [sflag:s0], $0x4000  }
0x3b7: {  	v19 =	vor.u32 v16, v17;
	[sflag:s0] =	ssyncset.done $0x0  }
0x3b8: {  	s7 =	simm.s32 @!p0 $0x8;
	[sflag:s0] =	ssyncadd.s32 $0xFFFFC000  }
0x3b9: {  	_ =	swait.ge @!p0 [sflag:s7], $0x2000  }
0x3ba: {  	[sflag:s7] =	ssyncset.done @!p0 $0x0  }
0x3bb: {  	[sflag:s7] =	ssyncadd.s32 @!p0 $0xFFFFE000  }
0x3bc: {  	v19 =	vld.idx.msk [tilespmem:v19+s24+$0x0], $0xffff  }
0x3bd: {  	v16 =	vshll.u32 v16, $0x7  }
0x3be: {  	v20 =	vor.u32 s3, v1;
	v16 =	vor.u32 v18, v16  }
0x3bf: {  	v21 =	vor.u32 v20, v17;
	_ =	sdelay $0x1  }
0x3c0: {  	v19 =	vmul.f32 $8.000000000e+00, v19;
	_ =	sdelay $0x1  }
0x3c1: {  	[tilespmem:v16+s2+$0x0] =	vst.idx.msk $0xffff, v19  }
0x3c2: {  	v16 =	vld.idx.msk [tilespmem:v21+s24+$0x0], $0xffff  }
0x3c3: {  	v19 =	vshll.u32 v20, $0x7  }
0x3c4: {  	v20 =	vor.u32 s3, v2;
	v19 =	vor.u32 v18, v19  }
0x3c5: {  	v21 =	vor.u32 v20, v17;
	_ =	sdelay $0x1  }
0x3c6: {  	v16 =	vmul.f32 $8.000000000e+00, v16;
	_ =	sdelay $0x1  }
0x3c7: {  	[tilespmem:v19+s2+$0x0] =	vst.idx.msk $0xffff, v16  }
0x3c8: {  	v16 =	vld.idx.msk [tilespmem:v21+s24+$0x0], $0xffff  }
0x3c9: {  	v19 =	vshll.u32 v20, $0x7  }
0x3ca: {  	v20 =	vor.u32 s3, v3;
	v19 =	vor.u32 v18, v19  }
0x3cb: {  	v21 =	vor.u32 v20, v17;
	_ =	sdelay $0x1  }
0x3cc: {  	v16 =	vmul.f32 $8.000000000e+00, v16;
	_ =	sdelay $0x1  }
0x3cd: {  	[tilespmem:v19+s2+$0x0] =	vst.idx.msk $0xffff, v16  }
0x3ce: {  	v16 =	vld.idx.msk [tilespmem:v21+s24+$0x0], $0xffff  }
0x3cf: {  	v19 =	vshll.u32 v20, $0x7  }
0x3d0: {  	v20 =	vor.u32 s3, v4;
	v19 =	vor.u32 v18, v19  }
0x3d1: {  	v21 =	vor.u32 v20, v17;
	_ =	sdelay $0x1  }
0x3d2: {  	v16 =	vmul.f32 $8.000000000e+00, v16;
	_ =	sdelay $0x1  }
0x3d3: {  	[tilespmem:v19+s2+$0x0] =	vst.idx.msk $0xffff, v16  }
0x3d4: {  	v16 =	vld.idx.msk [tilespmem:v21+s24+$0x0], $0xffff  }
0x3d5: {  	v19 =	vshll.u32 v20, $0x7  }
0x3d6: {  	v20 =	vor.u32 s3, v5;
	v19 =	vor.u32 v18, v19  }
0x3d7: {  	v21 =	vor.u32 v20, v17;
	_ =	sdelay $0x1  }
0x3d8: {  	v16 =	vmul.f32 $8.000000000e+00, v16;
	_ =	sdelay $0x1  }
0x3d9: {  	[tilespmem:v19+s2+$0x0] =	vst.idx.msk $0xffff, v16  }
0x3da: {  	v16 =	vld.idx.msk [tilespmem:v21+s24+$0x0], $0xffff  }
0x3db: {  	v19 =	vshll.u32 v20, $0x7  }
0x3dc: {  	v20 =	vor.u32 s3, v7;
	v19 =	vor.u32 v18, v19  }
0x3dd: {  	v21 =	vor.u32 v20, v17;
	_ =	sdelay $0x1  }
0x3de: {  	v16 =	vmul.f32 $8.000000000e+00, v16;
	_ =	sdelay $0x1  }
0x3df: {  	[tilespmem:v19+s2+$0x0] =	vst.idx.msk $0xffff, v16  }
0x3e0: {  	v16 =	vld.idx.msk [tilespmem:v21+s24+$0x0], $0xffff  }
0x3e1: {  	v19 =	vshll.u32 v20, $0x7  }
0x3e2: {  	v20 =	vor.u32 s3, v8;
	v19 =	vor.u32 v18, v19  }
0x3e3: {  	v21 =	vor.u32 v20, v17;
	_ =	sdelay $0x1  }
0x3e4: {  	v16 =	vmul.f32 $8.000000000e+00, v16;
	_ =	sdelay $0x1  }
0x3e5: {  	[tilespmem:v19+s2+$0x0] =	vst.idx.msk $0xffff, v16  }
0x3e6: {  	v16 =	vld.idx.msk [tilespmem:v21+s24+$0x0], $0xffff  }
0x3e7: {  	v19 =	vshll.u32 v20, $0x7  }
0x3e8: {  	v20 =	vor.u32 s3, v6;
	v19 =	vor.u32 v18, v19  }
0x3e9: {  	v21 =	vor.u32 v20, v17;
	_ =	sdelay $0x1  }
0x3ea: {  	v16 =	vmul.f32 $8.000000000e+00, v16;
	_ =	sdelay $0x1  }
0x3eb: {  	[tilespmem:v19+s2+$0x0] =	vst.idx.msk $0xffff, v16  }
0x3ec: {  	v16 =	vld.idx.msk [tilespmem:v21+s24+$0x0], $0xffff  }
0x3ed: {  	v19 =	vshll.u32 v20, $0x7  }
0x3ee: {  	v20 =	vor.u32 s3, v9;
	v19 =	vor.u32 v18, v19  }
0x3ef: {  	v21 =	vor.u32 v20, v17;
	_ =	sdelay $0x1  }
0x3f0: {  	v16 =	vmul.f32 $8.000000000e+00, v16;
	_ =	sdelay $0x1  }
0x3f1: {  	[tilespmem:v19+s2+$0x0] =	vst.idx.msk $0xffff, v16  }
0x3f2: {  	v16 =	vld.idx.msk [tilespmem:v21+s24+$0x0], $0xffff  }
0x3f3: {  	v19 =	vshll.u32 v20, $0x7  }
0x3f4: {  	v20 =	vor.u32 s3, v10;
	v19 =	vor.u32 v18, v19  }
0x3f5: {  	v21 =	vor.u32 v20, v17;
	_ =	sdelay $0x1  }
0x3f6: {  	v16 =	vmul.f32 $8.000000000e+00, v16;
	_ =	sdelay $0x1  }
0x3f7: {  	[tilespmem:v19+s2+$0x0] =	vst.idx.msk $0xffff, v16  }
0x3f8: {  	v16 =	vld.idx.msk [tilespmem:v21+s24+$0x0], $0xffff  }
0x3f9: {  	v19 =	vshll.u32 v20, $0x7  }
0x3fa: {  	v20 =	vor.u32 s3, v11;
	v19 =	vor.u32 v18, v19  }
0x3fb: {  	v21 =	vor.u32 v20, v17;
	_ =	sdelay $0x1  }
0x3fc: {  	v16 =	vmul.f32 $8.000000000e+00, v16;
	_ =	sdelay $0x1  }
0x3fd: {  	[tilespmem:v19+s2+$0x0] =	vst.idx.msk $0xffff, v16  }
0x3fe: {  	v16 =	vld.idx.msk [tilespmem:v21+s24+$0x0], $0xffff  }
0x3ff: {  	v19 =	vshll.u32 v20, $0x7  }
0x400: {  	v20 =	vor.u32 s3, v12;
	v19 =	vor.u32 v18, v19  }
0x401: {  	v21 =	vor.u32 v20, v17;
	_ =	sdelay $0x1  }
0x402: {  	v16 =	vmul.f32 $8.000000000e+00, v16;
	_ =	sdelay $0x1  }
0x403: {  	[tilespmem:v19+s2+$0x0] =	vst.idx.msk $0xffff, v16  }
0x404: {  	v16 =	vld.idx.msk [tilespmem:v21+s24+$0x0], $0xffff  }
0x405: {  	v19 =	vshll.u32 v20, $0x7  }
0x406: {  	v20 =	vor.u32 s3, v13;
	v19 =	vor.u32 v18, v19  }
0x407: {  	v21 =	vor.u32 v20, v17;
	_ =	sdelay $0x1  }
0x408: {  	v16 =	vmul.f32 $8.000000000e+00, v16;
	_ =	sdelay $0x1  }
0x409: {  	[tilespmem:v19+s2+$0x0] =	vst.idx.msk $0xffff, v16  }
0x40a: {  	v16 =	vld.idx.msk [tilespmem:v21+s24+$0x0], $0xffff  }
0x40b: {  	v19 =	vshll.u32 v20, $0x7  }
0x40c: {  	v20 =	vor.u32 s3, v14;
	v19 =	vor.u32 v18, v19  }
0x40d: {  	v21 =	vor.u32 v20, v17;
	_ =	sdelay $0x1  }
0x40e: {  	v16 =	vmul.f32 $8.000000000e+00, v16;
	_ =	sdelay $0x1  }
0x40f: {  	[tilespmem:v19+s2+$0x0] =	vst.idx.msk $0xffff, v16  }
0x410: {  	v16 =	vld.idx.msk [tilespmem:v21+s24+$0x0], $0xffff  }
0x411: {  	v19 =	vshll.u32 v20, $0x7  }
0x412: {  	v20 =	vor.u32 s3, v15;
	v19 =	vor.u32 v18, v19  }
0x413: {  	v17 =	vor.u32 v20, v17;
	_ =	sdelay $0x1  }
0x414: {  	v16 =	vmul.f32 $8.000000000e+00, v16;
	_ =	sdelay $0x1  }
0x415: {  	s17 =	simm.s32 $0x4;
	[tilespmem:v19+s2+$0x0] =	vst.idx.msk $0xffff, v16  }
0x416: {  	s23 =	sand.u32 $0x70, s17;
	s16 =	simm.s32 $0x10;
	v21 =	vld.idx.msk [tilespmem:v17+s24+$0x0], $0xffff  }
0x417: {  	s3 =	sand.u32 $0x30, s16;
	v20 =	vshll.u32 v20, $0x7;
	v16 =	vor.u32 s23, v0  }
0x418: {  	v18 =	vor.u32 v18, v20;
	v19 =	vor.u32 s3, v0;
	v17 =	vshll.u32 v16, $0x7  }
0x419: {  	v20 =	vor.u32 v19, v17;
	_ =	sdelay $0x1  }
0x41a: {  	s23 =	simm.s32 $0x20;
	v21 =	vmul.f32 $8.000000000e+00, v21  }
.LBB2_9:
0x41b: {  	_ = 	snop  }
0x41c: {  	p0 =	sne.s32 s23, $0x1F0;
	s7 =	smov.u32 s23;
	s23 =	sadd.s32 $0x10, s23;
	[tilespmem:v18+s2+$0x0] =	vst.idx.msk $0xffff, v21  }
0x41d: {  	v18 =	vld.idx.msk [tilespmem:v20+s24+$0x0], $0xffff;
	_ =	sdelay $0x1  }
0x41e: {  	v19 =	vshll.u32 v19, $0x7  }
0x41f: {  	v19 =	vor.u32 v16, v19;
	v20 =	vor.u32 s3, v1  }
0x420: {  	v21 =	vor.u32 v20, v17;
	_ =	sdelay $0x1  }
0x421: {  	v18 =	vmul.f32 $8.000000000e+00, v18;
	_ =	sdelay $0x1  }
0x422: {  	[tilespmem:v19+s2+$0x0] =	vst.idx.msk $0xffff, v18  }
0x423: {  	v18 =	vld.idx.msk [tilespmem:v21+s24+$0x0], $0xffff;
	_ =	sdelay $0x1  }
0x424: {  	v19 =	vshll.u32 v20, $0x7  }
0x425: {  	v20 =	vor.u32 s3, v2;
	v19 =	vor.u32 v16, v19  }
0x426: {  	v21 =	vor.u32 v20, v17;
	_ =	sdelay $0x1  }
0x427: {  	v18 =	vmul.f32 $8.000000000e+00, v18;
	_ =	sdelay $0x1  }
0x428: {  	[tilespmem:v19+s2+$0x0] =	vst.idx.msk $0xffff, v18  }
0x429: {  	v18 =	vld.idx.msk [tilespmem:v21+s24+$0x0], $0xffff;
	_ =	sdelay $0x1  }
0x42a: {  	v19 =	vshll.u32 v20, $0x7  }
0x42b: {  	v20 =	vor.u32 s3, v3;
	v19 =	vor.u32 v16, v19  }
0x42c: {  	v21 =	vor.u32 v20, v17;
	_ =	sdelay $0x1  }
0x42d: {  	v18 =	vmul.f32 $8.000000000e+00, v18;
	_ =	sdelay $0x1  }
0x42e: {  	[tilespmem:v19+s2+$0x0] =	vst.idx.msk $0xffff, v18  }
0x42f: {  	v18 =	vld.idx.msk [tilespmem:v21+s24+$0x0], $0xffff;
	_ =	sdelay $0x1  }
0x430: {  	v19 =	vshll.u32 v20, $0x7  }
0x431: {  	v20 =	vor.u32 s3, v4;
	v19 =	vor.u32 v16, v19  }
0x432: {  	v21 =	vor.u32 v20, v17;
	_ =	sdelay $0x1  }
0x433: {  	v18 =	vmul.f32 $8.000000000e+00, v18;
	_ =	sdelay $0x1  }
0x434: {  	[tilespmem:v19+s2+$0x0] =	vst.idx.msk $0xffff, v18  }
0x435: {  	v18 =	vld.idx.msk [tilespmem:v21+s24+$0x0], $0xffff;
	_ =	sdelay $0x1  }
0x436: {  	v19 =	vshll.u32 v20, $0x7  }
0x437: {  	v20 =	vor.u32 s3, v5;
	v19 =	vor.u32 v16, v19  }
0x438: {  	v21 =	vor.u32 v20, v17;
	_ =	sdelay $0x1  }
0x439: {  	v18 =	vmul.f32 $8.000000000e+00, v18;
	_ =	sdelay $0x1  }
0x43a: {  	[tilespmem:v19+s2+$0x0] =	vst.idx.msk $0xffff, v18  }
0x43b: {  	v18 =	vld.idx.msk [tilespmem:v21+s24+$0x0], $0xffff;
	_ =	sdelay $0x1  }
0x43c: {  	v19 =	vshll.u32 v20, $0x7  }
0x43d: {  	v20 =	vor.u32 s3, v7;
	v19 =	vor.u32 v16, v19  }
0x43e: {  	v21 =	vor.u32 v20, v17;
	_ =	sdelay $0x1  }
0x43f: {  	v18 =	vmul.f32 $8.000000000e+00, v18;
	_ =	sdelay $0x1  }
0x440: {  	[tilespmem:v19+s2+$0x0] =	vst.idx.msk $0xffff, v18  }
0x441: {  	v18 =	vld.idx.msk [tilespmem:v21+s24+$0x0], $0xffff;
	_ =	sdelay $0x1  }
0x442: {  	v19 =	vshll.u32 v20, $0x7  }
0x443: {  	v20 =	vor.u32 s3, v8;
	v19 =	vor.u32 v16, v19  }
0x444: {  	v21 =	vor.u32 v20, v17;
	_ =	sdelay $0x1  }
0x445: {  	v18 =	vmul.f32 $8.000000000e+00, v18;
	_ =	sdelay $0x1  }
0x446: {  	[tilespmem:v19+s2+$0x0] =	vst.idx.msk $0xffff, v18  }
0x447: {  	v18 =	vld.idx.msk [tilespmem:v21+s24+$0x0], $0xffff;
	_ =	sdelay $0x1  }
0x448: {  	v19 =	vshll.u32 v20, $0x7  }
0x449: {  	v20 =	vor.u32 s3, v6;
	v19 =	vor.u32 v16, v19  }
0x44a: {  	v21 =	vor.u32 v20, v17;
	_ =	sdelay $0x1  }
0x44b: {  	v18 =	vmul.f32 $8.000000000e+00, v18;
	_ =	sdelay $0x1  }
0x44c: {  	[tilespmem:v19+s2+$0x0] =	vst.idx.msk $0xffff, v18  }
0x44d: {  	v18 =	vld.idx.msk [tilespmem:v21+s24+$0x0], $0xffff;
	_ =	sdelay $0x1  }
0x44e: {  	v19 =	vshll.u32 v20, $0x7  }
0x44f: {  	v20 =	vor.u32 s3, v9;
	v19 =	vor.u32 v16, v19  }
0x450: {  	v21 =	vor.u32 v20, v17;
	_ =	sdelay $0x1  }
0x451: {  	v18 =	vmul.f32 $8.000000000e+00, v18;
	_ =	sdelay $0x1  }
0x452: {  	[tilespmem:v19+s2+$0x0] =	vst.idx.msk $0xffff, v18  }
0x453: {  	v18 =	vld.idx.msk [tilespmem:v21+s24+$0x0], $0xffff;
	_ =	sdelay $0x1  }
0x454: {  	v19 =	vshll.u32 v20, $0x7  }
0x455: {  	v20 =	vor.u32 s3, v10;
	v19 =	vor.u32 v16, v19  }
0x456: {  	v21 =	vor.u32 v20, v17;
	_ =	sdelay $0x1  }
0x457: {  	v18 =	vmul.f32 $8.000000000e+00, v18;
	_ =	sdelay $0x1  }
0x458: {  	[tilespmem:v19+s2+$0x0] =	vst.idx.msk $0xffff, v18  }
0x459: {  	v18 =	vld.idx.msk [tilespmem:v21+s24+$0x0], $0xffff;
	_ =	sdelay $0x1  }
0x45a: {  	v19 =	vshll.u32 v20, $0x7  }
0x45b: {  	v20 =	vor.u32 s3, v11;
	v19 =	vor.u32 v16, v19  }
0x45c: {  	v21 =	vor.u32 v20, v17;
	_ =	sdelay $0x1  }
0x45d: {  	v18 =	vmul.f32 $8.000000000e+00, v18;
	_ =	sdelay $0x1  }
0x45e: {  	[tilespmem:v19+s2+$0x0] =	vst.idx.msk $0xffff, v18  }
0x45f: {  	v18 =	vld.idx.msk [tilespmem:v21+s24+$0x0], $0xffff;
	_ =	sdelay $0x1  }
0x460: {  	v19 =	vshll.u32 v20, $0x7  }
0x461: {  	v20 =	vor.u32 s3, v12;
	v19 =	vor.u32 v16, v19  }
0x462: {  	v21 =	vor.u32 v20, v17;
	_ =	sdelay $0x1  }
0x463: {  	v18 =	vmul.f32 $8.000000000e+00, v18;
	_ =	sdelay $0x1  }
0x464: {  	[tilespmem:v19+s2+$0x0] =	vst.idx.msk $0xffff, v18  }
0x465: {  	v18 =	vld.idx.msk [tilespmem:v21+s24+$0x0], $0xffff;
	_ =	sdelay $0x1  }
0x466: {  	v19 =	vshll.u32 v20, $0x7  }
0x467: {  	v20 =	vor.u32 s3, v13;
	v19 =	vor.u32 v16, v19  }
0x468: {  	v21 =	vor.u32 v20, v17;
	_ =	sdelay $0x1  }
0x469: {  	v18 =	vmul.f32 $8.000000000e+00, v18;
	_ =	sdelay $0x1  }
0x46a: {  	[tilespmem:v19+s2+$0x0] =	vst.idx.msk $0xffff, v18  }
0x46b: {  	v18 =	vld.idx.msk [tilespmem:v21+s24+$0x0], $0xffff;
	_ =	sdelay $0x1  }
0x46c: {  	v19 =	vshll.u32 v20, $0x7  }
0x46d: {  	v20 =	vor.u32 s3, v14;
	v19 =	vor.u32 v16, v19  }
0x46e: {  	v21 =	vor.u32 v20, v17;
	_ =	sdelay $0x1  }
0x46f: {  	v18 =	vmul.f32 $8.000000000e+00, v18;
	_ =	sdelay $0x1  }
0x470: {  	[tilespmem:v19+s2+$0x0] =	vst.idx.msk $0xffff, v18  }
0x471: {  	v19 =	vld.idx.msk [tilespmem:v21+s24+$0x0], $0xffff;
	_ =	sdelay $0x1  }
0x472: {  	v18 =	vshll.u32 v20, $0x7  }
0x473: {  	v20 =	vor.u32 v16, v18;
	v18 =	vor.u32 s3, v15  }
0x474: {  	v17 =	vor.u32 v18, v17;
	v18 =	vshll.u32 v18, $0x7  }
0x475: {  	v18 =	vor.u32 v16, v18  }
0x476: {  	v16 =	vmul.f32 $8.000000000e+00, v19;
	_ =	sdelay $0x1  }
0x477: {  	[tilespmem:v20+s2+$0x0] =	vst.idx.msk $0xffff, v16  }
0x478: {  	s17 =	sadd.s32 $0x4, s17;
	v21 =	vld.idx.msk [tilespmem:v17+s24+$0x0], $0xffff  }
0x479: {  	s16 =	sand.u32 $0x70, s17  }
.Ltmp3:
0x47a: {  	s3 =	sand.u32 $0x30, s7;
	v16 =	vor.u32 s16, v0;
	(pc) =	sbr.rel @p0 .LBB2_9-.Ltmp3, $3  }
0x47b: {  	v19 =	vor.u32 s3, v0;
	v17 =	vshll.u32 v16, $0x7  }
0x47c: {  	v20 =	vor.u32 v19, v17;
	_ =	sdelay $0x1  }
0x47d: {  	v21 =	vmul.f32 $8.000000000e+00, v21  }
0x47e: {  	_ =	sdelay $0x3  }
0x47f: {  	[tilespmem:v18+s2+$0x0] =	vst.idx.msk $0xffff, v21  }
0x480: {  	v18 =	vld.idx.msk [tilespmem:v20+s24+$0x0], $0xffff  }
0x481: {  	v19 =	vshll.u32 v19, $0x7  }
0x482: {  	v60 =	vor.u32 s3, v1;
	v19 =	vor.u32 v16, v19  }
0x483: {  	v61 =	vor.u32 v60, v17;
	_ =	sdelay $0x1  }
0x484: {  	v18 =	vmul.f32 $8.000000000e+00, v18;
	_ =	sdelay $0x1  }
0x485: {  	[tilespmem:v19+s2+$0x0] =	vst.idx.msk $0xffff, v18  }
0x486: {  	v18 =	vld.idx.msk [tilespmem:v61+s24+$0x0], $0xffff  }
0x487: {  	v62 =	vshll.u32 v60, $0x7  }
0x488: {  	v63 =	vor.u32 s3, v2;
	v19 =	vor.u32 v16, v62  }
0x489: {  	v24 =	vor.u32 v63, v17;
	_ =	sdelay $0x1  }
0x48a: {  	v18 =	vmul.f32 $8.000000000e+00, v18;
	_ =	sdelay $0x1  }
0x48b: {  	[tilespmem:v19+s2+$0x0] =	vst.idx.msk $0xffff, v18  }
0x48c: {  	v18 =	vld.idx.msk [tilespmem:v24+s24+$0x0], $0xffff  }
0x48d: {  	v25 =	vshll.u32 v63, $0x7  }
0x48e: {  	v26 =	vor.u32 s3, v3;
	v19 =	vor.u32 v16, v25  }
0x48f: {  	v27 =	vor.u32 v26, v17;
	_ =	sdelay $0x1  }
0x490: {  	v18 =	vmul.f32 $8.000000000e+00, v18;
	_ =	sdelay $0x1  }
0x491: {  	[tilespmem:v19+s2+$0x0] =	vst.idx.msk $0xffff, v18  }
0x492: {  	v18 =	vld.idx.msk [tilespmem:v27+s24+$0x0], $0xffff  }
0x493: {  	v28 =	vshll.u32 v26, $0x7  }
0x494: {  	v29 =	vor.u32 s3, v4;
	v19 =	vor.u32 v16, v28  }
0x495: {  	v30 =	vor.u32 v29, v17;
	_ =	sdelay $0x1  }
0x496: {  	v18 =	vmul.f32 $8.000000000e+00, v18;
	_ =	sdelay $0x1  }
0x497: {  	[tilespmem:v19+s2+$0x0] =	vst.idx.msk $0xffff, v18  }
0x498: {  	v18 =	vld.idx.msk [tilespmem:v30+s24+$0x0], $0xffff  }
0x499: {  	v31 =	vshll.u32 v29, $0x7  }
0x49a: {  	v32 =	vor.u32 s3, v5;
	v19 =	vor.u32 v16, v31  }
0x49b: {  	v33 =	vor.u32 v32, v17;
	_ =	sdelay $0x1  }
0x49c: {  	v18 =	vmul.f32 $8.000000000e+00, v18;
	_ =	sdelay $0x1  }
0x49d: {  	[tilespmem:v19+s2+$0x0] =	vst.idx.msk $0xffff, v18  }
0x49e: {  	v18 =	vld.idx.msk [tilespmem:v33+s24+$0x0], $0xffff  }
0x49f: {  	v34 =	vshll.u32 v32, $0x7  }
0x4a0: {  	v35 =	vor.u32 s3, v7;
	v19 =	vor.u32 v16, v34  }
0x4a1: {  	v36 =	vor.u32 v35, v17;
	_ =	sdelay $0x1  }
0x4a2: {  	v18 =	vmul.f32 $8.000000000e+00, v18;
	_ =	sdelay $0x1  }
0x4a3: {  	[tilespmem:v19+s2+$0x0] =	vst.idx.msk $0xffff, v18  }
0x4a4: {  	v18 =	vld.idx.msk [tilespmem:v36+s24+$0x0], $0xffff  }
0x4a5: {  	v37 =	vshll.u32 v35, $0x7  }
0x4a6: {  	v38 =	vor.u32 s3, v8;
	v19 =	vor.u32 v16, v37  }
0x4a7: {  	v39 =	vor.u32 v38, v17;
	_ =	sdelay $0x1  }
0x4a8: {  	v18 =	vmul.f32 $8.000000000e+00, v18;
	_ =	sdelay $0x1  }
0x4a9: {  	[tilespmem:v19+s2+$0x0] =	vst.idx.msk $0xffff, v18  }
0x4aa: {  	v18 =	vld.idx.msk [tilespmem:v39+s24+$0x0], $0xffff  }
0x4ab: {  	v40 =	vshll.u32 v38, $0x7  }
0x4ac: {  	v41 =	vor.u32 s3, v6;
	v19 =	vor.u32 v16, v40  }
0x4ad: {  	v42 =	vor.u32 v41, v17;
	_ =	sdelay $0x1  }
0x4ae: {  	v18 =	vmul.f32 $8.000000000e+00, v18;
	_ =	sdelay $0x1  }
0x4af: {  	[tilespmem:v19+s2+$0x0] =	vst.idx.msk $0xffff, v18  }
0x4b0: {  	v18 =	vld.idx.msk [tilespmem:v42+s24+$0x0], $0xffff  }
0x4b1: {  	v43 =	vshll.u32 v41, $0x7  }
0x4b2: {  	v44 =	vor.u32 s3, v9;
	v19 =	vor.u32 v16, v43  }
0x4b3: {  	v45 =	vor.u32 v44, v17;
	_ =	sdelay $0x1  }
0x4b4: {  	v18 =	vmul.f32 $8.000000000e+00, v18;
	_ =	sdelay $0x1  }
0x4b5: {  	[tilespmem:v19+s2+$0x0] =	vst.idx.msk $0xffff, v18  }
0x4b6: {  	v18 =	vld.idx.msk [tilespmem:v45+s24+$0x0], $0xffff  }
0x4b7: {  	v46 =	vshll.u32 v44, $0x7  }
0x4b8: {  	v47 =	vor.u32 s3, v10;
	v19 =	vor.u32 v16, v46  }
0x4b9: {  	v48 =	vor.u32 v47, v17;
	_ =	sdelay $0x1  }
0x4ba: {  	v18 =	vmul.f32 $8.000000000e+00, v18;
	_ =	sdelay $0x1  }
0x4bb: {  	[tilespmem:v19+s2+$0x0] =	vst.idx.msk $0xffff, v18  }
0x4bc: {  	v18 =	vld.idx.msk [tilespmem:v48+s24+$0x0], $0xffff  }
0x4bd: {  	v49 =	vshll.u32 v47, $0x7  }
0x4be: {  	v50 =	vor.u32 s3, v11;
	v19 =	vor.u32 v16, v49  }
0x4bf: {  	v51 =	vor.u32 v50, v17;
	_ =	sdelay $0x1  }
0x4c0: {  	v18 =	vmul.f32 $8.000000000e+00, v18;
	_ =	sdelay $0x1  }
0x4c1: {  	[tilespmem:v19+s2+$0x0] =	vst.idx.msk $0xffff, v18  }
0x4c2: {  	v18 =	vld.idx.msk [tilespmem:v51+s24+$0x0], $0xffff  }
0x4c3: {  	v52 =	vshll.u32 v50, $0x7  }
0x4c4: {  	v53 =	vor.u32 s3, v12;
	v19 =	vor.u32 v16, v52  }
0x4c5: {  	v54 =	vor.u32 v53, v17;
	_ =	sdelay $0x1  }
0x4c6: {  	v18 =	vmul.f32 $8.000000000e+00, v18;
	_ =	sdelay $0x1  }
0x4c7: {  	[tilespmem:v19+s2+$0x0] =	vst.idx.msk $0xffff, v18  }
0x4c8: {  	v18 =	vld.idx.msk [tilespmem:v54+s24+$0x0], $0xffff  }
0x4c9: {  	v55 =	vshll.u32 v53, $0x7  }
0x4ca: {  	v56 =	vor.u32 s3, v13;
	v19 =	vor.u32 v16, v55  }
0x4cb: {  	v57 =	vor.u32 v56, v17;
	_ =	sdelay $0x1  }
0x4cc: {  	v18 =	vmul.f32 $8.000000000e+00, v18;
	_ =	sdelay $0x1  }
0x4cd: {  	[tilespmem:v19+s2+$0x0] =	vst.idx.msk $0xffff, v18  }
0x4ce: {  	v18 =	vld.idx.msk [tilespmem:v57+s24+$0x0], $0xffff  }
0x4cf: {  	v58 =	vshll.u32 v56, $0x7  }
0x4d0: {  	v59 =	vor.u32 s3, v14;
	v19 =	vor.u32 v16, v58  }
0x4d1: {  	v60 =	vor.u32 v59, v17;
	_ =	sdelay $0x1  }
0x4d2: {  	v18 =	vmul.f32 $8.000000000e+00, v18;
	_ =	sdelay $0x1  }
0x4d3: {  	[tilespmem:v19+s2+$0x0] =	vst.idx.msk $0xffff, v18  }
0x4d4: {  	v18 =	vld.idx.msk [tilespmem:v60+s24+$0x0], $0xffff  }
0x4d5: {  	v61 =	vshll.u32 v59, $0x7  }
0x4d6: {  	v62 =	vor.u32 s3, v15;
	v19 =	vor.u32 v16, v61  }
0x4d7: {  	v17 =	vor.u32 v62, v17;
	_ =	sdelay $0x1  }
0x4d8: {  	v18 =	vmul.f32 $8.000000000e+00, v18;
	_ =	sdelay $0x1  }
0x4d9: {  	[tilespmem:v19+s2+$0x0] =	vst.idx.msk $0xffff, v18  }
0x4da: {  	v17 =	vld.idx.msk [tilespmem:v17+s24+$0x0], $0xffff  }
0x4db: {  	v63 =	vshll.u32 v62, $0x7  }
0x4dc: {  	v16 =	vor.u32 v16, v63;
	_ =	sdelay $0x1  }
0x4dd: {  	s12 =	sadd.s32 $0x1, s12  }
0x4de: {  	p0 =	sne.s32 s12, $0xC;
	v17 =	vmul.f32 $8.000000000e+00, v17  }
.Ltmp4:
0x4df: {  	_ = 	snop;
	(pc) =	sbr.rel @p0 .LBB2_2-.Ltmp4, $4  }
0x4e0: {  	s7 =	simm.s32 @!p1 $0x80;
	s3 =	sadd.s32 @!p1 $0x380, s13;
	s13 =	simm.s32 @!p1 $0xDC00;
	[tilespmem:v16+s2+$0x0] =	vst.idx.msk $0xffff, v17  }
0x4e1: {  	[tilespmem:s13], [sflag:$0x4] =	stream.indirect.gather @!p1 [hbm4b:s5+s7], $0x80, s3, s7, $0xb8;
	[tilespmem:$0x19C00] =	vst v63  }
0x4e2: {  	s23 =	sadd.s32 s6, s10  }
0x4e3: {  	[hbm4b:s23+s14] =	stream.strided.scatter [tilespmem:s2], [sflag:$0x8], $0x2000, s15, s14, $0x38;
	[tilespmem:$0x19C00] =	vst v63  }
0x4e4: {  	s3 =	simm.s32 $0x0  }
0x4e5: {  	s6 =	sand.u32 $0x70, s3  }
0x4e6: {  	s3 =	sand.u32 $0x30, s3;
	v18 =	vor.u32 s6, v0  }
0x4e7: {  	_ =	swait.ge [sflag:s25], $0x4000;
	v16 =	vor.u32 s3, v0;
	v17 =	vshll.u32 v18, $0x7  }
0x4e8: {  	[sflag:s25] =	ssyncset.done $0x0;
	v19 =	vor.u32 v16, v17  }
0x4e9: {  	s16 =	simm.s32 $0x5;
	[sflag:s25] =	ssyncadd.s32 $0xFFFFC000  }
0x4ea: {  	_ =	swait.ge [sflag:s16], $0x2000  }
0x4eb: {  	[sflag:s16] =	ssyncset.done $0x0  }
0x4ec: {  	[sflag:s16] =	ssyncadd.s32 $0xFFFFE000  }
0x4ed: {  	v19 =	vld.idx.msk [tilespmem:v19+s19+$0x0], $0xffff  }
0x4ee: {  	v16 =	vshll.u32 v16, $0x7  }
0x4ef: {  	v20 =	vor.u32 s3, v1;
	v16 =	vor.u32 v18, v16  }
0x4f0: {  	v21 =	vor.u32 v20, v17;
	_ =	sdelay $0x1  }
0x4f1: {  	v19 =	vmul.f32 $8.000000000e+00, v19;
	_ =	sdelay $0x1  }
0x4f2: {  	[tilespmem:v16+s26+$0x0] =	vst.idx.msk $0xffff, v19  }
0x4f3: {  	v16 =	vld.idx.msk [tilespmem:v21+s19+$0x0], $0xffff  }
0x4f4: {  	v19 =	vshll.u32 v20, $0x7  }
0x4f5: {  	v20 =	vor.u32 s3, v2;
	v19 =	vor.u32 v18, v19  }
0x4f6: {  	v21 =	vor.u32 v20, v17;
	_ =	sdelay $0x1  }
0x4f7: {  	v16 =	vmul.f32 $8.000000000e+00, v16;
	_ =	sdelay $0x1  }
0x4f8: {  	[tilespmem:v19+s26+$0x0] =	vst.idx.msk $0xffff, v16  }
0x4f9: {  	v16 =	vld.idx.msk [tilespmem:v21+s19+$0x0], $0xffff  }
0x4fa: {  	v19 =	vshll.u32 v20, $0x7  }
0x4fb: {  	v20 =	vor.u32 s3, v3;
	v19 =	vor.u32 v18, v19  }
0x4fc: {  	v21 =	vor.u32 v20, v17;
	_ =	sdelay $0x1  }
0x4fd: {  	v16 =	vmul.f32 $8.000000000e+00, v16;
	_ =	sdelay $0x1  }
0x4fe: {  	[tilespmem:v19+s26+$0x0] =	vst.idx.msk $0xffff, v16  }
0x4ff: {  	v16 =	vld.idx.msk [tilespmem:v21+s19+$0x0], $0xffff  }
0x500: {  	v19 =	vshll.u32 v20, $0x7  }
0x501: {  	v20 =	vor.u32 s3, v4;
	v19 =	vor.u32 v18, v19  }
0x502: {  	v21 =	vor.u32 v20, v17;
	_ =	sdelay $0x1  }
0x503: {  	v16 =	vmul.f32 $8.000000000e+00, v16;
	_ =	sdelay $0x1  }
0x504: {  	[tilespmem:v19+s26+$0x0] =	vst.idx.msk $0xffff, v16  }
0x505: {  	v16 =	vld.idx.msk [tilespmem:v21+s19+$0x0], $0xffff  }
0x506: {  	v19 =	vshll.u32 v20, $0x7  }
0x507: {  	v20 =	vor.u32 s3, v5;
	v19 =	vor.u32 v18, v19  }
0x508: {  	v21 =	vor.u32 v20, v17;
	_ =	sdelay $0x1  }
0x509: {  	v16 =	vmul.f32 $8.000000000e+00, v16;
	_ =	sdelay $0x1  }
0x50a: {  	[tilespmem:v19+s26+$0x0] =	vst.idx.msk $0xffff, v16  }
0x50b: {  	v16 =	vld.idx.msk [tilespmem:v21+s19+$0x0], $0xffff  }
0x50c: {  	v19 =	vshll.u32 v20, $0x7  }
0x50d: {  	v20 =	vor.u32 s3, v7;
	v19 =	vor.u32 v18, v19  }
0x50e: {  	v21 =	vor.u32 v20, v17;
	_ =	sdelay $0x1  }
0x50f: {  	v16 =	vmul.f32 $8.000000000e+00, v16;
	_ =	sdelay $0x1  }
0x510: {  	[tilespmem:v19+s26+$0x0] =	vst.idx.msk $0xffff, v16  }
0x511: {  	v16 =	vld.idx.msk [tilespmem:v21+s19+$0x0], $0xffff  }
0x512: {  	v19 =	vshll.u32 v20, $0x7  }
0x513: {  	v20 =	vor.u32 s3, v8;
	v19 =	vor.u32 v18, v19  }
0x514: {  	v21 =	vor.u32 v20, v17;
	_ =	sdelay $0x1  }
0x515: {  	v16 =	vmul.f32 $8.000000000e+00, v16;
	_ =	sdelay $0x1  }
0x516: {  	[tilespmem:v19+s26+$0x0] =	vst.idx.msk $0xffff, v16  }
0x517: {  	v16 =	vld.idx.msk [tilespmem:v21+s19+$0x0], $0xffff  }
0x518: {  	v19 =	vshll.u32 v20, $0x7  }
0x519: {  	v20 =	vor.u32 s3, v6;
	v19 =	vor.u32 v18, v19  }
0x51a: {  	v21 =	vor.u32 v20, v17;
	_ =	sdelay $0x1  }
0x51b: {  	v16 =	vmul.f32 $8.000000000e+00, v16;
	_ =	sdelay $0x1  }
0x51c: {  	[tilespmem:v19+s26+$0x0] =	vst.idx.msk $0xffff, v16  }
0x51d: {  	v16 =	vld.idx.msk [tilespmem:v21+s19+$0x0], $0xffff  }
0x51e: {  	v19 =	vshll.u32 v20, $0x7  }
0x51f: {  	v20 =	vor.u32 s3, v9;
	v19 =	vor.u32 v18, v19  }
0x520: {  	v21 =	vor.u32 v20, v17;
	_ =	sdelay $0x1  }
0x521: {  	v16 =	vmul.f32 $8.000000000e+00, v16;
	_ =	sdelay $0x1  }
0x522: {  	[tilespmem:v19+s26+$0x0] =	vst.idx.msk $0xffff, v16  }
0x523: {  	v16 =	vld.idx.msk [tilespmem:v21+s19+$0x0], $0xffff  }
0x524: {  	v19 =	vshll.u32 v20, $0x7  }
0x525: {  	v20 =	vor.u32 s3, v10;
	v19 =	vor.u32 v18, v19  }
0x526: {  	v21 =	vor.u32 v20, v17;
	_ =	sdelay $0x1  }
0x527: {  	v16 =	vmul.f32 $8.000000000e+00, v16;
	_ =	sdelay $0x1  }
0x528: {  	[tilespmem:v19+s26+$0x0] =	vst.idx.msk $0xffff, v16  }
0x529: {  	v16 =	vld.idx.msk [tilespmem:v21+s19+$0x0], $0xffff  }
0x52a: {  	v19 =	vshll.u32 v20, $0x7  }
0x52b: {  	v20 =	vor.u32 s3, v11;
	v19 =	vor.u32 v18, v19  }
0x52c: {  	v21 =	vor.u32 v20, v17;
	_ =	sdelay $0x1  }
0x52d: {  	v16 =	vmul.f32 $8.000000000e+00, v16;
	_ =	sdelay $0x1  }
0x52e: {  	[tilespmem:v19+s26+$0x0] =	vst.idx.msk $0xffff, v16  }
0x52f: {  	v16 =	vld.idx.msk [tilespmem:v21+s19+$0x0], $0xffff  }
0x530: {  	v19 =	vshll.u32 v20, $0x7  }
0x531: {  	v20 =	vor.u32 s3, v12;
	v19 =	vor.u32 v18, v19  }
0x532: {  	v21 =	vor.u32 v20, v17;
	_ =	sdelay $0x1  }
0x533: {  	v16 =	vmul.f32 $8.000000000e+00, v16;
	_ =	sdelay $0x1  }
0x534: {  	[tilespmem:v19+s26+$0x0] =	vst.idx.msk $0xffff, v16  }
0x535: {  	v16 =	vld.idx.msk [tilespmem:v21+s19+$0x0], $0xffff  }
0x536: {  	v19 =	vshll.u32 v20, $0x7  }
0x537: {  	v20 =	vor.u32 s3, v13;
	v19 =	vor.u32 v18, v19  }
0x538: {  	v21 =	vor.u32 v20, v17;
	_ =	sdelay $0x1  }
0x539: {  	v16 =	vmul.f32 $8.000000000e+00, v16;
	_ =	sdelay $0x1  }
0x53a: {  	[tilespmem:v19+s26+$0x0] =	vst.idx.msk $0xffff, v16  }
0x53b: {  	v16 =	vld.idx.msk [tilespmem:v21+s19+$0x0], $0xffff  }
0x53c: {  	v19 =	vshll.u32 v20, $0x7  }
0x53d: {  	v20 =	vor.u32 s3, v14;
	v19 =	vor.u32 v18, v19  }
0x53e: {  	v21 =	vor.u32 v20, v17;
	_ =	sdelay $0x1  }
0x53f: {  	v16 =	vmul.f32 $8.000000000e+00, v16;
	_ =	sdelay $0x1  }
0x540: {  	[tilespmem:v19+s26+$0x0] =	vst.idx.msk $0xffff, v16  }
0x541: {  	v16 =	vld.idx.msk [tilespmem:v21+s19+$0x0], $0xffff  }
0x542: {  	v19 =	vshll.u32 v20, $0x7  }
0x543: {  	v20 =	vor.u32 s3, v15;
	v19 =	vor.u32 v18, v19  }
0x544: {  	v17 =	vor.u32 v20, v17;
	_ =	sdelay $0x1  }
0x545: {  	v16 =	vmul.f32 $8.000000000e+00, v16;
	_ =	sdelay $0x1  }
0x546: {  	s6 =	simm.s32 $0x4;
	[tilespmem:v19+s26+$0x0] =	vst.idx.msk $0xffff, v16  }
0x547: {  	s23 =	simm.s32 $0x10;
	s7 =	sand.u32 $0x70, s6;
	v21 =	vld.idx.msk [tilespmem:v17+s19+$0x0], $0xffff  }
0x548: {  	s3 =	sand.u32 $0x30, s23;
	v20 =	vshll.u32 v20, $0x7;
	v16 =	vor.u32 s7, v0  }
0x549: {  	v18 =	vor.u32 v18, v20;
	v19 =	vor.u32 s3, v0;
	v17 =	vshll.u32 v16, $0x7  }
0x54a: {  	v20 =	vor.u32 v19, v17;
	_ =	sdelay $0x1  }
0x54b: {  	s12 =	simm.s32 $0x20;
	v21 =	vmul.f32 $8.000000000e+00, v21  }
.LBB2_12:
0x54c: {  	_ = 	snop  }
0x54d: {  	p0 =	sne.s32 s12, $0x1F0;
	s7 =	smov.u32 s12;
	s12 =	sadd.s32 $0x10, s12;
	[tilespmem:v18+s26+$0x0] =	vst.idx.msk $0xffff, v21  }
0x54e: {  	v18 =	vld.idx.msk [tilespmem:v20+s19+$0x0], $0xffff;
	_ =	sdelay $0x1  }
0x54f: {  	v19 =	vshll.u32 v19, $0x7  }
0x550: {  	v19 =	vor.u32 v16, v19;
	v20 =	vor.u32 s3, v1  }
0x551: {  	v21 =	vor.u32 v20, v17;
	_ =	sdelay $0x1  }
0x552: {  	v18 =	vmul.f32 $8.000000000e+00, v18;
	_ =	sdelay $0x1  }
0x553: {  	[tilespmem:v19+s26+$0x0] =	vst.idx.msk $0xffff, v18  }
0x554: {  	v18 =	vld.idx.msk [tilespmem:v21+s19+$0x0], $0xffff;
	_ =	sdelay $0x1  }
0x555: {  	v19 =	vshll.u32 v20, $0x7  }
0x556: {  	v20 =	vor.u32 s3, v2;
	v19 =	vor.u32 v16, v19  }
0x557: {  	v21 =	vor.u32 v20, v17;
	_ =	sdelay $0x1  }
0x558: {  	v18 =	vmul.f32 $8.000000000e+00, v18;
	_ =	sdelay $0x1  }
0x559: {  	[tilespmem:v19+s26+$0x0] =	vst.idx.msk $0xffff, v18  }
0x55a: {  	v18 =	vld.idx.msk [tilespmem:v21+s19+$0x0], $0xffff;
	_ =	sdelay $0x1  }
0x55b: {  	v19 =	vshll.u32 v20, $0x7  }
0x55c: {  	v20 =	vor.u32 s3, v3;
	v19 =	vor.u32 v16, v19  }
0x55d: {  	v21 =	vor.u32 v20, v17;
	_ =	sdelay $0x1  }
0x55e: {  	v18 =	vmul.f32 $8.000000000e+00, v18;
	_ =	sdelay $0x1  }
0x55f: {  	[tilespmem:v19+s26+$0x0] =	vst.idx.msk $0xffff, v18  }
0x560: {  	v18 =	vld.idx.msk [tilespmem:v21+s19+$0x0], $0xffff;
	_ =	sdelay $0x1  }
0x561: {  	v19 =	vshll.u32 v20, $0x7  }
0x562: {  	v20 =	vor.u32 s3, v4;
	v19 =	vor.u32 v16, v19  }
0x563: {  	v21 =	vor.u32 v20, v17;
	_ =	sdelay $0x1  }
0x564: {  	v18 =	vmul.f32 $8.000000000e+00, v18;
	_ =	sdelay $0x1  }
0x565: {  	[tilespmem:v19+s26+$0x0] =	vst.idx.msk $0xffff, v18  }
0x566: {  	v18 =	vld.idx.msk [tilespmem:v21+s19+$0x0], $0xffff;
	_ =	sdelay $0x1  }
0x567: {  	v19 =	vshll.u32 v20, $0x7  }
0x568: {  	v20 =	vor.u32 s3, v5;
	v19 =	vor.u32 v16, v19  }
0x569: {  	v21 =	vor.u32 v20, v17;
	_ =	sdelay $0x1  }
0x56a: {  	v18 =	vmul.f32 $8.000000000e+00, v18;
	_ =	sdelay $0x1  }
0x56b: {  	[tilespmem:v19+s26+$0x0] =	vst.idx.msk $0xffff, v18  }
0x56c: {  	v18 =	vld.idx.msk [tilespmem:v21+s19+$0x0], $0xffff;
	_ =	sdelay $0x1  }
0x56d: {  	v19 =	vshll.u32 v20, $0x7  }
0x56e: {  	v20 =	vor.u32 s3, v7;
	v19 =	vor.u32 v16, v19  }
0x56f: {  	v21 =	vor.u32 v20, v17;
	_ =	sdelay $0x1  }
0x570: {  	v18 =	vmul.f32 $8.000000000e+00, v18;
	_ =	sdelay $0x1  }
0x571: {  	[tilespmem:v19+s26+$0x0] =	vst.idx.msk $0xffff, v18  }
0x572: {  	v18 =	vld.idx.msk [tilespmem:v21+s19+$0x0], $0xffff;
	_ =	sdelay $0x1  }
0x573: {  	v19 =	vshll.u32 v20, $0x7  }
0x574: {  	v20 =	vor.u32 s3, v8;
	v19 =	vor.u32 v16, v19  }
0x575: {  	v21 =	vor.u32 v20, v17;
	_ =	sdelay $0x1  }
0x576: {  	v18 =	vmul.f32 $8.000000000e+00, v18;
	_ =	sdelay $0x1  }
0x577: {  	[tilespmem:v19+s26+$0x0] =	vst.idx.msk $0xffff, v18  }
0x578: {  	v18 =	vld.idx.msk [tilespmem:v21+s19+$0x0], $0xffff;
	_ =	sdelay $0x1  }
0x579: {  	v19 =	vshll.u32 v20, $0x7  }
0x57a: {  	v20 =	vor.u32 s3, v6;
	v19 =	vor.u32 v16, v19  }
0x57b: {  	v21 =	vor.u32 v20, v17;
	_ =	sdelay $0x1  }
0x57c: {  	v18 =	vmul.f32 $8.000000000e+00, v18;
	_ =	sdelay $0x1  }
0x57d: {  	[tilespmem:v19+s26+$0x0] =	vst.idx.msk $0xffff, v18  }
0x57e: {  	v18 =	vld.idx.msk [tilespmem:v21+s19+$0x0], $0xffff;
	_ =	sdelay $0x1  }
0x57f: {  	v19 =	vshll.u32 v20, $0x7  }
0x580: {  	v20 =	vor.u32 s3, v9;
	v19 =	vor.u32 v16, v19  }
0x581: {  	v21 =	vor.u32 v20, v17;
	_ =	sdelay $0x1  }
0x582: {  	v18 =	vmul.f32 $8.000000000e+00, v18;
	_ =	sdelay $0x1  }
0x583: {  	[tilespmem:v19+s26+$0x0] =	vst.idx.msk $0xffff, v18  }
0x584: {  	v18 =	vld.idx.msk [tilespmem:v21+s19+$0x0], $0xffff;
	_ =	sdelay $0x1  }
0x585: {  	v19 =	vshll.u32 v20, $0x7  }
0x586: {  	v20 =	vor.u32 s3, v10;
	v19 =	vor.u32 v16, v19  }
0x587: {  	v21 =	vor.u32 v20, v17;
	_ =	sdelay $0x1  }
0x588: {  	v18 =	vmul.f32 $8.000000000e+00, v18;
	_ =	sdelay $0x1  }
0x589: {  	[tilespmem:v19+s26+$0x0] =	vst.idx.msk $0xffff, v18  }
0x58a: {  	v18 =	vld.idx.msk [tilespmem:v21+s19+$0x0], $0xffff;
	_ =	sdelay $0x1  }
0x58b: {  	v19 =	vshll.u32 v20, $0x7  }
0x58c: {  	v20 =	vor.u32 s3, v11;
	v19 =	vor.u32 v16, v19  }
0x58d: {  	v21 =	vor.u32 v20, v17;
	_ =	sdelay $0x1  }
0x58e: {  	v18 =	vmul.f32 $8.000000000e+00, v18;
	_ =	sdelay $0x1  }
0x58f: {  	[tilespmem:v19+s26+$0x0] =	vst.idx.msk $0xffff, v18  }
0x590: {  	v18 =	vld.idx.msk [tilespmem:v21+s19+$0x0], $0xffff;
	_ =	sdelay $0x1  }
0x591: {  	v19 =	vshll.u32 v20, $0x7  }
0x592: {  	v20 =	vor.u32 s3, v12;
	v19 =	vor.u32 v16, v19  }
0x593: {  	v21 =	vor.u32 v20, v17;
	_ =	sdelay $0x1  }
0x594: {  	v18 =	vmul.f32 $8.000000000e+00, v18;
	_ =	sdelay $0x1  }
0x595: {  	[tilespmem:v19+s26+$0x0] =	vst.idx.msk $0xffff, v18  }
0x596: {  	v18 =	vld.idx.msk [tilespmem:v21+s19+$0x0], $0xffff;
	_ =	sdelay $0x1  }
0x597: {  	v19 =	vshll.u32 v20, $0x7  }
0x598: {  	v20 =	vor.u32 s3, v13;
	v19 =	vor.u32 v16, v19  }
0x599: {  	v21 =	vor.u32 v20, v17;
	_ =	sdelay $0x1  }
0x59a: {  	v18 =	vmul.f32 $8.000000000e+00, v18;
	_ =	sdelay $0x1  }
0x59b: {  	[tilespmem:v19+s26+$0x0] =	vst.idx.msk $0xffff, v18  }
0x59c: {  	v18 =	vld.idx.msk [tilespmem:v21+s19+$0x0], $0xffff;
	_ =	sdelay $0x1  }
0x59d: {  	v19 =	vshll.u32 v20, $0x7  }
0x59e: {  	v20 =	vor.u32 s3, v14;
	v19 =	vor.u32 v16, v19  }
0x59f: {  	v21 =	vor.u32 v20, v17;
	_ =	sdelay $0x1  }
0x5a0: {  	v18 =	vmul.f32 $8.000000000e+00, v18;
	_ =	sdelay $0x1  }
0x5a1: {  	[tilespmem:v19+s26+$0x0] =	vst.idx.msk $0xffff, v18  }
0x5a2: {  	v19 =	vld.idx.msk [tilespmem:v21+s19+$0x0], $0xffff;
	_ =	sdelay $0x1  }
0x5a3: {  	v18 =	vshll.u32 v20, $0x7  }
0x5a4: {  	v20 =	vor.u32 v16, v18;
	v18 =	vor.u32 s3, v15  }
0x5a5: {  	v17 =	vor.u32 v18, v17;
	v18 =	vshll.u32 v18, $0x7  }
0x5a6: {  	v18 =	vor.u32 v16, v18  }
0x5a7: {  	v16 =	vmul.f32 $8.000000000e+00, v19;
	_ =	sdelay $0x1  }
0x5a8: {  	[tilespmem:v20+s26+$0x0] =	vst.idx.msk $0xffff, v16  }
0x5a9: {  	s6 =	sadd.s32 $0x4, s6;
	v21 =	vld.idx.msk [tilespmem:v17+s19+$0x0], $0xffff  }
0x5aa: {  	s13 =	sand.u32 $0x70, s6  }
.Ltmp5:
0x5ab: {  	s3 =	sand.u32 $0x30, s7;
	v16 =	vor.u32 s13, v0;
	(pc) =	sbr.rel @p0 .LBB2_12-.Ltmp5, $3  }
0x5ac: {  	v19 =	vor.u32 s3, v0;
	v17 =	vshll.u32 v16, $0x7  }
0x5ad: {  	v20 =	vor.u32 v19, v17;
	_ =	sdelay $0x1  }
0x5ae: {  	v21 =	vmul.f32 $8.000000000e+00, v21  }
0x5af: {  	_ =	sdelay $0x3  }
0x5b0: {  	[tilespmem:v18+s26+$0x0] =	vst.idx.msk $0xffff, v21  }
0x5b1: {  	v18 =	vld.idx.msk [tilespmem:v20+s19+$0x0], $0xffff  }
0x5b2: {  	v19 =	vshll.u32 v19, $0x7  }
0x5b3: {  	v19 =	vor.u32 v16, v19;
	v20 =	vor.u32 s3, v1  }
0x5b4: {  	v21 =	vor.u32 v20, v17;
	_ =	sdelay $0x1  }
0x5b5: {  	v18 =	vmul.f32 $8.000000000e+00, v18;
	_ =	sdelay $0x1  }
0x5b6: {  	[tilespmem:v19+s26+$0x0] =	vst.idx.msk $0xffff, v18  }
0x5b7: {  	v18 =	vld.idx.msk [tilespmem:v21+s19+$0x0], $0xffff  }
0x5b8: {  	v19 =	vshll.u32 v20, $0x7  }
0x5b9: {  	v20 =	vor.u32 s3, v2;
	v19 =	vor.u32 v16, v19  }
0x5ba: {  	v21 =	vor.u32 v20, v17;
	_ =	sdelay $0x1  }
0x5bb: {  	v18 =	vmul.f32 $8.000000000e+00, v18;
	_ =	sdelay $0x1  }
0x5bc: {  	[tilespmem:v19+s26+$0x0] =	vst.idx.msk $0xffff, v18  }
0x5bd: {  	v18 =	vld.idx.msk [tilespmem:v21+s19+$0x0], $0xffff  }
0x5be: {  	v19 =	vshll.u32 v20, $0x7  }
0x5bf: {  	v20 =	vor.u32 s3, v3;
	v19 =	vor.u32 v16, v19  }
0x5c0: {  	v21 =	vor.u32 v20, v17;
	_ =	sdelay $0x1  }
0x5c1: {  	v18 =	vmul.f32 $8.000000000e+00, v18;
	_ =	sdelay $0x1  }
0x5c2: {  	[tilespmem:v19+s26+$0x0] =	vst.idx.msk $0xffff, v18  }
0x5c3: {  	v18 =	vld.idx.msk [tilespmem:v21+s19+$0x0], $0xffff  }
0x5c4: {  	v19 =	vshll.u32 v20, $0x7  }
0x5c5: {  	v20 =	vor.u32 s3, v4;
	v19 =	vor.u32 v16, v19  }
0x5c6: {  	v21 =	vor.u32 v20, v17;
	_ =	sdelay $0x1  }
0x5c7: {  	v18 =	vmul.f32 $8.000000000e+00, v18;
	_ =	sdelay $0x1  }
0x5c8: {  	[tilespmem:v19+s26+$0x0] =	vst.idx.msk $0xffff, v18  }
0x5c9: {  	v18 =	vld.idx.msk [tilespmem:v21+s19+$0x0], $0xffff  }
0x5ca: {  	v19 =	vshll.u32 v20, $0x7  }
0x5cb: {  	v20 =	vor.u32 s3, v5;
	v19 =	vor.u32 v16, v19  }
0x5cc: {  	v21 =	vor.u32 v20, v17;
	_ =	sdelay $0x1  }
0x5cd: {  	v18 =	vmul.f32 $8.000000000e+00, v18;
	_ =	sdelay $0x1  }
0x5ce: {  	[tilespmem:v19+s26+$0x0] =	vst.idx.msk $0xffff, v18  }
0x5cf: {  	v18 =	vld.idx.msk [tilespmem:v21+s19+$0x0], $0xffff  }
0x5d0: {  	v19 =	vshll.u32 v20, $0x7  }
0x5d1: {  	v20 =	vor.u32 s3, v7;
	v19 =	vor.u32 v16, v19  }
0x5d2: {  	v21 =	vor.u32 v20, v17;
	_ =	sdelay $0x1  }
0x5d3: {  	v18 =	vmul.f32 $8.000000000e+00, v18;
	_ =	sdelay $0x1  }
0x5d4: {  	[tilespmem:v19+s26+$0x0] =	vst.idx.msk $0xffff, v18  }
0x5d5: {  	v18 =	vld.idx.msk [tilespmem:v21+s19+$0x0], $0xffff  }
0x5d6: {  	v19 =	vshll.u32 v20, $0x7  }
0x5d7: {  	v20 =	vor.u32 s3, v8;
	v19 =	vor.u32 v16, v19  }
0x5d8: {  	v21 =	vor.u32 v20, v17;
	_ =	sdelay $0x1  }
0x5d9: {  	v18 =	vmul.f32 $8.000000000e+00, v18;
	_ =	sdelay $0x1  }
0x5da: {  	[tilespmem:v19+s26+$0x0] =	vst.idx.msk $0xffff, v18  }
0x5db: {  	v18 =	vld.idx.msk [tilespmem:v21+s19+$0x0], $0xffff  }
0x5dc: {  	v19 =	vshll.u32 v20, $0x7  }
0x5dd: {  	v20 =	vor.u32 s3, v6;
	v19 =	vor.u32 v16, v19  }
0x5de: {  	v21 =	vor.u32 v20, v17;
	_ =	sdelay $0x1  }
0x5df: {  	v18 =	vmul.f32 $8.000000000e+00, v18;
	_ =	sdelay $0x1  }
0x5e0: {  	[tilespmem:v19+s26+$0x0] =	vst.idx.msk $0xffff, v18  }
0x5e1: {  	v18 =	vld.idx.msk [tilespmem:v21+s19+$0x0], $0xffff  }
0x5e2: {  	v19 =	vshll.u32 v20, $0x7  }
0x5e3: {  	v20 =	vor.u32 s3, v9;
	v19 =	vor.u32 v16, v19  }
0x5e4: {  	v21 =	vor.u32 v20, v17;
	_ =	sdelay $0x1  }
0x5e5: {  	v18 =	vmul.f32 $8.000000000e+00, v18;
	_ =	sdelay $0x1  }
0x5e6: {  	[tilespmem:v19+s26+$0x0] =	vst.idx.msk $0xffff, v18  }
0x5e7: {  	v18 =	vld.idx.msk [tilespmem:v21+s19+$0x0], $0xffff  }
0x5e8: {  	v19 =	vshll.u32 v20, $0x7  }
0x5e9: {  	v20 =	vor.u32 s3, v10;
	v19 =	vor.u32 v16, v19  }
0x5ea: {  	v21 =	vor.u32 v20, v17;
	_ =	sdelay $0x1  }
0x5eb: {  	v18 =	vmul.f32 $8.000000000e+00, v18;
	_ =	sdelay $0x1  }
0x5ec: {  	[tilespmem:v19+s26+$0x0] =	vst.idx.msk $0xffff, v18  }
0x5ed: {  	v18 =	vld.idx.msk [tilespmem:v21+s19+$0x0], $0xffff  }
0x5ee: {  	v19 =	vshll.u32 v20, $0x7  }
0x5ef: {  	v20 =	vor.u32 s3, v11;
	v19 =	vor.u32 v16, v19  }
0x5f0: {  	v21 =	vor.u32 v20, v17;
	_ =	sdelay $0x1  }
0x5f1: {  	v18 =	vmul.f32 $8.000000000e+00, v18;
	_ =	sdelay $0x1  }
0x5f2: {  	[tilespmem:v19+s26+$0x0] =	vst.idx.msk $0xffff, v18  }
0x5f3: {  	v18 =	vld.idx.msk [tilespmem:v21+s19+$0x0], $0xffff  }
0x5f4: {  	v19 =	vshll.u32 v20, $0x7  }
0x5f5: {  	v20 =	vor.u32 s3, v12;
	v19 =	vor.u32 v16, v19  }
0x5f6: {  	v21 =	vor.u32 v20, v17;
	_ =	sdelay $0x1  }
0x5f7: {  	v18 =	vmul.f32 $8.000000000e+00, v18;
	_ =	sdelay $0x1  }
0x5f8: {  	[tilespmem:v19+s26+$0x0] =	vst.idx.msk $0xffff, v18  }
0x5f9: {  	v18 =	vld.idx.msk [tilespmem:v21+s19+$0x0], $0xffff  }
0x5fa: {  	v19 =	vshll.u32 v20, $0x7  }
0x5fb: {  	v20 =	vor.u32 s3, v13;
	v19 =	vor.u32 v16, v19  }
0x5fc: {  	v21 =	vor.u32 v20, v17;
	_ =	sdelay $0x1  }
0x5fd: {  	v18 =	vmul.f32 $8.000000000e+00, v18;
	_ =	sdelay $0x1  }
0x5fe: {  	[tilespmem:v19+s26+$0x0] =	vst.idx.msk $0xffff, v18  }
0x5ff: {  	v18 =	vld.idx.msk [tilespmem:v21+s19+$0x0], $0xffff  }
0x600: {  	v19 =	vshll.u32 v20, $0x7  }
0x601: {  	v20 =	vor.u32 s3, v14;
	v19 =	vor.u32 v16, v19  }
0x602: {  	v21 =	vor.u32 v20, v17;
	_ =	sdelay $0x1  }
0x603: {  	v18 =	vmul.f32 $8.000000000e+00, v18;
	_ =	sdelay $0x1  }
0x604: {  	[tilespmem:v19+s26+$0x0] =	vst.idx.msk $0xffff, v18  }
0x605: {  	v18 =	vld.idx.msk [tilespmem:v21+s19+$0x0], $0xffff  }
0x606: {  	v19 =	vshll.u32 v20, $0x7  }
0x607: {  	v20 =	vor.u32 s3, v15;
	v19 =	vor.u32 v16, v19  }
0x608: {  	v17 =	vor.u32 v20, v17;
	_ =	sdelay $0x1  }
0x609: {  	v18 =	vmul.f32 $8.000000000e+00, v18;
	_ =	sdelay $0x1  }
0x60a: {  	[tilespmem:v19+s26+$0x0] =	vst.idx.msk $0xffff, v18  }
0x60b: {  	v17 =	vld.idx.msk [tilespmem:v17+s19+$0x0], $0xffff  }
0x60c: {  	v18 =	vshll.u32 v20, $0x7  }
0x60d: {  	v16 =	vor.u32 v16, v18;
	_ =	sdelay $0x2  }
0x60e: {  	v17 =	vmul.f32 $8.000000000e+00, v17  }
0x60f: {  	s17 =	simm.s32 $0x0  }
0x610: {  	s13 =	rddreg [dreg:$0x6];
	s6 =	sand.u32 $0x70, s17;
	s3 =	sand.u32 $0x30, s17;
	[tilespmem:v16+s26+$0x0] =	vst.idx.msk $0xffff, v17  }
0x611: {  	v18 =	vor.u32 s6, v0;
	[hbm4b:s13+s14] =	stream.strided.scatter [tilespmem:s26], [sflag:$0x5], $0x2000, s15, s14, $0x38;
	[tilespmem:$0x19C00] =	vst v63  }
0x612: {  	v16 =	vor.u32 s3, v0;
	v17 =	vshll.u32 v18, $0x7;
	_ =	swait.ge [sflag:s28], $0x4000  }
0x613: {  	v19 =	vor.u32 v16, v17;
	[sflag:s28] =	ssyncset.done $0x0  }
0x614: {  	[sflag:s28] =	ssyncadd.s32 $0xFFFFC000  }
0x615: {  	_ =	swait.ge [sflag:s21], $0x2000  }
0x616: {  	[sflag:s21] =	ssyncset.done $0x0  }
0x617: {  	[sflag:s21] =	ssyncadd.s32 $0xFFFFE000  }
0x618: {  	v19 =	vld.idx.msk [tilespmem:v19+s20+$0x0], $0xffff  }
0x619: {  	v16 =	vshll.u32 v16, $0x7  }
0x61a: {  	v20 =	vor.u32 s3, v1;
	v16 =	vor.u32 v18, v16  }
0x61b: {  	v21 =	vor.u32 v20, v17;
	_ =	sdelay $0x1  }
0x61c: {  	v19 =	vmul.f32 $8.000000000e+00, v19;
	_ =	sdelay $0x1  }
0x61d: {  	[tilespmem:v16+s29+$0x0] =	vst.idx.msk $0xffff, v19  }
0x61e: {  	v16 =	vld.idx.msk [tilespmem:v21+s20+$0x0], $0xffff  }
0x61f: {  	v19 =	vshll.u32 v20, $0x7  }
0x620: {  	v20 =	vor.u32 s3, v2;
	v19 =	vor.u32 v18, v19  }
0x621: {  	v21 =	vor.u32 v20, v17;
	_ =	sdelay $0x1  }
0x622: {  	v16 =	vmul.f32 $8.000000000e+00, v16;
	_ =	sdelay $0x1  }
0x623: {  	[tilespmem:v19+s29+$0x0] =	vst.idx.msk $0xffff, v16  }
0x624: {  	v16 =	vld.idx.msk [tilespmem:v21+s20+$0x0], $0xffff  }
0x625: {  	v19 =	vshll.u32 v20, $0x7  }
0x626: {  	v20 =	vor.u32 s3, v3;
	v19 =	vor.u32 v18, v19  }
0x627: {  	v21 =	vor.u32 v20, v17;
	_ =	sdelay $0x1  }
0x628: {  	v16 =	vmul.f32 $8.000000000e+00, v16;
	_ =	sdelay $0x1  }
0x629: {  	[tilespmem:v19+s29+$0x0] =	vst.idx.msk $0xffff, v16  }
0x62a: {  	v16 =	vld.idx.msk [tilespmem:v21+s20+$0x0], $0xffff  }
0x62b: {  	v19 =	vshll.u32 v20, $0x7  }
0x62c: {  	v20 =	vor.u32 s3, v4;
	v19 =	vor.u32 v18, v19  }
0x62d: {  	v21 =	vor.u32 v20, v17;
	_ =	sdelay $0x1  }
0x62e: {  	v16 =	vmul.f32 $8.000000000e+00, v16;
	_ =	sdelay $0x1  }
0x62f: {  	[tilespmem:v19+s29+$0x0] =	vst.idx.msk $0xffff, v16  }
0x630: {  	v16 =	vld.idx.msk [tilespmem:v21+s20+$0x0], $0xffff  }
0x631: {  	v19 =	vshll.u32 v20, $0x7  }
0x632: {  	v20 =	vor.u32 s3, v5;
	v19 =	vor.u32 v18, v19  }
0x633: {  	v21 =	vor.u32 v20, v17;
	_ =	sdelay $0x1  }
0x634: {  	v16 =	vmul.f32 $8.000000000e+00, v16;
	_ =	sdelay $0x1  }
0x635: {  	[tilespmem:v19+s29+$0x0] =	vst.idx.msk $0xffff, v16  }
0x636: {  	v16 =	vld.idx.msk [tilespmem:v21+s20+$0x0], $0xffff  }
0x637: {  	v19 =	vshll.u32 v20, $0x7  }
0x638: {  	v20 =	vor.u32 s3, v7;
	v19 =	vor.u32 v18, v19  }
0x639: {  	v21 =	vor.u32 v20, v17;
	_ =	sdelay $0x1  }
0x63a: {  	v16 =	vmul.f32 $8.000000000e+00, v16;
	_ =	sdelay $0x1  }
0x63b: {  	[tilespmem:v19+s29+$0x0] =	vst.idx.msk $0xffff, v16  }
0x63c: {  	v16 =	vld.idx.msk [tilespmem:v21+s20+$0x0], $0xffff  }
0x63d: {  	v19 =	vshll.u32 v20, $0x7  }
0x63e: {  	v20 =	vor.u32 s3, v8;
	v19 =	vor.u32 v18, v19  }
0x63f: {  	v21 =	vor.u32 v20, v17;
	_ =	sdelay $0x1  }
0x640: {  	v16 =	vmul.f32 $8.000000000e+00, v16;
	_ =	sdelay $0x1  }
0x641: {  	[tilespmem:v19+s29+$0x0] =	vst.idx.msk $0xffff, v16  }
0x642: {  	v16 =	vld.idx.msk [tilespmem:v21+s20+$0x0], $0xffff  }
0x643: {  	v19 =	vshll.u32 v20, $0x7  }
0x644: {  	v20 =	vor.u32 s3, v6;
	v19 =	vor.u32 v18, v19  }
0x645: {  	v21 =	vor.u32 v20, v17;
	_ =	sdelay $0x1  }
0x646: {  	v16 =	vmul.f32 $8.000000000e+00, v16;
	_ =	sdelay $0x1  }
0x647: {  	[tilespmem:v19+s29+$0x0] =	vst.idx.msk $0xffff, v16  }
0x648: {  	v16 =	vld.idx.msk [tilespmem:v21+s20+$0x0], $0xffff  }
0x649: {  	v19 =	vshll.u32 v20, $0x7  }
0x64a: {  	v20 =	vor.u32 s3, v9;
	v19 =	vor.u32 v18, v19  }
0x64b: {  	v21 =	vor.u32 v20, v17;
	_ =	sdelay $0x1  }
0x64c: {  	v16 =	vmul.f32 $8.000000000e+00, v16;
	_ =	sdelay $0x1  }
0x64d: {  	[tilespmem:v19+s29+$0x0] =	vst.idx.msk $0xffff, v16  }
0x64e: {  	v16 =	vld.idx.msk [tilespmem:v21+s20+$0x0], $0xffff  }
0x64f: {  	v19 =	vshll.u32 v20, $0x7  }
0x650: {  	v20 =	vor.u32 s3, v10;
	v19 =	vor.u32 v18, v19  }
0x651: {  	v21 =	vor.u32 v20, v17;
	_ =	sdelay $0x1  }
0x652: {  	v16 =	vmul.f32 $8.000000000e+00, v16;
	_ =	sdelay $0x1  }
0x653: {  	[tilespmem:v19+s29+$0x0] =	vst.idx.msk $0xffff, v16  }
0x654: {  	v16 =	vld.idx.msk [tilespmem:v21+s20+$0x0], $0xffff  }
0x655: {  	v19 =	vshll.u32 v20, $0x7  }
0x656: {  	v20 =	vor.u32 s3, v11;
	v19 =	vor.u32 v18, v19  }
0x657: {  	v21 =	vor.u32 v20, v17;
	_ =	sdelay $0x1  }
0x658: {  	v16 =	vmul.f32 $8.000000000e+00, v16;
	_ =	sdelay $0x1  }
0x659: {  	[tilespmem:v19+s29+$0x0] =	vst.idx.msk $0xffff, v16  }
0x65a: {  	v16 =	vld.idx.msk [tilespmem:v21+s20+$0x0], $0xffff  }
0x65b: {  	v19 =	vshll.u32 v20, $0x7  }
0x65c: {  	v20 =	vor.u32 s3, v12;
	v19 =	vor.u32 v18, v19  }
0x65d: {  	v21 =	vor.u32 v20, v17;
	_ =	sdelay $0x1  }
0x65e: {  	v16 =	vmul.f32 $8.000000000e+00, v16;
	_ =	sdelay $0x1  }
0x65f: {  	[tilespmem:v19+s29+$0x0] =	vst.idx.msk $0xffff, v16  }
0x660: {  	v16 =	vld.idx.msk [tilespmem:v21+s20+$0x0], $0xffff  }
0x661: {  	v19 =	vshll.u32 v20, $0x7  }
0x662: {  	v20 =	vor.u32 s3, v13;
	v19 =	vor.u32 v18, v19  }
0x663: {  	v21 =	vor.u32 v20, v17;
	_ =	sdelay $0x1  }
0x664: {  	v16 =	vmul.f32 $8.000000000e+00, v16;
	_ =	sdelay $0x1  }
0x665: {  	[tilespmem:v19+s29+$0x0] =	vst.idx.msk $0xffff, v16  }
0x666: {  	v16 =	vld.idx.msk [tilespmem:v21+s20+$0x0], $0xffff  }
0x667: {  	v19 =	vshll.u32 v20, $0x7  }
0x668: {  	v20 =	vor.u32 s3, v14;
	v19 =	vor.u32 v18, v19  }
0x669: {  	v21 =	vor.u32 v20, v17;
	_ =	sdelay $0x1  }
0x66a: {  	v16 =	vmul.f32 $8.000000000e+00, v16;
	_ =	sdelay $0x1  }
0x66b: {  	[tilespmem:v19+s29+$0x0] =	vst.idx.msk $0xffff, v16  }
0x66c: {  	v16 =	vld.idx.msk [tilespmem:v21+s20+$0x0], $0xffff  }
0x66d: {  	v19 =	vshll.u32 v20, $0x7  }
0x66e: {  	v20 =	vor.u32 s3, v15;
	v19 =	vor.u32 v18, v19  }
0x66f: {  	v17 =	vor.u32 v20, v17;
	_ =	sdelay $0x1  }
0x670: {  	v16 =	vmul.f32 $8.000000000e+00, v16;
	_ =	sdelay $0x1  }
0x671: {  	s6 =	simm.s32 $0x4;
	[tilespmem:v19+s29+$0x0] =	vst.idx.msk $0xffff, v16  }
0x672: {  	s23 =	simm.s32 $0x10;
	s7 =	sand.u32 $0x70, s6;
	v21 =	vld.idx.msk [tilespmem:v17+s20+$0x0], $0xffff  }
0x673: {  	s3 =	sand.u32 $0x30, s23;
	v20 =	vshll.u32 v20, $0x7;
	v16 =	vor.u32 s7, v0  }
0x674: {  	v18 =	vor.u32 v18, v20;
	v19 =	vor.u32 s3, v0;
	v17 =	vshll.u32 v16, $0x7  }
0x675: {  	v20 =	vor.u32 v19, v17;
	_ =	sdelay $0x1  }
0x676: {  	s12 =	simm.s32 $0x20;
	v21 =	vmul.f32 $8.000000000e+00, v21  }
.LBB2_14:
0x677: {  	_ = 	snop  }
0x678: {  	p0 =	sne.s32 s12, $0x1F0;
	s7 =	smov.u32 s12;
	s12 =	sadd.s32 $0x10, s12;
	[tilespmem:v18+s29+$0x0] =	vst.idx.msk $0xffff, v21  }
0x679: {  	v18 =	vld.idx.msk [tilespmem:v20+s20+$0x0], $0xffff;
	_ =	sdelay $0x1  }
0x67a: {  	v19 =	vshll.u32 v19, $0x7  }
0x67b: {  	v19 =	vor.u32 v16, v19;
	v20 =	vor.u32 s3, v1  }
0x67c: {  	v21 =	vor.u32 v20, v17;
	_ =	sdelay $0x1  }
0x67d: {  	v18 =	vmul.f32 $8.000000000e+00, v18;
	_ =	sdelay $0x1  }
0x67e: {  	[tilespmem:v19+s29+$0x0] =	vst.idx.msk $0xffff, v18  }
0x67f: {  	v18 =	vld.idx.msk [tilespmem:v21+s20+$0x0], $0xffff;
	_ =	sdelay $0x1  }
0x680: {  	v19 =	vshll.u32 v20, $0x7  }
0x681: {  	v20 =	vor.u32 s3, v2;
	v19 =	vor.u32 v16, v19  }
0x682: {  	v21 =	vor.u32 v20, v17;
	_ =	sdelay $0x1  }
0x683: {  	v18 =	vmul.f32 $8.000000000e+00, v18;
	_ =	sdelay $0x1  }
0x684: {  	[tilespmem:v19+s29+$0x0] =	vst.idx.msk $0xffff, v18  }
0x685: {  	v18 =	vld.idx.msk [tilespmem:v21+s20+$0x0], $0xffff;
	_ =	sdelay $0x1  }
0x686: {  	v19 =	vshll.u32 v20, $0x7  }
0x687: {  	v20 =	vor.u32 s3, v3;
	v19 =	vor.u32 v16, v19  }
0x688: {  	v21 =	vor.u32 v20, v17;
	_ =	sdelay $0x1  }
0x689: {  	v18 =	vmul.f32 $8.000000000e+00, v18;
	_ =	sdelay $0x1  }
0x68a: {  	[tilespmem:v19+s29+$0x0] =	vst.idx.msk $0xffff, v18  }
0x68b: {  	v18 =	vld.idx.msk [tilespmem:v21+s20+$0x0], $0xffff;
	_ =	sdelay $0x1  }
0x68c: {  	v19 =	vshll.u32 v20, $0x7  }
0x68d: {  	v20 =	vor.u32 s3, v4;
	v19 =	vor.u32 v16, v19  }
0x68e: {  	v21 =	vor.u32 v20, v17;
	_ =	sdelay $0x1  }
0x68f: {  	v18 =	vmul.f32 $8.000000000e+00, v18;
	_ =	sdelay $0x1  }
0x690: {  	[tilespmem:v19+s29+$0x0] =	vst.idx.msk $0xffff, v18  }
0x691: {  	v18 =	vld.idx.msk [tilespmem:v21+s20+$0x0], $0xffff;
	_ =	sdelay $0x1  }
0x692: {  	v19 =	vshll.u32 v20, $0x7  }
0x693: {  	v20 =	vor.u32 s3, v5;
	v19 =	vor.u32 v16, v19  }
0x694: {  	v21 =	vor.u32 v20, v17;
	_ =	sdelay $0x1  }
0x695: {  	v18 =	vmul.f32 $8.000000000e+00, v18;
	_ =	sdelay $0x1  }
0x696: {  	[tilespmem:v19+s29+$0x0] =	vst.idx.msk $0xffff, v18  }
0x697: {  	v18 =	vld.idx.msk [tilespmem:v21+s20+$0x0], $0xffff;
	_ =	sdelay $0x1  }
0x698: {  	v19 =	vshll.u32 v20, $0x7  }
0x699: {  	v20 =	vor.u32 s3, v7;
	v19 =	vor.u32 v16, v19  }
0x69a: {  	v21 =	vor.u32 v20, v17;
	_ =	sdelay $0x1  }
0x69b: {  	v18 =	vmul.f32 $8.000000000e+00, v18;
	_ =	sdelay $0x1  }
0x69c: {  	[tilespmem:v19+s29+$0x0] =	vst.idx.msk $0xffff, v18  }
0x69d: {  	v18 =	vld.idx.msk [tilespmem:v21+s20+$0x0], $0xffff;
	_ =	sdelay $0x1  }
0x69e: {  	v19 =	vshll.u32 v20, $0x7  }
0x69f: {  	v20 =	vor.u32 s3, v8;
	v19 =	vor.u32 v16, v19  }
0x6a0: {  	v21 =	vor.u32 v20, v17;
	_ =	sdelay $0x1  }
0x6a1: {  	v18 =	vmul.f32 $8.000000000e+00, v18;
	_ =	sdelay $0x1  }
0x6a2: {  	[tilespmem:v19+s29+$0x0] =	vst.idx.msk $0xffff, v18  }
0x6a3: {  	v18 =	vld.idx.msk [tilespmem:v21+s20+$0x0], $0xffff;
	_ =	sdelay $0x1  }
0x6a4: {  	v19 =	vshll.u32 v20, $0x7  }
0x6a5: {  	v20 =	vor.u32 s3, v6;
	v19 =	vor.u32 v16, v19  }
0x6a6: {  	v21 =	vor.u32 v20, v17;
	_ =	sdelay $0x1  }
0x6a7: {  	v18 =	vmul.f32 $8.000000000e+00, v18;
	_ =	sdelay $0x1  }
0x6a8: {  	[tilespmem:v19+s29+$0x0] =	vst.idx.msk $0xffff, v18  }
0x6a9: {  	v18 =	vld.idx.msk [tilespmem:v21+s20+$0x0], $0xffff;
	_ =	sdelay $0x1  }
0x6aa: {  	v19 =	vshll.u32 v20, $0x7  }
0x6ab: {  	v20 =	vor.u32 s3, v9;
	v19 =	vor.u32 v16, v19  }
0x6ac: {  	v21 =	vor.u32 v20, v17;
	_ =	sdelay $0x1  }
0x6ad: {  	v18 =	vmul.f32 $8.000000000e+00, v18;
	_ =	sdelay $0x1  }
0x6ae: {  	[tilespmem:v19+s29+$0x0] =	vst.idx.msk $0xffff, v18  }
0x6af: {  	v18 =	vld.idx.msk [tilespmem:v21+s20+$0x0], $0xffff;
	_ =	sdelay $0x1  }
0x6b0: {  	v19 =	vshll.u32 v20, $0x7  }
0x6b1: {  	v20 =	vor.u32 s3, v10;
	v19 =	vor.u32 v16, v19  }
0x6b2: {  	v21 =	vor.u32 v20, v17;
	_ =	sdelay $0x1  }
0x6b3: {  	v18 =	vmul.f32 $8.000000000e+00, v18;
	_ =	sdelay $0x1  }
0x6b4: {  	[tilespmem:v19+s29+$0x0] =	vst.idx.msk $0xffff, v18  }
0x6b5: {  	v18 =	vld.idx.msk [tilespmem:v21+s20+$0x0], $0xffff;
	_ =	sdelay $0x1  }
0x6b6: {  	v19 =	vshll.u32 v20, $0x7  }
0x6b7: {  	v20 =	vor.u32 s3, v11;
	v19 =	vor.u32 v16, v19  }
0x6b8: {  	v21 =	vor.u32 v20, v17;
	_ =	sdelay $0x1  }
0x6b9: {  	v18 =	vmul.f32 $8.000000000e+00, v18;
	_ =	sdelay $0x1  }
0x6ba: {  	[tilespmem:v19+s29+$0x0] =	vst.idx.msk $0xffff, v18  }
0x6bb: {  	v18 =	vld.idx.msk [tilespmem:v21+s20+$0x0], $0xffff;
	_ =	sdelay $0x1  }
0x6bc: {  	v19 =	vshll.u32 v20, $0x7  }
0x6bd: {  	v20 =	vor.u32 s3, v12;
	v19 =	vor.u32 v16, v19  }
0x6be: {  	v21 =	vor.u32 v20, v17;
	_ =	sdelay $0x1  }
0x6bf: {  	v18 =	vmul.f32 $8.000000000e+00, v18;
	_ =	sdelay $0x1  }
0x6c0: {  	[tilespmem:v19+s29+$0x0] =	vst.idx.msk $0xffff, v18  }
0x6c1: {  	v18 =	vld.idx.msk [tilespmem:v21+s20+$0x0], $0xffff;
	_ =	sdelay $0x1  }
0x6c2: {  	v19 =	vshll.u32 v20, $0x7  }
0x6c3: {  	v20 =	vor.u32 s3, v13;
	v19 =	vor.u32 v16, v19  }
0x6c4: {  	v21 =	vor.u32 v20, v17;
	_ =	sdelay $0x1  }
0x6c5: {  	v18 =	vmul.f32 $8.000000000e+00, v18;
	_ =	sdelay $0x1  }
0x6c6: {  	[tilespmem:v19+s29+$0x0] =	vst.idx.msk $0xffff, v18  }
0x6c7: {  	v18 =	vld.idx.msk [tilespmem:v21+s20+$0x0], $0xffff;
	_ =	sdelay $0x1  }
0x6c8: {  	v19 =	vshll.u32 v20, $0x7  }
0x6c9: {  	v20 =	vor.u32 s3, v14;
	v19 =	vor.u32 v16, v19  }
0x6ca: {  	v21 =	vor.u32 v20, v17;
	_ =	sdelay $0x1  }
0x6cb: {  	v18 =	vmul.f32 $8.000000000e+00, v18;
	_ =	sdelay $0x1  }
0x6cc: {  	[tilespmem:v19+s29+$0x0] =	vst.idx.msk $0xffff, v18  }
0x6cd: {  	v19 =	vld.idx.msk [tilespmem:v21+s20+$0x0], $0xffff;
	_ =	sdelay $0x1  }
0x6ce: {  	v18 =	vshll.u32 v20, $0x7  }
0x6cf: {  	v20 =	vor.u32 v16, v18;
	v18 =	vor.u32 s3, v15  }
0x6d0: {  	v17 =	vor.u32 v18, v17;
	v18 =	vshll.u32 v18, $0x7  }
0x6d1: {  	v18 =	vor.u32 v16, v18  }
0x6d2: {  	v16 =	vmul.f32 $8.000000000e+00, v19;
	_ =	sdelay $0x1  }
0x6d3: {  	[tilespmem:v20+s29+$0x0] =	vst.idx.msk $0xffff, v16  }
0x6d4: {  	s6 =	sadd.s32 $0x4, s6;
	v21 =	vld.idx.msk [tilespmem:v17+s20+$0x0], $0xffff  }
0x6d5: {  	s13 =	sand.u32 $0x70, s6  }
.Ltmp6:
0x6d6: {  	s3 =	sand.u32 $0x30, s7;
	v16 =	vor.u32 s13, v0;
	(pc) =	sbr.rel @p0 .LBB2_14-.Ltmp6, $3  }
0x6d7: {  	v19 =	vor.u32 s3, v0;
	v17 =	vshll.u32 v16, $0x7  }
0x6d8: {  	v20 =	vor.u32 v19, v17;
	_ =	sdelay $0x1  }
0x6d9: {  	v21 =	vmul.f32 $8.000000000e+00, v21  }
0x6da: {  	_ =	sdelay $0x3  }
0x6db: {  	[tilespmem:v18+s29+$0x0] =	vst.idx.msk $0xffff, v21  }
0x6dc: {  	v18 =	vld.idx.msk [tilespmem:v20+s20+$0x0], $0xffff  }
0x6dd: {  	v19 =	vshll.u32 v19, $0x7  }
0x6de: {  	v60 =	vor.u32 s3, v1;
	v19 =	vor.u32 v16, v19  }
0x6df: {  	v61 =	vor.u32 v60, v17;
	_ =	sdelay $0x1  }
0x6e0: {  	v18 =	vmul.f32 $8.000000000e+00, v18;
	_ =	sdelay $0x1  }
0x6e1: {  	[tilespmem:v19+s29+$0x0] =	vst.idx.msk $0xffff, v18  }
0x6e2: {  	v18 =	vld.idx.msk [tilespmem:v61+s20+$0x0], $0xffff  }
0x6e3: {  	v62 =	vshll.u32 v60, $0x7  }
0x6e4: {  	v63 =	vor.u32 s3, v2;
	v19 =	vor.u32 v16, v62  }
0x6e5: {  	v24 =	vor.u32 v63, v17;
	_ =	sdelay $0x1  }
0x6e6: {  	v18 =	vmul.f32 $8.000000000e+00, v18;
	_ =	sdelay $0x1  }
0x6e7: {  	[tilespmem:v19+s29+$0x0] =	vst.idx.msk $0xffff, v18  }
0x6e8: {  	v18 =	vld.idx.msk [tilespmem:v24+s20+$0x0], $0xffff  }
0x6e9: {  	v25 =	vshll.u32 v63, $0x7  }
0x6ea: {  	v26 =	vor.u32 s3, v3;
	v19 =	vor.u32 v16, v25  }
0x6eb: {  	v27 =	vor.u32 v26, v17;
	_ =	sdelay $0x1  }
0x6ec: {  	v18 =	vmul.f32 $8.000000000e+00, v18;
	_ =	sdelay $0x1  }
0x6ed: {  	[tilespmem:v19+s29+$0x0] =	vst.idx.msk $0xffff, v18  }
0x6ee: {  	v18 =	vld.idx.msk [tilespmem:v27+s20+$0x0], $0xffff  }
0x6ef: {  	v28 =	vshll.u32 v26, $0x7  }
0x6f0: {  	v29 =	vor.u32 s3, v4;
	v19 =	vor.u32 v16, v28  }
0x6f1: {  	v30 =	vor.u32 v29, v17;
	_ =	sdelay $0x1  }
0x6f2: {  	v18 =	vmul.f32 $8.000000000e+00, v18;
	_ =	sdelay $0x1  }
0x6f3: {  	[tilespmem:v19+s29+$0x0] =	vst.idx.msk $0xffff, v18  }
0x6f4: {  	v18 =	vld.idx.msk [tilespmem:v30+s20+$0x0], $0xffff  }
0x6f5: {  	v31 =	vshll.u32 v29, $0x7  }
0x6f6: {  	v32 =	vor.u32 s3, v5;
	v19 =	vor.u32 v16, v31  }
0x6f7: {  	v33 =	vor.u32 v32, v17;
	_ =	sdelay $0x1  }
0x6f8: {  	v18 =	vmul.f32 $8.000000000e+00, v18;
	_ =	sdelay $0x1  }
0x6f9: {  	[tilespmem:v19+s29+$0x0] =	vst.idx.msk $0xffff, v18  }
0x6fa: {  	v18 =	vld.idx.msk [tilespmem:v33+s20+$0x0], $0xffff  }
0x6fb: {  	v34 =	vshll.u32 v32, $0x7  }
0x6fc: {  	v35 =	vor.u32 s3, v7;
	v19 =	vor.u32 v16, v34  }
0x6fd: {  	v36 =	vor.u32 v35, v17;
	_ =	sdelay $0x1  }
0x6fe: {  	v18 =	vmul.f32 $8.000000000e+00, v18;
	_ =	sdelay $0x1  }
0x6ff: {  	[tilespmem:v19+s29+$0x0] =	vst.idx.msk $0xffff, v18  }
0x700: {  	v18 =	vld.idx.msk [tilespmem:v36+s20+$0x0], $0xffff  }
0x701: {  	v37 =	vshll.u32 v35, $0x7  }
0x702: {  	v38 =	vor.u32 s3, v8;
	v19 =	vor.u32 v16, v37  }
0x703: {  	v39 =	vor.u32 v38, v17;
	_ =	sdelay $0x1  }
0x704: {  	v18 =	vmul.f32 $8.000000000e+00, v18;
	_ =	sdelay $0x1  }
0x705: {  	[tilespmem:v19+s29+$0x0] =	vst.idx.msk $0xffff, v18  }
0x706: {  	v18 =	vld.idx.msk [tilespmem:v39+s20+$0x0], $0xffff  }
0x707: {  	v40 =	vshll.u32 v38, $0x7  }
0x708: {  	v41 =	vor.u32 s3, v6;
	v19 =	vor.u32 v16, v40  }
0x709: {  	v42 =	vor.u32 v41, v17;
	_ =	sdelay $0x1  }
0x70a: {  	v18 =	vmul.f32 $8.000000000e+00, v18;
	_ =	sdelay $0x1  }
0x70b: {  	[tilespmem:v19+s29+$0x0] =	vst.idx.msk $0xffff, v18  }
0x70c: {  	v18 =	vld.idx.msk [tilespmem:v42+s20+$0x0], $0xffff  }
0x70d: {  	v43 =	vshll.u32 v41, $0x7  }
0x70e: {  	v44 =	vor.u32 s3, v9;
	v19 =	vor.u32 v16, v43  }
0x70f: {  	v45 =	vor.u32 v44, v17;
	_ =	sdelay $0x1  }
0x710: {  	v18 =	vmul.f32 $8.000000000e+00, v18;
	_ =	sdelay $0x1  }
0x711: {  	[tilespmem:v19+s29+$0x0] =	vst.idx.msk $0xffff, v18  }
0x712: {  	v18 =	vld.idx.msk [tilespmem:v45+s20+$0x0], $0xffff  }
0x713: {  	v46 =	vshll.u32 v44, $0x7  }
0x714: {  	v47 =	vor.u32 s3, v10;
	v19 =	vor.u32 v16, v46  }
0x715: {  	v48 =	vor.u32 v47, v17;
	_ =	sdelay $0x1  }
0x716: {  	v18 =	vmul.f32 $8.000000000e+00, v18;
	_ =	sdelay $0x1  }
0x717: {  	[tilespmem:v19+s29+$0x0] =	vst.idx.msk $0xffff, v18  }
0x718: {  	v18 =	vld.idx.msk [tilespmem:v48+s20+$0x0], $0xffff  }
0x719: {  	v49 =	vshll.u32 v47, $0x7  }
0x71a: {  	v50 =	vor.u32 s3, v11;
	v19 =	vor.u32 v16, v49  }
0x71b: {  	v51 =	vor.u32 v50, v17;
	_ =	sdelay $0x1  }
0x71c: {  	v18 =	vmul.f32 $8.000000000e+00, v18;
	_ =	sdelay $0x1  }
0x71d: {  	[tilespmem:v19+s29+$0x0] =	vst.idx.msk $0xffff, v18  }
0x71e: {  	v18 =	vld.idx.msk [tilespmem:v51+s20+$0x0], $0xffff  }
0x71f: {  	v52 =	vshll.u32 v50, $0x7  }
0x720: {  	v53 =	vor.u32 s3, v12;
	v19 =	vor.u32 v16, v52  }
0x721: {  	v54 =	vor.u32 v53, v17;
	_ =	sdelay $0x1  }
0x722: {  	v18 =	vmul.f32 $8.000000000e+00, v18;
	_ =	sdelay $0x1  }
0x723: {  	[tilespmem:v19+s29+$0x0] =	vst.idx.msk $0xffff, v18  }
0x724: {  	v18 =	vld.idx.msk [tilespmem:v54+s20+$0x0], $0xffff  }
0x725: {  	v55 =	vshll.u32 v53, $0x7  }
0x726: {  	v56 =	vor.u32 s3, v13;
	v19 =	vor.u32 v16, v55  }
0x727: {  	v57 =	vor.u32 v56, v17;
	_ =	sdelay $0x1  }
0x728: {  	v18 =	vmul.f32 $8.000000000e+00, v18;
	_ =	sdelay $0x1  }
0x729: {  	[tilespmem:v19+s29+$0x0] =	vst.idx.msk $0xffff, v18  }
0x72a: {  	v18 =	vld.idx.msk [tilespmem:v57+s20+$0x0], $0xffff  }
0x72b: {  	v58 =	vshll.u32 v56, $0x7  }
0x72c: {  	v59 =	vor.u32 s3, v14;
	v19 =	vor.u32 v16, v58  }
0x72d: {  	v60 =	vor.u32 v59, v17;
	_ =	sdelay $0x1  }
0x72e: {  	v18 =	vmul.f32 $8.000000000e+00, v18;
	_ =	sdelay $0x1  }
0x72f: {  	[tilespmem:v19+s29+$0x0] =	vst.idx.msk $0xffff, v18  }
0x730: {  	v18 =	vld.idx.msk [tilespmem:v60+s20+$0x0], $0xffff  }
0x731: {  	v61 =	vshll.u32 v59, $0x7  }
0x732: {  	v62 =	vor.u32 s3, v15;
	v19 =	vor.u32 v16, v61  }
0x733: {  	v17 =	vor.u32 v62, v17;
	_ =	sdelay $0x1  }
0x734: {  	v18 =	vmul.f32 $8.000000000e+00, v18;
	_ =	sdelay $0x1  }
0x735: {  	[tilespmem:v19+s29+$0x0] =	vst.idx.msk $0xffff, v18  }
0x736: {  	v17 =	vld.idx.msk [tilespmem:v17+s20+$0x0], $0xffff  }
0x737: {  	v63 =	vshll.u32 v62, $0x7  }
0x738: {  	v16 =	vor.u32 v16, v63;
	_ =	sdelay $0x2  }
0x739: {  	v17 =	vmul.f32 $8.000000000e+00, v17;
	_ =	sdelay $0x1  }
0x73a: {  	s13 =	rddreg [dreg:$0x7];
	[tilespmem:v16+s29+$0x0] =	vst.idx.msk $0xffff, v17  }
0x73b: {  	[hbm4b:s13+s14] =	stream.strided.scatter [tilespmem:s29], [sflag:$0x6], $0x2000, s15, s14, $0x38;
	[tilespmem:$0x19C00] =	vst v63  }
0x73c: {  	_ =	swait.ge [sflag:s16], $0x2000  }
0x73d: {  	[sflag:s16] =	ssyncset.done $0x0  }
0x73e: {  	[sflag:s16] =	ssyncadd.s32 $0xFFFFE000  }
0x73f: {  	_ =	swait.ge [sflag:s21], $0x2000  }
0x740: {  	[sflag:s21] =	ssyncset.done $0x0  }
0x741: {  	s17 =	simm.s32 $0x7;
	[sflag:s21] =	ssyncadd.s32 $0xFFFFE000  }
0x742: {  	_ =	swait.ge [sflag:s17], $0x2000  }
0x743: {  	[sflag:s17] =	ssyncset.done $0x0  }
0x744: {  	s6 =	simm.s32 $0x8;
	[sflag:s17] =	ssyncadd.s32 $0xFFFFE000  }
0x745: {  	_ =	swait.ge [sflag:s6], $0x2000  }
0x746: {  	s11 =	sadd.s32 $0x1, s11;
	s23 =	rddreg [dreg:$0x8]  }
0x747: {  	p0 =	sne.s32 s11, s23  }
.Ltmp7:
0x748: {  	_ = 	snop;
	(pc) =	sbr.rel @p0 .LBB2_1-.Ltmp7, $3  }
0x749: {  	_ =	sdelay $0x1  }
0x74a: {  	[sflag:s6] =	ssyncset.done $0x0  }
0x74b: {  	[sflag:s6] =	ssyncadd.s32 $0xFFFFE000  }
0x74c: {  	_ =	sfence.sel $0x180000  }
0x74d: {  	[bflag:$0x0] =	sbarrier.arrive $0xFFFF  }
0x74e: {  	_ =	strace $0x90000047  }
0x74f: {  	s0 =	stileid.u32;
	[bflag:$0x2] =	sbarrier.arrive $0xFFFF  }
0x750: {  	p0 =	sne.s32 s0, $0x0;
	s0 =	rddreg [dreg:$0x3]  }
0x751: {  	s0 =	sadd.s32 @!p0 $0x100000, s0  }
0x752: {  	[sflag:s0] =	ssyncadd.tile.s32 @!p0 $0x1;
	_ =	shalt  }
.Lfunc_end2:
_tile_overlayer_lowered:
.L_overlay_start_2:
0x753: {  	(tag) =	ssettag $0x2  }
0x754: {  	s0 =	rddreg [dreg:$0x0];
	s2 =	stileid.u32  }
0x755: {  	s1 =	rddreg [dreg:$0x1];
	p0 =	sne.s32 s2, $0x0  }
0x756: {  	s3 =	rddreg [dreg:$0x2];
	[bflag:$0x3] =	sbarrier.arrive $0xFFFF;
	s2 =	simm.s32 @!p0 $0x1C09  }
0x757: {  	[timem:s3], [sflag:s2] =	dma.local @!p0 [hbm:s0], s1  }
0x758: {  	s0 =	simm.s32 @!p0 $0x9  }
0x759: {  	_ =	swait.ge @!p0 [sflag:s0], s1  }
0x75a: {  	s1 =	ssub.s32 @!p0 $0x0, s1;
	[sflag:s0] =	ssyncset.done @!p0 $0x0  }
0x75b: {  	[sflag:s0] =	ssyncadd.s32 @!p0 s1  }
0x75c: {  	[bflag:$0x3] =	sbarrier.arrive $0xFFFF  }
0x75d: {  	_ =	shalt  }

</sc_bundles>
